<compile_context>
chip_gen: v7x
topology: tpu7x:2x2x1
jax: 0.10.2.dev20260603
libtpu: 0.0.44.dev20260713+nightly
codegen_flags: <defaults>
</compile_context>

<pallas_src>
import functools

import jax
import jax.numpy as jnp
from jax import lax
from jax.experimental import pallas as pl
from jax.experimental.pallas import tpu as pltpu
from jax.experimental.pallas import tpu_sc as plsc

DIM = 64
PAD = 128
NC = 2
NS = 16
NW = NC * NS
BATCH = 16384
HIST = 50
B_PER_W = BATCH // NW
BB = 128
SB = B_PER_W // BB
NBLK = HIST * SB

_mesh = plsc.VectorSubcoreMesh(core_axis_name="c", subcore_axis_name="s")


@functools.partial(
    pl.kernel,
    out_type=jax.ShapeDtypeStruct((HIST, DIM, BATCH), jnp.float32),
    mesh=_mesh,
    scratch_types=[
        pltpu.VMEM((HIST, B_PER_W), jnp.int32),
        [pltpu.VMEM((BB, PAD), jnp.float32) for _ in range(2)],
        [pltpu.VMEM((DIM, BB), jnp.float32) for _ in range(2)],
        pltpu.SemaphoreType.DMA,
        pltpu.SemaphoreType.DMA,
    ],
    compiler_params=pltpu.CompilerParams(needs_layout_passes=False),
)
def _gather_kernel(idx_hbm, table_hbm, out_hbm, idx_v, rbuf, tbuf, gsem, wsem):
    wid = lax.axis_index("s") * NC + lax.axis_index("c")
    wb = wid * B_PER_W

    pltpu.sync_copy(
        idx_hbm.at[pl.ds(0, 48), pl.ds(wb, B_PER_W)], idx_v.at[pl.ds(0, 48)]
    )
    pltpu.sync_copy(idx_hbm.at[48, pl.ds(wb, B_PER_W)], idx_v.at[48])
    pltpu.sync_copy(idx_hbm.at[49, pl.ds(wb, B_PER_W)], idx_v.at[49])

    lane = lax.iota(jnp.int32, 16)

    def start_gather(n, buf):
        h = n // SB
        boff = (n % SB) * BB
        pltpu.make_async_copy(
            table_hbm.at[idx_v.at[h, pl.ds(boff, BB)]], rbuf[buf], gsem
        ).start()

    def wait_gather(buf):
        pltpu.make_async_copy(
            table_hbm.at[idx_v.at[0, pl.ds(0, BB)]], rbuf[buf], gsem
        ).wait()

    def start_write(n, buf):
        h = n // SB
        b0 = wb + (n % SB) * BB
        pltpu.make_async_copy(
            tbuf[buf], out_hbm.at[h, pl.ds(0, DIM), pl.ds(b0, BB)], wsem
        ).start()

    def wait_write(buf):
        pltpu.make_async_copy(
            tbuf[buf], out_hbm.at[0, pl.ds(0, DIM), pl.ds(wb, BB)], wsem
        ).wait()

    def transpose(buf):
        @plsc.parallel_loop(0, BB // 16, unroll=2)
        def _(g):
            row0 = g * 16
            for c in range(DIM):
                v = plsc.load_gather(
                    rbuf[buf], [row0 + lane, jnp.full((16,), c, jnp.int32)]
                )
                tbuf[buf][c, pl.ds(g * 16, 16)] = v

    start_gather(0, 0)

    def body(t, carry):
        for p in (0, 1):
            n = 2 * t + p
            @pl.when(t > 0)
            def _():
                wait_write(p)
            if p == 1:
                @pl.when(t < NBLK // 2 - 1)
                def _():
                    start_gather(n + 1, 1 - p)
            else:
                start_gather(n + 1, 1 - p)
            wait_gather(p)
            transpose(p)
            start_write(n, p)
        return carry

    lax.fori_loop(0, NBLK // 2, body, 0)

    wait_write(0)
    wait_write(1)


def kernel(x_tensor, E):
    xT = x_tensor.T
    Ep = jnp.pad(E, ((0, 0), (0, PAD - DIM)))
    P = _gather_kernel(xT, Ep)
    return P.transpose(2, 0, 1)

# --- scband reference (transcript-rebuilt; emitter-appended) ---
"""Pipeline reference for scband-tree-embedding-layer-31439160606823 (READ-ONLY COPY).

The authoritative reference and input builder live on the scoring server;
editing this copy changes nothing except your own understanding.
"""

import jax, jax.numpy as jnp
import numpy as np

VOCAB = 1000000
DIM_E = 64
BATCH = 16384
HIST = 50

def setup_inputs(seed: int = 0) -> dict:
    key = jax.random.key(seed)
    k1, k2 = jax.random.split(key)
    x_tensor = jax.random.randint(k1, (BATCH, HIST), 0, VOCAB, dtype=jnp.int64 if jax.config.jax_enable_x64 else jnp.int32).astype(jnp.int32)
    E = jax.random.uniform(k2, (VOCAB, DIM_E), dtype=jnp.float32, minval=-0.05, maxval=0.05)
    return {"x_tensor": x_tensor, "E": E}

def reference(x_tensor, E):
    # Original: for each sequence in the list, gather E[idx.flatten()], concat all,
    # then split back by lengths. With equal-length rows this is a flat gather + reshape.
    flat_idx = x_tensor.reshape(-1)
    ex = jnp.take(E, flat_idx, axis=0)
    exs = ex.reshape(x_tensor.shape[0], x_tensor.shape[1], E.shape[1])
    return exs

if __name__ == "__main__":
    import jax
    _d = setup_inputs()
    print(jax.jit(kernel)(*tuple(_d.values())))

</pallas_src>

<mosaic_0001>
#map = affine_map<(d0, d1) -> (0, 0)>
#map1 = affine_map<(d0, d1) -> (0, 0, 0)>
module attributes {stable_mosaic.version = 14 : i64} {
  func.func @_gather_kernel(%arg0: i32, %arg1: i32, %arg2: memref<50x16384xi32, #tpu.memory_space<hbm>>, %arg3: memref<1000000x128xf32, #tpu.memory_space<hbm>>, %arg4: memref<50x64x16384xf32, #tpu.memory_space<hbm>>, %arg5: memref<50x512xi32, #tpu.memory_space<vmem>>, %arg6: memref<128x128xf32, #tpu.memory_space<vmem>>, %arg7: memref<128x128xf32, #tpu.memory_space<vmem>>, %arg8: memref<64x128xf32, #tpu.memory_space<vmem>>, %arg9: memref<64x128xf32, #tpu.memory_space<vmem>>, %arg10: memref<!tpu.dma_semaphore, #tpu.memory_space<semaphore_mem>>, %arg11: memref<!tpu.dma_semaphore, #tpu.memory_space<semaphore_mem>>) attributes {dimension_semantics = [#tpu.dimension_semantics<core_parallel>, #tpu.dimension_semantics<subcore_parallel>], iteration_bounds = array<i64: 2, 16>, scalar_prefetch = 0 : i64, scratch_operands = 7 : i64, tpu.core_type = #tpu.core_type<sc_vector_subcore>, window_params = [{transform_indices = #map}, {transform_indices = #map}, {transform_indices = #map1}]} {
    %mul3A = arith.constant 2 : i32
    %mul3A_0 = arith.muli %arg1, %mul3A : i32
    %add3A = arith.addi %mul3A_0, %arg0 : i32
    %mul3A_1 = arith.constant 512 : i32
    %mul3A_2 = arith.muli %add3A, %mul3A_1 : i32
    "tpu.region"() ({
      %run_scoped3A_30 = tpu.sem_alloc : memref<!tpu.dma_semaphore, #tpu.memory_space<semaphore_mem>>
      %dma_start3A_31 = arith.constant 0 : i32
      %dma_start3A_32 = arith.constant 0 : i32
      %dma_start3A_33 = tpu.memref_slice %arg5[%dma_start3A_31, %dma_start3A_32] : memref<50x512xi32, #tpu.memory_space<vmem>> -> memref<48x512xi32, #tpu.memory_space<vmem>>
      %dma_start3A_34 = arith.constant 0 : i32
      %dma_start3A_35 = tpu.memref_slice %arg2[%dma_start3A_34, %mul3A_2] : memref<50x16384xi32, #tpu.memory_space<hbm>> -> memref<48x512xi32, #tpu.memory_space<hbm>>
      %dma_start3A_36 = arith.constant 0 : i32
      %dma_start3A_37 = arith.constant 0 : i32
      %dma_start3A_38 = tpu.memref_slice %arg5[%dma_start3A_36, %dma_start3A_37] : memref<50x512xi32, #tpu.memory_space<vmem>> -> memref<48x512xi32, #tpu.memory_space<vmem>>
      %dma_start3A_39 = arith.constant 0 : i32
      %dma_start3A_40 = tpu.memref_slice %arg2[%dma_start3A_39, %mul3A_2] : memref<50x16384xi32, #tpu.memory_space<hbm>> -> memref<48x512xi32, #tpu.memory_space<hbm>>
      tpu.enqueue_dma source(%dma_start3A_40 : memref<48x512xi32, #tpu.memory_space<hbm>>) target(%dma_start3A_38 : memref<48x512xi32, #tpu.memory_space<vmem>>) target_semaphore(%run_scoped3A_30 : memref<!tpu.dma_semaphore, #tpu.memory_space<semaphore_mem>>)
      %dma_wait3A_41 = arith.constant 0 : i32
      %dma_wait3A_42 = arith.constant 0 : i32
      %dma_wait3A_43 = tpu.memref_slice %arg5[%dma_wait3A_41, %dma_wait3A_42] : memref<50x512xi32, #tpu.memory_space<vmem>> -> memref<48x512xi32, #tpu.memory_space<vmem>>
      %dma_wait3A_44 = arith.constant 0 : i32
      %dma_wait3A_45 = tpu.memref_slice %arg2[%dma_wait3A_44, %mul3A_2] : memref<50x16384xi32, #tpu.memory_space<hbm>> -> memref<48x512xi32, #tpu.memory_space<hbm>>
      %dma_wait3A_46 = arith.constant 0 : i32
      %dma_wait3A_47 = arith.constant 0 : i32
      %dma_wait3A_48 = tpu.memref_slice %arg5[%dma_wait3A_46, %dma_wait3A_47] : memref<50x512xi32, #tpu.memory_space<vmem>> -> memref<48x512xi32, #tpu.memory_space<vmem>>
      %dma_wait3A_49 = arith.constant 0 : i32
      %dma_wait3A_50 = tpu.memref_slice %arg2[%dma_wait3A_49, %mul3A_2] : memref<50x16384xi32, #tpu.memory_space<hbm>> -> memref<48x512xi32, #tpu.memory_space<hbm>>
      tpu.wait_dma2 semaphore(%run_scoped3A_30 : memref<!tpu.dma_semaphore, #tpu.memory_space<semaphore_mem>>) src(%dma_wait3A_50 : memref<48x512xi32, #tpu.memory_space<hbm>>) dst(%dma_wait3A_48 : memref<48x512xi32, #tpu.memory_space<vmem>>)
      tpu.yield
    }) : () -> ()
    %run_scoped3A = arith.constant 48 : i32
    %run_scoped3A_3 = arith.constant 48 : i32
    "tpu.region"() ({
      %run_scoped3A_30 = tpu.sem_alloc : memref<!tpu.dma_semaphore, #tpu.memory_space<semaphore_mem>>
      %dma_start3A_31 = arith.constant 0 : i32
      %dma_start3A_32 = tpu.memref_slice %arg5[%run_scoped3A_3, %dma_start3A_31] : memref<50x512xi32, #tpu.memory_space<vmem>> -> memref<1x512xi32, #tpu.memory_space<vmem>>
      %dma_start3A_33 = tpu.memref_squeeze %dma_start3A_32 : memref<1x512xi32, #tpu.memory_space<vmem>> -> memref<512xi32, #tpu.memory_space<vmem>>
      %dma_start3A_34 = tpu.memref_slice %arg2[%run_scoped3A, %mul3A_2] : memref<50x16384xi32, #tpu.memory_space<hbm>> -> memref<1x512xi32, #tpu.memory_space<hbm>>
      %dma_start3A_35 = tpu.memref_squeeze %dma_start3A_34 : memref<1x512xi32, #tpu.memory_space<hbm>> -> memref<512xi32, #tpu.memory_space<hbm>>
      %dma_start3A_36 = arith.constant 0 : i32
      %dma_start3A_37 = tpu.memref_slice %arg5[%run_scoped3A_3, %dma_start3A_36] : memref<50x512xi32, #tpu.memory_space<vmem>> -> memref<1x512xi32, #tpu.memory_space<vmem>>
      %dma_start3A_38 = tpu.memref_squeeze %dma_start3A_37 : memref<1x512xi32, #tpu.memory_space<vmem>> -> memref<512xi32, #tpu.memory_space<vmem>>
      %dma_start3A_39 = tpu.memref_slice %arg2[%run_scoped3A, %mul3A_2] : memref<50x16384xi32, #tpu.memory_space<hbm>> -> memref<1x512xi32, #tpu.memory_space<hbm>>
      %dma_start3A_40 = tpu.memref_squeeze %dma_start3A_39 : memref<1x512xi32, #tpu.memory_space<hbm>> -> memref<512xi32, #tpu.memory_space<hbm>>
      tpu.enqueue_dma source(%dma_start3A_40 : memref<512xi32, #tpu.memory_space<hbm>>) target(%dma_start3A_38 : memref<512xi32, #tpu.memory_space<vmem>>) target_semaphore(%run_scoped3A_30 : memref<!tpu.dma_semaphore, #tpu.memory_space<semaphore_mem>>)
      %dma_wait3A_41 = arith.constant 0 : i32
      %dma_wait3A_42 = tpu.memref_slice %arg5[%run_scoped3A_3, %dma_wait3A_41] : memref<50x512xi32, #tpu.memory_space<vmem>> -> memref<1x512xi32, #tpu.memory_space<vmem>>
      %dma_wait3A_43 = tpu.memref_squeeze %dma_wait3A_42 : memref<1x512xi32, #tpu.memory_space<vmem>> -> memref<512xi32, #tpu.memory_space<vmem>>
      %dma_wait3A_44 = tpu.memref_slice %arg2[%run_scoped3A, %mul3A_2] : memref<50x16384xi32, #tpu.memory_space<hbm>> -> memref<1x512xi32, #tpu.memory_space<hbm>>
      %dma_wait3A_45 = tpu.memref_squeeze %dma_wait3A_44 : memref<1x512xi32, #tpu.memory_space<hbm>> -> memref<512xi32, #tpu.memory_space<hbm>>
      %dma_wait3A_46 = arith.constant 0 : i32
      %dma_wait3A_47 = tpu.memref_slice %arg5[%run_scoped3A_3, %dma_wait3A_46] : memref<50x512xi32, #tpu.memory_space<vmem>> -> memref<1x512xi32, #tpu.memory_space<vmem>>
      %dma_wait3A_48 = tpu.memref_squeeze %dma_wait3A_47 : memref<1x512xi32, #tpu.memory_space<vmem>> -> memref<512xi32, #tpu.memory_space<vmem>>
      %dma_wait3A_49 = tpu.memref_slice %arg2[%run_scoped3A, %mul3A_2] : memref<50x16384xi32, #tpu.memory_space<hbm>> -> memref<1x512xi32, #tpu.memory_space<hbm>>
      %dma_wait3A_50 = tpu.memref_squeeze %dma_wait3A_49 : memref<1x512xi32, #tpu.memory_space<hbm>> -> memref<512xi32, #tpu.memory_space<hbm>>
      tpu.wait_dma2 semaphore(%run_scoped3A_30 : memref<!tpu.dma_semaphore, #tpu.memory_space<semaphore_mem>>) src(%dma_wait3A_50 : memref<512xi32, #tpu.memory_space<hbm>>) dst(%dma_wait3A_48 : memref<512xi32, #tpu.memory_space<vmem>>)
      tpu.yield
    }) : () -> ()
    %run_scoped3A_4 = arith.constant 49 : i32
    %run_scoped3A_5 = arith.constant 49 : i32
    "tpu.region"() ({
      %run_scoped3A_30 = tpu.sem_alloc : memref<!tpu.dma_semaphore, #tpu.memory_space<semaphore_mem>>
      %dma_start3A_31 = arith.constant 0 : i32
      %dma_start3A_32 = tpu.memref_slice %arg5[%run_scoped3A_5, %dma_start3A_31] : memref<50x512xi32, #tpu.memory_space<vmem>> -> memref<1x512xi32, #tpu.memory_space<vmem>>
      %dma_start3A_33 = tpu.memref_squeeze %dma_start3A_32 : memref<1x512xi32, #tpu.memory_space<vmem>> -> memref<512xi32, #tpu.memory_space<vmem>>
      %dma_start3A_34 = tpu.memref_slice %arg2[%run_scoped3A_4, %mul3A_2] : memref<50x16384xi32, #tpu.memory_space<hbm>> -> memref<1x512xi32, #tpu.memory_space<hbm>>
      %dma_start3A_35 = tpu.memref_squeeze %dma_start3A_34 : memref<1x512xi32, #tpu.memory_space<hbm>> -> memref<512xi32, #tpu.memory_space<hbm>>
      %dma_start3A_36 = arith.constant 0 : i32
      %dma_start3A_37 = tpu.memref_slice %arg5[%run_scoped3A_5, %dma_start3A_36] : memref<50x512xi32, #tpu.memory_space<vmem>> -> memref<1x512xi32, #tpu.memory_space<vmem>>
      %dma_start3A_38 = tpu.memref_squeeze %dma_start3A_37 : memref<1x512xi32, #tpu.memory_space<vmem>> -> memref<512xi32, #tpu.memory_space<vmem>>
      %dma_start3A_39 = tpu.memref_slice %arg2[%run_scoped3A_4, %mul3A_2] : memref<50x16384xi32, #tpu.memory_space<hbm>> -> memref<1x512xi32, #tpu.memory_space<hbm>>
      %dma_start3A_40 = tpu.memref_squeeze %dma_start3A_39 : memref<1x512xi32, #tpu.memory_space<hbm>> -> memref<512xi32, #tpu.memory_space<hbm>>
      tpu.enqueue_dma source(%dma_start3A_40 : memref<512xi32, #tpu.memory_space<hbm>>) target(%dma_start3A_38 : memref<512xi32, #tpu.memory_space<vmem>>) target_semaphore(%run_scoped3A_30 : memref<!tpu.dma_semaphore, #tpu.memory_space<semaphore_mem>>)
      %dma_wait3A_41 = arith.constant 0 : i32
      %dma_wait3A_42 = tpu.memref_slice %arg5[%run_scoped3A_5, %dma_wait3A_41] : memref<50x512xi32, #tpu.memory_space<vmem>> -> memref<1x512xi32, #tpu.memory_space<vmem>>
      %dma_wait3A_43 = tpu.memref_squeeze %dma_wait3A_42 : memref<1x512xi32, #tpu.memory_space<vmem>> -> memref<512xi32, #tpu.memory_space<vmem>>
      %dma_wait3A_44 = tpu.memref_slice %arg2[%run_scoped3A_4, %mul3A_2] : memref<50x16384xi32, #tpu.memory_space<hbm>> -> memref<1x512xi32, #tpu.memory_space<hbm>>
      %dma_wait3A_45 = tpu.memref_squeeze %dma_wait3A_44 : memref<1x512xi32, #tpu.memory_space<hbm>> -> memref<512xi32, #tpu.memory_space<hbm>>
      %dma_wait3A_46 = arith.constant 0 : i32
      %dma_wait3A_47 = tpu.memref_slice %arg5[%run_scoped3A_5, %dma_wait3A_46] : memref<50x512xi32, #tpu.memory_space<vmem>> -> memref<1x512xi32, #tpu.memory_space<vmem>>
      %dma_wait3A_48 = tpu.memref_squeeze %dma_wait3A_47 : memref<1x512xi32, #tpu.memory_space<vmem>> -> memref<512xi32, #tpu.memory_space<vmem>>
      %dma_wait3A_49 = tpu.memref_slice %arg2[%run_scoped3A_4, %mul3A_2] : memref<50x16384xi32, #tpu.memory_space<hbm>> -> memref<1x512xi32, #tpu.memory_space<hbm>>
      %dma_wait3A_50 = tpu.memref_squeeze %dma_wait3A_49 : memref<1x512xi32, #tpu.memory_space<hbm>> -> memref<512xi32, #tpu.memory_space<hbm>>
      tpu.wait_dma2 semaphore(%run_scoped3A_30 : memref<!tpu.dma_semaphore, #tpu.memory_space<semaphore_mem>>) src(%dma_wait3A_50 : memref<512xi32, #tpu.memory_space<hbm>>) dst(%dma_wait3A_48 : memref<512xi32, #tpu.memory_space<vmem>>)
      tpu.yield
    }) : () -> ()
    %iota3A = tpu.iota {dimensions = array<i32: 0>} : vector<16xi32>
    %dma_start3A = arith.constant 0 : i32
    %dma_start3A_6 = arith.constant 0 : i32
    %dma_start3A_7 = tpu.memref_slice %arg5[%dma_start3A, %dma_start3A_6] : memref<50x512xi32, #tpu.memory_space<vmem>> -> memref<1x128xi32, #tpu.memory_space<vmem>>
    %dma_start3A_8 = tpu.memref_squeeze %dma_start3A_7 : memref<1x128xi32, #tpu.memory_space<vmem>> -> memref<128xi32, #tpu.memory_space<vmem>>
    %dma_start3A_9 = arith.constant 0 : i32
    %dma_start3A_10 = arith.constant 0 : i32
    %dma_start3A_11 = tpu.memref_slice %arg3[%dma_start3A_9, %dma_start3A_10] : memref<1000000x128xf32, #tpu.memory_space<hbm>> -> memref<1000000x128xf32, #tpu.memory_space<hbm>>
    tpu.enqueue_indirect_dma source(%dma_start3A_11 : memref<1000000x128xf32, #tpu.memory_space<hbm>>) target(%arg6 : memref<128x128xf32, #tpu.memory_space<vmem>>) offsets(%dma_start3A_8 : memref<128xi32, #tpu.memory_space<vmem>>) semaphore(%arg10 : memref<!tpu.dma_semaphore, #tpu.memory_space<semaphore_mem>>)
    %scan3A = arith.constant 0 : i32
    %scan3A_12 = arith.constant 0 : i32
    %scan3A_13 = arith.constant 100 : i32
    %scan3A_14 = arith.addi %scan3A_12, %scan3A_13 : i32
    %scan3A_15 = arith.constant 1 : i32
    scf.for %scan3A_30 = %scan3A_12 to %scan3A_14 step %scan3A_15  : i32 {
      %mul3A_31 = arith.constant 2 : i32
      %mul3A_32 = arith.muli %mul3A_31, %scan3A_30 : i32
      %add3A_33 = arith.constant 0 : i32
      %add3A_34 = arith.addi %mul3A_32, %add3A_33 : i32
      %gt3A = arith.constant 0 : i32
      %gt3A_35 = arith.cmpi sgt, %scan3A_30, %gt3A : i32
      %convert_element_type3A = arith.extui %gt3A_35 : i1 to i32
      %cond3A = arith.constant 0 : i32
      %cond3A_36 = arith.cmpi ne, %convert_element_type3A, %cond3A : i32
      scf.if %cond3A_36 {
        %dma_wait3A_207 = arith.constant 0 : i32
        %dma_wait3A_208 = arith.constant 0 : i32
        %dma_wait3A_209 = tpu.memref_slice %arg4[%dma_wait3A_207, %dma_wait3A_208, %mul3A_2] : memref<50x64x16384xf32, #tpu.memory_space<hbm>> -> memref<1x64x128xf32, #tpu.memory_space<hbm>>
        %dma_wait3A_210 = tpu.memref_squeeze %dma_wait3A_209 : memref<1x64x128xf32, #tpu.memory_space<hbm>> -> memref<64x128xf32, #tpu.memory_space<hbm>>
        %dma_wait3A_211 = arith.constant 0 : i32
        %dma_wait3A_212 = tpu.memref_slice %arg4[%dma_wait3A_207, %dma_wait3A_211, %mul3A_2] : memref<50x64x16384xf32, #tpu.memory_space<hbm>> -> memref<1x64x128xf32, #tpu.memory_space<hbm>>
        %dma_wait3A_213 = tpu.memref_squeeze %dma_wait3A_212 : memref<1x64x128xf32, #tpu.memory_space<hbm>> -> memref<64x128xf32, #tpu.memory_space<hbm>>
        tpu.wait_dma2 semaphore(%arg11 : memref<!tpu.dma_semaphore, #tpu.memory_space<semaphore_mem>>) src(%arg8 : memref<64x128xf32, #tpu.memory_space<vmem>>) dst(%dma_wait3A_213 : memref<64x128xf32, #tpu.memory_space<hbm>>)
      } else {
      }
      %add3A_37 = arith.constant 1 : i32
      %add3A_38 = arith.addi %add3A_34, %add3A_37 : i32
      %jit3A = arith.constant 4 : i32
      %div3A = arith.divsi %add3A_38, %jit3A : i32
      %sign3A = arith.constant 0 : i32
      %sign3A_39 = arith.cmpi sgt, %add3A_38, %sign3A : i32
      %sign3A_40 = arith.extui %sign3A_39 : i1 to i32
      %sign3A_41 = arith.constant 0 : i32
      %sign3A_42 = arith.cmpi slt, %add3A_38, %sign3A_41 : i32
      %sign3A_43 = arith.extui %sign3A_42 : i1 to i32
      %sign3A_44 = arith.subi %sign3A_40, %sign3A_43 : i32
      %sign3A_45 = arith.constant 0 : i32
      %sign3A_46 = arith.cmpi sgt, %jit3A, %sign3A_45 : i32
      %sign3A_47 = arith.extui %sign3A_46 : i1 to i32
      %sign3A_48 = arith.constant 0 : i32
      %sign3A_49 = arith.cmpi slt, %jit3A, %sign3A_48 : i32
      %sign3A_50 = arith.extui %sign3A_49 : i1 to i32
      %sign3A_51 = arith.subi %sign3A_47, %sign3A_50 : i32
      %ne3A = arith.cmpi ne, %sign3A_44, %sign3A_51 : i32
      %rem3A = arith.remsi %add3A_38, %jit3A : i32
      %ne3A_52 = arith.constant 0 : i32
      %ne3A_53 = arith.cmpi ne, %rem3A, %ne3A_52 : i32
      %and3A = arith.andi %ne3A, %ne3A_53 : i1
      %sub3A = arith.constant 1 : i32
      %sub3A_54 = arith.subi %div3A, %sub3A : i32
      %select_n3A = arith.select %and3A, %sub3A_54, %div3A : i32
      %jit3A_55 = arith.constant 4 : i32
      %eq3A = arith.constant 0 : i32
      %eq3A_56 = arith.cmpi eq, %jit3A_55, %eq3A : i32
      %jit3A_57 = arith.constant 1 : i32
      %select_n3A_58 = arith.select %eq3A_56, %jit3A_57, %jit3A_55 : i32
      %rem3A_59 = arith.remsi %add3A_38, %select_n3A_58 : i32
      %ne3A_60 = arith.constant 0 : i32
      %ne3A_61 = arith.cmpi ne, %rem3A_59, %ne3A_60 : i32
      %lt3A = arith.constant 0 : i32
      %lt3A_62 = arith.cmpi slt, %rem3A_59, %lt3A : i32
      %lt3A_63 = arith.constant 0 : i32
      %lt3A_64 = arith.cmpi slt, %select_n3A_58, %lt3A_63 : i32
      %ne3A_65 = arith.xori %lt3A_62, %lt3A_64 : i1
      %and3A_66 = arith.andi %ne3A_65, %ne3A_61 : i1
      %add3A_67 = arith.addi %rem3A_59, %select_n3A_58 : i32
      %select_n3A_68 = arith.select %and3A_66, %add3A_67, %rem3A_59 : i32
      %mul3A_69 = arith.constant 128 : i32
      %mul3A_70 = arith.muli %select_n3A_68, %mul3A_69 : i32
      %dma_start3A_71 = tpu.memref_slice %arg5[%select_n3A, %mul3A_70] : memref<50x512xi32, #tpu.memory_space<vmem>> -> memref<1x128xi32, #tpu.memory_space<vmem>>
      %dma_start3A_72 = tpu.memref_squeeze %dma_start3A_71 : memref<1x128xi32, #tpu.memory_space<vmem>> -> memref<128xi32, #tpu.memory_space<vmem>>
      %dma_start3A_73 = arith.constant 0 : i32
      %dma_start3A_74 = arith.constant 0 : i32
      %dma_start3A_75 = tpu.memref_slice %arg3[%dma_start3A_73, %dma_start3A_74] : memref<1000000x128xf32, #tpu.memory_space<hbm>> -> memref<1000000x128xf32, #tpu.memory_space<hbm>>
      tpu.enqueue_indirect_dma source(%dma_start3A_75 : memref<1000000x128xf32, #tpu.memory_space<hbm>>) target(%arg7 : memref<128x128xf32, #tpu.memory_space<vmem>>) offsets(%dma_start3A_72 : memref<128xi32, #tpu.memory_space<vmem>>) semaphore(%arg10 : memref<!tpu.dma_semaphore, #tpu.memory_space<semaphore_mem>>)
      %dma_wait3A_76 = arith.constant 0 : i32
      %dma_wait3A_77 = arith.constant 0 : i32
      %dma_wait3A_78 = tpu.memref_slice %arg5[%dma_wait3A_76, %dma_wait3A_77] : memref<50x512xi32, #tpu.memory_space<vmem>> -> memref<1x128xi32, #tpu.memory_space<vmem>>
      %dma_wait3A_79 = tpu.memref_squeeze %dma_wait3A_78 : memref<1x128xi32, #tpu.memory_space<vmem>> -> memref<128xi32, #tpu.memory_space<vmem>>
      %dma_wait3A_80 = arith.constant 0 : i32
      %dma_wait3A_81 = arith.constant 0 : i32
      %dma_wait3A_82 = tpu.memref_slice %arg3[%dma_wait3A_80, %dma_wait3A_81] : memref<1000000x128xf32, #tpu.memory_space<hbm>> -> memref<1000000x128xf32, #tpu.memory_space<hbm>>
      tpu.wait_indirect_dma semaphore(%arg10 : memref<!tpu.dma_semaphore, #tpu.memory_space<semaphore_mem>>) src(%dma_wait3A_82 : memref<1000000x128xf32, #tpu.memory_space<hbm>>) dst(%arg6 : memref<128x128xf32, #tpu.memory_space<vmem>>)
      %parallel_loop3A = arith.constant 0 : i32
      %parallel_loop3A_83 = arith.constant 8 : i32
      %parallel_loop3A_84 = arith.constant 1 : i32
      scf.for %parallel_loop3A_207 = %parallel_loop3A to %parallel_loop3A_83 step %parallel_loop3A_84  : i32 {
        %parallel_loop3A_208 = arith.constant 16 : i32
        %parallel_loop3A_209 = arith.muli %parallel_loop3A_207, %parallel_loop3A_208 : i32
        %parallel_loop3A_210 = vector.broadcast %parallel_loop3A_209 : i32 to vector<16xi32>
        %parallel_loop3A_211 = arith.addi %parallel_loop3A_210, %iota3A : vector<16xi32>
        %parallel_loop3A_212 = arith.constant 0 : i32
        %parallel_loop3A_213 = vector.broadcast %parallel_loop3A_212 : i32 to vector<16xi32>
        %parallel_loop3A_214 = tpu.vector_load_idx %arg6[%parallel_loop3A_211, %parallel_loop3A_213] : memref<128x128xf32, #tpu.memory_space<vmem>>[vector<16xi32>, vector<16xi32>], vector<16xf32>,
        %parallel_loop3A_215 = arith.constant 16 : i32
        %parallel_loop3A_216 = arith.muli %parallel_loop3A_207, %parallel_loop3A_215 : i32
        %parallel_loop3A_217 = arith.constant 0 : i32
        %parallel_loop3A_218 = arith.index_cast %parallel_loop3A_217 : i32 to index
        %parallel_loop3A_219 = arith.index_cast %parallel_loop3A_216 : i32 to index
        %parallel_loop3A_220 = tpu.vector_load %arg8[%parallel_loop3A_218, %parallel_loop3A_219] {strides = array<i32>} : memref<64x128xf32, #tpu.memory_space<vmem>>, vector<16xf32>,
        tpu.vector_store %arg8[%parallel_loop3A_218, %parallel_loop3A_219], %parallel_loop3A_214 {strides = array<i32>} : memref<64x128xf32, #tpu.memory_space<vmem>>, vector<16xf32>,
        %parallel_loop3A_221 = vector.broadcast %parallel_loop3A_209 : i32 to vector<16xi32>
        %parallel_loop3A_222 = arith.addi %parallel_loop3A_221, %iota3A : vector<16xi32>
        %parallel_loop3A_223 = arith.constant 1 : i32
        %parallel_loop3A_224 = vector.broadcast %parallel_loop3A_223 : i32 to vector<16xi32>
        %parallel_loop3A_225 = tpu.vector_load_idx %arg6[%parallel_loop3A_222, %parallel_loop3A_224] : memref<128x128xf32, #tpu.memory_space<vmem>>[vector<16xi32>, vector<16xi32>], vector<16xf32>,
        %parallel_loop3A_226 = arith.constant 16 : i32
        %parallel_loop3A_227 = arith.muli %parallel_loop3A_207, %parallel_loop3A_226 : i32
        %parallel_loop3A_228 = arith.constant 1 : i32
        %parallel_loop3A_229 = arith.index_cast %parallel_loop3A_228 : i32 to index
        %parallel_loop3A_230 = arith.index_cast %parallel_loop3A_227 : i32 to index
        %parallel_loop3A_231 = tpu.vector_load %arg8[%parallel_loop3A_229, %parallel_loop3A_230] {strides = array<i32>} : memref<64x128xf32, #tpu.memory_space<vmem>>, vector<16xf32>,
        tpu.vector_store %arg8[%parallel_loop3A_229, %parallel_loop3A_230], %parallel_loop3A_225 {strides = array<i32>} : memref<64x128xf32, #tpu.memory_space<vmem>>, vector<16xf32>,
        %parallel_loop3A_232 = vector.broadcast %parallel_loop3A_209 : i32 to vector<16xi32>
        %parallel_loop3A_233 = arith.addi %parallel_loop3A_232, %iota3A : vector<16xi32>
        %parallel_loop3A_234 = arith.constant 2 : i32
        %parallel_loop3A_235 = vector.broadcast %parallel_loop3A_234 : i32 to vector<16xi32>
        %parallel_loop3A_236 = tpu.vector_load_idx %arg6[%parallel_loop3A_233, %parallel_loop3A_235] : memref<128x128xf32, #tpu.memory_space<vmem>>[vector<16xi32>, vector<16xi32>], vector<16xf32>,
        %parallel_loop3A_237 = arith.constant 16 : i32
        %parallel_loop3A_238 = arith.muli %parallel_loop3A_207, %parallel_loop3A_237 : i32
        %parallel_loop3A_239 = arith.constant 2 : i32
        %parallel_loop3A_240 = arith.index_cast %parallel_loop3A_239 : i32 to index
        %parallel_loop3A_241 = arith.index_cast %parallel_loop3A_238 : i32 to index
        %parallel_loop3A_242 = tpu.vector_load %arg8[%parallel_loop3A_240, %parallel_loop3A_241] {strides = array<i32>} : memref<64x128xf32, #tpu.memory_space<vmem>>, vector<16xf32>,
        tpu.vector_store %arg8[%parallel_loop3A_240, %parallel_loop3A_241], %parallel_loop3A_236 {strides = array<i32>} : memref<64x128xf32, #tpu.memory_space<vmem>>, vector<16xf32>,
        %parallel_loop3A_243 = vector.broadcast %parallel_loop3A_209 : i32 to vector<16xi32>
        %parallel_loop3A_244 = arith.addi %parallel_loop3A_243, %iota3A : vector<16xi32>
        %parallel_loop3A_245 = arith.constant 3 : i32
        %parallel_loop3A_246 = vector.broadcast %parallel_loop3A_245 : i32 to vector<16xi32>
        %parallel_loop3A_247 = tpu.vector_load_idx %arg6[%parallel_loop3A_244, %parallel_loop3A_246] : memref<128x128xf32, #tpu.memory_space<vmem>>[vector<16xi32>, vector<16xi32>], vector<16xf32>,
        %parallel_loop3A_248 = arith.constant 16 : i32
        %parallel_loop3A_249 = arith.muli %parallel_loop3A_207, %parallel_loop3A_248 : i32
        %parallel_loop3A_250 = arith.constant 3 : i32
        %parallel_loop3A_251 = arith.index_cast %parallel_loop3A_250 : i32 to index
        %parallel_loop3A_252 = arith.index_cast %parallel_loop3A_249 : i32 to index
        %parallel_loop3A_253 = tpu.vector_load %arg8[%parallel_loop3A_251, %parallel_loop3A_252] {strides = array<i32>} : memref<64x128xf32, #tpu.memory_space<vmem>>, vector<16xf32>,
        tpu.vector_store %arg8[%parallel_loop3A_251, %parallel_loop3A_252], %parallel_loop3A_247 {strides = array<i32>} : memref<64x128xf32, #tpu.memory_space<vmem>>, vector<16xf32>,
        %parallel_loop3A_254 = vector.broadcast %parallel_loop3A_209 : i32 to vector<16xi32>
        %parallel_loop3A_255 = arith.addi %parallel_loop3A_254, %iota3A : vector<16xi32>
        %parallel_loop3A_256 = arith.constant 4 : i32
        %parallel_loop3A_257 = vector.broadcast %parallel_loop3A_256 : i32 to vector<16xi32>
        %parallel_loop3A_258 = tpu.vector_load_idx %arg6[%parallel_loop3A_255, %parallel_loop3A_257] : memref<128x128xf32, #tpu.memory_space<vmem>>[vector<16xi32>, vector<16xi32>], vector<16xf32>,
        %parallel_loop3A_259 = arith.constant 16 : i32
        %parallel_loop3A_260 = arith.muli %parallel_loop3A_207, %parallel_loop3A_259 : i32
        %parallel_loop3A_261 = arith.constant 4 : i32
        %parallel_loop3A_262 = arith.index_cast %parallel_loop3A_261 : i32 to index
        %parallel_loop3A_263 = arith.index_cast %parallel_loop3A_260 : i32 to index
        %parallel_loop3A_264 = tpu.vector_load %arg8[%parallel_loop3A_262, %parallel_loop3A_263] {strides = array<i32>} : memref<64x128xf32, #tpu.memory_space<vmem>>, vector<16xf32>,
        tpu.vector_store %arg8[%parallel_loop3A_262, %parallel_loop3A_263], %parallel_loop3A_258 {strides = array<i32>} : memref<64x128xf32, #tpu.memory_space<vmem>>, vector<16xf32>,
        %parallel_loop3A_265 = vector.broadcast %parallel_loop3A_209 : i32 to vector<16xi32>
        %parallel_loop3A_266 = arith.addi %parallel_loop3A_265, %iota3A : vector<16xi32>
        %parallel_loop3A_267 = arith.constant 5 : i32
        %parallel_loop3A_268 = vector.broadcast %parallel_loop3A_267 : i32 to vector<16xi32>
        %parallel_loop3A_269 = tpu.vector_load_idx %arg6[%parallel_loop3A_266, %parallel_loop3A_268] : memref<128x128xf32, #tpu.memory_space<vmem>>[vector<16xi32>, vector<16xi32>], vector<16xf32>,
        %parallel_loop3A_270 = arith.constant 16 : i32
        %parallel_loop3A_271 = arith.muli %parallel_loop3A_207, %parallel_loop3A_270 : i32
        %parallel_loop3A_272 = arith.constant 5 : i32
        %parallel_loop3A_273 = arith.index_cast %parallel_loop3A_272 : i32 to index
        %parallel_loop3A_274 = arith.index_cast %parallel_loop3A_271 : i32 to index
        %parallel_loop3A_275 = tpu.vector_load %arg8[%parallel_loop3A_273, %parallel_loop3A_274] {strides = array<i32>} : memref<64x128xf32, #tpu.memory_space<vmem>>, vector<16xf32>,
        tpu.vector_store %arg8[%parallel_loop3A_273, %parallel_loop3A_274], %parallel_loop3A_269 {strides = array<i32>} : memref<64x128xf32, #tpu.memory_space<vmem>>, vector<16xf32>,
        %parallel_loop3A_276 = vector.broadcast %parallel_loop3A_209 : i32 to vector<16xi32>
        %parallel_loop3A_277 = arith.addi %parallel_loop3A_276, %iota3A : vector<16xi32>
        %parallel_loop3A_278 = arith.constant 6 : i32
        %parallel_loop3A_279 = vector.broadcast %parallel_loop3A_278 : i32 to vector<16xi32>
        %parallel_loop3A_280 = tpu.vector_load_idx %arg6[%parallel_loop3A_277, %parallel_loop3A_279] : memref<128x128xf32, #tpu.memory_space<vmem>>[vector<16xi32>, vector<16xi32>], vector<16xf32>,
        %parallel_loop3A_281 = arith.constant 16 : i32
        %parallel_loop3A_282 = arith.muli %parallel_loop3A_207, %parallel_loop3A_281 : i32
        %parallel_loop3A_283 = arith.constant 6 : i32
        %parallel_loop3A_284 = arith.index_cast %parallel_loop3A_283 : i32 to index
        %parallel_loop3A_285 = arith.index_cast %parallel_loop3A_282 : i32 to index
        %parallel_loop3A_286 = tpu.vector_load %arg8[%parallel_loop3A_284, %parallel_loop3A_285] {strides = array<i32>} : memref<64x128xf32, #tpu.memory_space<vmem>>, vector<16xf32>,
        tpu.vector_store %arg8[%parallel_loop3A_284, %parallel_loop3A_285], %parallel_loop3A_280 {strides = array<i32>} : memref<64x128xf32, #tpu.memory_space<vmem>>, vector<16xf32>,
        %parallel_loop3A_287 = vector.broadcast %parallel_loop3A_209 : i32 to vector<16xi32>
        %parallel_loop3A_288 = arith.addi %parallel_loop3A_287, %iota3A : vector<16xi32>
        %parallel_loop3A_289 = arith.constant 7 : i32
        %parallel_loop3A_290 = vector.broadcast %parallel_loop3A_289 : i32 to vector<16xi32>
        %parallel_loop3A_291 = tpu.vector_load_idx %arg6[%parallel_loop3A_288, %parallel_loop3A_290] : memref<128x128xf32, #tpu.memory_space<vmem>>[vector<16xi32>, vector<16xi32>], vector<16xf32>,
        %parallel_loop3A_292 = arith.constant 16 : i32
        %parallel_loop3A_293 = arith.muli %parallel_loop3A_207, %parallel_loop3A_292 : i32
        %parallel_loop3A_294 = arith.constant 7 : i32
        %parallel_loop3A_295 = arith.index_cast %parallel_loop3A_294 : i32 to index
        %parallel_loop3A_296 = arith.index_cast %parallel_loop3A_293 : i32 to index
        %parallel_loop3A_297 = tpu.vector_load %arg8[%parallel_loop3A_295, %parallel_loop3A_296] {strides = array<i32>} : memref<64x128xf32, #tpu.memory_space<vmem>>, vector<16xf32>,
        tpu.vector_store %arg8[%parallel_loop3A_295, %parallel_loop3A_296], %parallel_loop3A_291 {strides = array<i32>} : memref<64x128xf32, #tpu.memory_space<vmem>>, vector<16xf32>,
        %parallel_loop3A_298 = vector.broadcast %parallel_loop3A_209 : i32 to vector<16xi32>
        %parallel_loop3A_299 = arith.addi %parallel_loop3A_298, %iota3A : vector<16xi32>
        %parallel_loop3A_300 = arith.constant 8 : i32
        %parallel_loop3A_301 = vector.broadcast %parallel_loop3A_300 : i32 to vector<16xi32>
        %parallel_loop3A_302 = tpu.vector_load_idx %arg6[%parallel_loop3A_299, %parallel_loop3A_301] : memref<128x128xf32, #tpu.memory_space<vmem>>[vector<16xi32>, vector<16xi32>], vector<16xf32>,
        %parallel_loop3A_303 = arith.constant 16 : i32
        %parallel_loop3A_304 = arith.muli %parallel_loop3A_207, %parallel_loop3A_303 : i32
        %parallel_loop3A_305 = arith.constant 8 : i32
        %parallel_loop3A_306 = arith.index_cast %parallel_loop3A_305 : i32 to index
        %parallel_loop3A_307 = arith.index_cast %parallel_loop3A_304 : i32 to index
        %parallel_loop3A_308 = tpu.vector_load %arg8[%parallel_loop3A_306, %parallel_loop3A_307] {strides = array<i32>} : memref<64x128xf32, #tpu.memory_space<vmem>>, vector<16xf32>,
        tpu.vector_store %arg8[%parallel_loop3A_306, %parallel_loop3A_307], %parallel_loop3A_302 {strides = array<i32>} : memref<64x128xf32, #tpu.memory_space<vmem>>, vector<16xf32>,
        %parallel_loop3A_309 = vector.broadcast %parallel_loop3A_209 : i32 to vector<16xi32>
        %parallel_loop3A_310 = arith.addi %parallel_loop3A_309, %iota3A : vector<16xi32>
        %parallel_loop3A_311 = arith.constant 9 : i32
        %parallel_loop3A_312 = vector.broadcast %parallel_loop3A_311 : i32 to vector<16xi32>
        %parallel_loop3A_313 = tpu.vector_load_idx %arg6[%parallel_loop3A_310, %parallel_loop3A_312] : memref<128x128xf32, #tpu.memory_space<vmem>>[vector<16xi32>, vector<16xi32>], vector<16xf32>,
        %parallel_loop3A_314 = arith.constant 16 : i32
        %parallel_loop3A_315 = arith.muli %parallel_loop3A_207, %parallel_loop3A_314 : i32
        %parallel_loop3A_316 = arith.constant 9 : i32
        %parallel_loop3A_317 = arith.index_cast %parallel_loop3A_316 : i32 to index
        %parallel_loop3A_318 = arith.index_cast %parallel_loop3A_315 : i32 to index
        %parallel_loop3A_319 = tpu.vector_load %arg8[%parallel_loop3A_317, %parallel_loop3A_318] {strides = array<i32>} : memref<64x128xf32, #tpu.memory_space<vmem>>, vector<16xf32>,
        tpu.vector_store %arg8[%parallel_loop3A_317, %parallel_loop3A_318], %parallel_loop3A_313 {strides = array<i32>} : memref<64x128xf32, #tpu.memory_space<vmem>>, vector<16xf32>,
        %parallel_loop3A_320 = vector.broadcast %parallel_loop3A_209 : i32 to vector<16xi32>
        %parallel_loop3A_321 = arith.addi %parallel_loop3A_320, %iota3A : vector<16xi32>
        %parallel_loop3A_322 = arith.constant 10 : i32
        %parallel_loop3A_323 = vector.broadcast %parallel_loop3A_322 : i32 to vector<16xi32>
        %parallel_loop3A_324 = tpu.vector_load_idx %arg6[%parallel_loop3A_321, %parallel_loop3A_323] : memref<128x128xf32, #tpu.memory_space<vmem>>[vector<16xi32>, vector<16xi32>], vector<16xf32>,
        %parallel_loop3A_325 = arith.constant 16 : i32
        %parallel_loop3A_326 = arith.muli %parallel_loop3A_207, %parallel_loop3A_325 : i32
        %parallel_loop3A_327 = arith.constant 10 : i32
        %parallel_loop3A_328 = arith.index_cast %parallel_loop3A_327 : i32 to index
        %parallel_loop3A_329 = arith.index_cast %parallel_loop3A_326 : i32 to index
        %parallel_loop3A_330 = tpu.vector_load %arg8[%parallel_loop3A_328, %parallel_loop3A_329] {strides = array<i32>} : memref<64x128xf32, #tpu.memory_space<vmem>>, vector<16xf32>,
        tpu.vector_store %arg8[%parallel_loop3A_328, %parallel_loop3A_329], %parallel_loop3A_324 {strides = array<i32>} : memref<64x128xf32, #tpu.memory_space<vmem>>, vector<16xf32>,
        %parallel_loop3A_331 = vector.broadcast %parallel_loop3A_209 : i32 to vector<16xi32>
        %parallel_loop3A_332 = arith.addi %parallel_loop3A_331, %iota3A : vector<16xi32>
        %parallel_loop3A_333 = arith.constant 11 : i32
        %parallel_loop3A_334 = vector.broadcast %parallel_loop3A_333 : i32 to vector<16xi32>
        %parallel_loop3A_335 = tpu.vector_load_idx %arg6[%parallel_loop3A_332, %parallel_loop3A_334] : memref<128x128xf32, #tpu.memory_space<vmem>>[vector<16xi32>, vector<16xi32>], vector<16xf32>,
        %parallel_loop3A_336 = arith.constant 16 : i32
        %parallel_loop3A_337 = arith.muli %parallel_loop3A_207, %parallel_loop3A_336 : i32
        %parallel_loop3A_338 = arith.constant 11 : i32
        %parallel_loop3A_339 = arith.index_cast %parallel_loop3A_338 : i32 to index
        %parallel_loop3A_340 = arith.index_cast %parallel_loop3A_337 : i32 to index
        %parallel_loop3A_341 = tpu.vector_load %arg8[%parallel_loop3A_339, %parallel_loop3A_340] {strides = array<i32>} : memref<64x128xf32, #tpu.memory_space<vmem>>, vector<16xf32>,
        tpu.vector_store %arg8[%parallel_loop3A_339, %parallel_loop3A_340], %parallel_loop3A_335 {strides = array<i32>} : memref<64x128xf32, #tpu.memory_space<vmem>>, vector<16xf32>,
        %parallel_loop3A_342 = vector.broadcast %parallel_loop3A_209 : i32 to vector<16xi32>
        %parallel_loop3A_343 = arith.addi %parallel_loop3A_342, %iota3A : vector<16xi32>
        %parallel_loop3A_344 = arith.constant 12 : i32
        %parallel_loop3A_345 = vector.broadcast %parallel_loop3A_344 : i32 to vector<16xi32>
        %parallel_loop3A_346 = tpu.vector_load_idx %arg6[%parallel_loop3A_343, %parallel_loop3A_345] : memref<128x128xf32, #tpu.memory_space<vmem>>[vector<16xi32>, vector<16xi32>], vector<16xf32>,
        %parallel_loop3A_347 = arith.constant 16 : i32
        %parallel_loop3A_348 = arith.muli %parallel_loop3A_207, %parallel_loop3A_347 : i32
        %parallel_loop3A_349 = arith.constant 12 : i32
        %parallel_loop3A_350 = arith.index_cast %parallel_loop3A_349 : i32 to index
        %parallel_loop3A_351 = arith.index_cast %parallel_loop3A_348 : i32 to index
        %parallel_loop3A_352 = tpu.vector_load %arg8[%parallel_loop3A_350, %parallel_loop3A_351] {strides = array<i32>} : memref<64x128xf32, #tpu.memory_space<vmem>>, vector<16xf32>,
        tpu.vector_store %arg8[%parallel_loop3A_350, %parallel_loop3A_351], %parallel_loop3A_346 {strides = array<i32>} : memref<64x128xf32, #tpu.memory_space<vmem>>, vector<16xf32>,
        %parallel_loop3A_353 = vector.broadcast %parallel_loop3A_209 : i32 to vector<16xi32>
        %parallel_loop3A_354 = arith.addi %parallel_loop3A_353, %iota3A : vector<16xi32>
        %parallel_loop3A_355 = arith.constant 13 : i32
        %parallel_loop3A_356 = vector.broadcast %parallel_loop3A_355 : i32 to vector<16xi32>
        %parallel_loop3A_357 = tpu.vector_load_idx %arg6[%parallel_loop3A_354, %parallel_loop3A_356] : memref<128x128xf32, #tpu.memory_space<vmem>>[vector<16xi32>, vector<16xi32>], vector<16xf32>,
        %parallel_loop3A_358 = arith.constant 16 : i32
        %parallel_loop3A_359 = arith.muli %parallel_loop3A_207, %parallel_loop3A_358 : i32
        %parallel_loop3A_360 = arith.constant 13 : i32
        %parallel_loop3A_361 = arith.index_cast %parallel_loop3A_360 : i32 to index
        %parallel_loop3A_362 = arith.index_cast %parallel_loop3A_359 : i32 to index
        %parallel_loop3A_363 = tpu.vector_load %arg8[%parallel_loop3A_361, %parallel_loop3A_362] {strides = array<i32>} : memref<64x128xf32, #tpu.memory_space<vmem>>, vector<16xf32>,
        tpu.vector_store %arg8[%parallel_loop3A_361, %parallel_loop3A_362], %parallel_loop3A_357 {strides = array<i32>} : memref<64x128xf32, #tpu.memory_space<vmem>>, vector<16xf32>,
        %parallel_loop3A_364 = vector.broadcast %parallel_loop3A_209 : i32 to vector<16xi32>
        %parallel_loop3A_365 = arith.addi %parallel_loop3A_364, %iota3A : vector<16xi32>
        %parallel_loop3A_366 = arith.constant 14 : i32
        %parallel_loop3A_367 = vector.broadcast %parallel_loop3A_366 : i32 to vector<16xi32>
        %parallel_loop3A_368 = tpu.vector_load_idx %arg6[%parallel_loop3A_365, %parallel_loop3A_367] : memref<128x128xf32, #tpu.memory_space<vmem>>[vector<16xi32>, vector<16xi32>], vector<16xf32>,
        %parallel_loop3A_369 = arith.constant 16 : i32
        %parallel_loop3A_370 = arith.muli %parallel_loop3A_207, %parallel_loop3A_369 : i32
        %parallel_loop3A_371 = arith.constant 14 : i32
        %parallel_loop3A_372 = arith.index_cast %parallel_loop3A_371 : i32 to index
        %parallel_loop3A_373 = arith.index_cast %parallel_loop3A_370 : i32 to index
        %parallel_loop3A_374 = tpu.vector_load %arg8[%parallel_loop3A_372, %parallel_loop3A_373] {strides = array<i32>} : memref<64x128xf32, #tpu.memory_space<vmem>>, vector<16xf32>,
        tpu.vector_store %arg8[%parallel_loop3A_372, %parallel_loop3A_373], %parallel_loop3A_368 {strides = array<i32>} : memref<64x128xf32, #tpu.memory_space<vmem>>, vector<16xf32>,
        %parallel_loop3A_375 = vector.broadcast %parallel_loop3A_209 : i32 to vector<16xi32>
        %parallel_loop3A_376 = arith.addi %parallel_loop3A_375, %iota3A : vector<16xi32>
        %parallel_loop3A_377 = arith.constant 15 : i32
        %parallel_loop3A_378 = vector.broadcast %parallel_loop3A_377 : i32 to vector<16xi32>
        %parallel_loop3A_379 = tpu.vector_load_idx %arg6[%parallel_loop3A_376, %parallel_loop3A_378] : memref<128x128xf32, #tpu.memory_space<vmem>>[vector<16xi32>, vector<16xi32>], vector<16xf32>,
        %parallel_loop3A_380 = arith.constant 16 : i32
        %parallel_loop3A_381 = arith.muli %parallel_loop3A_207, %parallel_loop3A_380 : i32
        %parallel_loop3A_382 = arith.constant 15 : i32
        %parallel_loop3A_383 = arith.index_cast %parallel_loop3A_382 : i32 to index
        %parallel_loop3A_384 = arith.index_cast %parallel_loop3A_381 : i32 to index
        %parallel_loop3A_385 = tpu.vector_load %arg8[%parallel_loop3A_383, %parallel_loop3A_384] {strides = array<i32>} : memref<64x128xf32, #tpu.memory_space<vmem>>, vector<16xf32>,
        tpu.vector_store %arg8[%parallel_loop3A_383, %parallel_loop3A_384], %parallel_loop3A_379 {strides = array<i32>} : memref<64x128xf32, #tpu.memory_space<vmem>>, vector<16xf32>,
        %parallel_loop3A_386 = vector.broadcast %parallel_loop3A_209 : i32 to vector<16xi32>
        %parallel_loop3A_387 = arith.addi %parallel_loop3A_386, %iota3A : vector<16xi32>
        %parallel_loop3A_388 = arith.constant 16 : i32
        %parallel_loop3A_389 = vector.broadcast %parallel_loop3A_388 : i32 to vector<16xi32>
        %parallel_loop3A_390 = tpu.vector_load_idx %arg6[%parallel_loop3A_387, %parallel_loop3A_389] : memref<128x128xf32, #tpu.memory_space<vmem>>[vector<16xi32>, vector<16xi32>], vector<16xf32>,
        %parallel_loop3A_391 = arith.constant 16 : i32
        %parallel_loop3A_392 = arith.muli %parallel_loop3A_207, %parallel_loop3A_391 : i32
        %parallel_loop3A_393 = arith.constant 16 : i32
        %parallel_loop3A_394 = arith.index_cast %parallel_loop3A_393 : i32 to index
        %parallel_loop3A_395 = arith.index_cast %parallel_loop3A_392 : i32 to index
        %parallel_loop3A_396 = tpu.vector_load %arg8[%parallel_loop3A_394, %parallel_loop3A_395] {strides = array<i32>} : memref<64x128xf32, #tpu.memory_space<vmem>>, vector<16xf32>,
        tpu.vector_store %arg8[%parallel_loop3A_394, %parallel_loop3A_395], %parallel_loop3A_390 {strides = array<i32>} : memref<64x128xf32, #tpu.memory_space<vmem>>, vector<16xf32>,
        %parallel_loop3A_397 = vector.broadcast %parallel_loop3A_209 : i32 to vector<16xi32>
        %parallel_loop3A_398 = arith.addi %parallel_loop3A_397, %iota3A : vector<16xi32>
        %parallel_loop3A_399 = arith.constant 17 : i32
        %parallel_loop3A_400 = vector.broadcast %parallel_loop3A_399 : i32 to vector<16xi32>
        %parallel_loop3A_401 = tpu.vector_load_idx %arg6[%parallel_loop3A_398, %parallel_loop3A_400] : memref<128x128xf32, #tpu.memory_space<vmem>>[vector<16xi32>, vector<16xi32>], vector<16xf32>,
        %parallel_loop3A_402 = arith.constant 16 : i32
        %parallel_loop3A_403 = arith.muli %parallel_loop3A_207, %parallel_loop3A_402 : i32
        %parallel_loop3A_404 = arith.constant 17 : i32
        %parallel_loop3A_405 = arith.index_cast %parallel_loop3A_404 : i32 to index
        %parallel_loop3A_406 = arith.index_cast %parallel_loop3A_403 : i32 to index
        %parallel_loop3A_407 = tpu.vector_load %arg8[%parallel_loop3A_405, %parallel_loop3A_406] {strides = array<i32>} : memref<64x128xf32, #tpu.memory_space<vmem>>, vector<16xf32>,
        tpu.vector_store %arg8[%parallel_loop3A_405, %parallel_loop3A_406], %parallel_loop3A_401 {strides = array<i32>} : memref<64x128xf32, #tpu.memory_space<vmem>>, vector<16xf32>,
        %parallel_loop3A_408 = vector.broadcast %parallel_loop3A_209 : i32 to vector<16xi32>
        %parallel_loop3A_409 = arith.addi %parallel_loop3A_408, %iota3A : vector<16xi32>
        %parallel_loop3A_410 = arith.constant 18 : i32
        %parallel_loop3A_411 = vector.broadcast %parallel_loop3A_410 : i32 to vector<16xi32>
        %parallel_loop3A_412 = tpu.vector_load_idx %arg6[%parallel_loop3A_409, %parallel_loop3A_411] : memref<128x128xf32, #tpu.memory_space<vmem>>[vector<16xi32>, vector<16xi32>], vector<16xf32>,
        %parallel_loop3A_413 = arith.constant 16 : i32
        %parallel_loop3A_414 = arith.muli %parallel_loop3A_207, %parallel_loop3A_413 : i32
        %parallel_loop3A_415 = arith.constant 18 : i32
        %parallel_loop3A_416 = arith.index_cast %parallel_loop3A_415 : i32 to index
        %parallel_loop3A_417 = arith.index_cast %parallel_loop3A_414 : i32 to index
        %parallel_loop3A_418 = tpu.vector_load %arg8[%parallel_loop3A_416, %parallel_loop3A_417] {strides = array<i32>} : memref<64x128xf32, #tpu.memory_space<vmem>>, vector<16xf32>,
        tpu.vector_store %arg8[%parallel_loop3A_416, %parallel_loop3A_417], %parallel_loop3A_412 {strides = array<i32>} : memref<64x128xf32, #tpu.memory_space<vmem>>, vector<16xf32>,
        %parallel_loop3A_419 = vector.broadcast %parallel_loop3A_209 : i32 to vector<16xi32>
        %parallel_loop3A_420 = arith.addi %parallel_loop3A_419, %iota3A : vector<16xi32>
        %parallel_loop3A_421 = arith.constant 19 : i32
        %parallel_loop3A_422 = vector.broadcast %parallel_loop3A_421 : i32 to vector<16xi32>
        %parallel_loop3A_423 = tpu.vector_load_idx %arg6[%parallel_loop3A_420, %parallel_loop3A_422] : memref<128x128xf32, #tpu.memory_space<vmem>>[vector<16xi32>, vector<16xi32>], vector<16xf32>,
        %parallel_loop3A_424 = arith.constant 16 : i32
        %parallel_loop3A_425 = arith.muli %parallel_loop3A_207, %parallel_loop3A_424 : i32
        %parallel_loop3A_426 = arith.constant 19 : i32
        %parallel_loop3A_427 = arith.index_cast %parallel_loop3A_426 : i32 to index
        %parallel_loop3A_428 = arith.index_cast %parallel_loop3A_425 : i32 to index
        %parallel_loop3A_429 = tpu.vector_load %arg8[%parallel_loop3A_427, %parallel_loop3A_428] {strides = array<i32>} : memref<64x128xf32, #tpu.memory_space<vmem>>, vector<16xf32>,
        tpu.vector_store %arg8[%parallel_loop3A_427, %parallel_loop3A_428], %parallel_loop3A_423 {strides = array<i32>} : memref<64x128xf32, #tpu.memory_space<vmem>>, vector<16xf32>,
        %parallel_loop3A_430 = vector.broadcast %parallel_loop3A_209 : i32 to vector<16xi32>
        %parallel_loop3A_431 = arith.addi %parallel_loop3A_430, %iota3A : vector<16xi32>
        %parallel_loop3A_432 = arith.constant 20 : i32
        %parallel_loop3A_433 = vector.broadcast %parallel_loop3A_432 : i32 to vector<16xi32>
        %parallel_loop3A_434 = tpu.vector_load_idx %arg6[%parallel_loop3A_431, %parallel_loop3A_433] : memref<128x128xf32, #tpu.memory_space<vmem>>[vector<16xi32>, vector<16xi32>], vector<16xf32>,
        %parallel_loop3A_435 = arith.constant 16 : i32
        %parallel_loop3A_436 = arith.muli %parallel_loop3A_207, %parallel_loop3A_435 : i32
        %parallel_loop3A_437 = arith.constant 20 : i32
        %parallel_loop3A_438 = arith.index_cast %parallel_loop3A_437 : i32 to index
        %parallel_loop3A_439 = arith.index_cast %parallel_loop3A_436 : i32 to index
        %parallel_loop3A_440 = tpu.vector_load %arg8[%parallel_loop3A_438, %parallel_loop3A_439] {strides = array<i32>} : memref<64x128xf32, #tpu.memory_space<vmem>>, vector<16xf32>,
        tpu.vector_store %arg8[%parallel_loop3A_438, %parallel_loop3A_439], %parallel_loop3A_434 {strides = array<i32>} : memref<64x128xf32, #tpu.memory_space<vmem>>, vector<16xf32>,
        %parallel_loop3A_441 = vector.broadcast %parallel_loop3A_209 : i32 to vector<16xi32>
        %parallel_loop3A_442 = arith.addi %parallel_loop3A_441, %iota3A : vector<16xi32>
        %parallel_loop3A_443 = arith.constant 21 : i32
        %parallel_loop3A_444 = vector.broadcast %parallel_loop3A_443 : i32 to vector<16xi32>
        %parallel_loop3A_445 = tpu.vector_load_idx %arg6[%parallel_loop3A_442, %parallel_loop3A_444] : memref<128x128xf32, #tpu.memory_space<vmem>>[vector<16xi32>, vector<16xi32>], vector<16xf32>,
        %parallel_loop3A_446 = arith.constant 16 : i32
        %parallel_loop3A_447 = arith.muli %parallel_loop3A_207, %parallel_loop3A_446 : i32
        %parallel_loop3A_448 = arith.constant 21 : i32
        %parallel_loop3A_449 = arith.index_cast %parallel_loop3A_448 : i32 to index
        %parallel_loop3A_450 = arith.index_cast %parallel_loop3A_447 : i32 to index
        %parallel_loop3A_451 = tpu.vector_load %arg8[%parallel_loop3A_449, %parallel_loop3A_450] {strides = array<i32>} : memref<64x128xf32, #tpu.memory_space<vmem>>, vector<16xf32>,
        tpu.vector_store %arg8[%parallel_loop3A_449, %parallel_loop3A_450], %parallel_loop3A_445 {strides = array<i32>} : memref<64x128xf32, #tpu.memory_space<vmem>>, vector<16xf32>,
        %parallel_loop3A_452 = vector.broadcast %parallel_loop3A_209 : i32 to vector<16xi32>
        %parallel_loop3A_453 = arith.addi %parallel_loop3A_452, %iota3A : vector<16xi32>
        %parallel_loop3A_454 = arith.constant 22 : i32
        %parallel_loop3A_455 = vector.broadcast %parallel_loop3A_454 : i32 to vector<16xi32>
        %parallel_loop3A_456 = tpu.vector_load_idx %arg6[%parallel_loop3A_453, %parallel_loop3A_455] : memref<128x128xf32, #tpu.memory_space<vmem>>[vector<16xi32>, vector<16xi32>], vector<16xf32>,
        %parallel_loop3A_457 = arith.constant 16 : i32
        %parallel_loop3A_458 = arith.muli %parallel_loop3A_207, %parallel_loop3A_457 : i32
        %parallel_loop3A_459 = arith.constant 22 : i32
        %parallel_loop3A_460 = arith.index_cast %parallel_loop3A_459 : i32 to index
        %parallel_loop3A_461 = arith.index_cast %parallel_loop3A_458 : i32 to index
        %parallel_loop3A_462 = tpu.vector_load %arg8[%parallel_loop3A_460, %parallel_loop3A_461] {strides = array<i32>} : memref<64x128xf32, #tpu.memory_space<vmem>>, vector<16xf32>,
        tpu.vector_store %arg8[%parallel_loop3A_460, %parallel_loop3A_461], %parallel_loop3A_456 {strides = array<i32>} : memref<64x128xf32, #tpu.memory_space<vmem>>, vector<16xf32>,
        %parallel_loop3A_463 = vector.broadcast %parallel_loop3A_209 : i32 to vector<16xi32>
        %parallel_loop3A_464 = arith.addi %parallel_loop3A_463, %iota3A : vector<16xi32>
        %parallel_loop3A_465 = arith.constant 23 : i32
        %parallel_loop3A_466 = vector.broadcast %parallel_loop3A_465 : i32 to vector<16xi32>
        %parallel_loop3A_467 = tpu.vector_load_idx %arg6[%parallel_loop3A_464, %parallel_loop3A_466] : memref<128x128xf32, #tpu.memory_space<vmem>>[vector<16xi32>, vector<16xi32>], vector<16xf32>,
        %parallel_loop3A_468 = arith.constant 16 : i32
        %parallel_loop3A_469 = arith.muli %parallel_loop3A_207, %parallel_loop3A_468 : i32
        %parallel_loop3A_470 = arith.constant 23 : i32
        %parallel_loop3A_471 = arith.index_cast %parallel_loop3A_470 : i32 to index
        %parallel_loop3A_472 = arith.index_cast %parallel_loop3A_469 : i32 to index
        %parallel_loop3A_473 = tpu.vector_load %arg8[%parallel_loop3A_471, %parallel_loop3A_472] {strides = array<i32>} : memref<64x128xf32, #tpu.memory_space<vmem>>, vector<16xf32>,
        tpu.vector_store %arg8[%parallel_loop3A_471, %parallel_loop3A_472], %parallel_loop3A_467 {strides = array<i32>} : memref<64x128xf32, #tpu.memory_space<vmem>>, vector<16xf32>,
        %parallel_loop3A_474 = vector.broadcast %parallel_loop3A_209 : i32 to vector<16xi32>
        %parallel_loop3A_475 = arith.addi %parallel_loop3A_474, %iota3A : vector<16xi32>
        %parallel_loop3A_476 = arith.constant 24 : i32
        %parallel_loop3A_477 = vector.broadcast %parallel_loop3A_476 : i32 to vector<16xi32>
        %parallel_loop3A_478 = tpu.vector_load_idx %arg6[%parallel_loop3A_475, %parallel_loop3A_477] : memref<128x128xf32, #tpu.memory_space<vmem>>[vector<16xi32>, vector<16xi32>], vector<16xf32>,
        %parallel_loop3A_479 = arith.constant 16 : i32
        %parallel_loop3A_480 = arith.muli %parallel_loop3A_207, %parallel_loop3A_479 : i32
        %parallel_loop3A_481 = arith.constant 24 : i32
        %parallel_loop3A_482 = arith.index_cast %parallel_loop3A_481 : i32 to index
        %parallel_loop3A_483 = arith.index_cast %parallel_loop3A_480 : i32 to index
        %parallel_loop3A_484 = tpu.vector_load %arg8[%parallel_loop3A_482, %parallel_loop3A_483] {strides = array<i32>} : memref<64x128xf32, #tpu.memory_space<vmem>>, vector<16xf32>,
        tpu.vector_store %arg8[%parallel_loop3A_482, %parallel_loop3A_483], %parallel_loop3A_478 {strides = array<i32>} : memref<64x128xf32, #tpu.memory_space<vmem>>, vector<16xf32>,
        %parallel_loop3A_485 = vector.broadcast %parallel_loop3A_209 : i32 to vector<16xi32>
        %parallel_loop3A_486 = arith.addi %parallel_loop3A_485, %iota3A : vector<16xi32>
        %parallel_loop3A_487 = arith.constant 25 : i32
        %parallel_loop3A_488 = vector.broadcast %parallel_loop3A_487 : i32 to vector<16xi32>
        %parallel_loop3A_489 = tpu.vector_load_idx %arg6[%parallel_loop3A_486, %parallel_loop3A_488] : memref<128x128xf32, #tpu.memory_space<vmem>>[vector<16xi32>, vector<16xi32>], vector<16xf32>,
        %parallel_loop3A_490 = arith.constant 16 : i32
        %parallel_loop3A_491 = arith.muli %parallel_loop3A_207, %parallel_loop3A_490 : i32
        %parallel_loop3A_492 = arith.constant 25 : i32
        %parallel_loop3A_493 = arith.index_cast %parallel_loop3A_492 : i32 to index
        %parallel_loop3A_494 = arith.index_cast %parallel_loop3A_491 : i32 to index
        %parallel_loop3A_495 = tpu.vector_load %arg8[%parallel_loop3A_493, %parallel_loop3A_494] {strides = array<i32>} : memref<64x128xf32, #tpu.memory_space<vmem>>, vector<16xf32>,
        tpu.vector_store %arg8[%parallel_loop3A_493, %parallel_loop3A_494], %parallel_loop3A_489 {strides = array<i32>} : memref<64x128xf32, #tpu.memory_space<vmem>>, vector<16xf32>,
        %parallel_loop3A_496 = vector.broadcast %parallel_loop3A_209 : i32 to vector<16xi32>
        %parallel_loop3A_497 = arith.addi %parallel_loop3A_496, %iota3A : vector<16xi32>
        %parallel_loop3A_498 = arith.constant 26 : i32
        %parallel_loop3A_499 = vector.broadcast %parallel_loop3A_498 : i32 to vector<16xi32>
        %parallel_loop3A_500 = tpu.vector_load_idx %arg6[%parallel_loop3A_497, %parallel_loop3A_499] : memref<128x128xf32, #tpu.memory_space<vmem>>[vector<16xi32>, vector<16xi32>], vector<16xf32>,
        %parallel_loop3A_501 = arith.constant 16 : i32
        %parallel_loop3A_502 = arith.muli %parallel_loop3A_207, %parallel_loop3A_501 : i32
        %parallel_loop3A_503 = arith.constant 26 : i32
        %parallel_loop3A_504 = arith.index_cast %parallel_loop3A_503 : i32 to index
        %parallel_loop3A_505 = arith.index_cast %parallel_loop3A_502 : i32 to index
        %parallel_loop3A_506 = tpu.vector_load %arg8[%parallel_loop3A_504, %parallel_loop3A_505] {strides = array<i32>} : memref<64x128xf32, #tpu.memory_space<vmem>>, vector<16xf32>,
        tpu.vector_store %arg8[%parallel_loop3A_504, %parallel_loop3A_505], %parallel_loop3A_500 {strides = array<i32>} : memref<64x128xf32, #tpu.memory_space<vmem>>, vector<16xf32>,
        %parallel_loop3A_507 = vector.broadcast %parallel_loop3A_209 : i32 to vector<16xi32>
        %parallel_loop3A_508 = arith.addi %parallel_loop3A_507, %iota3A : vector<16xi32>
        %parallel_loop3A_509 = arith.constant 27 : i32
        %parallel_loop3A_510 = vector.broadcast %parallel_loop3A_509 : i32 to vector<16xi32>
        %parallel_loop3A_511 = tpu.vector_load_idx %arg6[%parallel_loop3A_508, %parallel_loop3A_510] : memref<128x128xf32, #tpu.memory_space<vmem>>[vector<16xi32>, vector<16xi32>], vector<16xf32>,
        %parallel_loop3A_512 = arith.constant 16 : i32
        %parallel_loop3A_513 = arith.muli %parallel_loop3A_207, %parallel_loop3A_512 : i32
        %parallel_loop3A_514 = arith.constant 27 : i32
        %parallel_loop3A_515 = arith.index_cast %parallel_loop3A_514 : i32 to index
        %parallel_loop3A_516 = arith.index_cast %parallel_loop3A_513 : i32 to index
        %parallel_loop3A_517 = tpu.vector_load %arg8[%parallel_loop3A_515, %parallel_loop3A_516] {strides = array<i32>} : memref<64x128xf32, #tpu.memory_space<vmem>>, vector<16xf32>,
        tpu.vector_store %arg8[%parallel_loop3A_515, %parallel_loop3A_516], %parallel_loop3A_511 {strides = array<i32>} : memref<64x128xf32, #tpu.memory_space<vmem>>, vector<16xf32>,
        %parallel_loop3A_518 = vector.broadcast %parallel_loop3A_209 : i32 to vector<16xi32>
        %parallel_loop3A_519 = arith.addi %parallel_loop3A_518, %iota3A : vector<16xi32>
        %parallel_loop3A_520 = arith.constant 28 : i32
        %parallel_loop3A_521 = vector.broadcast %parallel_loop3A_520 : i32 to vector<16xi32>
        %parallel_loop3A_522 = tpu.vector_load_idx %arg6[%parallel_loop3A_519, %parallel_loop3A_521] : memref<128x128xf32, #tpu.memory_space<vmem>>[vector<16xi32>, vector<16xi32>], vector<16xf32>,
        %parallel_loop3A_523 = arith.constant 16 : i32
        %parallel_loop3A_524 = arith.muli %parallel_loop3A_207, %parallel_loop3A_523 : i32
        %parallel_loop3A_525 = arith.constant 28 : i32
        %parallel_loop3A_526 = arith.index_cast %parallel_loop3A_525 : i32 to index
        %parallel_loop3A_527 = arith.index_cast %parallel_loop3A_524 : i32 to index
        %parallel_loop3A_528 = tpu.vector_load %arg8[%parallel_loop3A_526, %parallel_loop3A_527] {strides = array<i32>} : memref<64x128xf32, #tpu.memory_space<vmem>>, vector<16xf32>,
        tpu.vector_store %arg8[%parallel_loop3A_526, %parallel_loop3A_527], %parallel_loop3A_522 {strides = array<i32>} : memref<64x128xf32, #tpu.memory_space<vmem>>, vector<16xf32>,
        %parallel_loop3A_529 = vector.broadcast %parallel_loop3A_209 : i32 to vector<16xi32>
        %parallel_loop3A_530 = arith.addi %parallel_loop3A_529, %iota3A : vector<16xi32>
        %parallel_loop3A_531 = arith.constant 29 : i32
        %parallel_loop3A_532 = vector.broadcast %parallel_loop3A_531 : i32 to vector<16xi32>
        %parallel_loop3A_533 = tpu.vector_load_idx %arg6[%parallel_loop3A_530, %parallel_loop3A_532] : memref<128x128xf32, #tpu.memory_space<vmem>>[vector<16xi32>, vector<16xi32>], vector<16xf32>,
        %parallel_loop3A_534 = arith.constant 16 : i32
        %parallel_loop3A_535 = arith.muli %parallel_loop3A_207, %parallel_loop3A_534 : i32
        %parallel_loop3A_536 = arith.constant 29 : i32
        %parallel_loop3A_537 = arith.index_cast %parallel_loop3A_536 : i32 to index
        %parallel_loop3A_538 = arith.index_cast %parallel_loop3A_535 : i32 to index
        %parallel_loop3A_539 = tpu.vector_load %arg8[%parallel_loop3A_537, %parallel_loop3A_538] {strides = array<i32>} : memref<64x128xf32, #tpu.memory_space<vmem>>, vector<16xf32>,
        tpu.vector_store %arg8[%parallel_loop3A_537, %parallel_loop3A_538], %parallel_loop3A_533 {strides = array<i32>} : memref<64x128xf32, #tpu.memory_space<vmem>>, vector<16xf32>,
        %parallel_loop3A_540 = vector.broadcast %parallel_loop3A_209 : i32 to vector<16xi32>
        %parallel_loop3A_541 = arith.addi %parallel_loop3A_540, %iota3A : vector<16xi32>
        %parallel_loop3A_542 = arith.constant 30 : i32
        %parallel_loop3A_543 = vector.broadcast %parallel_loop3A_542 : i32 to vector<16xi32>
        %parallel_loop3A_544 = tpu.vector_load_idx %arg6[%parallel_loop3A_541, %parallel_loop3A_543] : memref<128x128xf32, #tpu.memory_space<vmem>>[vector<16xi32>, vector<16xi32>], vector<16xf32>,
        %parallel_loop3A_545 = arith.constant 16 : i32
        %parallel_loop3A_546 = arith.muli %parallel_loop3A_207, %parallel_loop3A_545 : i32
        %parallel_loop3A_547 = arith.constant 30 : i32
        %parallel_loop3A_548 = arith.index_cast %parallel_loop3A_547 : i32 to index
        %parallel_loop3A_549 = arith.index_cast %parallel_loop3A_546 : i32 to index
        %parallel_loop3A_550 = tpu.vector_load %arg8[%parallel_loop3A_548, %parallel_loop3A_549] {strides = array<i32>} : memref<64x128xf32, #tpu.memory_space<vmem>>, vector<16xf32>,
        tpu.vector_store %arg8[%parallel_loop3A_548, %parallel_loop3A_549], %parallel_loop3A_544 {strides = array<i32>} : memref<64x128xf32, #tpu.memory_space<vmem>>, vector<16xf32>,
        %parallel_loop3A_551 = vector.broadcast %parallel_loop3A_209 : i32 to vector<16xi32>
        %parallel_loop3A_552 = arith.addi %parallel_loop3A_551, %iota3A : vector<16xi32>
        %parallel_loop3A_553 = arith.constant 31 : i32
        %parallel_loop3A_554 = vector.broadcast %parallel_loop3A_553 : i32 to vector<16xi32>
        %parallel_loop3A_555 = tpu.vector_load_idx %arg6[%parallel_loop3A_552, %parallel_loop3A_554] : memref<128x128xf32, #tpu.memory_space<vmem>>[vector<16xi32>, vector<16xi32>], vector<16xf32>,
        %parallel_loop3A_556 = arith.constant 16 : i32
        %parallel_loop3A_557 = arith.muli %parallel_loop3A_207, %parallel_loop3A_556 : i32
        %parallel_loop3A_558 = arith.constant 31 : i32
        %parallel_loop3A_559 = arith.index_cast %parallel_loop3A_558 : i32 to index
        %parallel_loop3A_560 = arith.index_cast %parallel_loop3A_557 : i32 to index
        %parallel_loop3A_561 = tpu.vector_load %arg8[%parallel_loop3A_559, %parallel_loop3A_560] {strides = array<i32>} : memref<64x128xf32, #tpu.memory_space<vmem>>, vector<16xf32>,
        tpu.vector_store %arg8[%parallel_loop3A_559, %parallel_loop3A_560], %parallel_loop3A_555 {strides = array<i32>} : memref<64x128xf32, #tpu.memory_space<vmem>>, vector<16xf32>,
        %parallel_loop3A_562 = vector.broadcast %parallel_loop3A_209 : i32 to vector<16xi32>
        %parallel_loop3A_563 = arith.addi %parallel_loop3A_562, %iota3A : vector<16xi32>
        %parallel_loop3A_564 = arith.constant 32 : i32
        %parallel_loop3A_565 = vector.broadcast %parallel_loop3A_564 : i32 to vector<16xi32>
        %parallel_loop3A_566 = tpu.vector_load_idx %arg6[%parallel_loop3A_563, %parallel_loop3A_565] : memref<128x128xf32, #tpu.memory_space<vmem>>[vector<16xi32>, vector<16xi32>], vector<16xf32>,
        %parallel_loop3A_567 = arith.constant 16 : i32
        %parallel_loop3A_568 = arith.muli %parallel_loop3A_207, %parallel_loop3A_567 : i32
        %parallel_loop3A_569 = arith.constant 32 : i32
        %parallel_loop3A_570 = arith.index_cast %parallel_loop3A_569 : i32 to index
        %parallel_loop3A_571 = arith.index_cast %parallel_loop3A_568 : i32 to index
        %parallel_loop3A_572 = tpu.vector_load %arg8[%parallel_loop3A_570, %parallel_loop3A_571] {strides = array<i32>} : memref<64x128xf32, #tpu.memory_space<vmem>>, vector<16xf32>,
        tpu.vector_store %arg8[%parallel_loop3A_570, %parallel_loop3A_571], %parallel_loop3A_566 {strides = array<i32>} : memref<64x128xf32, #tpu.memory_space<vmem>>, vector<16xf32>,
        %parallel_loop3A_573 = vector.broadcast %parallel_loop3A_209 : i32 to vector<16xi32>
        %parallel_loop3A_574 = arith.addi %parallel_loop3A_573, %iota3A : vector<16xi32>
        %parallel_loop3A_575 = arith.constant 33 : i32
        %parallel_loop3A_576 = vector.broadcast %parallel_loop3A_575 : i32 to vector<16xi32>
        %parallel_loop3A_577 = tpu.vector_load_idx %arg6[%parallel_loop3A_574, %parallel_loop3A_576] : memref<128x128xf32, #tpu.memory_space<vmem>>[vector<16xi32>, vector<16xi32>], vector<16xf32>,
        %parallel_loop3A_578 = arith.constant 16 : i32
        %parallel_loop3A_579 = arith.muli %parallel_loop3A_207, %parallel_loop3A_578 : i32
        %parallel_loop3A_580 = arith.constant 33 : i32
        %parallel_loop3A_581 = arith.index_cast %parallel_loop3A_580 : i32 to index
        %parallel_loop3A_582 = arith.index_cast %parallel_loop3A_579 : i32 to index
        %parallel_loop3A_583 = tpu.vector_load %arg8[%parallel_loop3A_581, %parallel_loop3A_582] {strides = array<i32>} : memref<64x128xf32, #tpu.memory_space<vmem>>, vector<16xf32>,
        tpu.vector_store %arg8[%parallel_loop3A_581, %parallel_loop3A_582], %parallel_loop3A_577 {strides = array<i32>} : memref<64x128xf32, #tpu.memory_space<vmem>>, vector<16xf32>,
        %parallel_loop3A_584 = vector.broadcast %parallel_loop3A_209 : i32 to vector<16xi32>
        %parallel_loop3A_585 = arith.addi %parallel_loop3A_584, %iota3A : vector<16xi32>
        %parallel_loop3A_586 = arith.constant 34 : i32
        %parallel_loop3A_587 = vector.broadcast %parallel_loop3A_586 : i32 to vector<16xi32>
        %parallel_loop3A_588 = tpu.vector_load_idx %arg6[%parallel_loop3A_585, %parallel_loop3A_587] : memref<128x128xf32, #tpu.memory_space<vmem>>[vector<16xi32>, vector<16xi32>], vector<16xf32>,
        %parallel_loop3A_589 = arith.constant 16 : i32
        %parallel_loop3A_590 = arith.muli %parallel_loop3A_207, %parallel_loop3A_589 : i32
        %parallel_loop3A_591 = arith.constant 34 : i32
        %parallel_loop3A_592 = arith.index_cast %parallel_loop3A_591 : i32 to index
        %parallel_loop3A_593 = arith.index_cast %parallel_loop3A_590 : i32 to index
        %parallel_loop3A_594 = tpu.vector_load %arg8[%parallel_loop3A_592, %parallel_loop3A_593] {strides = array<i32>} : memref<64x128xf32, #tpu.memory_space<vmem>>, vector<16xf32>,
        tpu.vector_store %arg8[%parallel_loop3A_592, %parallel_loop3A_593], %parallel_loop3A_588 {strides = array<i32>} : memref<64x128xf32, #tpu.memory_space<vmem>>, vector<16xf32>,
        %parallel_loop3A_595 = vector.broadcast %parallel_loop3A_209 : i32 to vector<16xi32>
        %parallel_loop3A_596 = arith.addi %parallel_loop3A_595, %iota3A : vector<16xi32>
        %parallel_loop3A_597 = arith.constant 35 : i32
        %parallel_loop3A_598 = vector.broadcast %parallel_loop3A_597 : i32 to vector<16xi32>
        %parallel_loop3A_599 = tpu.vector_load_idx %arg6[%parallel_loop3A_596, %parallel_loop3A_598] : memref<128x128xf32, #tpu.memory_space<vmem>>[vector<16xi32>, vector<16xi32>], vector<16xf32>,
        %parallel_loop3A_600 = arith.constant 16 : i32
        %parallel_loop3A_601 = arith.muli %parallel_loop3A_207, %parallel_loop3A_600 : i32
        %parallel_loop3A_602 = arith.constant 35 : i32
        %parallel_loop3A_603 = arith.index_cast %parallel_loop3A_602 : i32 to index
        %parallel_loop3A_604 = arith.index_cast %parallel_loop3A_601 : i32 to index
        %parallel_loop3A_605 = tpu.vector_load %arg8[%parallel_loop3A_603, %parallel_loop3A_604] {strides = array<i32>} : memref<64x128xf32, #tpu.memory_space<vmem>>, vector<16xf32>,
        tpu.vector_store %arg8[%parallel_loop3A_603, %parallel_loop3A_604], %parallel_loop3A_599 {strides = array<i32>} : memref<64x128xf32, #tpu.memory_space<vmem>>, vector<16xf32>,
        %parallel_loop3A_606 = vector.broadcast %parallel_loop3A_209 : i32 to vector<16xi32>
        %parallel_loop3A_607 = arith.addi %parallel_loop3A_606, %iota3A : vector<16xi32>
        %parallel_loop3A_608 = arith.constant 36 : i32
        %parallel_loop3A_609 = vector.broadcast %parallel_loop3A_608 : i32 to vector<16xi32>
        %parallel_loop3A_610 = tpu.vector_load_idx %arg6[%parallel_loop3A_607, %parallel_loop3A_609] : memref<128x128xf32, #tpu.memory_space<vmem>>[vector<16xi32>, vector<16xi32>], vector<16xf32>,
        %parallel_loop3A_611 = arith.constant 16 : i32
        %parallel_loop3A_612 = arith.muli %parallel_loop3A_207, %parallel_loop3A_611 : i32
        %parallel_loop3A_613 = arith.constant 36 : i32
        %parallel_loop3A_614 = arith.index_cast %parallel_loop3A_613 : i32 to index
        %parallel_loop3A_615 = arith.index_cast %parallel_loop3A_612 : i32 to index
        %parallel_loop3A_616 = tpu.vector_load %arg8[%parallel_loop3A_614, %parallel_loop3A_615] {strides = array<i32>} : memref<64x128xf32, #tpu.memory_space<vmem>>, vector<16xf32>,
        tpu.vector_store %arg8[%parallel_loop3A_614, %parallel_loop3A_615], %parallel_loop3A_610 {strides = array<i32>} : memref<64x128xf32, #tpu.memory_space<vmem>>, vector<16xf32>,
        %parallel_loop3A_617 = vector.broadcast %parallel_loop3A_209 : i32 to vector<16xi32>
        %parallel_loop3A_618 = arith.addi %parallel_loop3A_617, %iota3A : vector<16xi32>
        %parallel_loop3A_619 = arith.constant 37 : i32
        %parallel_loop3A_620 = vector.broadcast %parallel_loop3A_619 : i32 to vector<16xi32>
        %parallel_loop3A_621 = tpu.vector_load_idx %arg6[%parallel_loop3A_618, %parallel_loop3A_620] : memref<128x128xf32, #tpu.memory_space<vmem>>[vector<16xi32>, vector<16xi32>], vector<16xf32>,
        %parallel_loop3A_622 = arith.constant 16 : i32
        %parallel_loop3A_623 = arith.muli %parallel_loop3A_207, %parallel_loop3A_622 : i32
        %parallel_loop3A_624 = arith.constant 37 : i32
        %parallel_loop3A_625 = arith.index_cast %parallel_loop3A_624 : i32 to index
        %parallel_loop3A_626 = arith.index_cast %parallel_loop3A_623 : i32 to index
        %parallel_loop3A_627 = tpu.vector_load %arg8[%parallel_loop3A_625, %parallel_loop3A_626] {strides = array<i32>} : memref<64x128xf32, #tpu.memory_space<vmem>>, vector<16xf32>,
        tpu.vector_store %arg8[%parallel_loop3A_625, %parallel_loop3A_626], %parallel_loop3A_621 {strides = array<i32>} : memref<64x128xf32, #tpu.memory_space<vmem>>, vector<16xf32>,
        %parallel_loop3A_628 = vector.broadcast %parallel_loop3A_209 : i32 to vector<16xi32>
        %parallel_loop3A_629 = arith.addi %parallel_loop3A_628, %iota3A : vector<16xi32>
        %parallel_loop3A_630 = arith.constant 38 : i32
        %parallel_loop3A_631 = vector.broadcast %parallel_loop3A_630 : i32 to vector<16xi32>
        %parallel_loop3A_632 = tpu.vector_load_idx %arg6[%parallel_loop3A_629, %parallel_loop3A_631] : memref<128x128xf32, #tpu.memory_space<vmem>>[vector<16xi32>, vector<16xi32>], vector<16xf32>,
        %parallel_loop3A_633 = arith.constant 16 : i32
        %parallel_loop3A_634 = arith.muli %parallel_loop3A_207, %parallel_loop3A_633 : i32
        %parallel_loop3A_635 = arith.constant 38 : i32
        %parallel_loop3A_636 = arith.index_cast %parallel_loop3A_635 : i32 to index
        %parallel_loop3A_637 = arith.index_cast %parallel_loop3A_634 : i32 to index
        %parallel_loop3A_638 = tpu.vector_load %arg8[%parallel_loop3A_636, %parallel_loop3A_637] {strides = array<i32>} : memref<64x128xf32, #tpu.memory_space<vmem>>, vector<16xf32>,
        tpu.vector_store %arg8[%parallel_loop3A_636, %parallel_loop3A_637], %parallel_loop3A_632 {strides = array<i32>} : memref<64x128xf32, #tpu.memory_space<vmem>>, vector<16xf32>,
        %parallel_loop3A_639 = vector.broadcast %parallel_loop3A_209 : i32 to vector<16xi32>
        %parallel_loop3A_640 = arith.addi %parallel_loop3A_639, %iota3A : vector<16xi32>
        %parallel_loop3A_641 = arith.constant 39 : i32
        %parallel_loop3A_642 = vector.broadcast %parallel_loop3A_641 : i32 to vector<16xi32>
        %parallel_loop3A_643 = tpu.vector_load_idx %arg6[%parallel_loop3A_640, %parallel_loop3A_642] : memref<128x128xf32, #tpu.memory_space<vmem>>[vector<16xi32>, vector<16xi32>], vector<16xf32>,
        %parallel_loop3A_644 = arith.constant 16 : i32
        %parallel_loop3A_645 = arith.muli %parallel_loop3A_207, %parallel_loop3A_644 : i32
        %parallel_loop3A_646 = arith.constant 39 : i32
        %parallel_loop3A_647 = arith.index_cast %parallel_loop3A_646 : i32 to index
        %parallel_loop3A_648 = arith.index_cast %parallel_loop3A_645 : i32 to index
        %parallel_loop3A_649 = tpu.vector_load %arg8[%parallel_loop3A_647, %parallel_loop3A_648] {strides = array<i32>} : memref<64x128xf32, #tpu.memory_space<vmem>>, vector<16xf32>,
        tpu.vector_store %arg8[%parallel_loop3A_647, %parallel_loop3A_648], %parallel_loop3A_643 {strides = array<i32>} : memref<64x128xf32, #tpu.memory_space<vmem>>, vector<16xf32>,
        %parallel_loop3A_650 = vector.broadcast %parallel_loop3A_209 : i32 to vector<16xi32>
        %parallel_loop3A_651 = arith.addi %parallel_loop3A_650, %iota3A : vector<16xi32>
        %parallel_loop3A_652 = arith.constant 40 : i32
        %parallel_loop3A_653 = vector.broadcast %parallel_loop3A_652 : i32 to vector<16xi32>
        %parallel_loop3A_654 = tpu.vector_load_idx %arg6[%parallel_loop3A_651, %parallel_loop3A_653] : memref<128x128xf32, #tpu.memory_space<vmem>>[vector<16xi32>, vector<16xi32>], vector<16xf32>,
        %parallel_loop3A_655 = arith.constant 16 : i32
        %parallel_loop3A_656 = arith.muli %parallel_loop3A_207, %parallel_loop3A_655 : i32
        %parallel_loop3A_657 = arith.constant 40 : i32
        %parallel_loop3A_658 = arith.index_cast %parallel_loop3A_657 : i32 to index
        %parallel_loop3A_659 = arith.index_cast %parallel_loop3A_656 : i32 to index
        %parallel_loop3A_660 = tpu.vector_load %arg8[%parallel_loop3A_658, %parallel_loop3A_659] {strides = array<i32>} : memref<64x128xf32, #tpu.memory_space<vmem>>, vector<16xf32>,
        tpu.vector_store %arg8[%parallel_loop3A_658, %parallel_loop3A_659], %parallel_loop3A_654 {strides = array<i32>} : memref<64x128xf32, #tpu.memory_space<vmem>>, vector<16xf32>,
        %parallel_loop3A_661 = vector.broadcast %parallel_loop3A_209 : i32 to vector<16xi32>
        %parallel_loop3A_662 = arith.addi %parallel_loop3A_661, %iota3A : vector<16xi32>
        %parallel_loop3A_663 = arith.constant 41 : i32
        %parallel_loop3A_664 = vector.broadcast %parallel_loop3A_663 : i32 to vector<16xi32>
        %parallel_loop3A_665 = tpu.vector_load_idx %arg6[%parallel_loop3A_662, %parallel_loop3A_664] : memref<128x128xf32, #tpu.memory_space<vmem>>[vector<16xi32>, vector<16xi32>], vector<16xf32>,
        %parallel_loop3A_666 = arith.constant 16 : i32
        %parallel_loop3A_667 = arith.muli %parallel_loop3A_207, %parallel_loop3A_666 : i32
        %parallel_loop3A_668 = arith.constant 41 : i32
        %parallel_loop3A_669 = arith.index_cast %parallel_loop3A_668 : i32 to index
        %parallel_loop3A_670 = arith.index_cast %parallel_loop3A_667 : i32 to index
        %parallel_loop3A_671 = tpu.vector_load %arg8[%parallel_loop3A_669, %parallel_loop3A_670] {strides = array<i32>} : memref<64x128xf32, #tpu.memory_space<vmem>>, vector<16xf32>,
        tpu.vector_store %arg8[%parallel_loop3A_669, %parallel_loop3A_670], %parallel_loop3A_665 {strides = array<i32>} : memref<64x128xf32, #tpu.memory_space<vmem>>, vector<16xf32>,
        %parallel_loop3A_672 = vector.broadcast %parallel_loop3A_209 : i32 to vector<16xi32>
        %parallel_loop3A_673 = arith.addi %parallel_loop3A_672, %iota3A : vector<16xi32>
        %parallel_loop3A_674 = arith.constant 42 : i32
        %parallel_loop3A_675 = vector.broadcast %parallel_loop3A_674 : i32 to vector<16xi32>
        %parallel_loop3A_676 = tpu.vector_load_idx %arg6[%parallel_loop3A_673, %parallel_loop3A_675] : memref<128x128xf32, #tpu.memory_space<vmem>>[vector<16xi32>, vector<16xi32>], vector<16xf32>,
        %parallel_loop3A_677 = arith.constant 16 : i32
        %parallel_loop3A_678 = arith.muli %parallel_loop3A_207, %parallel_loop3A_677 : i32
        %parallel_loop3A_679 = arith.constant 42 : i32
        %parallel_loop3A_680 = arith.index_cast %parallel_loop3A_679 : i32 to index
        %parallel_loop3A_681 = arith.index_cast %parallel_loop3A_678 : i32 to index
        %parallel_loop3A_682 = tpu.vector_load %arg8[%parallel_loop3A_680, %parallel_loop3A_681] {strides = array<i32>} : memref<64x128xf32, #tpu.memory_space<vmem>>, vector<16xf32>,
        tpu.vector_store %arg8[%parallel_loop3A_680, %parallel_loop3A_681], %parallel_loop3A_676 {strides = array<i32>} : memref<64x128xf32, #tpu.memory_space<vmem>>, vector<16xf32>,
        %parallel_loop3A_683 = vector.broadcast %parallel_loop3A_209 : i32 to vector<16xi32>
        %parallel_loop3A_684 = arith.addi %parallel_loop3A_683, %iota3A : vector<16xi32>
        %parallel_loop3A_685 = arith.constant 43 : i32
        %parallel_loop3A_686 = vector.broadcast %parallel_loop3A_685 : i32 to vector<16xi32>
        %parallel_loop3A_687 = tpu.vector_load_idx %arg6[%parallel_loop3A_684, %parallel_loop3A_686] : memref<128x128xf32, #tpu.memory_space<vmem>>[vector<16xi32>, vector<16xi32>], vector<16xf32>,
        %parallel_loop3A_688 = arith.constant 16 : i32
        %parallel_loop3A_689 = arith.muli %parallel_loop3A_207, %parallel_loop3A_688 : i32
        %parallel_loop3A_690 = arith.constant 43 : i32
        %parallel_loop3A_691 = arith.index_cast %parallel_loop3A_690 : i32 to index
        %parallel_loop3A_692 = arith.index_cast %parallel_loop3A_689 : i32 to index
        %parallel_loop3A_693 = tpu.vector_load %arg8[%parallel_loop3A_691, %parallel_loop3A_692] {strides = array<i32>} : memref<64x128xf32, #tpu.memory_space<vmem>>, vector<16xf32>,
        tpu.vector_store %arg8[%parallel_loop3A_691, %parallel_loop3A_692], %parallel_loop3A_687 {strides = array<i32>} : memref<64x128xf32, #tpu.memory_space<vmem>>, vector<16xf32>,
        %parallel_loop3A_694 = vector.broadcast %parallel_loop3A_209 : i32 to vector<16xi32>
        %parallel_loop3A_695 = arith.addi %parallel_loop3A_694, %iota3A : vector<16xi32>
        %parallel_loop3A_696 = arith.constant 44 : i32
        %parallel_loop3A_697 = vector.broadcast %parallel_loop3A_696 : i32 to vector<16xi32>
        %parallel_loop3A_698 = tpu.vector_load_idx %arg6[%parallel_loop3A_695, %parallel_loop3A_697] : memref<128x128xf32, #tpu.memory_space<vmem>>[vector<16xi32>, vector<16xi32>], vector<16xf32>,
        %parallel_loop3A_699 = arith.constant 16 : i32
        %parallel_loop3A_700 = arith.muli %parallel_loop3A_207, %parallel_loop3A_699 : i32
        %parallel_loop3A_701 = arith.constant 44 : i32
        %parallel_loop3A_702 = arith.index_cast %parallel_loop3A_701 : i32 to index
        %parallel_loop3A_703 = arith.index_cast %parallel_loop3A_700 : i32 to index
        %parallel_loop3A_704 = tpu.vector_load %arg8[%parallel_loop3A_702, %parallel_loop3A_703] {strides = array<i32>} : memref<64x128xf32, #tpu.memory_space<vmem>>, vector<16xf32>,
        tpu.vector_store %arg8[%parallel_loop3A_702, %parallel_loop3A_703], %parallel_loop3A_698 {strides = array<i32>} : memref<64x128xf32, #tpu.memory_space<vmem>>, vector<16xf32>,
        %parallel_loop3A_705 = vector.broadcast %parallel_loop3A_209 : i32 to vector<16xi32>
        %parallel_loop3A_706 = arith.addi %parallel_loop3A_705, %iota3A : vector<16xi32>
        %parallel_loop3A_707 = arith.constant 45 : i32
        %parallel_loop3A_708 = vector.broadcast %parallel_loop3A_707 : i32 to vector<16xi32>
        %parallel_loop3A_709 = tpu.vector_load_idx %arg6[%parallel_loop3A_706, %parallel_loop3A_708] : memref<128x128xf32, #tpu.memory_space<vmem>>[vector<16xi32>, vector<16xi32>], vector<16xf32>,
        %parallel_loop3A_710 = arith.constant 16 : i32
        %parallel_loop3A_711 = arith.muli %parallel_loop3A_207, %parallel_loop3A_710 : i32
        %parallel_loop3A_712 = arith.constant 45 : i32
        %parallel_loop3A_713 = arith.index_cast %parallel_loop3A_712 : i32 to index
        %parallel_loop3A_714 = arith.index_cast %parallel_loop3A_711 : i32 to index
        %parallel_loop3A_715 = tpu.vector_load %arg8[%parallel_loop3A_713, %parallel_loop3A_714] {strides = array<i32>} : memref<64x128xf32, #tpu.memory_space<vmem>>, vector<16xf32>,
        tpu.vector_store %arg8[%parallel_loop3A_713, %parallel_loop3A_714], %parallel_loop3A_709 {strides = array<i32>} : memref<64x128xf32, #tpu.memory_space<vmem>>, vector<16xf32>,
        %parallel_loop3A_716 = vector.broadcast %parallel_loop3A_209 : i32 to vector<16xi32>
        %parallel_loop3A_717 = arith.addi %parallel_loop3A_716, %iota3A : vector<16xi32>
        %parallel_loop3A_718 = arith.constant 46 : i32
        %parallel_loop3A_719 = vector.broadcast %parallel_loop3A_718 : i32 to vector<16xi32>
        %parallel_loop3A_720 = tpu.vector_load_idx %arg6[%parallel_loop3A_717, %parallel_loop3A_719] : memref<128x128xf32, #tpu.memory_space<vmem>>[vector<16xi32>, vector<16xi32>], vector<16xf32>,
        %parallel_loop3A_721 = arith.constant 16 : i32
        %parallel_loop3A_722 = arith.muli %parallel_loop3A_207, %parallel_loop3A_721 : i32
        %parallel_loop3A_723 = arith.constant 46 : i32
        %parallel_loop3A_724 = arith.index_cast %parallel_loop3A_723 : i32 to index
        %parallel_loop3A_725 = arith.index_cast %parallel_loop3A_722 : i32 to index
        %parallel_loop3A_726 = tpu.vector_load %arg8[%parallel_loop3A_724, %parallel_loop3A_725] {strides = array<i32>} : memref<64x128xf32, #tpu.memory_space<vmem>>, vector<16xf32>,
        tpu.vector_store %arg8[%parallel_loop3A_724, %parallel_loop3A_725], %parallel_loop3A_720 {strides = array<i32>} : memref<64x128xf32, #tpu.memory_space<vmem>>, vector<16xf32>,
        %parallel_loop3A_727 = vector.broadcast %parallel_loop3A_209 : i32 to vector<16xi32>
        %parallel_loop3A_728 = arith.addi %parallel_loop3A_727, %iota3A : vector<16xi32>
        %parallel_loop3A_729 = arith.constant 47 : i32
        %parallel_loop3A_730 = vector.broadcast %parallel_loop3A_729 : i32 to vector<16xi32>
        %parallel_loop3A_731 = tpu.vector_load_idx %arg6[%parallel_loop3A_728, %parallel_loop3A_730] : memref<128x128xf32, #tpu.memory_space<vmem>>[vector<16xi32>, vector<16xi32>], vector<16xf32>,
        %parallel_loop3A_732 = arith.constant 16 : i32
        %parallel_loop3A_733 = arith.muli %parallel_loop3A_207, %parallel_loop3A_732 : i32
        %parallel_loop3A_734 = arith.constant 47 : i32
        %parallel_loop3A_735 = arith.index_cast %parallel_loop3A_734 : i32 to index
        %parallel_loop3A_736 = arith.index_cast %parallel_loop3A_733 : i32 to index
        %parallel_loop3A_737 = tpu.vector_load %arg8[%parallel_loop3A_735, %parallel_loop3A_736] {strides = array<i32>} : memref<64x128xf32, #tpu.memory_space<vmem>>, vector<16xf32>,
        tpu.vector_store %arg8[%parallel_loop3A_735, %parallel_loop3A_736], %parallel_loop3A_731 {strides = array<i32>} : memref<64x128xf32, #tpu.memory_space<vmem>>, vector<16xf32>,
        %parallel_loop3A_738 = vector.broadcast %parallel_loop3A_209 : i32 to vector<16xi32>
        %parallel_loop3A_739 = arith.addi %parallel_loop3A_738, %iota3A : vector<16xi32>
        %parallel_loop3A_740 = arith.constant 48 : i32
        %parallel_loop3A_741 = vector.broadcast %parallel_loop3A_740 : i32 to vector<16xi32>
        %parallel_loop3A_742 = tpu.vector_load_idx %arg6[%parallel_loop3A_739, %parallel_loop3A_741] : memref<128x128xf32, #tpu.memory_space<vmem>>[vector<16xi32>, vector<16xi32>], vector<16xf32>,
        %parallel_loop3A_743 = arith.constant 16 : i32
        %parallel_loop3A_744 = arith.muli %parallel_loop3A_207, %parallel_loop3A_743 : i32
        %parallel_loop3A_745 = arith.constant 48 : i32
        %parallel_loop3A_746 = arith.index_cast %parallel_loop3A_745 : i32 to index
        %parallel_loop3A_747 = arith.index_cast %parallel_loop3A_744 : i32 to index
        %parallel_loop3A_748 = tpu.vector_load %arg8[%parallel_loop3A_746, %parallel_loop3A_747] {strides = array<i32>} : memref<64x128xf32, #tpu.memory_space<vmem>>, vector<16xf32>,
        tpu.vector_store %arg8[%parallel_loop3A_746, %parallel_loop3A_747], %parallel_loop3A_742 {strides = array<i32>} : memref<64x128xf32, #tpu.memory_space<vmem>>, vector<16xf32>,
        %parallel_loop3A_749 = vector.broadcast %parallel_loop3A_209 : i32 to vector<16xi32>
        %parallel_loop3A_750 = arith.addi %parallel_loop3A_749, %iota3A : vector<16xi32>
        %parallel_loop3A_751 = arith.constant 49 : i32
        %parallel_loop3A_752 = vector.broadcast %parallel_loop3A_751 : i32 to vector<16xi32>
        %parallel_loop3A_753 = tpu.vector_load_idx %arg6[%parallel_loop3A_750, %parallel_loop3A_752] : memref<128x128xf32, #tpu.memory_space<vmem>>[vector<16xi32>, vector<16xi32>], vector<16xf32>,
        %parallel_loop3A_754 = arith.constant 16 : i32
        %parallel_loop3A_755 = arith.muli %parallel_loop3A_207, %parallel_loop3A_754 : i32
        %parallel_loop3A_756 = arith.constant 49 : i32
        %parallel_loop3A_757 = arith.index_cast %parallel_loop3A_756 : i32 to index
        %parallel_loop3A_758 = arith.index_cast %parallel_loop3A_755 : i32 to index
        %parallel_loop3A_759 = tpu.vector_load %arg8[%parallel_loop3A_757, %parallel_loop3A_758] {strides = array<i32>} : memref<64x128xf32, #tpu.memory_space<vmem>>, vector<16xf32>,
        tpu.vector_store %arg8[%parallel_loop3A_757, %parallel_loop3A_758], %parallel_loop3A_753 {strides = array<i32>} : memref<64x128xf32, #tpu.memory_space<vmem>>, vector<16xf32>,
        %parallel_loop3A_760 = vector.broadcast %parallel_loop3A_209 : i32 to vector<16xi32>
        %parallel_loop3A_761 = arith.addi %parallel_loop3A_760, %iota3A : vector<16xi32>
        %parallel_loop3A_762 = arith.constant 50 : i32
        %parallel_loop3A_763 = vector.broadcast %parallel_loop3A_762 : i32 to vector<16xi32>
        %parallel_loop3A_764 = tpu.vector_load_idx %arg6[%parallel_loop3A_761, %parallel_loop3A_763] : memref<128x128xf32, #tpu.memory_space<vmem>>[vector<16xi32>, vector<16xi32>], vector<16xf32>,
        %parallel_loop3A_765 = arith.constant 16 : i32
        %parallel_loop3A_766 = arith.muli %parallel_loop3A_207, %parallel_loop3A_765 : i32
        %parallel_loop3A_767 = arith.constant 50 : i32
        %parallel_loop3A_768 = arith.index_cast %parallel_loop3A_767 : i32 to index
        %parallel_loop3A_769 = arith.index_cast %parallel_loop3A_766 : i32 to index
        %parallel_loop3A_770 = tpu.vector_load %arg8[%parallel_loop3A_768, %parallel_loop3A_769] {strides = array<i32>} : memref<64x128xf32, #tpu.memory_space<vmem>>, vector<16xf32>,
        tpu.vector_store %arg8[%parallel_loop3A_768, %parallel_loop3A_769], %parallel_loop3A_764 {strides = array<i32>} : memref<64x128xf32, #tpu.memory_space<vmem>>, vector<16xf32>,
        %parallel_loop3A_771 = vector.broadcast %parallel_loop3A_209 : i32 to vector<16xi32>
        %parallel_loop3A_772 = arith.addi %parallel_loop3A_771, %iota3A : vector<16xi32>
        %parallel_loop3A_773 = arith.constant 51 : i32
        %parallel_loop3A_774 = vector.broadcast %parallel_loop3A_773 : i32 to vector<16xi32>
        %parallel_loop3A_775 = tpu.vector_load_idx %arg6[%parallel_loop3A_772, %parallel_loop3A_774] : memref<128x128xf32, #tpu.memory_space<vmem>>[vector<16xi32>, vector<16xi32>], vector<16xf32>,
        %parallel_loop3A_776 = arith.constant 16 : i32
        %parallel_loop3A_777 = arith.muli %parallel_loop3A_207, %parallel_loop3A_776 : i32
        %parallel_loop3A_778 = arith.constant 51 : i32
        %parallel_loop3A_779 = arith.index_cast %parallel_loop3A_778 : i32 to index
        %parallel_loop3A_780 = arith.index_cast %parallel_loop3A_777 : i32 to index
        %parallel_loop3A_781 = tpu.vector_load %arg8[%parallel_loop3A_779, %parallel_loop3A_780] {strides = array<i32>} : memref<64x128xf32, #tpu.memory_space<vmem>>, vector<16xf32>,
        tpu.vector_store %arg8[%parallel_loop3A_779, %parallel_loop3A_780], %parallel_loop3A_775 {strides = array<i32>} : memref<64x128xf32, #tpu.memory_space<vmem>>, vector<16xf32>,
        %parallel_loop3A_782 = vector.broadcast %parallel_loop3A_209 : i32 to vector<16xi32>
        %parallel_loop3A_783 = arith.addi %parallel_loop3A_782, %iota3A : vector<16xi32>
        %parallel_loop3A_784 = arith.constant 52 : i32
        %parallel_loop3A_785 = vector.broadcast %parallel_loop3A_784 : i32 to vector<16xi32>
        %parallel_loop3A_786 = tpu.vector_load_idx %arg6[%parallel_loop3A_783, %parallel_loop3A_785] : memref<128x128xf32, #tpu.memory_space<vmem>>[vector<16xi32>, vector<16xi32>], vector<16xf32>,
        %parallel_loop3A_787 = arith.constant 16 : i32
        %parallel_loop3A_788 = arith.muli %parallel_loop3A_207, %parallel_loop3A_787 : i32
        %parallel_loop3A_789 = arith.constant 52 : i32
        %parallel_loop3A_790 = arith.index_cast %parallel_loop3A_789 : i32 to index
        %parallel_loop3A_791 = arith.index_cast %parallel_loop3A_788 : i32 to index
        %parallel_loop3A_792 = tpu.vector_load %arg8[%parallel_loop3A_790, %parallel_loop3A_791] {strides = array<i32>} : memref<64x128xf32, #tpu.memory_space<vmem>>, vector<16xf32>,
        tpu.vector_store %arg8[%parallel_loop3A_790, %parallel_loop3A_791], %parallel_loop3A_786 {strides = array<i32>} : memref<64x128xf32, #tpu.memory_space<vmem>>, vector<16xf32>,
        %parallel_loop3A_793 = vector.broadcast %parallel_loop3A_209 : i32 to vector<16xi32>
        %parallel_loop3A_794 = arith.addi %parallel_loop3A_793, %iota3A : vector<16xi32>
        %parallel_loop3A_795 = arith.constant 53 : i32
        %parallel_loop3A_796 = vector.broadcast %parallel_loop3A_795 : i32 to vector<16xi32>
        %parallel_loop3A_797 = tpu.vector_load_idx %arg6[%parallel_loop3A_794, %parallel_loop3A_796] : memref<128x128xf32, #tpu.memory_space<vmem>>[vector<16xi32>, vector<16xi32>], vector<16xf32>,
        %parallel_loop3A_798 = arith.constant 16 : i32
        %parallel_loop3A_799 = arith.muli %parallel_loop3A_207, %parallel_loop3A_798 : i32
        %parallel_loop3A_800 = arith.constant 53 : i32
        %parallel_loop3A_801 = arith.index_cast %parallel_loop3A_800 : i32 to index
        %parallel_loop3A_802 = arith.index_cast %parallel_loop3A_799 : i32 to index
        %parallel_loop3A_803 = tpu.vector_load %arg8[%parallel_loop3A_801, %parallel_loop3A_802] {strides = array<i32>} : memref<64x128xf32, #tpu.memory_space<vmem>>, vector<16xf32>,
        tpu.vector_store %arg8[%parallel_loop3A_801, %parallel_loop3A_802], %parallel_loop3A_797 {strides = array<i32>} : memref<64x128xf32, #tpu.memory_space<vmem>>, vector<16xf32>,
        %parallel_loop3A_804 = vector.broadcast %parallel_loop3A_209 : i32 to vector<16xi32>
        %parallel_loop3A_805 = arith.addi %parallel_loop3A_804, %iota3A : vector<16xi32>
        %parallel_loop3A_806 = arith.constant 54 : i32
        %parallel_loop3A_807 = vector.broadcast %parallel_loop3A_806 : i32 to vector<16xi32>
        %parallel_loop3A_808 = tpu.vector_load_idx %arg6[%parallel_loop3A_805, %parallel_loop3A_807] : memref<128x128xf32, #tpu.memory_space<vmem>>[vector<16xi32>, vector<16xi32>], vector<16xf32>,
        %parallel_loop3A_809 = arith.constant 16 : i32
        %parallel_loop3A_810 = arith.muli %parallel_loop3A_207, %parallel_loop3A_809 : i32
        %parallel_loop3A_811 = arith.constant 54 : i32
        %parallel_loop3A_812 = arith.index_cast %parallel_loop3A_811 : i32 to index
        %parallel_loop3A_813 = arith.index_cast %parallel_loop3A_810 : i32 to index
        %parallel_loop3A_814 = tpu.vector_load %arg8[%parallel_loop3A_812, %parallel_loop3A_813] {strides = array<i32>} : memref<64x128xf32, #tpu.memory_space<vmem>>, vector<16xf32>,
        tpu.vector_store %arg8[%parallel_loop3A_812, %parallel_loop3A_813], %parallel_loop3A_808 {strides = array<i32>} : memref<64x128xf32, #tpu.memory_space<vmem>>, vector<16xf32>,
        %parallel_loop3A_815 = vector.broadcast %parallel_loop3A_209 : i32 to vector<16xi32>
        %parallel_loop3A_816 = arith.addi %parallel_loop3A_815, %iota3A : vector<16xi32>
        %parallel_loop3A_817 = arith.constant 55 : i32
        %parallel_loop3A_818 = vector.broadcast %parallel_loop3A_817 : i32 to vector<16xi32>
        %parallel_loop3A_819 = tpu.vector_load_idx %arg6[%parallel_loop3A_816, %parallel_loop3A_818] : memref<128x128xf32, #tpu.memory_space<vmem>>[vector<16xi32>, vector<16xi32>], vector<16xf32>,
        %parallel_loop3A_820 = arith.constant 16 : i32
        %parallel_loop3A_821 = arith.muli %parallel_loop3A_207, %parallel_loop3A_820 : i32
        %parallel_loop3A_822 = arith.constant 55 : i32
        %parallel_loop3A_823 = arith.index_cast %parallel_loop3A_822 : i32 to index
        %parallel_loop3A_824 = arith.index_cast %parallel_loop3A_821 : i32 to index
        %parallel_loop3A_825 = tpu.vector_load %arg8[%parallel_loop3A_823, %parallel_loop3A_824] {strides = array<i32>} : memref<64x128xf32, #tpu.memory_space<vmem>>, vector<16xf32>,
        tpu.vector_store %arg8[%parallel_loop3A_823, %parallel_loop3A_824], %parallel_loop3A_819 {strides = array<i32>} : memref<64x128xf32, #tpu.memory_space<vmem>>, vector<16xf32>,
        %parallel_loop3A_826 = vector.broadcast %parallel_loop3A_209 : i32 to vector<16xi32>
        %parallel_loop3A_827 = arith.addi %parallel_loop3A_826, %iota3A : vector<16xi32>
        %parallel_loop3A_828 = arith.constant 56 : i32
        %parallel_loop3A_829 = vector.broadcast %parallel_loop3A_828 : i32 to vector<16xi32>
        %parallel_loop3A_830 = tpu.vector_load_idx %arg6[%parallel_loop3A_827, %parallel_loop3A_829] : memref<128x128xf32, #tpu.memory_space<vmem>>[vector<16xi32>, vector<16xi32>], vector<16xf32>,
        %parallel_loop3A_831 = arith.constant 16 : i32
        %parallel_loop3A_832 = arith.muli %parallel_loop3A_207, %parallel_loop3A_831 : i32
        %parallel_loop3A_833 = arith.constant 56 : i32
        %parallel_loop3A_834 = arith.index_cast %parallel_loop3A_833 : i32 to index
        %parallel_loop3A_835 = arith.index_cast %parallel_loop3A_832 : i32 to index
        %parallel_loop3A_836 = tpu.vector_load %arg8[%parallel_loop3A_834, %parallel_loop3A_835] {strides = array<i32>} : memref<64x128xf32, #tpu.memory_space<vmem>>, vector<16xf32>,
        tpu.vector_store %arg8[%parallel_loop3A_834, %parallel_loop3A_835], %parallel_loop3A_830 {strides = array<i32>} : memref<64x128xf32, #tpu.memory_space<vmem>>, vector<16xf32>,
        %parallel_loop3A_837 = vector.broadcast %parallel_loop3A_209 : i32 to vector<16xi32>
        %parallel_loop3A_838 = arith.addi %parallel_loop3A_837, %iota3A : vector<16xi32>
        %parallel_loop3A_839 = arith.constant 57 : i32
        %parallel_loop3A_840 = vector.broadcast %parallel_loop3A_839 : i32 to vector<16xi32>
        %parallel_loop3A_841 = tpu.vector_load_idx %arg6[%parallel_loop3A_838, %parallel_loop3A_840] : memref<128x128xf32, #tpu.memory_space<vmem>>[vector<16xi32>, vector<16xi32>], vector<16xf32>,
        %parallel_loop3A_842 = arith.constant 16 : i32
        %parallel_loop3A_843 = arith.muli %parallel_loop3A_207, %parallel_loop3A_842 : i32
        %parallel_loop3A_844 = arith.constant 57 : i32
        %parallel_loop3A_845 = arith.index_cast %parallel_loop3A_844 : i32 to index
        %parallel_loop3A_846 = arith.index_cast %parallel_loop3A_843 : i32 to index
        %parallel_loop3A_847 = tpu.vector_load %arg8[%parallel_loop3A_845, %parallel_loop3A_846] {strides = array<i32>} : memref<64x128xf32, #tpu.memory_space<vmem>>, vector<16xf32>,
        tpu.vector_store %arg8[%parallel_loop3A_845, %parallel_loop3A_846], %parallel_loop3A_841 {strides = array<i32>} : memref<64x128xf32, #tpu.memory_space<vmem>>, vector<16xf32>,
        %parallel_loop3A_848 = vector.broadcast %parallel_loop3A_209 : i32 to vector<16xi32>
        %parallel_loop3A_849 = arith.addi %parallel_loop3A_848, %iota3A : vector<16xi32>
        %parallel_loop3A_850 = arith.constant 58 : i32
        %parallel_loop3A_851 = vector.broadcast %parallel_loop3A_850 : i32 to vector<16xi32>
        %parallel_loop3A_852 = tpu.vector_load_idx %arg6[%parallel_loop3A_849, %parallel_loop3A_851] : memref<128x128xf32, #tpu.memory_space<vmem>>[vector<16xi32>, vector<16xi32>], vector<16xf32>,
        %parallel_loop3A_853 = arith.constant 16 : i32
        %parallel_loop3A_854 = arith.muli %parallel_loop3A_207, %parallel_loop3A_853 : i32
        %parallel_loop3A_855 = arith.constant 58 : i32
        %parallel_loop3A_856 = arith.index_cast %parallel_loop3A_855 : i32 to index
        %parallel_loop3A_857 = arith.index_cast %parallel_loop3A_854 : i32 to index
        %parallel_loop3A_858 = tpu.vector_load %arg8[%parallel_loop3A_856, %parallel_loop3A_857] {strides = array<i32>} : memref<64x128xf32, #tpu.memory_space<vmem>>, vector<16xf32>,
        tpu.vector_store %arg8[%parallel_loop3A_856, %parallel_loop3A_857], %parallel_loop3A_852 {strides = array<i32>} : memref<64x128xf32, #tpu.memory_space<vmem>>, vector<16xf32>,
        %parallel_loop3A_859 = vector.broadcast %parallel_loop3A_209 : i32 to vector<16xi32>
        %parallel_loop3A_860 = arith.addi %parallel_loop3A_859, %iota3A : vector<16xi32>
        %parallel_loop3A_861 = arith.constant 59 : i32
        %parallel_loop3A_862 = vector.broadcast %parallel_loop3A_861 : i32 to vector<16xi32>
        %parallel_loop3A_863 = tpu.vector_load_idx %arg6[%parallel_loop3A_860, %parallel_loop3A_862] : memref<128x128xf32, #tpu.memory_space<vmem>>[vector<16xi32>, vector<16xi32>], vector<16xf32>,
        %parallel_loop3A_864 = arith.constant 16 : i32
        %parallel_loop3A_865 = arith.muli %parallel_loop3A_207, %parallel_loop3A_864 : i32
        %parallel_loop3A_866 = arith.constant 59 : i32
        %parallel_loop3A_867 = arith.index_cast %parallel_loop3A_866 : i32 to index
        %parallel_loop3A_868 = arith.index_cast %parallel_loop3A_865 : i32 to index
        %parallel_loop3A_869 = tpu.vector_load %arg8[%parallel_loop3A_867, %parallel_loop3A_868] {strides = array<i32>} : memref<64x128xf32, #tpu.memory_space<vmem>>, vector<16xf32>,
        tpu.vector_store %arg8[%parallel_loop3A_867, %parallel_loop3A_868], %parallel_loop3A_863 {strides = array<i32>} : memref<64x128xf32, #tpu.memory_space<vmem>>, vector<16xf32>,
        %parallel_loop3A_870 = vector.broadcast %parallel_loop3A_209 : i32 to vector<16xi32>
        %parallel_loop3A_871 = arith.addi %parallel_loop3A_870, %iota3A : vector<16xi32>
        %parallel_loop3A_872 = arith.constant 60 : i32
        %parallel_loop3A_873 = vector.broadcast %parallel_loop3A_872 : i32 to vector<16xi32>
        %parallel_loop3A_874 = tpu.vector_load_idx %arg6[%parallel_loop3A_871, %parallel_loop3A_873] : memref<128x128xf32, #tpu.memory_space<vmem>>[vector<16xi32>, vector<16xi32>], vector<16xf32>,
        %parallel_loop3A_875 = arith.constant 16 : i32
        %parallel_loop3A_876 = arith.muli %parallel_loop3A_207, %parallel_loop3A_875 : i32
        %parallel_loop3A_877 = arith.constant 60 : i32
        %parallel_loop3A_878 = arith.index_cast %parallel_loop3A_877 : i32 to index
        %parallel_loop3A_879 = arith.index_cast %parallel_loop3A_876 : i32 to index
        %parallel_loop3A_880 = tpu.vector_load %arg8[%parallel_loop3A_878, %parallel_loop3A_879] {strides = array<i32>} : memref<64x128xf32, #tpu.memory_space<vmem>>, vector<16xf32>,
        tpu.vector_store %arg8[%parallel_loop3A_878, %parallel_loop3A_879], %parallel_loop3A_874 {strides = array<i32>} : memref<64x128xf32, #tpu.memory_space<vmem>>, vector<16xf32>,
        %parallel_loop3A_881 = vector.broadcast %parallel_loop3A_209 : i32 to vector<16xi32>
        %parallel_loop3A_882 = arith.addi %parallel_loop3A_881, %iota3A : vector<16xi32>
        %parallel_loop3A_883 = arith.constant 61 : i32
        %parallel_loop3A_884 = vector.broadcast %parallel_loop3A_883 : i32 to vector<16xi32>
        %parallel_loop3A_885 = tpu.vector_load_idx %arg6[%parallel_loop3A_882, %parallel_loop3A_884] : memref<128x128xf32, #tpu.memory_space<vmem>>[vector<16xi32>, vector<16xi32>], vector<16xf32>,
        %parallel_loop3A_886 = arith.constant 16 : i32
        %parallel_loop3A_887 = arith.muli %parallel_loop3A_207, %parallel_loop3A_886 : i32
        %parallel_loop3A_888 = arith.constant 61 : i32
        %parallel_loop3A_889 = arith.index_cast %parallel_loop3A_888 : i32 to index
        %parallel_loop3A_890 = arith.index_cast %parallel_loop3A_887 : i32 to index
        %parallel_loop3A_891 = tpu.vector_load %arg8[%parallel_loop3A_889, %parallel_loop3A_890] {strides = array<i32>} : memref<64x128xf32, #tpu.memory_space<vmem>>, vector<16xf32>,
        tpu.vector_store %arg8[%parallel_loop3A_889, %parallel_loop3A_890], %parallel_loop3A_885 {strides = array<i32>} : memref<64x128xf32, #tpu.memory_space<vmem>>, vector<16xf32>,
        %parallel_loop3A_892 = vector.broadcast %parallel_loop3A_209 : i32 to vector<16xi32>
        %parallel_loop3A_893 = arith.addi %parallel_loop3A_892, %iota3A : vector<16xi32>
        %parallel_loop3A_894 = arith.constant 62 : i32
        %parallel_loop3A_895 = vector.broadcast %parallel_loop3A_894 : i32 to vector<16xi32>
        %parallel_loop3A_896 = tpu.vector_load_idx %arg6[%parallel_loop3A_893, %parallel_loop3A_895] : memref<128x128xf32, #tpu.memory_space<vmem>>[vector<16xi32>, vector<16xi32>], vector<16xf32>,
        %parallel_loop3A_897 = arith.constant 16 : i32
        %parallel_loop3A_898 = arith.muli %parallel_loop3A_207, %parallel_loop3A_897 : i32
        %parallel_loop3A_899 = arith.constant 62 : i32
        %parallel_loop3A_900 = arith.index_cast %parallel_loop3A_899 : i32 to index
        %parallel_loop3A_901 = arith.index_cast %parallel_loop3A_898 : i32 to index
        %parallel_loop3A_902 = tpu.vector_load %arg8[%parallel_loop3A_900, %parallel_loop3A_901] {strides = array<i32>} : memref<64x128xf32, #tpu.memory_space<vmem>>, vector<16xf32>,
        tpu.vector_store %arg8[%parallel_loop3A_900, %parallel_loop3A_901], %parallel_loop3A_896 {strides = array<i32>} : memref<64x128xf32, #tpu.memory_space<vmem>>, vector<16xf32>,
        %parallel_loop3A_903 = vector.broadcast %parallel_loop3A_209 : i32 to vector<16xi32>
        %parallel_loop3A_904 = arith.addi %parallel_loop3A_903, %iota3A : vector<16xi32>
        %parallel_loop3A_905 = arith.constant 63 : i32
        %parallel_loop3A_906 = vector.broadcast %parallel_loop3A_905 : i32 to vector<16xi32>
        %parallel_loop3A_907 = tpu.vector_load_idx %arg6[%parallel_loop3A_904, %parallel_loop3A_906] : memref<128x128xf32, #tpu.memory_space<vmem>>[vector<16xi32>, vector<16xi32>], vector<16xf32>,
        %parallel_loop3A_908 = arith.constant 16 : i32
        %parallel_loop3A_909 = arith.muli %parallel_loop3A_207, %parallel_loop3A_908 : i32
        %parallel_loop3A_910 = arith.constant 63 : i32
        %parallel_loop3A_911 = arith.index_cast %parallel_loop3A_910 : i32 to index
        %parallel_loop3A_912 = arith.index_cast %parallel_loop3A_909 : i32 to index
        %parallel_loop3A_913 = tpu.vector_load %arg8[%parallel_loop3A_911, %parallel_loop3A_912] {strides = array<i32>} : memref<64x128xf32, #tpu.memory_space<vmem>>, vector<16xf32>,
        tpu.vector_store %arg8[%parallel_loop3A_911, %parallel_loop3A_912], %parallel_loop3A_907 {strides = array<i32>} : memref<64x128xf32, #tpu.memory_space<vmem>>, vector<16xf32>,
      } {sc.loop_unroll_factor = 2 : i64, sc.parallel_access}
      %jit3A_85 = arith.constant 4 : i32
      %div3A_86 = arith.divsi %add3A_34, %jit3A_85 : i32
      %sign3A_87 = arith.constant 0 : i32
      %sign3A_88 = arith.cmpi sgt, %add3A_34, %sign3A_87 : i32
      %sign3A_89 = arith.extui %sign3A_88 : i1 to i32
      %sign3A_90 = arith.constant 0 : i32
      %sign3A_91 = arith.cmpi slt, %add3A_34, %sign3A_90 : i32
      %sign3A_92 = arith.extui %sign3A_91 : i1 to i32
      %sign3A_93 = arith.subi %sign3A_89, %sign3A_92 : i32
      %sign3A_94 = arith.constant 0 : i32
      %sign3A_95 = arith.cmpi sgt, %jit3A_85, %sign3A_94 : i32
      %sign3A_96 = arith.extui %sign3A_95 : i1 to i32
      %sign3A_97 = arith.constant 0 : i32
      %sign3A_98 = arith.cmpi slt, %jit3A_85, %sign3A_97 : i32
      %sign3A_99 = arith.extui %sign3A_98 : i1 to i32
      %sign3A_100 = arith.subi %sign3A_96, %sign3A_99 : i32
      %ne3A_101 = arith.cmpi ne, %sign3A_93, %sign3A_100 : i32
      %rem3A_102 = arith.remsi %add3A_34, %jit3A_85 : i32
      %ne3A_103 = arith.constant 0 : i32
      %ne3A_104 = arith.cmpi ne, %rem3A_102, %ne3A_103 : i32
      %and3A_105 = arith.andi %ne3A_101, %ne3A_104 : i1
      %sub3A_106 = arith.constant 1 : i32
      %sub3A_107 = arith.subi %div3A_86, %sub3A_106 : i32
      %select_n3A_108 = arith.select %and3A_105, %sub3A_107, %div3A_86 : i32
      %jit3A_109 = arith.constant 4 : i32
      %eq3A_110 = arith.constant 0 : i32
      %eq3A_111 = arith.cmpi eq, %jit3A_109, %eq3A_110 : i32
      %jit3A_112 = arith.constant 1 : i32
      %select_n3A_113 = arith.select %eq3A_111, %jit3A_112, %jit3A_109 : i32
      %rem3A_114 = arith.remsi %add3A_34, %select_n3A_113 : i32
      %ne3A_115 = arith.constant 0 : i32
      %ne3A_116 = arith.cmpi ne, %rem3A_114, %ne3A_115 : i32
      %lt3A_117 = arith.constant 0 : i32
      %lt3A_118 = arith.cmpi slt, %rem3A_114, %lt3A_117 : i32
      %lt3A_119 = arith.constant 0 : i32
      %lt3A_120 = arith.cmpi slt, %select_n3A_113, %lt3A_119 : i32
      %ne3A_121 = arith.xori %lt3A_118, %lt3A_120 : i1
      %and3A_122 = arith.andi %ne3A_121, %ne3A_116 : i1
      %add3A_123 = arith.addi %rem3A_114, %select_n3A_113 : i32
      %select_n3A_124 = arith.select %and3A_122, %add3A_123, %rem3A_114 : i32
      %mul3A_125 = arith.constant 128 : i32
      %mul3A_126 = arith.muli %select_n3A_124, %mul3A_125 : i32
      %add3A_127 = arith.addi %mul3A_2, %mul3A_126 : i32
      %dma_start3A_128 = arith.constant 0 : i32
      %dma_start3A_129 = tpu.memref_slice %arg4[%select_n3A_108, %dma_start3A_128, %add3A_127] : memref<50x64x16384xf32, #tpu.memory_space<hbm>> -> memref<1x64x128xf32, #tpu.memory_space<hbm>>
      %dma_start3A_130 = tpu.memref_squeeze %dma_start3A_129 : memref<1x64x128xf32, #tpu.memory_space<hbm>> -> memref<64x128xf32, #tpu.memory_space<hbm>>
      %dma_start3A_131 = arith.constant 0 : i32
      %dma_start3A_132 = tpu.memref_slice %arg4[%select_n3A_108, %dma_start3A_131, %add3A_127] : memref<50x64x16384xf32, #tpu.memory_space<hbm>> -> memref<1x64x128xf32, #tpu.memory_space<hbm>>
      %dma_start3A_133 = tpu.memref_squeeze %dma_start3A_132 : memref<1x64x128xf32, #tpu.memory_space<hbm>> -> memref<64x128xf32, #tpu.memory_space<hbm>>
      tpu.enqueue_dma source(%arg8 : memref<64x128xf32, #tpu.memory_space<vmem>>) target(%dma_start3A_133 : memref<64x128xf32, #tpu.memory_space<hbm>>) target_semaphore(%arg11 : memref<!tpu.dma_semaphore, #tpu.memory_space<semaphore_mem>>)
      %mul3A_134 = arith.constant 2 : i32
      %mul3A_135 = arith.muli %mul3A_134, %scan3A_30 : i32
      %add3A_136 = arith.constant 1 : i32
      %add3A_137 = arith.addi %mul3A_135, %add3A_136 : i32
      %gt3A_138 = arith.constant 0 : i32
      %gt3A_139 = arith.cmpi sgt, %scan3A_30, %gt3A_138 : i32
      %convert_element_type3A_140 = arith.extui %gt3A_139 : i1 to i32
      %cond3A_141 = arith.constant 0 : i32
      %cond3A_142 = arith.cmpi ne, %convert_element_type3A_140, %cond3A_141 : i32
      scf.if %cond3A_142 {
        %dma_wait3A_207 = arith.constant 0 : i32
        %dma_wait3A_208 = arith.constant 0 : i32
        %dma_wait3A_209 = tpu.memref_slice %arg4[%dma_wait3A_207, %dma_wait3A_208, %mul3A_2] : memref<50x64x16384xf32, #tpu.memory_space<hbm>> -> memref<1x64x128xf32, #tpu.memory_space<hbm>>
        %dma_wait3A_210 = tpu.memref_squeeze %dma_wait3A_209 : memref<1x64x128xf32, #tpu.memory_space<hbm>> -> memref<64x128xf32, #tpu.memory_space<hbm>>
        %dma_wait3A_211 = arith.constant 0 : i32
        %dma_wait3A_212 = tpu.memref_slice %arg4[%dma_wait3A_207, %dma_wait3A_211, %mul3A_2] : memref<50x64x16384xf32, #tpu.memory_space<hbm>> -> memref<1x64x128xf32, #tpu.memory_space<hbm>>
        %dma_wait3A_213 = tpu.memref_squeeze %dma_wait3A_212 : memref<1x64x128xf32, #tpu.memory_space<hbm>> -> memref<64x128xf32, #tpu.memory_space<hbm>>
        tpu.wait_dma2 semaphore(%arg11 : memref<!tpu.dma_semaphore, #tpu.memory_space<semaphore_mem>>) src(%arg9 : memref<64x128xf32, #tpu.memory_space<vmem>>) dst(%dma_wait3A_213 : memref<64x128xf32, #tpu.memory_space<hbm>>)
      } else {
      }
      %lt3A_143 = arith.constant 99 : i32
      %lt3A_144 = arith.cmpi slt, %scan3A_30, %lt3A_143 : i32
      %convert_element_type3A_145 = arith.extui %lt3A_144 : i1 to i32
      %cond3A_146 = arith.constant 0 : i32
      %cond3A_147 = arith.cmpi ne, %convert_element_type3A_145, %cond3A_146 : i32
      scf.if %cond3A_147 {
        %add3A_207 = arith.constant 1 : i32
        %add3A_208 = arith.addi %add3A_137, %add3A_207 : i32
        %jit3A_209 = arith.constant 4 : i32
        %div3A_210 = arith.divsi %add3A_208, %jit3A_209 : i32
        %sign3A_211 = arith.constant 0 : i32
        %sign3A_212 = arith.cmpi sgt, %add3A_208, %sign3A_211 : i32
        %sign3A_213 = arith.extui %sign3A_212 : i1 to i32
        %sign3A_214 = arith.constant 0 : i32
        %sign3A_215 = arith.cmpi slt, %add3A_208, %sign3A_214 : i32
        %sign3A_216 = arith.extui %sign3A_215 : i1 to i32
        %sign3A_217 = arith.subi %sign3A_213, %sign3A_216 : i32
        %sign3A_218 = arith.constant 0 : i32
        %sign3A_219 = arith.cmpi sgt, %jit3A_209, %sign3A_218 : i32
        %sign3A_220 = arith.extui %sign3A_219 : i1 to i32
        %sign3A_221 = arith.constant 0 : i32
        %sign3A_222 = arith.cmpi slt, %jit3A_209, %sign3A_221 : i32
        %sign3A_223 = arith.extui %sign3A_222 : i1 to i32
        %sign3A_224 = arith.subi %sign3A_220, %sign3A_223 : i32
        %ne3A_225 = arith.cmpi ne, %sign3A_217, %sign3A_224 : i32
        %rem3A_226 = arith.remsi %add3A_208, %jit3A_209 : i32
        %ne3A_227 = arith.constant 0 : i32
        %ne3A_228 = arith.cmpi ne, %rem3A_226, %ne3A_227 : i32
        %and3A_229 = arith.andi %ne3A_225, %ne3A_228 : i1
        %sub3A_230 = arith.constant 1 : i32
        %sub3A_231 = arith.subi %div3A_210, %sub3A_230 : i32
        %select_n3A_232 = arith.select %and3A_229, %sub3A_231, %div3A_210 : i32
        %jit3A_233 = arith.constant 4 : i32
        %eq3A_234 = arith.constant 0 : i32
        %eq3A_235 = arith.cmpi eq, %jit3A_233, %eq3A_234 : i32
        %jit3A_236 = arith.constant 1 : i32
        %select_n3A_237 = arith.select %eq3A_235, %jit3A_236, %jit3A_233 : i32
        %rem3A_238 = arith.remsi %add3A_208, %select_n3A_237 : i32
        %ne3A_239 = arith.constant 0 : i32
        %ne3A_240 = arith.cmpi ne, %rem3A_238, %ne3A_239 : i32
        %lt3A_241 = arith.constant 0 : i32
        %lt3A_242 = arith.cmpi slt, %rem3A_238, %lt3A_241 : i32
        %lt3A_243 = arith.constant 0 : i32
        %lt3A_244 = arith.cmpi slt, %select_n3A_237, %lt3A_243 : i32
        %ne3A_245 = arith.xori %lt3A_242, %lt3A_244 : i1
        %and3A_246 = arith.andi %ne3A_245, %ne3A_240 : i1
        %add3A_247 = arith.addi %rem3A_238, %select_n3A_237 : i32
        %select_n3A_248 = arith.select %and3A_246, %add3A_247, %rem3A_238 : i32
        %mul3A_249 = arith.constant 128 : i32
        %mul3A_250 = arith.muli %select_n3A_248, %mul3A_249 : i32
        %dma_start3A_251 = tpu.memref_slice %arg5[%select_n3A_232, %mul3A_250] : memref<50x512xi32, #tpu.memory_space<vmem>> -> memref<1x128xi32, #tpu.memory_space<vmem>>
        %dma_start3A_252 = tpu.memref_squeeze %dma_start3A_251 : memref<1x128xi32, #tpu.memory_space<vmem>> -> memref<128xi32, #tpu.memory_space<vmem>>
        %dma_start3A_253 = arith.constant 0 : i32
        %dma_start3A_254 = arith.constant 0 : i32
        %dma_start3A_255 = tpu.memref_slice %arg3[%dma_start3A_253, %dma_start3A_254] : memref<1000000x128xf32, #tpu.memory_space<hbm>> -> memref<1000000x128xf32, #tpu.memory_space<hbm>>
        tpu.enqueue_indirect_dma source(%dma_start3A_255 : memref<1000000x128xf32, #tpu.memory_space<hbm>>) target(%arg6 : memref<128x128xf32, #tpu.memory_space<vmem>>) offsets(%dma_start3A_252 : memref<128xi32, #tpu.memory_space<vmem>>) semaphore(%arg10 : memref<!tpu.dma_semaphore, #tpu.memory_space<semaphore_mem>>)
      } else {
      }
      %dma_wait3A_148 = arith.constant 0 : i32
      %dma_wait3A_149 = arith.constant 0 : i32
      %dma_wait3A_150 = tpu.memref_slice %arg5[%dma_wait3A_148, %dma_wait3A_149] : memref<50x512xi32, #tpu.memory_space<vmem>> -> memref<1x128xi32, #tpu.memory_space<vmem>>
      %dma_wait3A_151 = tpu.memref_squeeze %dma_wait3A_150 : memref<1x128xi32, #tpu.memory_space<vmem>> -> memref<128xi32, #tpu.memory_space<vmem>>
      %dma_wait3A_152 = arith.constant 0 : i32
      %dma_wait3A_153 = arith.constant 0 : i32
      %dma_wait3A_154 = tpu.memref_slice %arg3[%dma_wait3A_152, %dma_wait3A_153] : memref<1000000x128xf32, #tpu.memory_space<hbm>> -> memref<1000000x128xf32, #tpu.memory_space<hbm>>
      tpu.wait_indirect_dma semaphore(%arg10 : memref<!tpu.dma_semaphore, #tpu.memory_space<semaphore_mem>>) src(%dma_wait3A_154 : memref<1000000x128xf32, #tpu.memory_space<hbm>>) dst(%arg7 : memref<128x128xf32, #tpu.memory_space<vmem>>)
      %parallel_loop3A_155 = arith.constant 0 : i32
      %parallel_loop3A_156 = arith.constant 8 : i32
      %parallel_loop3A_157 = arith.constant 1 : i32
      scf.for %parallel_loop3A_207 = %parallel_loop3A_155 to %parallel_loop3A_156 step %parallel_loop3A_157  : i32 {
        %parallel_loop3A_208 = arith.constant 16 : i32
        %parallel_loop3A_209 = arith.muli %parallel_loop3A_207, %parallel_loop3A_208 : i32
        %parallel_loop3A_210 = vector.broadcast %parallel_loop3A_209 : i32 to vector<16xi32>
        %parallel_loop3A_211 = arith.addi %parallel_loop3A_210, %iota3A : vector<16xi32>
        %parallel_loop3A_212 = arith.constant 0 : i32
        %parallel_loop3A_213 = vector.broadcast %parallel_loop3A_212 : i32 to vector<16xi32>
        %parallel_loop3A_214 = tpu.vector_load_idx %arg7[%parallel_loop3A_211, %parallel_loop3A_213] : memref<128x128xf32, #tpu.memory_space<vmem>>[vector<16xi32>, vector<16xi32>], vector<16xf32>,
        %parallel_loop3A_215 = arith.constant 16 : i32
        %parallel_loop3A_216 = arith.muli %parallel_loop3A_207, %parallel_loop3A_215 : i32
        %parallel_loop3A_217 = arith.constant 0 : i32
        %parallel_loop3A_218 = arith.index_cast %parallel_loop3A_217 : i32 to index
        %parallel_loop3A_219 = arith.index_cast %parallel_loop3A_216 : i32 to index
        %parallel_loop3A_220 = tpu.vector_load %arg9[%parallel_loop3A_218, %parallel_loop3A_219] {strides = array<i32>} : memref<64x128xf32, #tpu.memory_space<vmem>>, vector<16xf32>,
        tpu.vector_store %arg9[%parallel_loop3A_218, %parallel_loop3A_219], %parallel_loop3A_214 {strides = array<i32>} : memref<64x128xf32, #tpu.memory_space<vmem>>, vector<16xf32>,
        %parallel_loop3A_221 = vector.broadcast %parallel_loop3A_209 : i32 to vector<16xi32>
        %parallel_loop3A_222 = arith.addi %parallel_loop3A_221, %iota3A : vector<16xi32>
        %parallel_loop3A_223 = arith.constant 1 : i32
        %parallel_loop3A_224 = vector.broadcast %parallel_loop3A_223 : i32 to vector<16xi32>
        %parallel_loop3A_225 = tpu.vector_load_idx %arg7[%parallel_loop3A_222, %parallel_loop3A_224] : memref<128x128xf32, #tpu.memory_space<vmem>>[vector<16xi32>, vector<16xi32>], vector<16xf32>,
        %parallel_loop3A_226 = arith.constant 16 : i32
        %parallel_loop3A_227 = arith.muli %parallel_loop3A_207, %parallel_loop3A_226 : i32
        %parallel_loop3A_228 = arith.constant 1 : i32
        %parallel_loop3A_229 = arith.index_cast %parallel_loop3A_228 : i32 to index
        %parallel_loop3A_230 = arith.index_cast %parallel_loop3A_227 : i32 to index
        %parallel_loop3A_231 = tpu.vector_load %arg9[%parallel_loop3A_229, %parallel_loop3A_230] {strides = array<i32>} : memref<64x128xf32, #tpu.memory_space<vmem>>, vector<16xf32>,
        tpu.vector_store %arg9[%parallel_loop3A_229, %parallel_loop3A_230], %parallel_loop3A_225 {strides = array<i32>} : memref<64x128xf32, #tpu.memory_space<vmem>>, vector<16xf32>,
        %parallel_loop3A_232 = vector.broadcast %parallel_loop3A_209 : i32 to vector<16xi32>
        %parallel_loop3A_233 = arith.addi %parallel_loop3A_232, %iota3A : vector<16xi32>
        %parallel_loop3A_234 = arith.constant 2 : i32
        %parallel_loop3A_235 = vector.broadcast %parallel_loop3A_234 : i32 to vector<16xi32>
        %parallel_loop3A_236 = tpu.vector_load_idx %arg7[%parallel_loop3A_233, %parallel_loop3A_235] : memref<128x128xf32, #tpu.memory_space<vmem>>[vector<16xi32>, vector<16xi32>], vector<16xf32>,
        %parallel_loop3A_237 = arith.constant 16 : i32
        %parallel_loop3A_238 = arith.muli %parallel_loop3A_207, %parallel_loop3A_237 : i32
        %parallel_loop3A_239 = arith.constant 2 : i32
        %parallel_loop3A_240 = arith.index_cast %parallel_loop3A_239 : i32 to index
        %parallel_loop3A_241 = arith.index_cast %parallel_loop3A_238 : i32 to index
        %parallel_loop3A_242 = tpu.vector_load %arg9[%parallel_loop3A_240, %parallel_loop3A_241] {strides = array<i32>} : memref<64x128xf32, #tpu.memory_space<vmem>>, vector<16xf32>,
        tpu.vector_store %arg9[%parallel_loop3A_240, %parallel_loop3A_241], %parallel_loop3A_236 {strides = array<i32>} : memref<64x128xf32, #tpu.memory_space<vmem>>, vector<16xf32>,
        %parallel_loop3A_243 = vector.broadcast %parallel_loop3A_209 : i32 to vector<16xi32>
        %parallel_loop3A_244 = arith.addi %parallel_loop3A_243, %iota3A : vector<16xi32>
        %parallel_loop3A_245 = arith.constant 3 : i32
        %parallel_loop3A_246 = vector.broadcast %parallel_loop3A_245 : i32 to vector<16xi32>
        %parallel_loop3A_247 = tpu.vector_load_idx %arg7[%parallel_loop3A_244, %parallel_loop3A_246] : memref<128x128xf32, #tpu.memory_space<vmem>>[vector<16xi32>, vector<16xi32>], vector<16xf32>,
        %parallel_loop3A_248 = arith.constant 16 : i32
        %parallel_loop3A_249 = arith.muli %parallel_loop3A_207, %parallel_loop3A_248 : i32
        %parallel_loop3A_250 = arith.constant 3 : i32
        %parallel_loop3A_251 = arith.index_cast %parallel_loop3A_250 : i32 to index
        %parallel_loop3A_252 = arith.index_cast %parallel_loop3A_249 : i32 to index
        %parallel_loop3A_253 = tpu.vector_load %arg9[%parallel_loop3A_251, %parallel_loop3A_252] {strides = array<i32>} : memref<64x128xf32, #tpu.memory_space<vmem>>, vector<16xf32>,
        tpu.vector_store %arg9[%parallel_loop3A_251, %parallel_loop3A_252], %parallel_loop3A_247 {strides = array<i32>} : memref<64x128xf32, #tpu.memory_space<vmem>>, vector<16xf32>,
        %parallel_loop3A_254 = vector.broadcast %parallel_loop3A_209 : i32 to vector<16xi32>
        %parallel_loop3A_255 = arith.addi %parallel_loop3A_254, %iota3A : vector<16xi32>
        %parallel_loop3A_256 = arith.constant 4 : i32
        %parallel_loop3A_257 = vector.broadcast %parallel_loop3A_256 : i32 to vector<16xi32>
        %parallel_loop3A_258 = tpu.vector_load_idx %arg7[%parallel_loop3A_255, %parallel_loop3A_257] : memref<128x128xf32, #tpu.memory_space<vmem>>[vector<16xi32>, vector<16xi32>], vector<16xf32>,
        %parallel_loop3A_259 = arith.constant 16 : i32
        %parallel_loop3A_260 = arith.muli %parallel_loop3A_207, %parallel_loop3A_259 : i32
        %parallel_loop3A_261 = arith.constant 4 : i32
        %parallel_loop3A_262 = arith.index_cast %parallel_loop3A_261 : i32 to index
        %parallel_loop3A_263 = arith.index_cast %parallel_loop3A_260 : i32 to index
        %parallel_loop3A_264 = tpu.vector_load %arg9[%parallel_loop3A_262, %parallel_loop3A_263] {strides = array<i32>} : memref<64x128xf32, #tpu.memory_space<vmem>>, vector<16xf32>,
        tpu.vector_store %arg9[%parallel_loop3A_262, %parallel_loop3A_263], %parallel_loop3A_258 {strides = array<i32>} : memref<64x128xf32, #tpu.memory_space<vmem>>, vector<16xf32>,
        %parallel_loop3A_265 = vector.broadcast %parallel_loop3A_209 : i32 to vector<16xi32>
        %parallel_loop3A_266 = arith.addi %parallel_loop3A_265, %iota3A : vector<16xi32>
        %parallel_loop3A_267 = arith.constant 5 : i32
        %parallel_loop3A_268 = vector.broadcast %parallel_loop3A_267 : i32 to vector<16xi32>
        %parallel_loop3A_269 = tpu.vector_load_idx %arg7[%parallel_loop3A_266, %parallel_loop3A_268] : memref<128x128xf32, #tpu.memory_space<vmem>>[vector<16xi32>, vector<16xi32>], vector<16xf32>,
        %parallel_loop3A_270 = arith.constant 16 : i32
        %parallel_loop3A_271 = arith.muli %parallel_loop3A_207, %parallel_loop3A_270 : i32
        %parallel_loop3A_272 = arith.constant 5 : i32
        %parallel_loop3A_273 = arith.index_cast %parallel_loop3A_272 : i32 to index
        %parallel_loop3A_274 = arith.index_cast %parallel_loop3A_271 : i32 to index
        %parallel_loop3A_275 = tpu.vector_load %arg9[%parallel_loop3A_273, %parallel_loop3A_274] {strides = array<i32>} : memref<64x128xf32, #tpu.memory_space<vmem>>, vector<16xf32>,
        tpu.vector_store %arg9[%parallel_loop3A_273, %parallel_loop3A_274], %parallel_loop3A_269 {strides = array<i32>} : memref<64x128xf32, #tpu.memory_space<vmem>>, vector<16xf32>,
        %parallel_loop3A_276 = vector.broadcast %parallel_loop3A_209 : i32 to vector<16xi32>
        %parallel_loop3A_277 = arith.addi %parallel_loop3A_276, %iota3A : vector<16xi32>
        %parallel_loop3A_278 = arith.constant 6 : i32
        %parallel_loop3A_279 = vector.broadcast %parallel_loop3A_278 : i32 to vector<16xi32>
        %parallel_loop3A_280 = tpu.vector_load_idx %arg7[%parallel_loop3A_277, %parallel_loop3A_279] : memref<128x128xf32, #tpu.memory_space<vmem>>[vector<16xi32>, vector<16xi32>], vector<16xf32>,
        %parallel_loop3A_281 = arith.constant 16 : i32
        %parallel_loop3A_282 = arith.muli %parallel_loop3A_207, %parallel_loop3A_281 : i32
        %parallel_loop3A_283 = arith.constant 6 : i32
        %parallel_loop3A_284 = arith.index_cast %parallel_loop3A_283 : i32 to index
        %parallel_loop3A_285 = arith.index_cast %parallel_loop3A_282 : i32 to index
        %parallel_loop3A_286 = tpu.vector_load %arg9[%parallel_loop3A_284, %parallel_loop3A_285] {strides = array<i32>} : memref<64x128xf32, #tpu.memory_space<vmem>>, vector<16xf32>,
        tpu.vector_store %arg9[%parallel_loop3A_284, %parallel_loop3A_285], %parallel_loop3A_280 {strides = array<i32>} : memref<64x128xf32, #tpu.memory_space<vmem>>, vector<16xf32>,
        %parallel_loop3A_287 = vector.broadcast %parallel_loop3A_209 : i32 to vector<16xi32>
        %parallel_loop3A_288 = arith.addi %parallel_loop3A_287, %iota3A : vector<16xi32>
        %parallel_loop3A_289 = arith.constant 7 : i32
        %parallel_loop3A_290 = vector.broadcast %parallel_loop3A_289 : i32 to vector<16xi32>
        %parallel_loop3A_291 = tpu.vector_load_idx %arg7[%parallel_loop3A_288, %parallel_loop3A_290] : memref<128x128xf32, #tpu.memory_space<vmem>>[vector<16xi32>, vector<16xi32>], vector<16xf32>,
        %parallel_loop3A_292 = arith.constant 16 : i32
        %parallel_loop3A_293 = arith.muli %parallel_loop3A_207, %parallel_loop3A_292 : i32
        %parallel_loop3A_294 = arith.constant 7 : i32
        %parallel_loop3A_295 = arith.index_cast %parallel_loop3A_294 : i32 to index
        %parallel_loop3A_296 = arith.index_cast %parallel_loop3A_293 : i32 to index
        %parallel_loop3A_297 = tpu.vector_load %arg9[%parallel_loop3A_295, %parallel_loop3A_296] {strides = array<i32>} : memref<64x128xf32, #tpu.memory_space<vmem>>, vector<16xf32>,
        tpu.vector_store %arg9[%parallel_loop3A_295, %parallel_loop3A_296], %parallel_loop3A_291 {strides = array<i32>} : memref<64x128xf32, #tpu.memory_space<vmem>>, vector<16xf32>,
        %parallel_loop3A_298 = vector.broadcast %parallel_loop3A_209 : i32 to vector<16xi32>
        %parallel_loop3A_299 = arith.addi %parallel_loop3A_298, %iota3A : vector<16xi32>
        %parallel_loop3A_300 = arith.constant 8 : i32
        %parallel_loop3A_301 = vector.broadcast %parallel_loop3A_300 : i32 to vector<16xi32>
        %parallel_loop3A_302 = tpu.vector_load_idx %arg7[%parallel_loop3A_299, %parallel_loop3A_301] : memref<128x128xf32, #tpu.memory_space<vmem>>[vector<16xi32>, vector<16xi32>], vector<16xf32>,
        %parallel_loop3A_303 = arith.constant 16 : i32
        %parallel_loop3A_304 = arith.muli %parallel_loop3A_207, %parallel_loop3A_303 : i32
        %parallel_loop3A_305 = arith.constant 8 : i32
        %parallel_loop3A_306 = arith.index_cast %parallel_loop3A_305 : i32 to index
        %parallel_loop3A_307 = arith.index_cast %parallel_loop3A_304 : i32 to index
        %parallel_loop3A_308 = tpu.vector_load %arg9[%parallel_loop3A_306, %parallel_loop3A_307] {strides = array<i32>} : memref<64x128xf32, #tpu.memory_space<vmem>>, vector<16xf32>,
        tpu.vector_store %arg9[%parallel_loop3A_306, %parallel_loop3A_307], %parallel_loop3A_302 {strides = array<i32>} : memref<64x128xf32, #tpu.memory_space<vmem>>, vector<16xf32>,
        %parallel_loop3A_309 = vector.broadcast %parallel_loop3A_209 : i32 to vector<16xi32>
        %parallel_loop3A_310 = arith.addi %parallel_loop3A_309, %iota3A : vector<16xi32>
        %parallel_loop3A_311 = arith.constant 9 : i32
        %parallel_loop3A_312 = vector.broadcast %parallel_loop3A_311 : i32 to vector<16xi32>
        %parallel_loop3A_313 = tpu.vector_load_idx %arg7[%parallel_loop3A_310, %parallel_loop3A_312] : memref<128x128xf32, #tpu.memory_space<vmem>>[vector<16xi32>, vector<16xi32>], vector<16xf32>,
        %parallel_loop3A_314 = arith.constant 16 : i32
        %parallel_loop3A_315 = arith.muli %parallel_loop3A_207, %parallel_loop3A_314 : i32
        %parallel_loop3A_316 = arith.constant 9 : i32
        %parallel_loop3A_317 = arith.index_cast %parallel_loop3A_316 : i32 to index
        %parallel_loop3A_318 = arith.index_cast %parallel_loop3A_315 : i32 to index
        %parallel_loop3A_319 = tpu.vector_load %arg9[%parallel_loop3A_317, %parallel_loop3A_318] {strides = array<i32>} : memref<64x128xf32, #tpu.memory_space<vmem>>, vector<16xf32>,
        tpu.vector_store %arg9[%parallel_loop3A_317, %parallel_loop3A_318], %parallel_loop3A_313 {strides = array<i32>} : memref<64x128xf32, #tpu.memory_space<vmem>>, vector<16xf32>,
        %parallel_loop3A_320 = vector.broadcast %parallel_loop3A_209 : i32 to vector<16xi32>
        %parallel_loop3A_321 = arith.addi %parallel_loop3A_320, %iota3A : vector<16xi32>
        %parallel_loop3A_322 = arith.constant 10 : i32
        %parallel_loop3A_323 = vector.broadcast %parallel_loop3A_322 : i32 to vector<16xi32>
        %parallel_loop3A_324 = tpu.vector_load_idx %arg7[%parallel_loop3A_321, %parallel_loop3A_323] : memref<128x128xf32, #tpu.memory_space<vmem>>[vector<16xi32>, vector<16xi32>], vector<16xf32>,
        %parallel_loop3A_325 = arith.constant 16 : i32
        %parallel_loop3A_326 = arith.muli %parallel_loop3A_207, %parallel_loop3A_325 : i32
        %parallel_loop3A_327 = arith.constant 10 : i32
        %parallel_loop3A_328 = arith.index_cast %parallel_loop3A_327 : i32 to index
        %parallel_loop3A_329 = arith.index_cast %parallel_loop3A_326 : i32 to index
        %parallel_loop3A_330 = tpu.vector_load %arg9[%parallel_loop3A_328, %parallel_loop3A_329] {strides = array<i32>} : memref<64x128xf32, #tpu.memory_space<vmem>>, vector<16xf32>,
        tpu.vector_store %arg9[%parallel_loop3A_328, %parallel_loop3A_329], %parallel_loop3A_324 {strides = array<i32>} : memref<64x128xf32, #tpu.memory_space<vmem>>, vector<16xf32>,
        %parallel_loop3A_331 = vector.broadcast %parallel_loop3A_209 : i32 to vector<16xi32>
        %parallel_loop3A_332 = arith.addi %parallel_loop3A_331, %iota3A : vector<16xi32>
        %parallel_loop3A_333 = arith.constant 11 : i32
        %parallel_loop3A_334 = vector.broadcast %parallel_loop3A_333 : i32 to vector<16xi32>
        %parallel_loop3A_335 = tpu.vector_load_idx %arg7[%parallel_loop3A_332, %parallel_loop3A_334] : memref<128x128xf32, #tpu.memory_space<vmem>>[vector<16xi32>, vector<16xi32>], vector<16xf32>,
        %parallel_loop3A_336 = arith.constant 16 : i32
        %parallel_loop3A_337 = arith.muli %parallel_loop3A_207, %parallel_loop3A_336 : i32
        %parallel_loop3A_338 = arith.constant 11 : i32
        %parallel_loop3A_339 = arith.index_cast %parallel_loop3A_338 : i32 to index
        %parallel_loop3A_340 = arith.index_cast %parallel_loop3A_337 : i32 to index
        %parallel_loop3A_341 = tpu.vector_load %arg9[%parallel_loop3A_339, %parallel_loop3A_340] {strides = array<i32>} : memref<64x128xf32, #tpu.memory_space<vmem>>, vector<16xf32>,
        tpu.vector_store %arg9[%parallel_loop3A_339, %parallel_loop3A_340], %parallel_loop3A_335 {strides = array<i32>} : memref<64x128xf32, #tpu.memory_space<vmem>>, vector<16xf32>,
        %parallel_loop3A_342 = vector.broadcast %parallel_loop3A_209 : i32 to vector<16xi32>
        %parallel_loop3A_343 = arith.addi %parallel_loop3A_342, %iota3A : vector<16xi32>
        %parallel_loop3A_344 = arith.constant 12 : i32
        %parallel_loop3A_345 = vector.broadcast %parallel_loop3A_344 : i32 to vector<16xi32>
        %parallel_loop3A_346 = tpu.vector_load_idx %arg7[%parallel_loop3A_343, %parallel_loop3A_345] : memref<128x128xf32, #tpu.memory_space<vmem>>[vector<16xi32>, vector<16xi32>], vector<16xf32>,
        %parallel_loop3A_347 = arith.constant 16 : i32
        %parallel_loop3A_348 = arith.muli %parallel_loop3A_207, %parallel_loop3A_347 : i32
        %parallel_loop3A_349 = arith.constant 12 : i32
        %parallel_loop3A_350 = arith.index_cast %parallel_loop3A_349 : i32 to index
        %parallel_loop3A_351 = arith.index_cast %parallel_loop3A_348 : i32 to index
        %parallel_loop3A_352 = tpu.vector_load %arg9[%parallel_loop3A_350, %parallel_loop3A_351] {strides = array<i32>} : memref<64x128xf32, #tpu.memory_space<vmem>>, vector<16xf32>,
        tpu.vector_store %arg9[%parallel_loop3A_350, %parallel_loop3A_351], %parallel_loop3A_346 {strides = array<i32>} : memref<64x128xf32, #tpu.memory_space<vmem>>, vector<16xf32>,
        %parallel_loop3A_353 = vector.broadcast %parallel_loop3A_209 : i32 to vector<16xi32>
        %parallel_loop3A_354 = arith.addi %parallel_loop3A_353, %iota3A : vector<16xi32>
        %parallel_loop3A_355 = arith.constant 13 : i32
        %parallel_loop3A_356 = vector.broadcast %parallel_loop3A_355 : i32 to vector<16xi32>
        %parallel_loop3A_357 = tpu.vector_load_idx %arg7[%parallel_loop3A_354, %parallel_loop3A_356] : memref<128x128xf32, #tpu.memory_space<vmem>>[vector<16xi32>, vector<16xi32>], vector<16xf32>,
        %parallel_loop3A_358 = arith.constant 16 : i32
        %parallel_loop3A_359 = arith.muli %parallel_loop3A_207, %parallel_loop3A_358 : i32
        %parallel_loop3A_360 = arith.constant 13 : i32
        %parallel_loop3A_361 = arith.index_cast %parallel_loop3A_360 : i32 to index
        %parallel_loop3A_362 = arith.index_cast %parallel_loop3A_359 : i32 to index
        %parallel_loop3A_363 = tpu.vector_load %arg9[%parallel_loop3A_361, %parallel_loop3A_362] {strides = array<i32>} : memref<64x128xf32, #tpu.memory_space<vmem>>, vector<16xf32>,
        tpu.vector_store %arg9[%parallel_loop3A_361, %parallel_loop3A_362], %parallel_loop3A_357 {strides = array<i32>} : memref<64x128xf32, #tpu.memory_space<vmem>>, vector<16xf32>,
        %parallel_loop3A_364 = vector.broadcast %parallel_loop3A_209 : i32 to vector<16xi32>
        %parallel_loop3A_365 = arith.addi %parallel_loop3A_364, %iota3A : vector<16xi32>
        %parallel_loop3A_366 = arith.constant 14 : i32
        %parallel_loop3A_367 = vector.broadcast %parallel_loop3A_366 : i32 to vector<16xi32>
        %parallel_loop3A_368 = tpu.vector_load_idx %arg7[%parallel_loop3A_365, %parallel_loop3A_367] : memref<128x128xf32, #tpu.memory_space<vmem>>[vector<16xi32>, vector<16xi32>], vector<16xf32>,
        %parallel_loop3A_369 = arith.constant 16 : i32
        %parallel_loop3A_370 = arith.muli %parallel_loop3A_207, %parallel_loop3A_369 : i32
        %parallel_loop3A_371 = arith.constant 14 : i32
        %parallel_loop3A_372 = arith.index_cast %parallel_loop3A_371 : i32 to index
        %parallel_loop3A_373 = arith.index_cast %parallel_loop3A_370 : i32 to index
        %parallel_loop3A_374 = tpu.vector_load %arg9[%parallel_loop3A_372, %parallel_loop3A_373] {strides = array<i32>} : memref<64x128xf32, #tpu.memory_space<vmem>>, vector<16xf32>,
        tpu.vector_store %arg9[%parallel_loop3A_372, %parallel_loop3A_373], %parallel_loop3A_368 {strides = array<i32>} : memref<64x128xf32, #tpu.memory_space<vmem>>, vector<16xf32>,
        %parallel_loop3A_375 = vector.broadcast %parallel_loop3A_209 : i32 to vector<16xi32>
        %parallel_loop3A_376 = arith.addi %parallel_loop3A_375, %iota3A : vector<16xi32>
        %parallel_loop3A_377 = arith.constant 15 : i32
        %parallel_loop3A_378 = vector.broadcast %parallel_loop3A_377 : i32 to vector<16xi32>
        %parallel_loop3A_379 = tpu.vector_load_idx %arg7[%parallel_loop3A_376, %parallel_loop3A_378] : memref<128x128xf32, #tpu.memory_space<vmem>>[vector<16xi32>, vector<16xi32>], vector<16xf32>,
        %parallel_loop3A_380 = arith.constant 16 : i32
        %parallel_loop3A_381 = arith.muli %parallel_loop3A_207, %parallel_loop3A_380 : i32
        %parallel_loop3A_382 = arith.constant 15 : i32
        %parallel_loop3A_383 = arith.index_cast %parallel_loop3A_382 : i32 to index
        %parallel_loop3A_384 = arith.index_cast %parallel_loop3A_381 : i32 to index
        %parallel_loop3A_385 = tpu.vector_load %arg9[%parallel_loop3A_383, %parallel_loop3A_384] {strides = array<i32>} : memref<64x128xf32, #tpu.memory_space<vmem>>, vector<16xf32>,
        tpu.vector_store %arg9[%parallel_loop3A_383, %parallel_loop3A_384], %parallel_loop3A_379 {strides = array<i32>} : memref<64x128xf32, #tpu.memory_space<vmem>>, vector<16xf32>,
        %parallel_loop3A_386 = vector.broadcast %parallel_loop3A_209 : i32 to vector<16xi32>
        %parallel_loop3A_387 = arith.addi %parallel_loop3A_386, %iota3A : vector<16xi32>
        %parallel_loop3A_388 = arith.constant 16 : i32
        %parallel_loop3A_389 = vector.broadcast %parallel_loop3A_388 : i32 to vector<16xi32>
        %parallel_loop3A_390 = tpu.vector_load_idx %arg7[%parallel_loop3A_387, %parallel_loop3A_389] : memref<128x128xf32, #tpu.memory_space<vmem>>[vector<16xi32>, vector<16xi32>], vector<16xf32>,
        %parallel_loop3A_391 = arith.constant 16 : i32
        %parallel_loop3A_392 = arith.muli %parallel_loop3A_207, %parallel_loop3A_391 : i32
        %parallel_loop3A_393 = arith.constant 16 : i32
        %parallel_loop3A_394 = arith.index_cast %parallel_loop3A_393 : i32 to index
        %parallel_loop3A_395 = arith.index_cast %parallel_loop3A_392 : i32 to index
        %parallel_loop3A_396 = tpu.vector_load %arg9[%parallel_loop3A_394, %parallel_loop3A_395] {strides = array<i32>} : memref<64x128xf32, #tpu.memory_space<vmem>>, vector<16xf32>,
        tpu.vector_store %arg9[%parallel_loop3A_394, %parallel_loop3A_395], %parallel_loop3A_390 {strides = array<i32>} : memref<64x128xf32, #tpu.memory_space<vmem>>, vector<16xf32>,
        %parallel_loop3A_397 = vector.broadcast %parallel_loop3A_209 : i32 to vector<16xi32>
        %parallel_loop3A_398 = arith.addi %parallel_loop3A_397, %iota3A : vector<16xi32>
        %parallel_loop3A_399 = arith.constant 17 : i32
        %parallel_loop3A_400 = vector.broadcast %parallel_loop3A_399 : i32 to vector<16xi32>
        %parallel_loop3A_401 = tpu.vector_load_idx %arg7[%parallel_loop3A_398, %parallel_loop3A_400] : memref<128x128xf32, #tpu.memory_space<vmem>>[vector<16xi32>, vector<16xi32>], vector<16xf32>,
        %parallel_loop3A_402 = arith.constant 16 : i32
        %parallel_loop3A_403 = arith.muli %parallel_loop3A_207, %parallel_loop3A_402 : i32
        %parallel_loop3A_404 = arith.constant 17 : i32
        %parallel_loop3A_405 = arith.index_cast %parallel_loop3A_404 : i32 to index
        %parallel_loop3A_406 = arith.index_cast %parallel_loop3A_403 : i32 to index
        %parallel_loop3A_407 = tpu.vector_load %arg9[%parallel_loop3A_405, %parallel_loop3A_406] {strides = array<i32>} : memref<64x128xf32, #tpu.memory_space<vmem>>, vector<16xf32>,
        tpu.vector_store %arg9[%parallel_loop3A_405, %parallel_loop3A_406], %parallel_loop3A_401 {strides = array<i32>} : memref<64x128xf32, #tpu.memory_space<vmem>>, vector<16xf32>,
        %parallel_loop3A_408 = vector.broadcast %parallel_loop3A_209 : i32 to vector<16xi32>
        %parallel_loop3A_409 = arith.addi %parallel_loop3A_408, %iota3A : vector<16xi32>
        %parallel_loop3A_410 = arith.constant 18 : i32
        %parallel_loop3A_411 = vector.broadcast %parallel_loop3A_410 : i32 to vector<16xi32>
        %parallel_loop3A_412 = tpu.vector_load_idx %arg7[%parallel_loop3A_409, %parallel_loop3A_411] : memref<128x128xf32, #tpu.memory_space<vmem>>[vector<16xi32>, vector<16xi32>], vector<16xf32>,
        %parallel_loop3A_413 = arith.constant 16 : i32
        %parallel_loop3A_414 = arith.muli %parallel_loop3A_207, %parallel_loop3A_413 : i32
        %parallel_loop3A_415 = arith.constant 18 : i32
        %parallel_loop3A_416 = arith.index_cast %parallel_loop3A_415 : i32 to index
        %parallel_loop3A_417 = arith.index_cast %parallel_loop3A_414 : i32 to index
        %parallel_loop3A_418 = tpu.vector_load %arg9[%parallel_loop3A_416, %parallel_loop3A_417] {strides = array<i32>} : memref<64x128xf32, #tpu.memory_space<vmem>>, vector<16xf32>,
        tpu.vector_store %arg9[%parallel_loop3A_416, %parallel_loop3A_417], %parallel_loop3A_412 {strides = array<i32>} : memref<64x128xf32, #tpu.memory_space<vmem>>, vector<16xf32>,
        %parallel_loop3A_419 = vector.broadcast %parallel_loop3A_209 : i32 to vector<16xi32>
        %parallel_loop3A_420 = arith.addi %parallel_loop3A_419, %iota3A : vector<16xi32>
        %parallel_loop3A_421 = arith.constant 19 : i32
        %parallel_loop3A_422 = vector.broadcast %parallel_loop3A_421 : i32 to vector<16xi32>
        %parallel_loop3A_423 = tpu.vector_load_idx %arg7[%parallel_loop3A_420, %parallel_loop3A_422] : memref<128x128xf32, #tpu.memory_space<vmem>>[vector<16xi32>, vector<16xi32>], vector<16xf32>,
        %parallel_loop3A_424 = arith.constant 16 : i32
        %parallel_loop3A_425 = arith.muli %parallel_loop3A_207, %parallel_loop3A_424 : i32
        %parallel_loop3A_426 = arith.constant 19 : i32
        %parallel_loop3A_427 = arith.index_cast %parallel_loop3A_426 : i32 to index
        %parallel_loop3A_428 = arith.index_cast %parallel_loop3A_425 : i32 to index
        %parallel_loop3A_429 = tpu.vector_load %arg9[%parallel_loop3A_427, %parallel_loop3A_428] {strides = array<i32>} : memref<64x128xf32, #tpu.memory_space<vmem>>, vector<16xf32>,
        tpu.vector_store %arg9[%parallel_loop3A_427, %parallel_loop3A_428], %parallel_loop3A_423 {strides = array<i32>} : memref<64x128xf32, #tpu.memory_space<vmem>>, vector<16xf32>,
        %parallel_loop3A_430 = vector.broadcast %parallel_loop3A_209 : i32 to vector<16xi32>
        %parallel_loop3A_431 = arith.addi %parallel_loop3A_430, %iota3A : vector<16xi32>
        %parallel_loop3A_432 = arith.constant 20 : i32
        %parallel_loop3A_433 = vector.broadcast %parallel_loop3A_432 : i32 to vector<16xi32>
        %parallel_loop3A_434 = tpu.vector_load_idx %arg7[%parallel_loop3A_431, %parallel_loop3A_433] : memref<128x128xf32, #tpu.memory_space<vmem>>[vector<16xi32>, vector<16xi32>], vector<16xf32>,
        %parallel_loop3A_435 = arith.constant 16 : i32
        %parallel_loop3A_436 = arith.muli %parallel_loop3A_207, %parallel_loop3A_435 : i32
        %parallel_loop3A_437 = arith.constant 20 : i32
        %parallel_loop3A_438 = arith.index_cast %parallel_loop3A_437 : i32 to index
        %parallel_loop3A_439 = arith.index_cast %parallel_loop3A_436 : i32 to index
        %parallel_loop3A_440 = tpu.vector_load %arg9[%parallel_loop3A_438, %parallel_loop3A_439] {strides = array<i32>} : memref<64x128xf32, #tpu.memory_space<vmem>>, vector<16xf32>,
        tpu.vector_store %arg9[%parallel_loop3A_438, %parallel_loop3A_439], %parallel_loop3A_434 {strides = array<i32>} : memref<64x128xf32, #tpu.memory_space<vmem>>, vector<16xf32>,
        %parallel_loop3A_441 = vector.broadcast %parallel_loop3A_209 : i32 to vector<16xi32>
        %parallel_loop3A_442 = arith.addi %parallel_loop3A_441, %iota3A : vector<16xi32>
        %parallel_loop3A_443 = arith.constant 21 : i32
        %parallel_loop3A_444 = vector.broadcast %parallel_loop3A_443 : i32 to vector<16xi32>
        %parallel_loop3A_445 = tpu.vector_load_idx %arg7[%parallel_loop3A_442, %parallel_loop3A_444] : memref<128x128xf32, #tpu.memory_space<vmem>>[vector<16xi32>, vector<16xi32>], vector<16xf32>,
        %parallel_loop3A_446 = arith.constant 16 : i32
        %parallel_loop3A_447 = arith.muli %parallel_loop3A_207, %parallel_loop3A_446 : i32
        %parallel_loop3A_448 = arith.constant 21 : i32
        %parallel_loop3A_449 = arith.index_cast %parallel_loop3A_448 : i32 to index
        %parallel_loop3A_450 = arith.index_cast %parallel_loop3A_447 : i32 to index
        %parallel_loop3A_451 = tpu.vector_load %arg9[%parallel_loop3A_449, %parallel_loop3A_450] {strides = array<i32>} : memref<64x128xf32, #tpu.memory_space<vmem>>, vector<16xf32>,
        tpu.vector_store %arg9[%parallel_loop3A_449, %parallel_loop3A_450], %parallel_loop3A_445 {strides = array<i32>} : memref<64x128xf32, #tpu.memory_space<vmem>>, vector<16xf32>,
        %parallel_loop3A_452 = vector.broadcast %parallel_loop3A_209 : i32 to vector<16xi32>
        %parallel_loop3A_453 = arith.addi %parallel_loop3A_452, %iota3A : vector<16xi32>
        %parallel_loop3A_454 = arith.constant 22 : i32
        %parallel_loop3A_455 = vector.broadcast %parallel_loop3A_454 : i32 to vector<16xi32>
        %parallel_loop3A_456 = tpu.vector_load_idx %arg7[%parallel_loop3A_453, %parallel_loop3A_455] : memref<128x128xf32, #tpu.memory_space<vmem>>[vector<16xi32>, vector<16xi32>], vector<16xf32>,
        %parallel_loop3A_457 = arith.constant 16 : i32
        %parallel_loop3A_458 = arith.muli %parallel_loop3A_207, %parallel_loop3A_457 : i32
        %parallel_loop3A_459 = arith.constant 22 : i32
        %parallel_loop3A_460 = arith.index_cast %parallel_loop3A_459 : i32 to index
        %parallel_loop3A_461 = arith.index_cast %parallel_loop3A_458 : i32 to index
        %parallel_loop3A_462 = tpu.vector_load %arg9[%parallel_loop3A_460, %parallel_loop3A_461] {strides = array<i32>} : memref<64x128xf32, #tpu.memory_space<vmem>>, vector<16xf32>,
        tpu.vector_store %arg9[%parallel_loop3A_460, %parallel_loop3A_461], %parallel_loop3A_456 {strides = array<i32>} : memref<64x128xf32, #tpu.memory_space<vmem>>, vector<16xf32>,
        %parallel_loop3A_463 = vector.broadcast %parallel_loop3A_209 : i32 to vector<16xi32>
        %parallel_loop3A_464 = arith.addi %parallel_loop3A_463, %iota3A : vector<16xi32>
        %parallel_loop3A_465 = arith.constant 23 : i32
        %parallel_loop3A_466 = vector.broadcast %parallel_loop3A_465 : i32 to vector<16xi32>
        %parallel_loop3A_467 = tpu.vector_load_idx %arg7[%parallel_loop3A_464, %parallel_loop3A_466] : memref<128x128xf32, #tpu.memory_space<vmem>>[vector<16xi32>, vector<16xi32>], vector<16xf32>,
        %parallel_loop3A_468 = arith.constant 16 : i32
        %parallel_loop3A_469 = arith.muli %parallel_loop3A_207, %parallel_loop3A_468 : i32
        %parallel_loop3A_470 = arith.constant 23 : i32
        %parallel_loop3A_471 = arith.index_cast %parallel_loop3A_470 : i32 to index
        %parallel_loop3A_472 = arith.index_cast %parallel_loop3A_469 : i32 to index
        %parallel_loop3A_473 = tpu.vector_load %arg9[%parallel_loop3A_471, %parallel_loop3A_472] {strides = array<i32>} : memref<64x128xf32, #tpu.memory_space<vmem>>, vector<16xf32>,
        tpu.vector_store %arg9[%parallel_loop3A_471, %parallel_loop3A_472], %parallel_loop3A_467 {strides = array<i32>} : memref<64x128xf32, #tpu.memory_space<vmem>>, vector<16xf32>,
        %parallel_loop3A_474 = vector.broadcast %parallel_loop3A_209 : i32 to vector<16xi32>
        %parallel_loop3A_475 = arith.addi %parallel_loop3A_474, %iota3A : vector<16xi32>
        %parallel_loop3A_476 = arith.constant 24 : i32
        %parallel_loop3A_477 = vector.broadcast %parallel_loop3A_476 : i32 to vector<16xi32>
        %parallel_loop3A_478 = tpu.vector_load_idx %arg7[%parallel_loop3A_475, %parallel_loop3A_477] : memref<128x128xf32, #tpu.memory_space<vmem>>[vector<16xi32>, vector<16xi32>], vector<16xf32>,
        %parallel_loop3A_479 = arith.constant 16 : i32
        %parallel_loop3A_480 = arith.muli %parallel_loop3A_207, %parallel_loop3A_479 : i32
        %parallel_loop3A_481 = arith.constant 24 : i32
        %parallel_loop3A_482 = arith.index_cast %parallel_loop3A_481 : i32 to index
        %parallel_loop3A_483 = arith.index_cast %parallel_loop3A_480 : i32 to index
        %parallel_loop3A_484 = tpu.vector_load %arg9[%parallel_loop3A_482, %parallel_loop3A_483] {strides = array<i32>} : memref<64x128xf32, #tpu.memory_space<vmem>>, vector<16xf32>,
        tpu.vector_store %arg9[%parallel_loop3A_482, %parallel_loop3A_483], %parallel_loop3A_478 {strides = array<i32>} : memref<64x128xf32, #tpu.memory_space<vmem>>, vector<16xf32>,
        %parallel_loop3A_485 = vector.broadcast %parallel_loop3A_209 : i32 to vector<16xi32>
        %parallel_loop3A_486 = arith.addi %parallel_loop3A_485, %iota3A : vector<16xi32>
        %parallel_loop3A_487 = arith.constant 25 : i32
        %parallel_loop3A_488 = vector.broadcast %parallel_loop3A_487 : i32 to vector<16xi32>
        %parallel_loop3A_489 = tpu.vector_load_idx %arg7[%parallel_loop3A_486, %parallel_loop3A_488] : memref<128x128xf32, #tpu.memory_space<vmem>>[vector<16xi32>, vector<16xi32>], vector<16xf32>,
        %parallel_loop3A_490 = arith.constant 16 : i32
        %parallel_loop3A_491 = arith.muli %parallel_loop3A_207, %parallel_loop3A_490 : i32
        %parallel_loop3A_492 = arith.constant 25 : i32
        %parallel_loop3A_493 = arith.index_cast %parallel_loop3A_492 : i32 to index
        %parallel_loop3A_494 = arith.index_cast %parallel_loop3A_491 : i32 to index
        %parallel_loop3A_495 = tpu.vector_load %arg9[%parallel_loop3A_493, %parallel_loop3A_494] {strides = array<i32>} : memref<64x128xf32, #tpu.memory_space<vmem>>, vector<16xf32>,
        tpu.vector_store %arg9[%parallel_loop3A_493, %parallel_loop3A_494], %parallel_loop3A_489 {strides = array<i32>} : memref<64x128xf32, #tpu.memory_space<vmem>>, vector<16xf32>,
        %parallel_loop3A_496 = vector.broadcast %parallel_loop3A_209 : i32 to vector<16xi32>
        %parallel_loop3A_497 = arith.addi %parallel_loop3A_496, %iota3A : vector<16xi32>
        %parallel_loop3A_498 = arith.constant 26 : i32
        %parallel_loop3A_499 = vector.broadcast %parallel_loop3A_498 : i32 to vector<16xi32>
        %parallel_loop3A_500 = tpu.vector_load_idx %arg7[%parallel_loop3A_497, %parallel_loop3A_499] : memref<128x128xf32, #tpu.memory_space<vmem>>[vector<16xi32>, vector<16xi32>], vector<16xf32>,
        %parallel_loop3A_501 = arith.constant 16 : i32
        %parallel_loop3A_502 = arith.muli %parallel_loop3A_207, %parallel_loop3A_501 : i32
        %parallel_loop3A_503 = arith.constant 26 : i32
        %parallel_loop3A_504 = arith.index_cast %parallel_loop3A_503 : i32 to index
        %parallel_loop3A_505 = arith.index_cast %parallel_loop3A_502 : i32 to index
        %parallel_loop3A_506 = tpu.vector_load %arg9[%parallel_loop3A_504, %parallel_loop3A_505] {strides = array<i32>} : memref<64x128xf32, #tpu.memory_space<vmem>>, vector<16xf32>,
        tpu.vector_store %arg9[%parallel_loop3A_504, %parallel_loop3A_505], %parallel_loop3A_500 {strides = array<i32>} : memref<64x128xf32, #tpu.memory_space<vmem>>, vector<16xf32>,
        %parallel_loop3A_507 = vector.broadcast %parallel_loop3A_209 : i32 to vector<16xi32>
        %parallel_loop3A_508 = arith.addi %parallel_loop3A_507, %iota3A : vector<16xi32>
        %parallel_loop3A_509 = arith.constant 27 : i32
        %parallel_loop3A_510 = vector.broadcast %parallel_loop3A_509 : i32 to vector<16xi32>
        %parallel_loop3A_511 = tpu.vector_load_idx %arg7[%parallel_loop3A_508, %parallel_loop3A_510] : memref<128x128xf32, #tpu.memory_space<vmem>>[vector<16xi32>, vector<16xi32>], vector<16xf32>,
        %parallel_loop3A_512 = arith.constant 16 : i32
        %parallel_loop3A_513 = arith.muli %parallel_loop3A_207, %parallel_loop3A_512 : i32
        %parallel_loop3A_514 = arith.constant 27 : i32
        %parallel_loop3A_515 = arith.index_cast %parallel_loop3A_514 : i32 to index
        %parallel_loop3A_516 = arith.index_cast %parallel_loop3A_513 : i32 to index
        %parallel_loop3A_517 = tpu.vector_load %arg9[%parallel_loop3A_515, %parallel_loop3A_516] {strides = array<i32>} : memref<64x128xf32, #tpu.memory_space<vmem>>, vector<16xf32>,
        tpu.vector_store %arg9[%parallel_loop3A_515, %parallel_loop3A_516], %parallel_loop3A_511 {strides = array<i32>} : memref<64x128xf32, #tpu.memory_space<vmem>>, vector<16xf32>,
        %parallel_loop3A_518 = vector.broadcast %parallel_loop3A_209 : i32 to vector<16xi32>
        %parallel_loop3A_519 = arith.addi %parallel_loop3A_518, %iota3A : vector<16xi32>
        %parallel_loop3A_520 = arith.constant 28 : i32
        %parallel_loop3A_521 = vector.broadcast %parallel_loop3A_520 : i32 to vector<16xi32>
        %parallel_loop3A_522 = tpu.vector_load_idx %arg7[%parallel_loop3A_519, %parallel_loop3A_521] : memref<128x128xf32, #tpu.memory_space<vmem>>[vector<16xi32>, vector<16xi32>], vector<16xf32>,
        %parallel_loop3A_523 = arith.constant 16 : i32
        %parallel_loop3A_524 = arith.muli %parallel_loop3A_207, %parallel_loop3A_523 : i32
        %parallel_loop3A_525 = arith.constant 28 : i32
        %parallel_loop3A_526 = arith.index_cast %parallel_loop3A_525 : i32 to index
        %parallel_loop3A_527 = arith.index_cast %parallel_loop3A_524 : i32 to index
        %parallel_loop3A_528 = tpu.vector_load %arg9[%parallel_loop3A_526, %parallel_loop3A_527] {strides = array<i32>} : memref<64x128xf32, #tpu.memory_space<vmem>>, vector<16xf32>,
        tpu.vector_store %arg9[%parallel_loop3A_526, %parallel_loop3A_527], %parallel_loop3A_522 {strides = array<i32>} : memref<64x128xf32, #tpu.memory_space<vmem>>, vector<16xf32>,
        %parallel_loop3A_529 = vector.broadcast %parallel_loop3A_209 : i32 to vector<16xi32>
        %parallel_loop3A_530 = arith.addi %parallel_loop3A_529, %iota3A : vector<16xi32>
        %parallel_loop3A_531 = arith.constant 29 : i32
        %parallel_loop3A_532 = vector.broadcast %parallel_loop3A_531 : i32 to vector<16xi32>
        %parallel_loop3A_533 = tpu.vector_load_idx %arg7[%parallel_loop3A_530, %parallel_loop3A_532] : memref<128x128xf32, #tpu.memory_space<vmem>>[vector<16xi32>, vector<16xi32>], vector<16xf32>,
        %parallel_loop3A_534 = arith.constant 16 : i32
        %parallel_loop3A_535 = arith.muli %parallel_loop3A_207, %parallel_loop3A_534 : i32
        %parallel_loop3A_536 = arith.constant 29 : i32
        %parallel_loop3A_537 = arith.index_cast %parallel_loop3A_536 : i32 to index
        %parallel_loop3A_538 = arith.index_cast %parallel_loop3A_535 : i32 to index
        %parallel_loop3A_539 = tpu.vector_load %arg9[%parallel_loop3A_537, %parallel_loop3A_538] {strides = array<i32>} : memref<64x128xf32, #tpu.memory_space<vmem>>, vector<16xf32>,
        tpu.vector_store %arg9[%parallel_loop3A_537, %parallel_loop3A_538], %parallel_loop3A_533 {strides = array<i32>} : memref<64x128xf32, #tpu.memory_space<vmem>>, vector<16xf32>,
        %parallel_loop3A_540 = vector.broadcast %parallel_loop3A_209 : i32 to vector<16xi32>
        %parallel_loop3A_541 = arith.addi %parallel_loop3A_540, %iota3A : vector<16xi32>
        %parallel_loop3A_542 = arith.constant 30 : i32
        %parallel_loop3A_543 = vector.broadcast %parallel_loop3A_542 : i32 to vector<16xi32>
        %parallel_loop3A_544 = tpu.vector_load_idx %arg7[%parallel_loop3A_541, %parallel_loop3A_543] : memref<128x128xf32, #tpu.memory_space<vmem>>[vector<16xi32>, vector<16xi32>], vector<16xf32>,
        %parallel_loop3A_545 = arith.constant 16 : i32
        %parallel_loop3A_546 = arith.muli %parallel_loop3A_207, %parallel_loop3A_545 : i32
        %parallel_loop3A_547 = arith.constant 30 : i32
        %parallel_loop3A_548 = arith.index_cast %parallel_loop3A_547 : i32 to index
        %parallel_loop3A_549 = arith.index_cast %parallel_loop3A_546 : i32 to index
        %parallel_loop3A_550 = tpu.vector_load %arg9[%parallel_loop3A_548, %parallel_loop3A_549] {strides = array<i32>} : memref<64x128xf32, #tpu.memory_space<vmem>>, vector<16xf32>,
        tpu.vector_store %arg9[%parallel_loop3A_548, %parallel_loop3A_549], %parallel_loop3A_544 {strides = array<i32>} : memref<64x128xf32, #tpu.memory_space<vmem>>, vector<16xf32>,
        %parallel_loop3A_551 = vector.broadcast %parallel_loop3A_209 : i32 to vector<16xi32>
        %parallel_loop3A_552 = arith.addi %parallel_loop3A_551, %iota3A : vector<16xi32>
        %parallel_loop3A_553 = arith.constant 31 : i32
        %parallel_loop3A_554 = vector.broadcast %parallel_loop3A_553 : i32 to vector<16xi32>
        %parallel_loop3A_555 = tpu.vector_load_idx %arg7[%parallel_loop3A_552, %parallel_loop3A_554] : memref<128x128xf32, #tpu.memory_space<vmem>>[vector<16xi32>, vector<16xi32>], vector<16xf32>,
        %parallel_loop3A_556 = arith.constant 16 : i32
        %parallel_loop3A_557 = arith.muli %parallel_loop3A_207, %parallel_loop3A_556 : i32
        %parallel_loop3A_558 = arith.constant 31 : i32
        %parallel_loop3A_559 = arith.index_cast %parallel_loop3A_558 : i32 to index
        %parallel_loop3A_560 = arith.index_cast %parallel_loop3A_557 : i32 to index
        %parallel_loop3A_561 = tpu.vector_load %arg9[%parallel_loop3A_559, %parallel_loop3A_560] {strides = array<i32>} : memref<64x128xf32, #tpu.memory_space<vmem>>, vector<16xf32>,
        tpu.vector_store %arg9[%parallel_loop3A_559, %parallel_loop3A_560], %parallel_loop3A_555 {strides = array<i32>} : memref<64x128xf32, #tpu.memory_space<vmem>>, vector<16xf32>,
        %parallel_loop3A_562 = vector.broadcast %parallel_loop3A_209 : i32 to vector<16xi32>
        %parallel_loop3A_563 = arith.addi %parallel_loop3A_562, %iota3A : vector<16xi32>
        %parallel_loop3A_564 = arith.constant 32 : i32
        %parallel_loop3A_565 = vector.broadcast %parallel_loop3A_564 : i32 to vector<16xi32>
        %parallel_loop3A_566 = tpu.vector_load_idx %arg7[%parallel_loop3A_563, %parallel_loop3A_565] : memref<128x128xf32, #tpu.memory_space<vmem>>[vector<16xi32>, vector<16xi32>], vector<16xf32>,
        %parallel_loop3A_567 = arith.constant 16 : i32
        %parallel_loop3A_568 = arith.muli %parallel_loop3A_207, %parallel_loop3A_567 : i32
        %parallel_loop3A_569 = arith.constant 32 : i32
        %parallel_loop3A_570 = arith.index_cast %parallel_loop3A_569 : i32 to index
        %parallel_loop3A_571 = arith.index_cast %parallel_loop3A_568 : i32 to index
        %parallel_loop3A_572 = tpu.vector_load %arg9[%parallel_loop3A_570, %parallel_loop3A_571] {strides = array<i32>} : memref<64x128xf32, #tpu.memory_space<vmem>>, vector<16xf32>,
        tpu.vector_store %arg9[%parallel_loop3A_570, %parallel_loop3A_571], %parallel_loop3A_566 {strides = array<i32>} : memref<64x128xf32, #tpu.memory_space<vmem>>, vector<16xf32>,
        %parallel_loop3A_573 = vector.broadcast %parallel_loop3A_209 : i32 to vector<16xi32>
        %parallel_loop3A_574 = arith.addi %parallel_loop3A_573, %iota3A : vector<16xi32>
        %parallel_loop3A_575 = arith.constant 33 : i32
        %parallel_loop3A_576 = vector.broadcast %parallel_loop3A_575 : i32 to vector<16xi32>
        %parallel_loop3A_577 = tpu.vector_load_idx %arg7[%parallel_loop3A_574, %parallel_loop3A_576] : memref<128x128xf32, #tpu.memory_space<vmem>>[vector<16xi32>, vector<16xi32>], vector<16xf32>,
        %parallel_loop3A_578 = arith.constant 16 : i32
        %parallel_loop3A_579 = arith.muli %parallel_loop3A_207, %parallel_loop3A_578 : i32
        %parallel_loop3A_580 = arith.constant 33 : i32
        %parallel_loop3A_581 = arith.index_cast %parallel_loop3A_580 : i32 to index
        %parallel_loop3A_582 = arith.index_cast %parallel_loop3A_579 : i32 to index
        %parallel_loop3A_583 = tpu.vector_load %arg9[%parallel_loop3A_581, %parallel_loop3A_582] {strides = array<i32>} : memref<64x128xf32, #tpu.memory_space<vmem>>, vector<16xf32>,
        tpu.vector_store %arg9[%parallel_loop3A_581, %parallel_loop3A_582], %parallel_loop3A_577 {strides = array<i32>} : memref<64x128xf32, #tpu.memory_space<vmem>>, vector<16xf32>,
        %parallel_loop3A_584 = vector.broadcast %parallel_loop3A_209 : i32 to vector<16xi32>
        %parallel_loop3A_585 = arith.addi %parallel_loop3A_584, %iota3A : vector<16xi32>
        %parallel_loop3A_586 = arith.constant 34 : i32
        %parallel_loop3A_587 = vector.broadcast %parallel_loop3A_586 : i32 to vector<16xi32>
        %parallel_loop3A_588 = tpu.vector_load_idx %arg7[%parallel_loop3A_585, %parallel_loop3A_587] : memref<128x128xf32, #tpu.memory_space<vmem>>[vector<16xi32>, vector<16xi32>], vector<16xf32>,
        %parallel_loop3A_589 = arith.constant 16 : i32
        %parallel_loop3A_590 = arith.muli %parallel_loop3A_207, %parallel_loop3A_589 : i32
        %parallel_loop3A_591 = arith.constant 34 : i32
        %parallel_loop3A_592 = arith.index_cast %parallel_loop3A_591 : i32 to index
        %parallel_loop3A_593 = arith.index_cast %parallel_loop3A_590 : i32 to index
        %parallel_loop3A_594 = tpu.vector_load %arg9[%parallel_loop3A_592, %parallel_loop3A_593] {strides = array<i32>} : memref<64x128xf32, #tpu.memory_space<vmem>>, vector<16xf32>,
        tpu.vector_store %arg9[%parallel_loop3A_592, %parallel_loop3A_593], %parallel_loop3A_588 {strides = array<i32>} : memref<64x128xf32, #tpu.memory_space<vmem>>, vector<16xf32>,
        %parallel_loop3A_595 = vector.broadcast %parallel_loop3A_209 : i32 to vector<16xi32>
        %parallel_loop3A_596 = arith.addi %parallel_loop3A_595, %iota3A : vector<16xi32>
        %parallel_loop3A_597 = arith.constant 35 : i32
        %parallel_loop3A_598 = vector.broadcast %parallel_loop3A_597 : i32 to vector<16xi32>
        %parallel_loop3A_599 = tpu.vector_load_idx %arg7[%parallel_loop3A_596, %parallel_loop3A_598] : memref<128x128xf32, #tpu.memory_space<vmem>>[vector<16xi32>, vector<16xi32>], vector<16xf32>,
        %parallel_loop3A_600 = arith.constant 16 : i32
        %parallel_loop3A_601 = arith.muli %parallel_loop3A_207, %parallel_loop3A_600 : i32
        %parallel_loop3A_602 = arith.constant 35 : i32
        %parallel_loop3A_603 = arith.index_cast %parallel_loop3A_602 : i32 to index
        %parallel_loop3A_604 = arith.index_cast %parallel_loop3A_601 : i32 to index
        %parallel_loop3A_605 = tpu.vector_load %arg9[%parallel_loop3A_603, %parallel_loop3A_604] {strides = array<i32>} : memref<64x128xf32, #tpu.memory_space<vmem>>, vector<16xf32>,
        tpu.vector_store %arg9[%parallel_loop3A_603, %parallel_loop3A_604], %parallel_loop3A_599 {strides = array<i32>} : memref<64x128xf32, #tpu.memory_space<vmem>>, vector<16xf32>,
        %parallel_loop3A_606 = vector.broadcast %parallel_loop3A_209 : i32 to vector<16xi32>
        %parallel_loop3A_607 = arith.addi %parallel_loop3A_606, %iota3A : vector<16xi32>
        %parallel_loop3A_608 = arith.constant 36 : i32
        %parallel_loop3A_609 = vector.broadcast %parallel_loop3A_608 : i32 to vector<16xi32>
        %parallel_loop3A_610 = tpu.vector_load_idx %arg7[%parallel_loop3A_607, %parallel_loop3A_609] : memref<128x128xf32, #tpu.memory_space<vmem>>[vector<16xi32>, vector<16xi32>], vector<16xf32>,
        %parallel_loop3A_611 = arith.constant 16 : i32
        %parallel_loop3A_612 = arith.muli %parallel_loop3A_207, %parallel_loop3A_611 : i32
        %parallel_loop3A_613 = arith.constant 36 : i32
        %parallel_loop3A_614 = arith.index_cast %parallel_loop3A_613 : i32 to index
        %parallel_loop3A_615 = arith.index_cast %parallel_loop3A_612 : i32 to index
        %parallel_loop3A_616 = tpu.vector_load %arg9[%parallel_loop3A_614, %parallel_loop3A_615] {strides = array<i32>} : memref<64x128xf32, #tpu.memory_space<vmem>>, vector<16xf32>,
        tpu.vector_store %arg9[%parallel_loop3A_614, %parallel_loop3A_615], %parallel_loop3A_610 {strides = array<i32>} : memref<64x128xf32, #tpu.memory_space<vmem>>, vector<16xf32>,
        %parallel_loop3A_617 = vector.broadcast %parallel_loop3A_209 : i32 to vector<16xi32>
        %parallel_loop3A_618 = arith.addi %parallel_loop3A_617, %iota3A : vector<16xi32>
        %parallel_loop3A_619 = arith.constant 37 : i32
        %parallel_loop3A_620 = vector.broadcast %parallel_loop3A_619 : i32 to vector<16xi32>
        %parallel_loop3A_621 = tpu.vector_load_idx %arg7[%parallel_loop3A_618, %parallel_loop3A_620] : memref<128x128xf32, #tpu.memory_space<vmem>>[vector<16xi32>, vector<16xi32>], vector<16xf32>,
        %parallel_loop3A_622 = arith.constant 16 : i32
        %parallel_loop3A_623 = arith.muli %parallel_loop3A_207, %parallel_loop3A_622 : i32
        %parallel_loop3A_624 = arith.constant 37 : i32
        %parallel_loop3A_625 = arith.index_cast %parallel_loop3A_624 : i32 to index
        %parallel_loop3A_626 = arith.index_cast %parallel_loop3A_623 : i32 to index
        %parallel_loop3A_627 = tpu.vector_load %arg9[%parallel_loop3A_625, %parallel_loop3A_626] {strides = array<i32>} : memref<64x128xf32, #tpu.memory_space<vmem>>, vector<16xf32>,
        tpu.vector_store %arg9[%parallel_loop3A_625, %parallel_loop3A_626], %parallel_loop3A_621 {strides = array<i32>} : memref<64x128xf32, #tpu.memory_space<vmem>>, vector<16xf32>,
        %parallel_loop3A_628 = vector.broadcast %parallel_loop3A_209 : i32 to vector<16xi32>
        %parallel_loop3A_629 = arith.addi %parallel_loop3A_628, %iota3A : vector<16xi32>
        %parallel_loop3A_630 = arith.constant 38 : i32
        %parallel_loop3A_631 = vector.broadcast %parallel_loop3A_630 : i32 to vector<16xi32>
        %parallel_loop3A_632 = tpu.vector_load_idx %arg7[%parallel_loop3A_629, %parallel_loop3A_631] : memref<128x128xf32, #tpu.memory_space<vmem>>[vector<16xi32>, vector<16xi32>], vector<16xf32>,
        %parallel_loop3A_633 = arith.constant 16 : i32
        %parallel_loop3A_634 = arith.muli %parallel_loop3A_207, %parallel_loop3A_633 : i32
        %parallel_loop3A_635 = arith.constant 38 : i32
        %parallel_loop3A_636 = arith.index_cast %parallel_loop3A_635 : i32 to index
        %parallel_loop3A_637 = arith.index_cast %parallel_loop3A_634 : i32 to index
        %parallel_loop3A_638 = tpu.vector_load %arg9[%parallel_loop3A_636, %parallel_loop3A_637] {strides = array<i32>} : memref<64x128xf32, #tpu.memory_space<vmem>>, vector<16xf32>,
        tpu.vector_store %arg9[%parallel_loop3A_636, %parallel_loop3A_637], %parallel_loop3A_632 {strides = array<i32>} : memref<64x128xf32, #tpu.memory_space<vmem>>, vector<16xf32>,
        %parallel_loop3A_639 = vector.broadcast %parallel_loop3A_209 : i32 to vector<16xi32>
        %parallel_loop3A_640 = arith.addi %parallel_loop3A_639, %iota3A : vector<16xi32>
        %parallel_loop3A_641 = arith.constant 39 : i32
        %parallel_loop3A_642 = vector.broadcast %parallel_loop3A_641 : i32 to vector<16xi32>
        %parallel_loop3A_643 = tpu.vector_load_idx %arg7[%parallel_loop3A_640, %parallel_loop3A_642] : memref<128x128xf32, #tpu.memory_space<vmem>>[vector<16xi32>, vector<16xi32>], vector<16xf32>,
        %parallel_loop3A_644 = arith.constant 16 : i32
        %parallel_loop3A_645 = arith.muli %parallel_loop3A_207, %parallel_loop3A_644 : i32
        %parallel_loop3A_646 = arith.constant 39 : i32
        %parallel_loop3A_647 = arith.index_cast %parallel_loop3A_646 : i32 to index
        %parallel_loop3A_648 = arith.index_cast %parallel_loop3A_645 : i32 to index
        %parallel_loop3A_649 = tpu.vector_load %arg9[%parallel_loop3A_647, %parallel_loop3A_648] {strides = array<i32>} : memref<64x128xf32, #tpu.memory_space<vmem>>, vector<16xf32>,
        tpu.vector_store %arg9[%parallel_loop3A_647, %parallel_loop3A_648], %parallel_loop3A_643 {strides = array<i32>} : memref<64x128xf32, #tpu.memory_space<vmem>>, vector<16xf32>,
        %parallel_loop3A_650 = vector.broadcast %parallel_loop3A_209 : i32 to vector<16xi32>
        %parallel_loop3A_651 = arith.addi %parallel_loop3A_650, %iota3A : vector<16xi32>
        %parallel_loop3A_652 = arith.constant 40 : i32
        %parallel_loop3A_653 = vector.broadcast %parallel_loop3A_652 : i32 to vector<16xi32>
        %parallel_loop3A_654 = tpu.vector_load_idx %arg7[%parallel_loop3A_651, %parallel_loop3A_653] : memref<128x128xf32, #tpu.memory_space<vmem>>[vector<16xi32>, vector<16xi32>], vector<16xf32>,
        %parallel_loop3A_655 = arith.constant 16 : i32
        %parallel_loop3A_656 = arith.muli %parallel_loop3A_207, %parallel_loop3A_655 : i32
        %parallel_loop3A_657 = arith.constant 40 : i32
        %parallel_loop3A_658 = arith.index_cast %parallel_loop3A_657 : i32 to index
        %parallel_loop3A_659 = arith.index_cast %parallel_loop3A_656 : i32 to index
        %parallel_loop3A_660 = tpu.vector_load %arg9[%parallel_loop3A_658, %parallel_loop3A_659] {strides = array<i32>} : memref<64x128xf32, #tpu.memory_space<vmem>>, vector<16xf32>,
        tpu.vector_store %arg9[%parallel_loop3A_658, %parallel_loop3A_659], %parallel_loop3A_654 {strides = array<i32>} : memref<64x128xf32, #tpu.memory_space<vmem>>, vector<16xf32>,
        %parallel_loop3A_661 = vector.broadcast %parallel_loop3A_209 : i32 to vector<16xi32>
        %parallel_loop3A_662 = arith.addi %parallel_loop3A_661, %iota3A : vector<16xi32>
        %parallel_loop3A_663 = arith.constant 41 : i32
        %parallel_loop3A_664 = vector.broadcast %parallel_loop3A_663 : i32 to vector<16xi32>
        %parallel_loop3A_665 = tpu.vector_load_idx %arg7[%parallel_loop3A_662, %parallel_loop3A_664] : memref<128x128xf32, #tpu.memory_space<vmem>>[vector<16xi32>, vector<16xi32>], vector<16xf32>,
        %parallel_loop3A_666 = arith.constant 16 : i32
        %parallel_loop3A_667 = arith.muli %parallel_loop3A_207, %parallel_loop3A_666 : i32
        %parallel_loop3A_668 = arith.constant 41 : i32
        %parallel_loop3A_669 = arith.index_cast %parallel_loop3A_668 : i32 to index
        %parallel_loop3A_670 = arith.index_cast %parallel_loop3A_667 : i32 to index
        %parallel_loop3A_671 = tpu.vector_load %arg9[%parallel_loop3A_669, %parallel_loop3A_670] {strides = array<i32>} : memref<64x128xf32, #tpu.memory_space<vmem>>, vector<16xf32>,
        tpu.vector_store %arg9[%parallel_loop3A_669, %parallel_loop3A_670], %parallel_loop3A_665 {strides = array<i32>} : memref<64x128xf32, #tpu.memory_space<vmem>>, vector<16xf32>,
        %parallel_loop3A_672 = vector.broadcast %parallel_loop3A_209 : i32 to vector<16xi32>
        %parallel_loop3A_673 = arith.addi %parallel_loop3A_672, %iota3A : vector<16xi32>
        %parallel_loop3A_674 = arith.constant 42 : i32
        %parallel_loop3A_675 = vector.broadcast %parallel_loop3A_674 : i32 to vector<16xi32>
        %parallel_loop3A_676 = tpu.vector_load_idx %arg7[%parallel_loop3A_673, %parallel_loop3A_675] : memref<128x128xf32, #tpu.memory_space<vmem>>[vector<16xi32>, vector<16xi32>], vector<16xf32>,
        %parallel_loop3A_677 = arith.constant 16 : i32
        %parallel_loop3A_678 = arith.muli %parallel_loop3A_207, %parallel_loop3A_677 : i32
        %parallel_loop3A_679 = arith.constant 42 : i32
        %parallel_loop3A_680 = arith.index_cast %parallel_loop3A_679 : i32 to index
        %parallel_loop3A_681 = arith.index_cast %parallel_loop3A_678 : i32 to index
        %parallel_loop3A_682 = tpu.vector_load %arg9[%parallel_loop3A_680, %parallel_loop3A_681] {strides = array<i32>} : memref<64x128xf32, #tpu.memory_space<vmem>>, vector<16xf32>,
        tpu.vector_store %arg9[%parallel_loop3A_680, %parallel_loop3A_681], %parallel_loop3A_676 {strides = array<i32>} : memref<64x128xf32, #tpu.memory_space<vmem>>, vector<16xf32>,
        %parallel_loop3A_683 = vector.broadcast %parallel_loop3A_209 : i32 to vector<16xi32>
        %parallel_loop3A_684 = arith.addi %parallel_loop3A_683, %iota3A : vector<16xi32>
        %parallel_loop3A_685 = arith.constant 43 : i32
        %parallel_loop3A_686 = vector.broadcast %parallel_loop3A_685 : i32 to vector<16xi32>
        %parallel_loop3A_687 = tpu.vector_load_idx %arg7[%parallel_loop3A_684, %parallel_loop3A_686] : memref<128x128xf32, #tpu.memory_space<vmem>>[vector<16xi32>, vector<16xi32>], vector<16xf32>,
        %parallel_loop3A_688 = arith.constant 16 : i32
        %parallel_loop3A_689 = arith.muli %parallel_loop3A_207, %parallel_loop3A_688 : i32
        %parallel_loop3A_690 = arith.constant 43 : i32
        %parallel_loop3A_691 = arith.index_cast %parallel_loop3A_690 : i32 to index
        %parallel_loop3A_692 = arith.index_cast %parallel_loop3A_689 : i32 to index
        %parallel_loop3A_693 = tpu.vector_load %arg9[%parallel_loop3A_691, %parallel_loop3A_692] {strides = array<i32>} : memref<64x128xf32, #tpu.memory_space<vmem>>, vector<16xf32>,
        tpu.vector_store %arg9[%parallel_loop3A_691, %parallel_loop3A_692], %parallel_loop3A_687 {strides = array<i32>} : memref<64x128xf32, #tpu.memory_space<vmem>>, vector<16xf32>,
        %parallel_loop3A_694 = vector.broadcast %parallel_loop3A_209 : i32 to vector<16xi32>
        %parallel_loop3A_695 = arith.addi %parallel_loop3A_694, %iota3A : vector<16xi32>
        %parallel_loop3A_696 = arith.constant 44 : i32
        %parallel_loop3A_697 = vector.broadcast %parallel_loop3A_696 : i32 to vector<16xi32>
        %parallel_loop3A_698 = tpu.vector_load_idx %arg7[%parallel_loop3A_695, %parallel_loop3A_697] : memref<128x128xf32, #tpu.memory_space<vmem>>[vector<16xi32>, vector<16xi32>], vector<16xf32>,
        %parallel_loop3A_699 = arith.constant 16 : i32
        %parallel_loop3A_700 = arith.muli %parallel_loop3A_207, %parallel_loop3A_699 : i32
        %parallel_loop3A_701 = arith.constant 44 : i32
        %parallel_loop3A_702 = arith.index_cast %parallel_loop3A_701 : i32 to index
        %parallel_loop3A_703 = arith.index_cast %parallel_loop3A_700 : i32 to index
        %parallel_loop3A_704 = tpu.vector_load %arg9[%parallel_loop3A_702, %parallel_loop3A_703] {strides = array<i32>} : memref<64x128xf32, #tpu.memory_space<vmem>>, vector<16xf32>,
        tpu.vector_store %arg9[%parallel_loop3A_702, %parallel_loop3A_703], %parallel_loop3A_698 {strides = array<i32>} : memref<64x128xf32, #tpu.memory_space<vmem>>, vector<16xf32>,
        %parallel_loop3A_705 = vector.broadcast %parallel_loop3A_209 : i32 to vector<16xi32>
        %parallel_loop3A_706 = arith.addi %parallel_loop3A_705, %iota3A : vector<16xi32>
        %parallel_loop3A_707 = arith.constant 45 : i32
        %parallel_loop3A_708 = vector.broadcast %parallel_loop3A_707 : i32 to vector<16xi32>
        %parallel_loop3A_709 = tpu.vector_load_idx %arg7[%parallel_loop3A_706, %parallel_loop3A_708] : memref<128x128xf32, #tpu.memory_space<vmem>>[vector<16xi32>, vector<16xi32>], vector<16xf32>,
        %parallel_loop3A_710 = arith.constant 16 : i32
        %parallel_loop3A_711 = arith.muli %parallel_loop3A_207, %parallel_loop3A_710 : i32
        %parallel_loop3A_712 = arith.constant 45 : i32
        %parallel_loop3A_713 = arith.index_cast %parallel_loop3A_712 : i32 to index
        %parallel_loop3A_714 = arith.index_cast %parallel_loop3A_711 : i32 to index
        %parallel_loop3A_715 = tpu.vector_load %arg9[%parallel_loop3A_713, %parallel_loop3A_714] {strides = array<i32>} : memref<64x128xf32, #tpu.memory_space<vmem>>, vector<16xf32>,
        tpu.vector_store %arg9[%parallel_loop3A_713, %parallel_loop3A_714], %parallel_loop3A_709 {strides = array<i32>} : memref<64x128xf32, #tpu.memory_space<vmem>>, vector<16xf32>,
        %parallel_loop3A_716 = vector.broadcast %parallel_loop3A_209 : i32 to vector<16xi32>
        %parallel_loop3A_717 = arith.addi %parallel_loop3A_716, %iota3A : vector<16xi32>
        %parallel_loop3A_718 = arith.constant 46 : i32
        %parallel_loop3A_719 = vector.broadcast %parallel_loop3A_718 : i32 to vector<16xi32>
        %parallel_loop3A_720 = tpu.vector_load_idx %arg7[%parallel_loop3A_717, %parallel_loop3A_719] : memref<128x128xf32, #tpu.memory_space<vmem>>[vector<16xi32>, vector<16xi32>], vector<16xf32>,
        %parallel_loop3A_721 = arith.constant 16 : i32
        %parallel_loop3A_722 = arith.muli %parallel_loop3A_207, %parallel_loop3A_721 : i32
        %parallel_loop3A_723 = arith.constant 46 : i32
        %parallel_loop3A_724 = arith.index_cast %parallel_loop3A_723 : i32 to index
        %parallel_loop3A_725 = arith.index_cast %parallel_loop3A_722 : i32 to index
        %parallel_loop3A_726 = tpu.vector_load %arg9[%parallel_loop3A_724, %parallel_loop3A_725] {strides = array<i32>} : memref<64x128xf32, #tpu.memory_space<vmem>>, vector<16xf32>,
        tpu.vector_store %arg9[%parallel_loop3A_724, %parallel_loop3A_725], %parallel_loop3A_720 {strides = array<i32>} : memref<64x128xf32, #tpu.memory_space<vmem>>, vector<16xf32>,
        %parallel_loop3A_727 = vector.broadcast %parallel_loop3A_209 : i32 to vector<16xi32>
        %parallel_loop3A_728 = arith.addi %parallel_loop3A_727, %iota3A : vector<16xi32>
        %parallel_loop3A_729 = arith.constant 47 : i32
        %parallel_loop3A_730 = vector.broadcast %parallel_loop3A_729 : i32 to vector<16xi32>
        %parallel_loop3A_731 = tpu.vector_load_idx %arg7[%parallel_loop3A_728, %parallel_loop3A_730] : memref<128x128xf32, #tpu.memory_space<vmem>>[vector<16xi32>, vector<16xi32>], vector<16xf32>,
        %parallel_loop3A_732 = arith.constant 16 : i32
        %parallel_loop3A_733 = arith.muli %parallel_loop3A_207, %parallel_loop3A_732 : i32
        %parallel_loop3A_734 = arith.constant 47 : i32
        %parallel_loop3A_735 = arith.index_cast %parallel_loop3A_734 : i32 to index
        %parallel_loop3A_736 = arith.index_cast %parallel_loop3A_733 : i32 to index
        %parallel_loop3A_737 = tpu.vector_load %arg9[%parallel_loop3A_735, %parallel_loop3A_736] {strides = array<i32>} : memref<64x128xf32, #tpu.memory_space<vmem>>, vector<16xf32>,
        tpu.vector_store %arg9[%parallel_loop3A_735, %parallel_loop3A_736], %parallel_loop3A_731 {strides = array<i32>} : memref<64x128xf32, #tpu.memory_space<vmem>>, vector<16xf32>,
        %parallel_loop3A_738 = vector.broadcast %parallel_loop3A_209 : i32 to vector<16xi32>
        %parallel_loop3A_739 = arith.addi %parallel_loop3A_738, %iota3A : vector<16xi32>
        %parallel_loop3A_740 = arith.constant 48 : i32
        %parallel_loop3A_741 = vector.broadcast %parallel_loop3A_740 : i32 to vector<16xi32>
        %parallel_loop3A_742 = tpu.vector_load_idx %arg7[%parallel_loop3A_739, %parallel_loop3A_741] : memref<128x128xf32, #tpu.memory_space<vmem>>[vector<16xi32>, vector<16xi32>], vector<16xf32>,
        %parallel_loop3A_743 = arith.constant 16 : i32
        %parallel_loop3A_744 = arith.muli %parallel_loop3A_207, %parallel_loop3A_743 : i32
        %parallel_loop3A_745 = arith.constant 48 : i32
        %parallel_loop3A_746 = arith.index_cast %parallel_loop3A_745 : i32 to index
        %parallel_loop3A_747 = arith.index_cast %parallel_loop3A_744 : i32 to index
        %parallel_loop3A_748 = tpu.vector_load %arg9[%parallel_loop3A_746, %parallel_loop3A_747] {strides = array<i32>} : memref<64x128xf32, #tpu.memory_space<vmem>>, vector<16xf32>,
        tpu.vector_store %arg9[%parallel_loop3A_746, %parallel_loop3A_747], %parallel_loop3A_742 {strides = array<i32>} : memref<64x128xf32, #tpu.memory_space<vmem>>, vector<16xf32>,
        %parallel_loop3A_749 = vector.broadcast %parallel_loop3A_209 : i32 to vector<16xi32>
        %parallel_loop3A_750 = arith.addi %parallel_loop3A_749, %iota3A : vector<16xi32>
        %parallel_loop3A_751 = arith.constant 49 : i32
        %parallel_loop3A_752 = vector.broadcast %parallel_loop3A_751 : i32 to vector<16xi32>
        %parallel_loop3A_753 = tpu.vector_load_idx %arg7[%parallel_loop3A_750, %parallel_loop3A_752] : memref<128x128xf32, #tpu.memory_space<vmem>>[vector<16xi32>, vector<16xi32>], vector<16xf32>,
        %parallel_loop3A_754 = arith.constant 16 : i32
        %parallel_loop3A_755 = arith.muli %parallel_loop3A_207, %parallel_loop3A_754 : i32
        %parallel_loop3A_756 = arith.constant 49 : i32
        %parallel_loop3A_757 = arith.index_cast %parallel_loop3A_756 : i32 to index
        %parallel_loop3A_758 = arith.index_cast %parallel_loop3A_755 : i32 to index
        %parallel_loop3A_759 = tpu.vector_load %arg9[%parallel_loop3A_757, %parallel_loop3A_758] {strides = array<i32>} : memref<64x128xf32, #tpu.memory_space<vmem>>, vector<16xf32>,
        tpu.vector_store %arg9[%parallel_loop3A_757, %parallel_loop3A_758], %parallel_loop3A_753 {strides = array<i32>} : memref<64x128xf32, #tpu.memory_space<vmem>>, vector<16xf32>,
        %parallel_loop3A_760 = vector.broadcast %parallel_loop3A_209 : i32 to vector<16xi32>
        %parallel_loop3A_761 = arith.addi %parallel_loop3A_760, %iota3A : vector<16xi32>
        %parallel_loop3A_762 = arith.constant 50 : i32
        %parallel_loop3A_763 = vector.broadcast %parallel_loop3A_762 : i32 to vector<16xi32>
        %parallel_loop3A_764 = tpu.vector_load_idx %arg7[%parallel_loop3A_761, %parallel_loop3A_763] : memref<128x128xf32, #tpu.memory_space<vmem>>[vector<16xi32>, vector<16xi32>], vector<16xf32>,
        %parallel_loop3A_765 = arith.constant 16 : i32
        %parallel_loop3A_766 = arith.muli %parallel_loop3A_207, %parallel_loop3A_765 : i32
        %parallel_loop3A_767 = arith.constant 50 : i32
        %parallel_loop3A_768 = arith.index_cast %parallel_loop3A_767 : i32 to index
        %parallel_loop3A_769 = arith.index_cast %parallel_loop3A_766 : i32 to index
        %parallel_loop3A_770 = tpu.vector_load %arg9[%parallel_loop3A_768, %parallel_loop3A_769] {strides = array<i32>} : memref<64x128xf32, #tpu.memory_space<vmem>>, vector<16xf32>,
        tpu.vector_store %arg9[%parallel_loop3A_768, %parallel_loop3A_769], %parallel_loop3A_764 {strides = array<i32>} : memref<64x128xf32, #tpu.memory_space<vmem>>, vector<16xf32>,
        %parallel_loop3A_771 = vector.broadcast %parallel_loop3A_209 : i32 to vector<16xi32>
        %parallel_loop3A_772 = arith.addi %parallel_loop3A_771, %iota3A : vector<16xi32>
        %parallel_loop3A_773 = arith.constant 51 : i32
        %parallel_loop3A_774 = vector.broadcast %parallel_loop3A_773 : i32 to vector<16xi32>
        %parallel_loop3A_775 = tpu.vector_load_idx %arg7[%parallel_loop3A_772, %parallel_loop3A_774] : memref<128x128xf32, #tpu.memory_space<vmem>>[vector<16xi32>, vector<16xi32>], vector<16xf32>,
        %parallel_loop3A_776 = arith.constant 16 : i32
        %parallel_loop3A_777 = arith.muli %parallel_loop3A_207, %parallel_loop3A_776 : i32
        %parallel_loop3A_778 = arith.constant 51 : i32
        %parallel_loop3A_779 = arith.index_cast %parallel_loop3A_778 : i32 to index
        %parallel_loop3A_780 = arith.index_cast %parallel_loop3A_777 : i32 to index
        %parallel_loop3A_781 = tpu.vector_load %arg9[%parallel_loop3A_779, %parallel_loop3A_780] {strides = array<i32>} : memref<64x128xf32, #tpu.memory_space<vmem>>, vector<16xf32>,
        tpu.vector_store %arg9[%parallel_loop3A_779, %parallel_loop3A_780], %parallel_loop3A_775 {strides = array<i32>} : memref<64x128xf32, #tpu.memory_space<vmem>>, vector<16xf32>,
        %parallel_loop3A_782 = vector.broadcast %parallel_loop3A_209 : i32 to vector<16xi32>
        %parallel_loop3A_783 = arith.addi %parallel_loop3A_782, %iota3A : vector<16xi32>
        %parallel_loop3A_784 = arith.constant 52 : i32
        %parallel_loop3A_785 = vector.broadcast %parallel_loop3A_784 : i32 to vector<16xi32>
        %parallel_loop3A_786 = tpu.vector_load_idx %arg7[%parallel_loop3A_783, %parallel_loop3A_785] : memref<128x128xf32, #tpu.memory_space<vmem>>[vector<16xi32>, vector<16xi32>], vector<16xf32>,
        %parallel_loop3A_787 = arith.constant 16 : i32
        %parallel_loop3A_788 = arith.muli %parallel_loop3A_207, %parallel_loop3A_787 : i32
        %parallel_loop3A_789 = arith.constant 52 : i32
        %parallel_loop3A_790 = arith.index_cast %parallel_loop3A_789 : i32 to index
        %parallel_loop3A_791 = arith.index_cast %parallel_loop3A_788 : i32 to index
        %parallel_loop3A_792 = tpu.vector_load %arg9[%parallel_loop3A_790, %parallel_loop3A_791] {strides = array<i32>} : memref<64x128xf32, #tpu.memory_space<vmem>>, vector<16xf32>,
        tpu.vector_store %arg9[%parallel_loop3A_790, %parallel_loop3A_791], %parallel_loop3A_786 {strides = array<i32>} : memref<64x128xf32, #tpu.memory_space<vmem>>, vector<16xf32>,
        %parallel_loop3A_793 = vector.broadcast %parallel_loop3A_209 : i32 to vector<16xi32>
        %parallel_loop3A_794 = arith.addi %parallel_loop3A_793, %iota3A : vector<16xi32>
        %parallel_loop3A_795 = arith.constant 53 : i32
        %parallel_loop3A_796 = vector.broadcast %parallel_loop3A_795 : i32 to vector<16xi32>
        %parallel_loop3A_797 = tpu.vector_load_idx %arg7[%parallel_loop3A_794, %parallel_loop3A_796] : memref<128x128xf32, #tpu.memory_space<vmem>>[vector<16xi32>, vector<16xi32>], vector<16xf32>,
        %parallel_loop3A_798 = arith.constant 16 : i32
        %parallel_loop3A_799 = arith.muli %parallel_loop3A_207, %parallel_loop3A_798 : i32
        %parallel_loop3A_800 = arith.constant 53 : i32
        %parallel_loop3A_801 = arith.index_cast %parallel_loop3A_800 : i32 to index
        %parallel_loop3A_802 = arith.index_cast %parallel_loop3A_799 : i32 to index
        %parallel_loop3A_803 = tpu.vector_load %arg9[%parallel_loop3A_801, %parallel_loop3A_802] {strides = array<i32>} : memref<64x128xf32, #tpu.memory_space<vmem>>, vector<16xf32>,
        tpu.vector_store %arg9[%parallel_loop3A_801, %parallel_loop3A_802], %parallel_loop3A_797 {strides = array<i32>} : memref<64x128xf32, #tpu.memory_space<vmem>>, vector<16xf32>,
        %parallel_loop3A_804 = vector.broadcast %parallel_loop3A_209 : i32 to vector<16xi32>
        %parallel_loop3A_805 = arith.addi %parallel_loop3A_804, %iota3A : vector<16xi32>
        %parallel_loop3A_806 = arith.constant 54 : i32
        %parallel_loop3A_807 = vector.broadcast %parallel_loop3A_806 : i32 to vector<16xi32>
        %parallel_loop3A_808 = tpu.vector_load_idx %arg7[%parallel_loop3A_805, %parallel_loop3A_807] : memref<128x128xf32, #tpu.memory_space<vmem>>[vector<16xi32>, vector<16xi32>], vector<16xf32>,
        %parallel_loop3A_809 = arith.constant 16 : i32
        %parallel_loop3A_810 = arith.muli %parallel_loop3A_207, %parallel_loop3A_809 : i32
        %parallel_loop3A_811 = arith.constant 54 : i32
        %parallel_loop3A_812 = arith.index_cast %parallel_loop3A_811 : i32 to index
        %parallel_loop3A_813 = arith.index_cast %parallel_loop3A_810 : i32 to index
        %parallel_loop3A_814 = tpu.vector_load %arg9[%parallel_loop3A_812, %parallel_loop3A_813] {strides = array<i32>} : memref<64x128xf32, #tpu.memory_space<vmem>>, vector<16xf32>,
        tpu.vector_store %arg9[%parallel_loop3A_812, %parallel_loop3A_813], %parallel_loop3A_808 {strides = array<i32>} : memref<64x128xf32, #tpu.memory_space<vmem>>, vector<16xf32>,
        %parallel_loop3A_815 = vector.broadcast %parallel_loop3A_209 : i32 to vector<16xi32>
        %parallel_loop3A_816 = arith.addi %parallel_loop3A_815, %iota3A : vector<16xi32>
        %parallel_loop3A_817 = arith.constant 55 : i32
        %parallel_loop3A_818 = vector.broadcast %parallel_loop3A_817 : i32 to vector<16xi32>
        %parallel_loop3A_819 = tpu.vector_load_idx %arg7[%parallel_loop3A_816, %parallel_loop3A_818] : memref<128x128xf32, #tpu.memory_space<vmem>>[vector<16xi32>, vector<16xi32>], vector<16xf32>,
        %parallel_loop3A_820 = arith.constant 16 : i32
        %parallel_loop3A_821 = arith.muli %parallel_loop3A_207, %parallel_loop3A_820 : i32
        %parallel_loop3A_822 = arith.constant 55 : i32
        %parallel_loop3A_823 = arith.index_cast %parallel_loop3A_822 : i32 to index
        %parallel_loop3A_824 = arith.index_cast %parallel_loop3A_821 : i32 to index
        %parallel_loop3A_825 = tpu.vector_load %arg9[%parallel_loop3A_823, %parallel_loop3A_824] {strides = array<i32>} : memref<64x128xf32, #tpu.memory_space<vmem>>, vector<16xf32>,
        tpu.vector_store %arg9[%parallel_loop3A_823, %parallel_loop3A_824], %parallel_loop3A_819 {strides = array<i32>} : memref<64x128xf32, #tpu.memory_space<vmem>>, vector<16xf32>,
        %parallel_loop3A_826 = vector.broadcast %parallel_loop3A_209 : i32 to vector<16xi32>
        %parallel_loop3A_827 = arith.addi %parallel_loop3A_826, %iota3A : vector<16xi32>
        %parallel_loop3A_828 = arith.constant 56 : i32
        %parallel_loop3A_829 = vector.broadcast %parallel_loop3A_828 : i32 to vector<16xi32>
        %parallel_loop3A_830 = tpu.vector_load_idx %arg7[%parallel_loop3A_827, %parallel_loop3A_829] : memref<128x128xf32, #tpu.memory_space<vmem>>[vector<16xi32>, vector<16xi32>], vector<16xf32>,
        %parallel_loop3A_831 = arith.constant 16 : i32
        %parallel_loop3A_832 = arith.muli %parallel_loop3A_207, %parallel_loop3A_831 : i32
        %parallel_loop3A_833 = arith.constant 56 : i32
        %parallel_loop3A_834 = arith.index_cast %parallel_loop3A_833 : i32 to index
        %parallel_loop3A_835 = arith.index_cast %parallel_loop3A_832 : i32 to index
        %parallel_loop3A_836 = tpu.vector_load %arg9[%parallel_loop3A_834, %parallel_loop3A_835] {strides = array<i32>} : memref<64x128xf32, #tpu.memory_space<vmem>>, vector<16xf32>,
        tpu.vector_store %arg9[%parallel_loop3A_834, %parallel_loop3A_835], %parallel_loop3A_830 {strides = array<i32>} : memref<64x128xf32, #tpu.memory_space<vmem>>, vector<16xf32>,
        %parallel_loop3A_837 = vector.broadcast %parallel_loop3A_209 : i32 to vector<16xi32>
        %parallel_loop3A_838 = arith.addi %parallel_loop3A_837, %iota3A : vector<16xi32>
        %parallel_loop3A_839 = arith.constant 57 : i32
        %parallel_loop3A_840 = vector.broadcast %parallel_loop3A_839 : i32 to vector<16xi32>
        %parallel_loop3A_841 = tpu.vector_load_idx %arg7[%parallel_loop3A_838, %parallel_loop3A_840] : memref<128x128xf32, #tpu.memory_space<vmem>>[vector<16xi32>, vector<16xi32>], vector<16xf32>,
        %parallel_loop3A_842 = arith.constant 16 : i32
        %parallel_loop3A_843 = arith.muli %parallel_loop3A_207, %parallel_loop3A_842 : i32
        %parallel_loop3A_844 = arith.constant 57 : i32
        %parallel_loop3A_845 = arith.index_cast %parallel_loop3A_844 : i32 to index
        %parallel_loop3A_846 = arith.index_cast %parallel_loop3A_843 : i32 to index
        %parallel_loop3A_847 = tpu.vector_load %arg9[%parallel_loop3A_845, %parallel_loop3A_846] {strides = array<i32>} : memref<64x128xf32, #tpu.memory_space<vmem>>, vector<16xf32>,
        tpu.vector_store %arg9[%parallel_loop3A_845, %parallel_loop3A_846], %parallel_loop3A_841 {strides = array<i32>} : memref<64x128xf32, #tpu.memory_space<vmem>>, vector<16xf32>,
        %parallel_loop3A_848 = vector.broadcast %parallel_loop3A_209 : i32 to vector<16xi32>
        %parallel_loop3A_849 = arith.addi %parallel_loop3A_848, %iota3A : vector<16xi32>
        %parallel_loop3A_850 = arith.constant 58 : i32
        %parallel_loop3A_851 = vector.broadcast %parallel_loop3A_850 : i32 to vector<16xi32>
        %parallel_loop3A_852 = tpu.vector_load_idx %arg7[%parallel_loop3A_849, %parallel_loop3A_851] : memref<128x128xf32, #tpu.memory_space<vmem>>[vector<16xi32>, vector<16xi32>], vector<16xf32>,
        %parallel_loop3A_853 = arith.constant 16 : i32
        %parallel_loop3A_854 = arith.muli %parallel_loop3A_207, %parallel_loop3A_853 : i32
        %parallel_loop3A_855 = arith.constant 58 : i32
        %parallel_loop3A_856 = arith.index_cast %parallel_loop3A_855 : i32 to index
        %parallel_loop3A_857 = arith.index_cast %parallel_loop3A_854 : i32 to index
        %parallel_loop3A_858 = tpu.vector_load %arg9[%parallel_loop3A_856, %parallel_loop3A_857] {strides = array<i32>} : memref<64x128xf32, #tpu.memory_space<vmem>>, vector<16xf32>,
        tpu.vector_store %arg9[%parallel_loop3A_856, %parallel_loop3A_857], %parallel_loop3A_852 {strides = array<i32>} : memref<64x128xf32, #tpu.memory_space<vmem>>, vector<16xf32>,
        %parallel_loop3A_859 = vector.broadcast %parallel_loop3A_209 : i32 to vector<16xi32>
        %parallel_loop3A_860 = arith.addi %parallel_loop3A_859, %iota3A : vector<16xi32>
        %parallel_loop3A_861 = arith.constant 59 : i32
        %parallel_loop3A_862 = vector.broadcast %parallel_loop3A_861 : i32 to vector<16xi32>
        %parallel_loop3A_863 = tpu.vector_load_idx %arg7[%parallel_loop3A_860, %parallel_loop3A_862] : memref<128x128xf32, #tpu.memory_space<vmem>>[vector<16xi32>, vector<16xi32>], vector<16xf32>,
        %parallel_loop3A_864 = arith.constant 16 : i32
        %parallel_loop3A_865 = arith.muli %parallel_loop3A_207, %parallel_loop3A_864 : i32
        %parallel_loop3A_866 = arith.constant 59 : i32
        %parallel_loop3A_867 = arith.index_cast %parallel_loop3A_866 : i32 to index
        %parallel_loop3A_868 = arith.index_cast %parallel_loop3A_865 : i32 to index
        %parallel_loop3A_869 = tpu.vector_load %arg9[%parallel_loop3A_867, %parallel_loop3A_868] {strides = array<i32>} : memref<64x128xf32, #tpu.memory_space<vmem>>, vector<16xf32>,
        tpu.vector_store %arg9[%parallel_loop3A_867, %parallel_loop3A_868], %parallel_loop3A_863 {strides = array<i32>} : memref<64x128xf32, #tpu.memory_space<vmem>>, vector<16xf32>,
        %parallel_loop3A_870 = vector.broadcast %parallel_loop3A_209 : i32 to vector<16xi32>
        %parallel_loop3A_871 = arith.addi %parallel_loop3A_870, %iota3A : vector<16xi32>
        %parallel_loop3A_872 = arith.constant 60 : i32
        %parallel_loop3A_873 = vector.broadcast %parallel_loop3A_872 : i32 to vector<16xi32>
        %parallel_loop3A_874 = tpu.vector_load_idx %arg7[%parallel_loop3A_871, %parallel_loop3A_873] : memref<128x128xf32, #tpu.memory_space<vmem>>[vector<16xi32>, vector<16xi32>], vector<16xf32>,
        %parallel_loop3A_875 = arith.constant 16 : i32
        %parallel_loop3A_876 = arith.muli %parallel_loop3A_207, %parallel_loop3A_875 : i32
        %parallel_loop3A_877 = arith.constant 60 : i32
        %parallel_loop3A_878 = arith.index_cast %parallel_loop3A_877 : i32 to index
        %parallel_loop3A_879 = arith.index_cast %parallel_loop3A_876 : i32 to index
        %parallel_loop3A_880 = tpu.vector_load %arg9[%parallel_loop3A_878, %parallel_loop3A_879] {strides = array<i32>} : memref<64x128xf32, #tpu.memory_space<vmem>>, vector<16xf32>,
        tpu.vector_store %arg9[%parallel_loop3A_878, %parallel_loop3A_879], %parallel_loop3A_874 {strides = array<i32>} : memref<64x128xf32, #tpu.memory_space<vmem>>, vector<16xf32>,
        %parallel_loop3A_881 = vector.broadcast %parallel_loop3A_209 : i32 to vector<16xi32>
        %parallel_loop3A_882 = arith.addi %parallel_loop3A_881, %iota3A : vector<16xi32>
        %parallel_loop3A_883 = arith.constant 61 : i32
        %parallel_loop3A_884 = vector.broadcast %parallel_loop3A_883 : i32 to vector<16xi32>
        %parallel_loop3A_885 = tpu.vector_load_idx %arg7[%parallel_loop3A_882, %parallel_loop3A_884] : memref<128x128xf32, #tpu.memory_space<vmem>>[vector<16xi32>, vector<16xi32>], vector<16xf32>,
        %parallel_loop3A_886 = arith.constant 16 : i32
        %parallel_loop3A_887 = arith.muli %parallel_loop3A_207, %parallel_loop3A_886 : i32
        %parallel_loop3A_888 = arith.constant 61 : i32
        %parallel_loop3A_889 = arith.index_cast %parallel_loop3A_888 : i32 to index
        %parallel_loop3A_890 = arith.index_cast %parallel_loop3A_887 : i32 to index
        %parallel_loop3A_891 = tpu.vector_load %arg9[%parallel_loop3A_889, %parallel_loop3A_890] {strides = array<i32>} : memref<64x128xf32, #tpu.memory_space<vmem>>, vector<16xf32>,
        tpu.vector_store %arg9[%parallel_loop3A_889, %parallel_loop3A_890], %parallel_loop3A_885 {strides = array<i32>} : memref<64x128xf32, #tpu.memory_space<vmem>>, vector<16xf32>,
        %parallel_loop3A_892 = vector.broadcast %parallel_loop3A_209 : i32 to vector<16xi32>
        %parallel_loop3A_893 = arith.addi %parallel_loop3A_892, %iota3A : vector<16xi32>
        %parallel_loop3A_894 = arith.constant 62 : i32
        %parallel_loop3A_895 = vector.broadcast %parallel_loop3A_894 : i32 to vector<16xi32>
        %parallel_loop3A_896 = tpu.vector_load_idx %arg7[%parallel_loop3A_893, %parallel_loop3A_895] : memref<128x128xf32, #tpu.memory_space<vmem>>[vector<16xi32>, vector<16xi32>], vector<16xf32>,
        %parallel_loop3A_897 = arith.constant 16 : i32
        %parallel_loop3A_898 = arith.muli %parallel_loop3A_207, %parallel_loop3A_897 : i32
        %parallel_loop3A_899 = arith.constant 62 : i32
        %parallel_loop3A_900 = arith.index_cast %parallel_loop3A_899 : i32 to index
        %parallel_loop3A_901 = arith.index_cast %parallel_loop3A_898 : i32 to index
        %parallel_loop3A_902 = tpu.vector_load %arg9[%parallel_loop3A_900, %parallel_loop3A_901] {strides = array<i32>} : memref<64x128xf32, #tpu.memory_space<vmem>>, vector<16xf32>,
        tpu.vector_store %arg9[%parallel_loop3A_900, %parallel_loop3A_901], %parallel_loop3A_896 {strides = array<i32>} : memref<64x128xf32, #tpu.memory_space<vmem>>, vector<16xf32>,
        %parallel_loop3A_903 = vector.broadcast %parallel_loop3A_209 : i32 to vector<16xi32>
        %parallel_loop3A_904 = arith.addi %parallel_loop3A_903, %iota3A : vector<16xi32>
        %parallel_loop3A_905 = arith.constant 63 : i32
        %parallel_loop3A_906 = vector.broadcast %parallel_loop3A_905 : i32 to vector<16xi32>
        %parallel_loop3A_907 = tpu.vector_load_idx %arg7[%parallel_loop3A_904, %parallel_loop3A_906] : memref<128x128xf32, #tpu.memory_space<vmem>>[vector<16xi32>, vector<16xi32>], vector<16xf32>,
        %parallel_loop3A_908 = arith.constant 16 : i32
        %parallel_loop3A_909 = arith.muli %parallel_loop3A_207, %parallel_loop3A_908 : i32
        %parallel_loop3A_910 = arith.constant 63 : i32
        %parallel_loop3A_911 = arith.index_cast %parallel_loop3A_910 : i32 to index
        %parallel_loop3A_912 = arith.index_cast %parallel_loop3A_909 : i32 to index
        %parallel_loop3A_913 = tpu.vector_load %arg9[%parallel_loop3A_911, %parallel_loop3A_912] {strides = array<i32>} : memref<64x128xf32, #tpu.memory_space<vmem>>, vector<16xf32>,
        tpu.vector_store %arg9[%parallel_loop3A_911, %parallel_loop3A_912], %parallel_loop3A_907 {strides = array<i32>} : memref<64x128xf32, #tpu.memory_space<vmem>>, vector<16xf32>,
      } {sc.loop_unroll_factor = 2 : i64, sc.parallel_access}
      %jit3A_158 = arith.constant 4 : i32
      %div3A_159 = arith.divsi %add3A_137, %jit3A_158 : i32
      %sign3A_160 = arith.constant 0 : i32
      %sign3A_161 = arith.cmpi sgt, %add3A_137, %sign3A_160 : i32
      %sign3A_162 = arith.extui %sign3A_161 : i1 to i32
      %sign3A_163 = arith.constant 0 : i32
      %sign3A_164 = arith.cmpi slt, %add3A_137, %sign3A_163 : i32
      %sign3A_165 = arith.extui %sign3A_164 : i1 to i32
      %sign3A_166 = arith.subi %sign3A_162, %sign3A_165 : i32
      %sign3A_167 = arith.constant 0 : i32
      %sign3A_168 = arith.cmpi sgt, %jit3A_158, %sign3A_167 : i32
      %sign3A_169 = arith.extui %sign3A_168 : i1 to i32
      %sign3A_170 = arith.constant 0 : i32
      %sign3A_171 = arith.cmpi slt, %jit3A_158, %sign3A_170 : i32
      %sign3A_172 = arith.extui %sign3A_171 : i1 to i32
      %sign3A_173 = arith.subi %sign3A_169, %sign3A_172 : i32
      %ne3A_174 = arith.cmpi ne, %sign3A_166, %sign3A_173 : i32
      %rem3A_175 = arith.remsi %add3A_137, %jit3A_158 : i32
      %ne3A_176 = arith.constant 0 : i32
      %ne3A_177 = arith.cmpi ne, %rem3A_175, %ne3A_176 : i32
      %and3A_178 = arith.andi %ne3A_174, %ne3A_177 : i1
      %sub3A_179 = arith.constant 1 : i32
      %sub3A_180 = arith.subi %div3A_159, %sub3A_179 : i32
      %select_n3A_181 = arith.select %and3A_178, %sub3A_180, %div3A_159 : i32
      %jit3A_182 = arith.constant 4 : i32
      %eq3A_183 = arith.constant 0 : i32
      %eq3A_184 = arith.cmpi eq, %jit3A_182, %eq3A_183 : i32
      %jit3A_185 = arith.constant 1 : i32
      %select_n3A_186 = arith.select %eq3A_184, %jit3A_185, %jit3A_182 : i32
      %rem3A_187 = arith.remsi %add3A_137, %select_n3A_186 : i32
      %ne3A_188 = arith.constant 0 : i32
      %ne3A_189 = arith.cmpi ne, %rem3A_187, %ne3A_188 : i32
      %lt3A_190 = arith.constant 0 : i32
      %lt3A_191 = arith.cmpi slt, %rem3A_187, %lt3A_190 : i32
      %lt3A_192 = arith.constant 0 : i32
      %lt3A_193 = arith.cmpi slt, %select_n3A_186, %lt3A_192 : i32
      %ne3A_194 = arith.xori %lt3A_191, %lt3A_193 : i1
      %and3A_195 = arith.andi %ne3A_194, %ne3A_189 : i1
      %add3A_196 = arith.addi %rem3A_187, %select_n3A_186 : i32
      %select_n3A_197 = arith.select %and3A_195, %add3A_196, %rem3A_187 : i32
      %mul3A_198 = arith.constant 128 : i32
      %mul3A_199 = arith.muli %select_n3A_197, %mul3A_198 : i32
      %add3A_200 = arith.addi %mul3A_2, %mul3A_199 : i32
      %dma_start3A_201 = arith.constant 0 : i32
      %dma_start3A_202 = tpu.memref_slice %arg4[%select_n3A_181, %dma_start3A_201, %add3A_200] : memref<50x64x16384xf32, #tpu.memory_space<hbm>> -> memref<1x64x128xf32, #tpu.memory_space<hbm>>
      %dma_start3A_203 = tpu.memref_squeeze %dma_start3A_202 : memref<1x64x128xf32, #tpu.memory_space<hbm>> -> memref<64x128xf32, #tpu.memory_space<hbm>>
      %dma_start3A_204 = arith.constant 0 : i32
      %dma_start3A_205 = tpu.memref_slice %arg4[%select_n3A_181, %dma_start3A_204, %add3A_200] : memref<50x64x16384xf32, #tpu.memory_space<hbm>> -> memref<1x64x128xf32, #tpu.memory_space<hbm>>
      %dma_start3A_206 = tpu.memref_squeeze %dma_start3A_205 : memref<1x64x128xf32, #tpu.memory_space<hbm>> -> memref<64x128xf32, #tpu.memory_space<hbm>>
      tpu.enqueue_dma source(%arg9 : memref<64x128xf32, #tpu.memory_space<vmem>>) target(%dma_start3A_206 : memref<64x128xf32, #tpu.memory_space<hbm>>) target_semaphore(%arg11 : memref<!tpu.dma_semaphore, #tpu.memory_space<semaphore_mem>>)
    }
    %scan3A_16 = arith.constant 100 : i32
    %dma_wait3A = arith.constant 0 : i32
    %dma_wait3A_17 = arith.constant 0 : i32
    %dma_wait3A_18 = tpu.memref_slice %arg4[%dma_wait3A, %dma_wait3A_17, %mul3A_2] : memref<50x64x16384xf32, #tpu.memory_space<hbm>> -> memref<1x64x128xf32, #tpu.memory_space<hbm>>
    %dma_wait3A_19 = tpu.memref_squeeze %dma_wait3A_18 : memref<1x64x128xf32, #tpu.memory_space<hbm>> -> memref<64x128xf32, #tpu.memory_space<hbm>>
    %dma_wait3A_20 = arith.constant 0 : i32
    %dma_wait3A_21 = tpu.memref_slice %arg4[%dma_wait3A, %dma_wait3A_20, %mul3A_2] : memref<50x64x16384xf32, #tpu.memory_space<hbm>> -> memref<1x64x128xf32, #tpu.memory_space<hbm>>
    %dma_wait3A_22 = tpu.memref_squeeze %dma_wait3A_21 : memref<1x64x128xf32, #tpu.memory_space<hbm>> -> memref<64x128xf32, #tpu.memory_space<hbm>>
    tpu.wait_dma2 semaphore(%arg11 : memref<!tpu.dma_semaphore, #tpu.memory_space<semaphore_mem>>) src(%arg8 : memref<64x128xf32, #tpu.memory_space<vmem>>) dst(%dma_wait3A_22 : memref<64x128xf32, #tpu.memory_space<hbm>>)
    %dma_wait3A_23 = arith.constant 0 : i32
    %dma_wait3A_24 = arith.constant 0 : i32
    %dma_wait3A_25 = tpu.memref_slice %arg4[%dma_wait3A_23, %dma_wait3A_24, %mul3A_2] : memref<50x64x16384xf32, #tpu.memory_space<hbm>> -> memref<1x64x128xf32, #tpu.memory_space<hbm>>
    %dma_wait3A_26 = tpu.memref_squeeze %dma_wait3A_25 : memref<1x64x128xf32, #tpu.memory_space<hbm>> -> memref<64x128xf32, #tpu.memory_space<hbm>>
    %dma_wait3A_27 = arith.constant 0 : i32
    %dma_wait3A_28 = tpu.memref_slice %arg4[%dma_wait3A_23, %dma_wait3A_27, %mul3A_2] : memref<50x64x16384xf32, #tpu.memory_space<hbm>> -> memref<1x64x128xf32, #tpu.memory_space<hbm>>
    %dma_wait3A_29 = tpu.memref_squeeze %dma_wait3A_28 : memref<1x64x128xf32, #tpu.memory_space<hbm>> -> memref<64x128xf32, #tpu.memory_space<hbm>>
    tpu.wait_dma2 semaphore(%arg11 : memref<!tpu.dma_semaphore, #tpu.memory_space<semaphore_mem>>) src(%arg9 : memref<64x128xf32, #tpu.memory_space<vmem>>) dst(%dma_wait3A_29 : memref<64x128xf32, #tpu.memory_space<hbm>>)
    return
  }
}

</mosaic_0001>

<sc_bundles>
// kernel: kernel.3.cloned.1.call-start
scs
__scs_entry_jumppad:
0x0: {  	(pc) =	sbr.rel $0x88, $3  }
0x1: {  	(tag) =	ssettag $0x0;
	lr =	simm.s32 $0x1  }
0x2: {  	[smem:$0x3F9F] =	sst lr;
	_ =	strace $0xD0000000  }
0x3: {  	_ = 	snop  }
0x4: {  	_ = 	snop  }
0x5: {  	_ = 	snop  }
0x6: {  	_ = 	snop  }
0x7: {  	_ = 	snop  }
__scs_overlays_trampoline_lowered:
0x8: {  	[smem:$0x3FAE] =	sst s0  }
0x9: {  	[smem:$0x3FAF] =	sst s1  }
0xa: {  	[smem:$0x3FB0] =	sst s2  }
0xb: {  	[smem:$0x3FB1] =	sst s3  }
0xc: {  	[smem:$0x3FB2] =	sst s4  }
0xd: {  	[smem:$0x3FB3] =	sst s5  }
0xe: {  	[smem:$0x3FB4] =	sst s6  }
0xf: {  	[smem:$0x3FB5] =	sst s7  }
0x10: {  	[smem:$0x3FB6] =	sst s8  }
0x11: {  	[smem:$0x3FB7] =	sst s9;
	s0 =	simm.s32 @!p0 $0x0  }
0x12: {  	s1 =	sld [smem:$0x3F9D];
	s0 =	simm.s32 @p0 $0x1  }
0x13: {  	[smem:$0x3FB8] =	sst s0;
	s0 =	simm.s32 @!p1 $0x0  }
0x14: {  	s2 =	sld [smem:$0x3F9C];
	s0 =	simm.s32 @p1 $0x1  }
0x15: {  	[smem:$0x3FB9] =	sst s0;
	s0 =	simm.s32 @!p2 $0x0  }
0x16: {  	s3 =	sld [smem:$0x3FDB];
	s0 =	simm.s32 @p2 $0x1  }
0x17: {  	s4 =	simm.s32 $0x1BF5;
	[smem:$0x3FBB] =	sst s0  }
0x18: {  	s0 =	sld [smem:$0x3F9E];
	_ =	swait.ge [sflag:s4], $0x0  }
0x19: {  	s7 =	sld [smem:$0x3F9F]  }
0x1a: {  	s8 =	sadd.s32 $0xFFFFE003, lr  }
0x1b: {  	s9 =	sadd.s32 $0xFFFFFEF7, lr;
	s5 =	simm.s32 $0xFFFFFFFF;
	p2 =	slt.u32 s8, $0xFFFFF086  }
0x1c: {  	p1 =	slt.u32 s9, $0xF7A;
	s5 =	simm.s32 @!p2 $0x0  }
0x1d: {  	s5 =	simm.s32 @p1 $0x1;
	p0 =	seq.s32 s7, s2  }
0x1e: {  	s7 =	smul.u32 @!p0 $0xF7A, s2;
	p2 =	seq.s32 @!p0 s5, $0x0  }
0x1f: {  	s9 =	smul.u32 $0xF7A, s1;
	s8 =	simm.s32 @!p0 $0x1BF5;
	p2 =	por !p2, p0  }
0x20: {  	[sflag:s8] =	ssyncset.s32 @!p0 $0xFFFFF086;
	s6 =	sadd.s32 @!p0 s3, s7;
	s7 =	simm.s32 @!p0 $0x108  }
0x21: {  	s3 =	sadd.s32 s3, s9;
	s6 =	sadd.s32 @!p0 $0x88, s6;
	s7 =	simm.s32 @p2 $0x1082  }
0x22: {  	[simem:s7], [sflag:s8] =	dma.local @!p0 [hbm:s6], $0xF7A  }
0x23: {  	s9 =	sor.u32 $0xD0000000, s2;
	s6 =	simm.s32 $0x108;
	_ =	swait.ge @!p0 [sflag:s8], $0x0  }
0x24: {  	s3 =	sadd.s32 $0x88, s3;
	s6 =	simm.s32 @!p1 $0x1082;
	[sflag:s4] =	ssyncset.s32 $0xFFFFF086  }
0x25: {  	[simem:s6], [sflag:s4] =	dma.local [hbm:s3], $0xF7A  }
0x26: {  	[smem:$0x3F9F] =	sst s1;
	(tag) =	ssettag s2;
	_ =	strace s9  }
0x27: {  	s1 =	sld [smem:$0x3FAF]  }
0x28: {  	s2 =	sld [smem:$0x3FB0]  }
0x29: {  	s4 =	sld [smem:$0x3FB2]  }
0x2a: {  	p0 =	seq.s32 s5, $0x0;
	s5 =	sld [smem:$0x3FB3]  }
0x2b: {  	s6 =	sld [smem:$0x3FB4]  }
0x2c: {  	s7 =	sld [smem:$0x3FB5]  }
0x2d: {  	s3 =	simm.s32 $0x108;
	s8 =	sld [smem:$0x3FB6]  }
0x2e: {  	s3 =	simm.s32 @!p0 $0x1082;
	s9 =	sld [smem:$0x3FB7]  }
0x2f: {  	lr =	sadd.s32 s0, s3;
	s0 =	sld [smem:$0x3FAE]  }
0x30: {  	s3 =	sld [smem:$0x3FB1]  }
0x31: {  	[smem:$0x3FBA] =	sst s10  }
0x32: {  	s10 =	sld [smem:$0x3FB8];
	_ =	sdelay $0x3  }
0x33: {  	p0 =	seq.s32 s10, $0x1;
	s10 =	sld [smem:$0x3FBA];
	_ =	sdelay $0x3  }
0x34: {  	[smem:$0x3FBA] =	sst s10  }
0x35: {  	s10 =	sld [smem:$0x3FB9];
	_ =	sdelay $0x3  }
0x36: {  	p1 =	seq.s32 s10, $0x1;
	s10 =	sld [smem:$0x3FBA];
	_ =	sdelay $0x3  }
0x37: {  	[smem:$0x3FBA] =	sst s10  }
0x38: {  	s10 =	sld [smem:$0x3FBB]  }
0x39: {  	_ = 	snop;
	(pc) =	sbr.ind lr, $3  }
0x3a: {  	_ = 	snop  }
0x3b: {  	_ = 	snop  }
0x3c: {  	p2 =	seq.s32 s10, $0x1;
	s10 =	sld [smem:$0x3FBA]  }
0x3d: {  	_ =	shalt  }
0x3e: {  	_ =	shalt  }
0x3f: {  	_ =	shalt  }
0x40: {  	_ =	shalt  }
0x41: {  	_ =	shalt  }
0x42: {  	_ =	shalt  }
0x43: {  	_ =	shalt  }
0x44: {  	_ =	shalt  }
0x45: {  	_ =	shalt  }
0x46: {  	_ =	shalt  }
0x47: {  	_ =	shalt  }
0x48: {  	_ =	shalt  }
0x49: {  	_ =	shalt  }
0x4a: {  	_ =	shalt  }
0x4b: {  	_ =	shalt  }
0x4c: {  	_ =	shalt  }
0x4d: {  	_ =	shalt  }
0x4e: {  	_ =	shalt  }
0x4f: {  	_ =	shalt  }
0x50: {  	_ =	shalt  }
0x51: {  	_ =	shalt  }
0x52: {  	_ =	shalt  }
0x53: {  	_ =	shalt  }
0x54: {  	_ =	shalt  }
0x55: {  	_ =	shalt  }
0x56: {  	_ =	shalt  }
0x57: {  	_ =	shalt  }
0x58: {  	_ =	shalt  }
0x59: {  	_ =	shalt  }
0x5a: {  	_ =	shalt  }
0x5b: {  	_ =	shalt  }
0x5c: {  	_ =	shalt  }
0x5d: {  	_ =	shalt  }
0x5e: {  	_ =	shalt  }
0x5f: {  	_ =	shalt  }
0x60: {  	_ =	shalt  }
0x61: {  	_ =	shalt  }
0x62: {  	_ =	shalt  }
0x63: {  	_ =	shalt  }
0x64: {  	_ =	shalt  }
0x65: {  	_ =	shalt  }
0x66: {  	_ =	shalt  }
0x67: {  	_ =	shalt  }
0x68: {  	_ =	shalt  }
0x69: {  	_ =	shalt  }
0x6a: {  	_ =	shalt  }
0x6b: {  	_ =	shalt  }
0x6c: {  	_ =	shalt  }
0x6d: {  	_ =	shalt  }
0x6e: {  	_ =	shalt  }
0x6f: {  	_ =	shalt  }
0x70: {  	_ =	shalt  }
0x71: {  	_ =	shalt  }
0x72: {  	_ =	shalt  }
0x73: {  	_ =	shalt  }
0x74: {  	_ =	shalt  }
0x75: {  	_ =	shalt  }
0x76: {  	_ =	shalt  }
0x77: {  	_ =	shalt  }
0x78: {  	_ =	shalt  }
0x79: {  	_ =	shalt  }
0x7a: {  	_ =	shalt  }
0x7b: {  	_ =	shalt  }
0x7c: {  	_ =	shalt  }
0x7d: {  	_ =	shalt  }
0x7e: {  	_ =	shalt  }
0x7f: {  	_ =	shalt  }
0x80: {  	_ =	shalt  }
0x81: {  	_ =	shalt  }
0x82: {  	_ =	shalt  }
0x83: {  	_ =	shalt  }
0x84: {  	_ =	shalt  }
0x85: {  	_ =	shalt  }
0x86: {  	_ =	shalt  }
0x87: {  	_ =	shalt  }
.Lfunc_end0:
.L_simem_size_0:
called_computation_lowered:
.L_overlay_start_0:
0x88: {  	s2 =	sld [smem:$0x3FD9]  }
0x89: {  	s3 =	sld [smem:$0x3FFE];
	_ =	sdelay $0x1  }
0x8a: {  	s1 =	srdreg.scid  }
0x8b: {  	s0 =	sand.u32 $0x1, s1  }
0x8c: {  	s17 =	sshll.u32 s0, $0xA;
	s2 =	sadd.s32 s3, s2  }
0x8d: {  	s2 =	sadd.s32 s2, s17  }
0x8e: {  	[smem:$0x3FC6] =	sst s2  }
0x8f: {  	_ = 	snop  }
0x90: {  	s2 =	sld [smem:$0x3FC9]  }
0x91: {  	s18 =	sld [smem:$0x3FD0];
	(tm) =	ssettm $0x1  }
0x92: {  	s4 =	sld [smem:$0x3FFB];
	_ =	sdelay $0x3  }
0x93: {  	_ =	strace s4  }
0x94: {  	s4 =	sld [smem:$0x3FFC];
	_ =	sdelay $0x3  }
0x95: {  	_ =	strace s4  }
0x96: {  	s4 =	sld [smem:$0x3FFD];
	_ =	sdelay $0x3  }
0x97: {  	_ =	strace s4  }
0x98: {  	_ =	strace $0x8FFFFFFF  }
0x99: {  	s19 =	sld [smem:$0x3FDB];
	_ =	sdelay $0x1  }
0x9a: {  	s5 =	simm.s32 $_scs_section_size  }
0x9b: {  	s6 =	simm.s32 $_size__tile_overlayer_lowered;
	s7 =	simm.s32 $_tile_overlayer_lowered  }
0x9c: {  	s22 =	simm.s32 $0x1BFF;
	s21 =	sshll.u32 s7, $0x1;
	s4 =	sadd.s32 s5, s19  }
0x9d: {  	s8 =	simm.s32 $0x0;
	s20 =	sshll.u32 s6, $0x1;
	s6 =	sadd.s32 s21, s4  }
0x9e: {  	[timem:s8], [sflag:s22] =	dma.local [hbm:s6], s20  }
0x9f: {  	_ =	swait.ge [sflag:s22], s20  }
0xa0: {  	s5 =	ssub.s32 $0x0, s20;
	[sflag:s22] =	ssyncset.done $0x0  }
0xa1: {  	[sflag:s22] =	ssyncadd.s32 s5;
	_ =	sdelay $0x1  }
0xa2: {  	s23 =	simm.s32 $0x1B8B  }
0xa3: {  	_ =	swait.ge [sflag:s23], $0x1  }
0xa4: {  	[sflag:s23] =	ssyncset.done $0x0  }
0xa5: {  	s25 =	simm.s32 $0x1B8E;
	s24 =	sld [smem:$0x3FFE];
	[sflag:s23] =	ssyncadd.s32 $0xFFFFFFFF  }
0xa6: {  	s26 =	simm.s32 $execute0_lowered;
	[smem:$0x3FD2] =	sst s25  }
0xa7: {  	s6 =	sshll.u32 s26, $0x1;
	_ =	strace $0x80000046;
	[dreg:$0x1] =	wrdreg $0xFFFFFFFF  }
0xa8: {  	s28 =	simm.s32 $_size_execute0_lowered;
	s4 =	sadd.s32 s4, s6;
	[dreg:$0x0] =	wrdreg $0x0  }
0xa9: {  	s6 =	sshll.u32 s28, $0x1;
	[dreg:$0x2] =	wrdreg s4  }
0xaa: {  	[dreg:$0x3] =	wrdreg s6  }
0xab: {  	[dreg:$0x4] =	wrdreg $0xC0  }
0xac: {  	_ =	task [dreg:s8], $0x5FFFF  }
0xad: {  	[dreg:$0x1] =	wrdreg $0xFFFFFFFF  }
0xae: {  	[dreg:$0x0] =	wrdreg $0x60  }
0xaf: {  	[dreg:$0x2] =	wrdreg s2  }
0xb0: {  	[dreg:$0x3] =	wrdreg s24  }
0xb1: {  	[dreg:$0x4] =	wrdreg s18  }
0xb2: {  	[dreg:$0x5] =	wrdreg $0x9  }
0xb3: {  	_ =	task.clear_ibuf [dreg:s8], $0x6FFFF;
	_ =	strace $0x90000046  }
0xb4: {  	s29 =	simm.s32 $0x9;
	_ =	strace $0x80000048  }
0xb5: {  	_ =	swait.ge [sflag:s29], $0x1  }
0xb6: {  	[sflag:s29] =	ssyncadd.s32 $0xFFFFFFFF  }
0xb7: {  	_ =	strace $0x90000048  }
0xb8: {  	_ =	sfence  }
0xb9: {  	s30 =	sld [smem:$0x0];
	_ =	sdelay $0x2  }
0xba: {  	s31 =	sshll.u32 s1, $0xD;
	s1 =	sshrl.u32 s1, $0x2  }
0xbb: {  	s3 =	sand.u32 $0x4000, s31;
	s1 =	sadd.s32 s1, s30  }
0xbc: {  	s0 =	sor.u32 s3, s0;
	s1 =	sshll.u32 s1, $0x11  }
0xbd: {  	s0 =	sor.u32 s1, s0  }
0xbe: {  	s0 =	sadd.s32 $0x8F2B, s0  }
0xbf: {  	[sflag:s0] =	ssyncadd.remote.s32 $0x1  }
0xc0: {  	_ =	sfence.sel $0xFFFF  }
0xc1: {  	[dreg:$0x0] =	wrdreg $0xFFFFFFFF;
	(pc) =	sbr.abs _section_cstart, $3  }
0xc2: {  	[dreg:$0x1] =	wrdreg $0xFFFFFFFF  }
0xc3: {  	_ =	task.clear_ibuf [dreg:s8], $0x2FFFF;
	_ =	strace $0x9FFFFFFF  }
0xc4: {  	(tm) =	ssettm $0x7FFFFFFF  }
0xc5: {  	_ =	shalt  }
tec
execute0_lowered:
.L_overlay_start_1:
0x0: {  	(tag) =	ssettag $0x1  }
0x1: {  	s0 =	rddreg [dreg:$0x0]  }
0x2: {  	s1 =	rddreg [dreg:$0x1]  }
0x3: {  	s7 =	rddreg [dreg:$0x2];
	s2 =	simm.s32 $0x0  }
0x4: {  	s3 =	srdreg.scid;
	s5 =	stileid.u32;
	s10 =	simm.s32 $0x20000  }
0x5: {  	s11 =	simm.s32 $0x3;
	s28 =	simm.s32 $0x7000;
	s29 =	simm.s32 $0xB000  }
0x6: {  	s30 =	simm.s32 $0x1;
	s31 =	simm.s32 $0x400;
	s9 =	simm.s32 $0x2  }
0x7: {  	s12 =	simm.s32 $0x0;
	[smem:$0x7FF] =	sst s2;
	s3 =	sand.u32 $0x1, s3  }
0x8: {  	s5 =	sshll.u32 s5, $0xA;
	s4 =	ssub.s32 $0x2, s3;
	s3 =	sshll.u32 s3, $0x9  }
0x9: {  	_ =	strace $0x80000047;
	s6 =	sshrl.u32 s4, $0x1;
	s8 =	sor.u32 s3, s5  }
0xa: {  	s3 =	sadd.s32 $0xF42800, s1;
	s21 =	ssub.s32 s4, s6;
	s4 =	sadd.s32 s0, s8  }
0xb: {  	s1 =	simm.s32 $0x11000;
	s5 =	sadd.s32 $0x18000, s4;
	s22 =	smax.u32 s21, $0x1  }
0xc: {  	s7 =	sadd.s32 s7, s8;
	[dreg:$0x4] =	wrdreg s22;
	s23 =	sadd.s32 $0x80, s5  }
0xd: {  	v0 =	vlaneseq.u32;
	s0 =	simm.s32 $0xF000;
	s24 =	sadd.s32 $0x100, s5;
	[dreg:$0x5] =	wrdreg s23  }
0xe: {  	v37 =	vmul.u32 $0x80, v0;
	s6 =	sadd.s32 $0x18010, s4;
	s25 =	sadd.s32 $0x180, s5;
	[dreg:$0x6] =	wrdreg s24  }
0xf: {  	s26 =	sadd.s32 $0x80, s6;
	s22 =	sadd.s32 $0x100, s6;
	[dreg:$0x7] =	wrdreg s25  }
0x10: {  	[tilespmem:$0x1FFF0] =	vst v37;
	[dreg:$0x8] =	wrdreg s26;
	s24 =	sadd.s32 $0x180, s6;
	s26 =	simm.s32 $0x80  }
.LBB2_1:
0x11: {  	s8 =	simm.s32 $0x1000  }
0x12: {  	[tilespmem:s2], [sflag:$0x3] =	stream.strided.gather [hbm4b:s4+s8], $0x6000, s10, s8, $0x38;
	[tilespmem:$0x13000] =	vst v63  }
0x13: {  	_ =	swait.ge [sflag:s11], $0x6000  }
0x14: {  	[sflag:s11] =	ssyncset.done $0x0  }
0x15: {  	s13 =	simm.s32 $0x6000;
	[sflag:s11] =	ssyncadd.s32 $0xFFFFA000  }
0x16: {  	[tilespmem:s13], [sflag:$0x3] =	stream.linear.gather [hbm4b:s5+s2], $0x80, $0x38;
	[tilespmem:$0x13000] =	vst v63  }
0x17: {  	s14 =	rddreg [dreg:$0x5];
	s13 =	simm.s32 $0x6400  }
0x18: {  	[tilespmem:s13], [sflag:$0x3] =	stream.linear.gather [hbm4b:s14+s2], $0x80, $0x38;
	[tilespmem:$0x13000] =	vst v63  }
0x19: {  	s16 =	simm.s32 $0x6800;
	s15 =	rddreg [dreg:$0x6]  }
0x1a: {  	[tilespmem:s16], [sflag:$0x3] =	stream.linear.gather [hbm4b:s15+s2], $0x80, $0x38;
	[tilespmem:$0x13000] =	vst v63  }
0x1b: {  	s18 =	simm.s32 $0x6C00;
	s17 =	rddreg [dreg:$0x7]  }
0x1c: {  	[tilespmem:s18], [sflag:$0x3] =	stream.linear.gather [hbm4b:s17+s2], $0x80, $0x38;
	[tilespmem:$0x13000] =	vst v63  }
0x1d: {  	_ =	swait.ge [sflag:s11], $0x200  }
0x1e: {  	[sflag:s11] =	ssyncset.done $0x0  }
0x1f: {  	s19 =	simm.s32 $0x6080;
	[sflag:s11] =	ssyncadd.s32 $0xFFFFFE00  }
0x20: {  	[tilespmem:s19], [sflag:$0x3] =	stream.linear.gather [hbm4b:s6+s2], $0x80, $0x38;
	[tilespmem:$0x13000] =	vst v63  }
0x21: {  	s21 =	simm.s32 $0x6480;
	s20 =	rddreg [dreg:$0x8]  }
0x22: {  	[tilespmem:s21], [sflag:$0x3] =	stream.linear.gather [hbm4b:s20+s2], $0x80, $0x38;
	[tilespmem:$0x13000] =	vst v63  }
0x23: {  	s23 =	simm.s32 $0x6880  }
0x24: {  	[tilespmem:s23], [sflag:$0x3] =	stream.linear.gather [hbm4b:s22+s2], $0x80, $0x38;
	[tilespmem:$0x13000] =	vst v63  }
0x25: {  	s25 =	simm.s32 $0x6C80  }
0x26: {  	[tilespmem:s25], [sflag:$0x3] =	stream.linear.gather [hbm4b:s24+s2], $0x80, $0x38;
	[tilespmem:$0x13000] =	vst v63  }
0x27: {  	_ =	swait.ge [sflag:s11], $0x200  }
0x28: {  	[sflag:s11] =	ssyncset.done $0x0  }
0x29: {  	s14 =	simm.s32 $0x0;
	[sflag:s11] =	ssyncadd.s32 $0xFFFFFE00  }
0x2a: {  	[tilespmem:s28], [sflag:$0x1] =	stream.indirect.gather [hbm4b:s3+s26], $0x80, s2, s26, $0xb8;
	[tilespmem:$0x13000] =	vst v63  }
.LBB2_2:
0x2b: {  	s8 =	sshll.u32 s14, $0x8  }
0x2c: {  	p0 =	seq.s32 s14, $0x0;
	s15 =	simm.s32 $0x10;
	s19 =	sand.u32 $0x100, s8  }
0x2d: {  	s17 =	sshll.u32 s14, $0x6;
	s13 =	simm.s32 @!p0 $0x2;
	s16 =	sor.u32 $0x80, s19  }
0x2e: {  	s8 =	sand.u32 $0x7000, s8;
	v0 =	vmov s15;
	_ =	swait.ge @!p0 [sflag:s13], $0x2000;
	s18 =	sshll.u32 s16, $0x3  }
0x2f: {  	s25 =	sand.u32 $0x380, s17;
	v0 =	vshll.u32 v0, $0x7;
	[sflag:s13] =	ssyncset.done @!p0 $0x0;
	s8 =	sor.u32 s18, s8  }
0x30: {  	v1 =	vor.u32 v37, v0;
	[sflag:s13] =	ssyncadd.s32 @!p0 $0xFFFFE000;
	s8 =	sor.u32 s25, s8  }
0x31: {  	[tilespmem:s29], [sflag:$0x1] =	stream.indirect.gather [hbm4b:s3+s26], $0x80, s8, s26, $0xb8;
	[tilespmem:$0x13000] =	vst v63  }
0x32: {  	s15 =	simm.s32 $0x0;
	_ =	swait.ge [sflag:s30], $0x4000  }
0x33: {  	v0 =	vmov s15;
	[sflag:s30] =	ssyncset.done $0x0  }
0x34: {  	v0 =	vshll.u32 v0, $0x7;
	[sflag:s30] =	ssyncadd.s32 $0xFFFFC000  }
0x35: {  	v0 =	vor.u32 v37, v0;
	v2 =	vld.idx.msk [tilespmem:v1+s28+$0x0], $0xffff  }
0x36: {  	v3 =	vor.u32 $0x1, v1;
	_ =	sdelay $0x2  }
0x37: {  	s21 =	simm.s32 $0x10000  }
0x38: {  	v4 =	vld.idx.msk [tilespmem:v0+s28+$0x0], $0xffff;
	[tilespmem:s21+$0xFFFFF010] =	vst v2  }
0x39: {  	v2 =	vor.u32 $0x1, v0;
	v3 =	vld.idx.msk [tilespmem:v3+s28+$0x0], $0xffff  }
0x3a: {  	v5 =	vor.u32 $0x2, v1;
	_ =	sdelay $0x2  }
0x3b: {  	[tilespmem:s21+$0xFFFFF000] =	vst v4  }
0x3c: {  	v2 =	vld.idx.msk [tilespmem:v2+s28+$0x0], $0xffff;
	[tilespmem:s21+$0xFFFFF090] =	vst v3  }
0x3d: {  	v3 =	vor.u32 $0x2, v0;
	v4 =	vld.idx.msk [tilespmem:v5+s28+$0x0], $0xffff  }
0x3e: {  	v5 =	vor.u32 $0x3, v1;
	_ =	sdelay $0x2  }
0x3f: {  	[tilespmem:s21+$0xFFFFF080] =	vst v2  }
0x40: {  	v2 =	vld.idx.msk [tilespmem:v3+s28+$0x0], $0xffff;
	[tilespmem:s21+$0xFFFFF110] =	vst v4  }
0x41: {  	v3 =	vor.u32 $0x3, v0;
	v4 =	vld.idx.msk [tilespmem:v5+s28+$0x0], $0xffff  }
0x42: {  	v5 =	vor.u32 $0x4, v1;
	_ =	sdelay $0x2  }
0x43: {  	[tilespmem:s21+$0xFFFFF100] =	vst v2  }
0x44: {  	v2 =	vld.idx.msk [tilespmem:v3+s28+$0x0], $0xffff;
	[tilespmem:s21+$0xFFFFF190] =	vst v4  }
0x45: {  	v3 =	vor.u32 $0x4, v0;
	v4 =	vld.idx.msk [tilespmem:v5+s28+$0x0], $0xffff  }
0x46: {  	v5 =	vor.u32 $0x5, v1;
	_ =	sdelay $0x2  }
0x47: {  	[tilespmem:s21+$0xFFFFF180] =	vst v2  }
0x48: {  	v2 =	vld.idx.msk [tilespmem:v3+s28+$0x0], $0xffff;
	[tilespmem:s21+$0xFFFFF210] =	vst v4  }
0x49: {  	v3 =	vor.u32 $0x5, v0;
	v4 =	vld.idx.msk [tilespmem:v5+s28+$0x0], $0xffff  }
0x4a: {  	v5 =	vor.u32 $0x6, v1;
	_ =	sdelay $0x2  }
0x4b: {  	[tilespmem:s21+$0xFFFFF200] =	vst v2  }
0x4c: {  	v2 =	vld.idx.msk [tilespmem:v3+s28+$0x0], $0xffff;
	[tilespmem:s21+$0xFFFFF290] =	vst v4  }
0x4d: {  	v3 =	vor.u32 $0x6, v0;
	v4 =	vld.idx.msk [tilespmem:v5+s28+$0x0], $0xffff  }
0x4e: {  	v5 =	vor.u32 $0x7, v1;
	_ =	sdelay $0x2  }
0x4f: {  	[tilespmem:s21+$0xFFFFF280] =	vst v2  }
0x50: {  	v2 =	vld.idx.msk [tilespmem:v3+s28+$0x0], $0xffff;
	[tilespmem:s21+$0xFFFFF310] =	vst v4  }
0x51: {  	v3 =	vor.u32 $0x7, v0;
	v4 =	vld.idx.msk [tilespmem:v5+s28+$0x0], $0xffff  }
0x52: {  	v5 =	vor.u32 $0x8, v1;
	_ =	sdelay $0x2  }
0x53: {  	[tilespmem:s21+$0xFFFFF300] =	vst v2  }
0x54: {  	v2 =	vld.idx.msk [tilespmem:v3+s28+$0x0], $0xffff;
	[tilespmem:s21+$0xFFFFF390] =	vst v4  }
0x55: {  	v3 =	vor.u32 $0x8, v0;
	v4 =	vld.idx.msk [tilespmem:v5+s28+$0x0], $0xffff  }
0x56: {  	v5 =	vor.u32 $0x9, v1;
	_ =	sdelay $0x2  }
0x57: {  	[tilespmem:s21+$0xFFFFF380] =	vst v2  }
0x58: {  	v2 =	vld.idx.msk [tilespmem:v3+s28+$0x0], $0xffff;
	[tilespmem:s21+$0xFFFFF410] =	vst v4  }
0x59: {  	v3 =	vor.u32 $0x9, v0;
	v4 =	vld.idx.msk [tilespmem:v5+s28+$0x0], $0xffff  }
0x5a: {  	v5 =	vor.u32 $0xA, v1;
	_ =	sdelay $0x2  }
0x5b: {  	[tilespmem:s21+$0xFFFFF400] =	vst v2  }
0x5c: {  	v2 =	vld.idx.msk [tilespmem:v3+s28+$0x0], $0xffff;
	[tilespmem:s21+$0xFFFFF490] =	vst v4  }
0x5d: {  	v3 =	vor.u32 $0xA, v0;
	v4 =	vld.idx.msk [tilespmem:v5+s28+$0x0], $0xffff  }
0x5e: {  	v5 =	vor.u32 $0xB, v1;
	_ =	sdelay $0x2  }
0x5f: {  	[tilespmem:s21+$0xFFFFF480] =	vst v2  }
0x60: {  	v2 =	vld.idx.msk [tilespmem:v3+s28+$0x0], $0xffff;
	[tilespmem:s21+$0xFFFFF510] =	vst v4  }
0x61: {  	v3 =	vor.u32 $0xB, v0;
	v4 =	vld.idx.msk [tilespmem:v5+s28+$0x0], $0xffff  }
0x62: {  	v5 =	vor.u32 $0xC, v1;
	_ =	sdelay $0x2  }
0x63: {  	[tilespmem:s21+$0xFFFFF500] =	vst v2  }
0x64: {  	v2 =	vld.idx.msk [tilespmem:v3+s28+$0x0], $0xffff;
	[tilespmem:s21+$0xFFFFF590] =	vst v4  }
0x65: {  	v3 =	vor.u32 $0xC, v0;
	v4 =	vld.idx.msk [tilespmem:v5+s28+$0x0], $0xffff  }
0x66: {  	v5 =	vor.u32 $0xD, v1;
	_ =	sdelay $0x2  }
0x67: {  	[tilespmem:s21+$0xFFFFF580] =	vst v2  }
0x68: {  	v2 =	vld.idx.msk [tilespmem:v3+s28+$0x0], $0xffff;
	[tilespmem:s21+$0xFFFFF610] =	vst v4  }
0x69: {  	v3 =	vor.u32 $0xD, v0;
	v4 =	vld.idx.msk [tilespmem:v5+s28+$0x0], $0xffff  }
0x6a: {  	v5 =	vor.u32 $0xE, v1;
	_ =	sdelay $0x2  }
0x6b: {  	[tilespmem:s21+$0xFFFFF600] =	vst v2  }
0x6c: {  	v2 =	vld.idx.msk [tilespmem:v3+s28+$0x0], $0xffff;
	[tilespmem:s21+$0xFFFFF690] =	vst v4  }
0x6d: {  	v3 =	vor.u32 $0xE, v0;
	v4 =	vld.idx.msk [tilespmem:v5+s28+$0x0], $0xffff  }
0x6e: {  	v5 =	vor.u32 $0xF, v1;
	_ =	sdelay $0x2  }
0x6f: {  	[tilespmem:s21+$0xFFFFF680] =	vst v2  }
0x70: {  	v2 =	vld.idx.msk [tilespmem:v3+s28+$0x0], $0xffff;
	[tilespmem:s21+$0xFFFFF710] =	vst v4  }
0x71: {  	v3 =	vor.u32 $0xF, v0;
	v4 =	vld.idx.msk [tilespmem:v5+s28+$0x0], $0xffff  }
0x72: {  	v5 =	vor.u32 $0x10, v1;
	_ =	sdelay $0x2  }
0x73: {  	[tilespmem:s21+$0xFFFFF700] =	vst v2  }
0x74: {  	v2 =	vld.idx.msk [tilespmem:v3+s28+$0x0], $0xffff;
	[tilespmem:s21+$0xFFFFF790] =	vst v4  }
0x75: {  	v3 =	vor.u32 $0x10, v0;
	v4 =	vld.idx.msk [tilespmem:v5+s28+$0x0], $0xffff  }
0x76: {  	v5 =	vor.u32 $0x11, v1;
	_ =	sdelay $0x2  }
0x77: {  	[tilespmem:s21+$0xFFFFF780] =	vst v2  }
0x78: {  	v2 =	vld.idx.msk [tilespmem:v3+s28+$0x0], $0xffff;
	[tilespmem:s21+$0xFFFFF810] =	vst v4  }
0x79: {  	v3 =	vor.u32 $0x11, v0;
	v5 =	vld.idx.msk [tilespmem:v5+s28+$0x0], $0xffff  }
0x7a: {  	s17 =	simm.s32 $0x30;
	v6 =	vor.u32 $0x12, v1  }
0x7b: {  	s18 =	simm.s32 $0x20;
	v4 =	vmov s17  }
0x7c: {  	v7 =	vmov s18;
	v4 =	vshll.u32 v4, $0x7  }
0x7d: {  	v7 =	vshll.u32 v7, $0x7;
	[tilespmem:s21+$0xFFFFF800] =	vst v2;
	v2 =	vor.u32 v37, v4  }
0x7e: {  	v4 =	vor.u32 v37, v7;
	v3 =	vld.idx.msk [tilespmem:v3+s28+$0x0], $0xffff;
	[tilespmem:s21+$0xFFFFF890] =	vst v5  }
0x7f: {  	v5 =	vor.u32 $0x12, v0;
	v6 =	vld.idx.msk [tilespmem:v6+s28+$0x0], $0xffff  }
0x80: {  	v7 =	vor.u32 $0x13, v1;
	_ =	sdelay $0x1  }
0x81: {  	v8 =	vld.idx.msk [tilespmem:v2+s28+$0x0], $0xffff  }
0x82: {  	v9 =	vor.u32 $0x1, v2;
	[tilespmem:s21+$0xFFFFF880] =	vst v3;
	v3 =	vld.idx.msk [tilespmem:v4+s28+$0x0], $0xffff  }
0x83: {  	v10 =	vor.u32 $0x1, v4;
	v5 =	vld.idx.msk [tilespmem:v5+s28+$0x0], $0xffff;
	[tilespmem:s21+$0xFFFFF910] =	vst v6  }
0x84: {  	v6 =	vor.u32 $0x13, v0;
	v7 =	vld.idx.msk [tilespmem:v7+s28+$0x0], $0xffff  }
0x85: {  	s23 =	simm.s32 $0x10020;
	v11 =	vor.u32 $0x14, v1  }
0x86: {  	[tilespmem:s23+$0xFFFFF010] =	vst v8  }
0x87: {  	[tilespmem:s23+$0xFFFFF000] =	vst v3;
	v3 =	vld.idx.msk [tilespmem:v9+s28+$0x0], $0xffff  }
0x88: {  	v8 =	vor.u32 $0x2, v2;
	[tilespmem:s21+$0xFFFFF900] =	vst v5;
	v5 =	vld.idx.msk [tilespmem:v10+s28+$0x0], $0xffff  }
0x89: {  	v9 =	vor.u32 $0x2, v4;
	v6 =	vld.idx.msk [tilespmem:v6+s28+$0x0], $0xffff;
	[tilespmem:s21+$0xFFFFF990] =	vst v7  }
0x8a: {  	v7 =	vor.u32 $0x14, v0;
	v10 =	vld.idx.msk [tilespmem:v11+s28+$0x0], $0xffff  }
0x8b: {  	v11 =	vor.u32 $0x15, v1  }
0x8c: {  	[tilespmem:s23+$0xFFFFF090] =	vst v3  }
0x8d: {  	[tilespmem:s23+$0xFFFFF080] =	vst v5;
	v3 =	vld.idx.msk [tilespmem:v8+s28+$0x0], $0xffff  }
0x8e: {  	[tilespmem:s21+$0xFFFFF980] =	vst v6;
	v5 =	vld.idx.msk [tilespmem:v9+s28+$0x0], $0xffff;
	v6 =	vor.u32 $0x3, v2  }
0x8f: {  	v8 =	vor.u32 $0x3, v4;
	v7 =	vld.idx.msk [tilespmem:v7+s28+$0x0], $0xffff;
	[tilespmem:s21+$0xFFFFFA10] =	vst v10  }
0x90: {  	v9 =	vor.u32 $0x15, v0;
	v10 =	vld.idx.msk [tilespmem:v11+s28+$0x0], $0xffff  }
0x91: {  	v11 =	vor.u32 $0x16, v1  }
0x92: {  	[tilespmem:s23+$0xFFFFF110] =	vst v3  }
0x93: {  	[tilespmem:s23+$0xFFFFF100] =	vst v5;
	v3 =	vld.idx.msk [tilespmem:v6+s28+$0x0], $0xffff  }
0x94: {  	v6 =	vor.u32 $0x4, v2;
	[tilespmem:s21+$0xFFFFFA00] =	vst v7;
	v5 =	vld.idx.msk [tilespmem:v8+s28+$0x0], $0xffff  }
0x95: {  	v7 =	vor.u32 $0x4, v4;
	v8 =	vld.idx.msk [tilespmem:v9+s28+$0x0], $0xffff;
	[tilespmem:s21+$0xFFFFFA90] =	vst v10  }
0x96: {  	v9 =	vor.u32 $0x16, v0;
	v10 =	vld.idx.msk [tilespmem:v11+s28+$0x0], $0xffff  }
0x97: {  	v11 =	vor.u32 $0x17, v1  }
0x98: {  	[tilespmem:s23+$0xFFFFF190] =	vst v3  }
0x99: {  	[tilespmem:s23+$0xFFFFF180] =	vst v5;
	v3 =	vld.idx.msk [tilespmem:v6+s28+$0x0], $0xffff  }
0x9a: {  	v6 =	vor.u32 $0x5, v2;
	[tilespmem:s21+$0xFFFFFA80] =	vst v8;
	v5 =	vld.idx.msk [tilespmem:v7+s28+$0x0], $0xffff  }
0x9b: {  	v7 =	vor.u32 $0x5, v4;
	v8 =	vld.idx.msk [tilespmem:v9+s28+$0x0], $0xffff;
	[tilespmem:s21+$0xFFFFFB10] =	vst v10  }
0x9c: {  	v9 =	vor.u32 $0x17, v0;
	v10 =	vld.idx.msk [tilespmem:v11+s28+$0x0], $0xffff  }
0x9d: {  	v11 =	vor.u32 $0x18, v1  }
0x9e: {  	[tilespmem:s23+$0xFFFFF210] =	vst v3  }
0x9f: {  	[tilespmem:s23+$0xFFFFF200] =	vst v5;
	v3 =	vld.idx.msk [tilespmem:v6+s28+$0x0], $0xffff  }
0xa0: {  	v6 =	vor.u32 $0x6, v2;
	[tilespmem:s21+$0xFFFFFB00] =	vst v8;
	v5 =	vld.idx.msk [tilespmem:v7+s28+$0x0], $0xffff  }
0xa1: {  	v7 =	vor.u32 $0x6, v4;
	v8 =	vld.idx.msk [tilespmem:v9+s28+$0x0], $0xffff;
	[tilespmem:s21+$0xFFFFFB90] =	vst v10  }
0xa2: {  	v9 =	vor.u32 $0x18, v0;
	v10 =	vld.idx.msk [tilespmem:v11+s28+$0x0], $0xffff  }
0xa3: {  	v11 =	vor.u32 $0x19, v1  }
0xa4: {  	[tilespmem:s23+$0xFFFFF290] =	vst v3  }
0xa5: {  	[tilespmem:s23+$0xFFFFF280] =	vst v5;
	v3 =	vld.idx.msk [tilespmem:v6+s28+$0x0], $0xffff  }
0xa6: {  	v6 =	vor.u32 $0x7, v2;
	[tilespmem:s21+$0xFFFFFB80] =	vst v8;
	v5 =	vld.idx.msk [tilespmem:v7+s28+$0x0], $0xffff  }
0xa7: {  	v7 =	vor.u32 $0x7, v4;
	v8 =	vld.idx.msk [tilespmem:v9+s28+$0x0], $0xffff;
	[tilespmem:s21+$0xFFFFFC10] =	vst v10  }
0xa8: {  	v9 =	vor.u32 $0x19, v0;
	v10 =	vld.idx.msk [tilespmem:v11+s28+$0x0], $0xffff  }
0xa9: {  	v11 =	vor.u32 $0x1A, v1  }
0xaa: {  	[tilespmem:s23+$0xFFFFF310] =	vst v3  }
0xab: {  	[tilespmem:s23+$0xFFFFF300] =	vst v5;
	v3 =	vld.idx.msk [tilespmem:v6+s28+$0x0], $0xffff  }
0xac: {  	v6 =	vor.u32 $0x8, v2;
	[tilespmem:s21+$0xFFFFFC00] =	vst v8;
	v5 =	vld.idx.msk [tilespmem:v7+s28+$0x0], $0xffff  }
0xad: {  	v7 =	vor.u32 $0x8, v4;
	v8 =	vld.idx.msk [tilespmem:v9+s28+$0x0], $0xffff;
	[tilespmem:s21+$0xFFFFFC90] =	vst v10  }
0xae: {  	v9 =	vor.u32 $0x1A, v0;
	v10 =	vld.idx.msk [tilespmem:v11+s28+$0x0], $0xffff  }
0xaf: {  	v11 =	vor.u32 $0x1B, v1  }
0xb0: {  	[tilespmem:s23+$0xFFFFF390] =	vst v3  }
0xb1: {  	[tilespmem:s23+$0xFFFFF380] =	vst v5;
	v3 =	vld.idx.msk [tilespmem:v6+s28+$0x0], $0xffff  }
0xb2: {  	v6 =	vor.u32 $0x9, v2;
	[tilespmem:s21+$0xFFFFFC80] =	vst v8;
	v5 =	vld.idx.msk [tilespmem:v7+s28+$0x0], $0xffff  }
0xb3: {  	v7 =	vor.u32 $0x9, v4;
	v8 =	vld.idx.msk [tilespmem:v9+s28+$0x0], $0xffff;
	[tilespmem:s21+$0xFFFFFD10] =	vst v10  }
0xb4: {  	v9 =	vor.u32 $0x1B, v0;
	v10 =	vld.idx.msk [tilespmem:v11+s28+$0x0], $0xffff  }
0xb5: {  	v11 =	vor.u32 $0x1C, v1  }
0xb6: {  	[tilespmem:s23+$0xFFFFF410] =	vst v3  }
0xb7: {  	[tilespmem:s23+$0xFFFFF400] =	vst v5;
	v3 =	vld.idx.msk [tilespmem:v6+s28+$0x0], $0xffff  }
0xb8: {  	v6 =	vor.u32 $0xA, v2;
	[tilespmem:s21+$0xFFFFFD00] =	vst v8;
	v5 =	vld.idx.msk [tilespmem:v7+s28+$0x0], $0xffff  }
0xb9: {  	v7 =	vor.u32 $0xA, v4;
	v8 =	vld.idx.msk [tilespmem:v9+s28+$0x0], $0xffff;
	[tilespmem:s21+$0xFFFFFD90] =	vst v10  }
0xba: {  	v9 =	vor.u32 $0x1C, v0;
	v10 =	vld.idx.msk [tilespmem:v11+s28+$0x0], $0xffff  }
0xbb: {  	v11 =	vor.u32 $0x1D, v1  }
0xbc: {  	[tilespmem:s23+$0xFFFFF490] =	vst v3  }
0xbd: {  	[tilespmem:s23+$0xFFFFF480] =	vst v5;
	v3 =	vld.idx.msk [tilespmem:v6+s28+$0x0], $0xffff  }
0xbe: {  	v6 =	vor.u32 $0xB, v2;
	[tilespmem:s21+$0xFFFFFD80] =	vst v8;
	v5 =	vld.idx.msk [tilespmem:v7+s28+$0x0], $0xffff  }
0xbf: {  	v7 =	vor.u32 $0xB, v4;
	v8 =	vld.idx.msk [tilespmem:v9+s28+$0x0], $0xffff;
	[tilespmem:s21+$0xFFFFFE10] =	vst v10  }
0xc0: {  	v9 =	vor.u32 $0x1D, v0;
	v10 =	vld.idx.msk [tilespmem:v11+s28+$0x0], $0xffff  }
0xc1: {  	v11 =	vor.u32 $0x1E, v1  }
0xc2: {  	[tilespmem:s23+$0xFFFFF510] =	vst v3  }
0xc3: {  	[tilespmem:s23+$0xFFFFF500] =	vst v5;
	v3 =	vld.idx.msk [tilespmem:v6+s28+$0x0], $0xffff  }
0xc4: {  	v6 =	vor.u32 $0xC, v2;
	[tilespmem:s21+$0xFFFFFE00] =	vst v8;
	v5 =	vld.idx.msk [tilespmem:v7+s28+$0x0], $0xffff  }
0xc5: {  	v7 =	vor.u32 $0xC, v4;
	v8 =	vld.idx.msk [tilespmem:v9+s28+$0x0], $0xffff;
	[tilespmem:s21+$0xFFFFFE90] =	vst v10  }
0xc6: {  	v9 =	vor.u32 $0x1E, v0;
	v10 =	vld.idx.msk [tilespmem:v11+s28+$0x0], $0xffff  }
0xc7: {  	v11 =	vor.u32 $0x1F, v1  }
0xc8: {  	[tilespmem:s23+$0xFFFFF590] =	vst v3  }
0xc9: {  	[tilespmem:s23+$0xFFFFF580] =	vst v5;
	v3 =	vld.idx.msk [tilespmem:v6+s28+$0x0], $0xffff  }
0xca: {  	v6 =	vor.u32 $0xD, v2;
	[tilespmem:s21+$0xFFFFFE80] =	vst v8;
	v5 =	vld.idx.msk [tilespmem:v7+s28+$0x0], $0xffff  }
0xcb: {  	v7 =	vor.u32 $0xD, v4;
	v8 =	vld.idx.msk [tilespmem:v9+s28+$0x0], $0xffff;
	[tilespmem:s21+$0xFFFFFF10] =	vst v10  }
0xcc: {  	v9 =	vor.u32 $0x1F, v0;
	v10 =	vld.idx.msk [tilespmem:v11+s28+$0x0], $0xffff  }
0xcd: {  	v11 =	vor.u32 $0x20, v1  }
0xce: {  	[tilespmem:s23+$0xFFFFF610] =	vst v3  }
0xcf: {  	[tilespmem:s23+$0xFFFFF600] =	vst v5;
	v3 =	vld.idx.msk [tilespmem:v6+s28+$0x0], $0xffff  }
0xd0: {  	v6 =	vor.u32 $0xE, v2;
	[tilespmem:s21+$0xFFFFFF00] =	vst v8;
	v5 =	vld.idx.msk [tilespmem:v7+s28+$0x0], $0xffff  }
0xd1: {  	v7 =	vor.u32 $0xE, v4;
	v8 =	vld.idx.msk [tilespmem:v9+s28+$0x0], $0xffff;
	[tilespmem:s21+$0xFFFFFF90] =	vst v10  }
0xd2: {  	v9 =	vor.u32 $0x20, v0;
	v10 =	vld.idx.msk [tilespmem:v11+s28+$0x0], $0xffff  }
0xd3: {  	v11 =	vor.u32 $0x21, v1  }
0xd4: {  	[tilespmem:s23+$0xFFFFF690] =	vst v3  }
0xd5: {  	[tilespmem:s23+$0xFFFFF680] =	vst v5;
	v3 =	vld.idx.msk [tilespmem:v6+s28+$0x0], $0xffff  }
0xd6: {  	v6 =	vor.u32 $0xF, v2;
	[tilespmem:s21+$0xFFFFFF80] =	vst v8;
	v5 =	vld.idx.msk [tilespmem:v7+s28+$0x0], $0xffff  }
0xd7: {  	v7 =	vor.u32 $0xF, v4;
	v8 =	vld.idx.msk [tilespmem:v9+s28+$0x0], $0xffff;
	[tilespmem:s21+$0x10] =	vst v10  }
0xd8: {  	v9 =	vor.u32 $0x21, v0;
	v10 =	vld.idx.msk [tilespmem:v11+s28+$0x0], $0xffff  }
0xd9: {  	v11 =	vor.u32 $0x22, v1  }
0xda: {  	[tilespmem:s23+$0xFFFFF710] =	vst v3  }
0xdb: {  	[tilespmem:s23+$0xFFFFF700] =	vst v5;
	v3 =	vld.idx.msk [tilespmem:v6+s28+$0x0], $0xffff  }
0xdc: {  	v6 =	vor.u32 $0x10, v2;
	[tilespmem:s21+$0x0] =	vst v8;
	v5 =	vld.idx.msk [tilespmem:v7+s28+$0x0], $0xffff  }
0xdd: {  	v7 =	vor.u32 $0x10, v4;
	v8 =	vld.idx.msk [tilespmem:v9+s28+$0x0], $0xffff;
	[tilespmem:s21+$0x90] =	vst v10  }
0xde: {  	v9 =	vor.u32 $0x22, v0;
	v10 =	vld.idx.msk [tilespmem:v11+s28+$0x0], $0xffff  }
0xdf: {  	v11 =	vor.u32 $0x23, v1  }
0xe0: {  	[tilespmem:s23+$0xFFFFF790] =	vst v3  }
0xe1: {  	[tilespmem:s23+$0xFFFFF780] =	vst v5;
	v3 =	vld.idx.msk [tilespmem:v6+s28+$0x0], $0xffff  }
0xe2: {  	v6 =	vor.u32 $0x11, v2;
	[tilespmem:s21+$0x80] =	vst v8;
	v5 =	vld.idx.msk [tilespmem:v7+s28+$0x0], $0xffff  }
0xe3: {  	v7 =	vor.u32 $0x11, v4;
	v8 =	vld.idx.msk [tilespmem:v9+s28+$0x0], $0xffff;
	[tilespmem:s21+$0x110] =	vst v10  }
0xe4: {  	v9 =	vor.u32 $0x23, v0;
	v10 =	vld.idx.msk [tilespmem:v11+s28+$0x0], $0xffff  }
0xe5: {  	v11 =	vor.u32 $0x24, v1  }
0xe6: {  	[tilespmem:s23+$0xFFFFF810] =	vst v3  }
0xe7: {  	[tilespmem:s23+$0xFFFFF800] =	vst v5;
	v5 =	vld.idx.msk [tilespmem:v6+s28+$0x0], $0xffff  }
0xe8: {  	[tilespmem:s21+$0x100] =	vst v8;
	v6 =	vld.idx.msk [tilespmem:v7+s28+$0x0], $0xffff;
	v7 =	vor.u32 $0x12, v2  }
0xe9: {  	s20 =	simm.s32 $0x50;
	v8 =	vor.u32 $0x12, v4;
	v9 =	vld.idx.msk [tilespmem:v9+s28+$0x0], $0xffff;
	[tilespmem:s21+$0x190] =	vst v10  }
0xea: {  	s25 =	simm.s32 $0x40;
	v3 =	vmov s20;
	v10 =	vor.u32 $0x24, v0;
	v11 =	vld.idx.msk [tilespmem:v11+s28+$0x0], $0xffff  }
0xeb: {  	v13 =	vor.u32 $0x25, v1;
	v12 =	vmov s25;
	v3 =	vshll.u32 v3, $0x7  }
0xec: {  	v12 =	vshll.u32 v12, $0x7;
	v3 =	vor.u32 v37, v3;
	[tilespmem:s23+$0xFFFFF890] =	vst v5  }
0xed: {  	v27 =	vor.u32 v37, v12;
	[tilespmem:s23+$0xFFFFF880] =	vst v6;
	v5 =	vld.idx.msk [tilespmem:v7+s28+$0x0], $0xffff  }
0xee: {  	v7 =	vor.u32 $0x13, v2;
	[tilespmem:s21+$0x180] =	vst v9;
	v6 =	vld.idx.msk [tilespmem:v8+s28+$0x0], $0xffff  }
0xef: {  	v8 =	vor.u32 $0x13, v4;
	v9 =	vld.idx.msk [tilespmem:v10+s28+$0x0], $0xffff;
	[tilespmem:s21+$0x210] =	vst v11  }
0xf0: {  	v10 =	vor.u32 $0x25, v0;
	v11 =	vld.idx.msk [tilespmem:v13+s28+$0x0], $0xffff  }
0xf1: {  	v12 =	vld.idx.msk [tilespmem:v3+s28+$0x0], $0xffff;
	v13 =	vor.u32 $0x26, v1  }
0xf2: {  	v14 =	vld.idx.msk [tilespmem:v27+s28+$0x0], $0xffff;
	v15 =	vor.u32 $0x1, v3;
	[tilespmem:s23+$0xFFFFF910] =	vst v5  }
0xf3: {  	v5 =	vor.u32 $0x1, v27;
	[tilespmem:s23+$0xFFFFF900] =	vst v6;
	v6 =	vld.idx.msk [tilespmem:v7+s28+$0x0], $0xffff  }
0xf4: {  	[tilespmem:s21+$0x200] =	vst v9;
	v7 =	vld.idx.msk [tilespmem:v8+s28+$0x0], $0xffff;
	v8 =	vor.u32 $0x14, v2  }
0xf5: {  	s13 =	simm.s32 $0x10040;
	v9 =	vor.u32 $0x14, v4;
	v10 =	vld.idx.msk [tilespmem:v10+s28+$0x0], $0xffff;
	[tilespmem:s21+$0x290] =	vst v11  }
0xf6: {  	[tilespmem:s13+$0xFFFFF010] =	vst v12;
	v11 =	vor.u32 $0x26, v0;
	v12 =	vld.idx.msk [tilespmem:v13+s28+$0x0], $0xffff  }
0xf7: {  	[tilespmem:s13+$0xFFFFF000] =	vst v14;
	v14 =	vor.u32 $0x27, v1;
	v13 =	vld.idx.msk [tilespmem:v15+s28+$0x0], $0xffff  }
0xf8: {  	v5 =	vld.idx.msk [tilespmem:v5+s28+$0x0], $0xffff;
	v15 =	vor.u32 $0x2, v3;
	[tilespmem:s23+$0xFFFFF990] =	vst v6  }
0xf9: {  	v6 =	vor.u32 $0x2, v27;
	[tilespmem:s23+$0xFFFFF980] =	vst v7;
	v7 =	vld.idx.msk [tilespmem:v8+s28+$0x0], $0xffff  }
0xfa: {  	v8 =	vld.idx.msk [tilespmem:v9+s28+$0x0], $0xffff;
	[tilespmem:s21+$0x280] =	vst v10;
	v9 =	vor.u32 $0x15, v2  }
0xfb: {  	v10 =	vor.u32 $0x15, v4;
	v11 =	vld.idx.msk [tilespmem:v11+s28+$0x0], $0xffff;
	[tilespmem:s21+$0x310] =	vst v12  }
0xfc: {  	v12 =	vor.u32 $0x27, v0;
	[tilespmem:s13+$0xFFFFF090] =	vst v13;
	v13 =	vld.idx.msk [tilespmem:v14+s28+$0x0], $0xffff  }
0xfd: {  	[tilespmem:s13+$0xFFFFF080] =	vst v5;
	v5 =	vld.idx.msk [tilespmem:v15+s28+$0x0], $0xffff;
	v14 =	vor.u32 $0x28, v1  }
0xfe: {  	v6 =	vld.idx.msk [tilespmem:v6+s28+$0x0], $0xffff;
	v15 =	vor.u32 $0x3, v3;
	[tilespmem:s23+$0xFFFFFA10] =	vst v7  }
0xff: {  	v7 =	vor.u32 $0x3, v27;
	[tilespmem:s23+$0xFFFFFA00] =	vst v8;
	v8 =	vld.idx.msk [tilespmem:v9+s28+$0x0], $0xffff  }
0x100: {  	v9 =	vld.idx.msk [tilespmem:v10+s28+$0x0], $0xffff;
	[tilespmem:s21+$0x300] =	vst v11;
	v10 =	vor.u32 $0x16, v2  }
0x101: {  	v11 =	vor.u32 $0x16, v4;
	v12 =	vld.idx.msk [tilespmem:v12+s28+$0x0], $0xffff;
	[tilespmem:s21+$0x390] =	vst v13  }
0x102: {  	v13 =	vor.u32 $0x28, v0;
	[tilespmem:s13+$0xFFFFF110] =	vst v5;
	v5 =	vld.idx.msk [tilespmem:v14+s28+$0x0], $0xffff  }
0x103: {  	[tilespmem:s13+$0xFFFFF100] =	vst v6;
	v6 =	vld.idx.msk [tilespmem:v15+s28+$0x0], $0xffff;
	v14 =	vor.u32 $0x29, v1  }
0x104: {  	v7 =	vld.idx.msk [tilespmem:v7+s28+$0x0], $0xffff;
	v15 =	vor.u32 $0x4, v3;
	[tilespmem:s23+$0xFFFFFA90] =	vst v8  }
0x105: {  	v8 =	vor.u32 $0x4, v27;
	[tilespmem:s23+$0xFFFFFA80] =	vst v9;
	v9 =	vld.idx.msk [tilespmem:v10+s28+$0x0], $0xffff  }
0x106: {  	v10 =	vld.idx.msk [tilespmem:v11+s28+$0x0], $0xffff;
	[tilespmem:s21+$0x380] =	vst v12;
	v11 =	vor.u32 $0x17, v2  }
0x107: {  	v12 =	vor.u32 $0x17, v4;
	v13 =	vld.idx.msk [tilespmem:v13+s28+$0x0], $0xffff;
	[tilespmem:s21+$0x410] =	vst v5  }
0x108: {  	v5 =	vor.u32 $0x29, v0;
	[tilespmem:s13+$0xFFFFF190] =	vst v6;
	v6 =	vld.idx.msk [tilespmem:v14+s28+$0x0], $0xffff  }
0x109: {  	[tilespmem:s13+$0xFFFFF180] =	vst v7;
	v7 =	vld.idx.msk [tilespmem:v15+s28+$0x0], $0xffff;
	v14 =	vor.u32 $0x2A, v1  }
0x10a: {  	v8 =	vld.idx.msk [tilespmem:v8+s28+$0x0], $0xffff;
	v15 =	vor.u32 $0x5, v3;
	[tilespmem:s23+$0xFFFFFB10] =	vst v9  }
0x10b: {  	v9 =	vor.u32 $0x5, v27;
	[tilespmem:s23+$0xFFFFFB00] =	vst v10;
	v10 =	vld.idx.msk [tilespmem:v11+s28+$0x0], $0xffff  }
0x10c: {  	v11 =	vld.idx.msk [tilespmem:v12+s28+$0x0], $0xffff;
	[tilespmem:s21+$0x400] =	vst v13;
	v12 =	vor.u32 $0x18, v2  }
0x10d: {  	v13 =	vor.u32 $0x18, v4;
	v5 =	vld.idx.msk [tilespmem:v5+s28+$0x0], $0xffff;
	[tilespmem:s21+$0x490] =	vst v6  }
0x10e: {  	v6 =	vor.u32 $0x2A, v0;
	[tilespmem:s13+$0xFFFFF210] =	vst v7;
	v7 =	vld.idx.msk [tilespmem:v14+s28+$0x0], $0xffff  }
0x10f: {  	[tilespmem:s13+$0xFFFFF200] =	vst v8;
	v8 =	vld.idx.msk [tilespmem:v15+s28+$0x0], $0xffff;
	v14 =	vor.u32 $0x2B, v1  }
0x110: {  	v9 =	vld.idx.msk [tilespmem:v9+s28+$0x0], $0xffff;
	v15 =	vor.u32 $0x6, v3;
	[tilespmem:s23+$0xFFFFFB90] =	vst v10  }
0x111: {  	v10 =	vor.u32 $0x6, v27;
	[tilespmem:s23+$0xFFFFFB80] =	vst v11;
	v11 =	vld.idx.msk [tilespmem:v12+s28+$0x0], $0xffff  }
0x112: {  	v12 =	vld.idx.msk [tilespmem:v13+s28+$0x0], $0xffff;
	[tilespmem:s21+$0x480] =	vst v5;
	v5 =	vor.u32 $0x19, v2  }
0x113: {  	v13 =	vor.u32 $0x19, v4;
	v6 =	vld.idx.msk [tilespmem:v6+s28+$0x0], $0xffff;
	[tilespmem:s21+$0x510] =	vst v7  }
0x114: {  	v7 =	vor.u32 $0x2B, v0;
	[tilespmem:s13+$0xFFFFF290] =	vst v8;
	v8 =	vld.idx.msk [tilespmem:v14+s28+$0x0], $0xffff  }
0x115: {  	[tilespmem:s13+$0xFFFFF280] =	vst v9;
	v9 =	vld.idx.msk [tilespmem:v15+s28+$0x0], $0xffff;
	v14 =	vor.u32 $0x2C, v1  }
0x116: {  	v10 =	vld.idx.msk [tilespmem:v10+s28+$0x0], $0xffff;
	v15 =	vor.u32 $0x7, v3;
	[tilespmem:s23+$0xFFFFFC10] =	vst v11  }
0x117: {  	v11 =	vor.u32 $0x7, v27;
	[tilespmem:s23+$0xFFFFFC00] =	vst v12;
	v5 =	vld.idx.msk [tilespmem:v5+s28+$0x0], $0xffff  }
0x118: {  	v12 =	vld.idx.msk [tilespmem:v13+s28+$0x0], $0xffff;
	[tilespmem:s21+$0x500] =	vst v6;
	v6 =	vor.u32 $0x1A, v2  }
0x119: {  	v13 =	vor.u32 $0x1A, v4;
	v7 =	vld.idx.msk [tilespmem:v7+s28+$0x0], $0xffff;
	[tilespmem:s21+$0x590] =	vst v8  }
0x11a: {  	v8 =	vor.u32 $0x2C, v0;
	[tilespmem:s13+$0xFFFFF310] =	vst v9;
	v9 =	vld.idx.msk [tilespmem:v14+s28+$0x0], $0xffff  }
0x11b: {  	[tilespmem:s13+$0xFFFFF300] =	vst v10;
	v10 =	vld.idx.msk [tilespmem:v15+s28+$0x0], $0xffff;
	v14 =	vor.u32 $0x2D, v1  }
0x11c: {  	v11 =	vld.idx.msk [tilespmem:v11+s28+$0x0], $0xffff;
	v15 =	vor.u32 $0x8, v3;
	[tilespmem:s23+$0xFFFFFC90] =	vst v5  }
0x11d: {  	v5 =	vor.u32 $0x8, v27;
	[tilespmem:s23+$0xFFFFFC80] =	vst v12;
	v6 =	vld.idx.msk [tilespmem:v6+s28+$0x0], $0xffff  }
0x11e: {  	v12 =	vld.idx.msk [tilespmem:v13+s28+$0x0], $0xffff;
	[tilespmem:s21+$0x580] =	vst v7;
	v7 =	vor.u32 $0x1B, v2  }
0x11f: {  	v13 =	vor.u32 $0x1B, v4;
	v8 =	vld.idx.msk [tilespmem:v8+s28+$0x0], $0xffff;
	[tilespmem:s21+$0x610] =	vst v9  }
0x120: {  	v9 =	vor.u32 $0x2D, v0;
	[tilespmem:s13+$0xFFFFF390] =	vst v10;
	v10 =	vld.idx.msk [tilespmem:v14+s28+$0x0], $0xffff  }
0x121: {  	[tilespmem:s13+$0xFFFFF380] =	vst v11;
	v11 =	vld.idx.msk [tilespmem:v15+s28+$0x0], $0xffff;
	v14 =	vor.u32 $0x2E, v1  }
0x122: {  	v5 =	vld.idx.msk [tilespmem:v5+s28+$0x0], $0xffff;
	v15 =	vor.u32 $0x9, v3;
	[tilespmem:s23+$0xFFFFFD10] =	vst v6  }
0x123: {  	v6 =	vor.u32 $0x9, v27;
	[tilespmem:s23+$0xFFFFFD00] =	vst v12;
	v7 =	vld.idx.msk [tilespmem:v7+s28+$0x0], $0xffff  }
0x124: {  	v12 =	vld.idx.msk [tilespmem:v13+s28+$0x0], $0xffff;
	[tilespmem:s21+$0x600] =	vst v8;
	v8 =	vor.u32 $0x1C, v2  }
0x125: {  	v13 =	vor.u32 $0x1C, v4;
	v9 =	vld.idx.msk [tilespmem:v9+s28+$0x0], $0xffff;
	[tilespmem:s21+$0x690] =	vst v10  }
0x126: {  	v10 =	vor.u32 $0x2E, v0;
	[tilespmem:s13+$0xFFFFF410] =	vst v11;
	v11 =	vld.idx.msk [tilespmem:v14+s28+$0x0], $0xffff  }
0x127: {  	[tilespmem:s13+$0xFFFFF400] =	vst v5;
	v5 =	vld.idx.msk [tilespmem:v15+s28+$0x0], $0xffff;
	v14 =	vor.u32 $0x2F, v1  }
0x128: {  	v6 =	vld.idx.msk [tilespmem:v6+s28+$0x0], $0xffff;
	v15 =	vor.u32 $0xA, v3;
	[tilespmem:s23+$0xFFFFFD90] =	vst v7  }
0x129: {  	v7 =	vor.u32 $0xA, v27;
	[tilespmem:s23+$0xFFFFFD80] =	vst v12;
	v8 =	vld.idx.msk [tilespmem:v8+s28+$0x0], $0xffff  }
0x12a: {  	v12 =	vld.idx.msk [tilespmem:v13+s28+$0x0], $0xffff;
	[tilespmem:s21+$0x680] =	vst v9;
	v9 =	vor.u32 $0x1D, v2  }
0x12b: {  	v13 =	vor.u32 $0x1D, v4;
	v10 =	vld.idx.msk [tilespmem:v10+s28+$0x0], $0xffff;
	[tilespmem:s21+$0x710] =	vst v11  }
0x12c: {  	v11 =	vor.u32 $0x2F, v0;
	[tilespmem:s13+$0xFFFFF490] =	vst v5;
	v5 =	vld.idx.msk [tilespmem:v14+s28+$0x0], $0xffff  }
0x12d: {  	[tilespmem:s13+$0xFFFFF480] =	vst v6;
	v6 =	vld.idx.msk [tilespmem:v15+s28+$0x0], $0xffff;
	v14 =	vor.u32 $0x30, v1  }
0x12e: {  	v7 =	vld.idx.msk [tilespmem:v7+s28+$0x0], $0xffff;
	v15 =	vor.u32 $0xB, v3;
	[tilespmem:s23+$0xFFFFFE10] =	vst v8  }
0x12f: {  	[tilespmem:s23+$0xFFFFFE00] =	vst v12;
	v9 =	vld.idx.msk [tilespmem:v9+s28+$0x0], $0xffff  }
0x130: {  	v8 =	vor.u32 $0xB, v27;
	v13 =	vld.idx.msk [tilespmem:v13+s28+$0x0], $0xffff;
	[tilespmem:s21+$0x700] =	vst v10  }
0x131: {  	v10 =	vor.u32 $0x1E, v2;
	v11 =	vld.idx.msk [tilespmem:v11+s28+$0x0], $0xffff;
	[tilespmem:s21+$0x790] =	vst v5  }
0x132: {  	v18 =	vor.u32 $0x1E, v4;
	[tilespmem:s13+$0xFFFFF510] =	vst v6;
	v6 =	vld.idx.msk [tilespmem:v14+s28+$0x0], $0xffff  }
0x133: {  	[tilespmem:s13+$0xFFFFF500] =	vst v7;
	v7 =	vld.idx.msk [tilespmem:v15+s28+$0x0], $0xffff;
	v14 =	vor.u32 $0x31, v1  }
0x134: {  	v12 =	vor.u32 $0x30, v0;
	[tilespmem:s23+$0xFFFFFE90] =	vst v9  }
0x135: {  	v8 =	vld.idx.msk [tilespmem:v8+s28+$0x0], $0xffff;
	[tilespmem:s23+$0xFFFFFE80] =	vst v13  }
0x136: {  	v15 =	vor.u32 $0xC, v3;
	v10 =	vld.idx.msk [tilespmem:v10+s28+$0x0], $0xffff;
	[tilespmem:s21+$0x780] =	vst v11  }
0x137: {  	v13 =	vld.idx.msk [tilespmem:v18+s28+$0x0], $0xffff;
	[tilespmem:s21+$0x810] =	vst v6  }
0x138: {  	[tilespmem:s13+$0xFFFFF590] =	vst v7;
	v7 =	vld.idx.msk [tilespmem:v14+s28+$0x0], $0xffff;
	v14 =	vor.u32 $0x24, v4  }
0x139: {  	v12 =	vld.idx.msk [tilespmem:v12+s28+$0x0], $0xffff;
	[tilespmem:$0x1FD90] =	vst v14;
	v14 =	vor.u32 $0x25, v4  }
0x13a: {  	v9 =	vor.u32 $0xC, v27;
	[tilespmem:$0x1FDA0] =	vst v14  }
0x13b: {  	[tilespmem:s13+$0xFFFFF580] =	vst v8;
	v8 =	vld.idx.msk [tilespmem:v15+s28+$0x0], $0xffff;
	v15 =	vor.u32 $0x26, v4  }
0x13c: {  	v16 =	vor.u32 $0x31, v0;
	v17 =	vor.u32 $0x32, v0;
	[tilespmem:$0x1FDB0] =	vst v15;
	v15 =	vor.u32 $0x27, v4  }
0x13d: {  	v20 =	vor.u32 $0x33, v0;
	v28 =	vor.u32 $0x35, v0;
	v11 =	vor.u32 $0x1F, v2;
	[tilespmem:$0x1FDC0] =	vst v15  }
0x13e: {  	v44 =	vor.u32 $0x36, v0;
	v52 =	vor.u32 $0x37, v0;
	[tilespmem:s23+$0xFFFFFF10] =	vst v10;
	v10 =	vor.u32 $0x28, v4  }
0x13f: {  	v50 =	vor.u32 $0x38, v0;
	v18 =	vor.u32 $0x1F, v4;
	v9 =	vld.idx.msk [tilespmem:v9+s28+$0x0], $0xffff;
	[tilespmem:$0x1FDD0] =	vst v10;
	v10 =	vor.u32 $0x29, v4  }
0x140: {  	v47 =	vor.u32 $0x39, v0;
	v45 =	vor.u32 $0x3A, v0;
	v43 =	vor.u32 $0x3B, v0;
	[tilespmem:$0x1FDE0] =	vst v10  }
0x141: {  	v24 =	vor.u32 $0x3C, v0;
	v14 =	vor.u32 $0x32, v1;
	[tilespmem:s23+$0xFFFFFF00] =	vst v13;
	v13 =	vor.u32 $0x2A, v4  }
0x142: {  	v40 =	vor.u32 $0x3D, v0;
	v15 =	vor.u32 $0xD, v3;
	v11 =	vld.idx.msk [tilespmem:v11+s28+$0x0], $0xffff;
	[tilespmem:$0x1FDF0] =	vst v13;
	v13 =	vor.u32 $0x2B, v4  }
0x143: {  	v39 =	vor.u32 $0x3E, v0;
	v38 =	vor.u32 $0x3F, v0;
	v10 =	vor.u32 $0xD, v27;
	[tilespmem:$0x1FE00] =	vst v13  }
0x144: {  	v19 =	vor.u32 $0x20, v4;
	v29 =	vor.u32 $0x22, v4;
	v63 =	vor.u32 $0x2C, v4;
	v13 =	vld.idx.msk [tilespmem:v18+s28+$0x0], $0xffff;
	[tilespmem:s21+$0x800] =	vst v12  }
0x145: {  	v60 =	vor.u32 $0x2D, v4;
	v59 =	vor.u32 $0x2E, v4;
	v12 =	vor.u32 $0x20, v2;
	[tilespmem:s21+$0x890] =	vst v7;
	v16 =	vld.idx.msk [tilespmem:v16+s28+$0x0], $0xffff  }
0x146: {  	v58 =	vor.u32 $0x2F, v4;
	v57 =	vor.u32 $0x30, v4;
	v55 =	vor.u32 $0x31, v4;
	[tilespmem:s13+$0xFFFFF610] =	vst v8;
	v7 =	vld.idx.msk [tilespmem:v14+s28+$0x0], $0xffff  }
0x147: {  	v51 =	vor.u32 $0x32, v4;
	v49 =	vor.u32 $0x33, v4;
	v23 =	vor.u32 $0x34, v4;
	[tilespmem:s13+$0xFFFFF600] =	vst v9;
	v8 =	vld.idx.msk [tilespmem:v15+s28+$0x0], $0xffff  }
0x148: {  	v22 =	vor.u32 $0x35, v4;
	v21 =	vor.u32 $0x36, v4;
	v9 =	vor.u32 $0x33, v1;
	v10 =	vld.idx.msk [tilespmem:v10+s28+$0x0], $0xffff;
	[tilespmem:s23+$0xFFFFFF90] =	vst v11  }
0x149: {  	v56 =	vor.u32 $0x37, v4;
	v54 =	vor.u32 $0x38, v4;
	v14 =	vor.u32 $0xE, v3;
	[tilespmem:s23+$0xFFFFFF80] =	vst v13  }
0x14a: {  	v53 =	vor.u32 $0x39, v4;
	v48 =	vor.u32 $0x3A, v4;
	v46 =	vor.u32 $0x3B, v4;
	v12 =	vld.idx.msk [tilespmem:v12+s28+$0x0], $0xffff;
	[tilespmem:s21+$0x880] =	vst v16  }
0x14b: {  	v25 =	vor.u32 $0x3E, v4;
	v42 =	vor.u32 $0x3F, v4;
	v11 =	vor.u32 $0xE, v27;
	v13 =	vld.idx.msk [tilespmem:v19+s28+$0x0], $0xffff;
	[tilespmem:s21+$0x910] =	vst v7  }
0x14c: {  	v5 =	vor.u32 $0x34, v0;
	v0 =	vor.u32 $0x23, v4;
	v6 =	vor.u32 $0x21, v4;
	[tilespmem:s13+$0xFFFFF690] =	vst v8;
	v16 =	vld.idx.msk [tilespmem:v17+s28+$0x0], $0xffff  }
0x14d: {  	v18 =	vor.u32 $0x3D, v4;
	v19 =	vor.u32 $0x3C, v4;
	[tilespmem:s13+$0xFFFFF680] =	vst v10;
	v10 =	vor.u32 $0x12, v27;
	v4 =	vld.idx.msk [tilespmem:v9+s28+$0x0], $0xffff  }
0x14e: {  	v8 =	vld.idx.msk [tilespmem:v14+s28+$0x0], $0xffff;
	[tilespmem:$0x1FE10] =	vst v10  }
0x14f: {  	v15 =	vor.u32 $0x21, v2;
	[tilespmem:s23+$0x10] =	vst v12;
	v12 =	vor.u32 $0x13, v27  }
0x150: {  	v10 =	vld.idx.msk [tilespmem:v11+s28+$0x0], $0xffff;
	[tilespmem:$0x1FE20] =	vst v12;
	v12 =	vor.u32 $0x14, v27  }
0x151: {  	[tilespmem:$0x1FE30] =	vst v12;
	v12 =	vor.u32 $0x15, v27  }
0x152: {  	[tilespmem:$0x1FE40] =	vst v12  }
0x153: {  	v12 =	vor.u32 $0x16, v27;
	[tilespmem:s23+$0x0] =	vst v13  }
0x154: {  	v26 =	vld.idx.msk [tilespmem:v15+s28+$0x0], $0xffff;
	[tilespmem:$0x1FE50] =	vst v12;
	v12 =	vor.u32 $0x17, v27  }
0x155: {  	[tilespmem:$0x1FE60] =	vst v12  }
0x156: {  	[tilespmem:s21+$0x900] =	vst v16  }
0x157: {  	v9 =	vor.u32 $0x34, v1;
	[tilespmem:s21+$0x990] =	vst v4;
	v4 =	vor.u32 $0x18, v27  }
0x158: {  	v12 =	vor.u32 $0x19, v27;
	v6 =	vld.idx.msk [tilespmem:v6+s28+$0x0], $0xffff;
	[tilespmem:$0x1FE70] =	vst v4  }
0x159: {  	v4 =	vld.idx.msk [tilespmem:v20+s28+$0x0], $0xffff;
	[tilespmem:$0x1FE80] =	vst v12;
	v12 =	vor.u32 $0x1A, v27  }
0x15a: {  	[tilespmem:$0x1FE90] =	vst v12  }
0x15b: {  	v11 =	vor.u32 $0xF, v3;
	[tilespmem:s13+$0xFFFFF710] =	vst v8;
	v8 =	vor.u32 $0x1B, v27  }
0x15c: {  	v33 =	vld.idx.msk [tilespmem:v9+s28+$0x0], $0xffff;
	[tilespmem:$0x1FEA0] =	vst v8;
	v8 =	vor.u32 $0x1C, v27  }
0x15d: {  	v7 =	vor.u32 $0xF, v27;
	[tilespmem:$0x1FEB0] =	vst v8;
	v8 =	vor.u32 $0x1D, v27  }
0x15e: {  	[tilespmem:$0x1FEC0] =	vst v8  }
0x15f: {  	v8 =	vor.u32 $0x1E, v27;
	[tilespmem:s13+$0xFFFFF700] =	vst v10  }
0x160: {  	v34 =	vld.idx.msk [tilespmem:v11+s28+$0x0], $0xffff;
	[tilespmem:$0x1FED0] =	vst v8;
	v8 =	vor.u32 $0x1F, v27  }
0x161: {  	v31 =	vor.u32 $0x22, v2;
	[tilespmem:$0x1FEE0] =	vst v8  }
0x162: {  	[tilespmem:s23+$0x90] =	vst v26;
	v36 =	vld.idx.msk [tilespmem:v7+s28+$0x0], $0xffff;
	v7 =	vor.u32 $0x20, v27  }
0x163: {  	[tilespmem:$0x1FEF0] =	vst v7;
	v7 =	vor.u32 $0x21, v27  }
0x164: {  	[tilespmem:$0x1FF00] =	vst v7  }
0x165: {  	[tilespmem:s23+$0x80] =	vst v6;
	v6 =	vor.u32 $0x22, v27  }
0x166: {  	v31 =	vld.idx.msk [tilespmem:v31+s28+$0x0], $0xffff;
	[tilespmem:$0x1FF10] =	vst v6;
	v6 =	vor.u32 $0x23, v27  }
0x167: {  	[tilespmem:$0x1FF20] =	vst v6  }
0x168: {  	[tilespmem:s21+$0x980] =	vst v4  }
0x169: {  	v35 =	vor.u32 $0x35, v1;
	v6 =	vor.u32 $0x27, v27;
	v4 =	vld.idx.msk [tilespmem:v29+s28+$0x0], $0xffff;
	[tilespmem:s21+$0xA10] =	vst v33  }
0x16a: {  	v5 =	vld.idx.msk [tilespmem:v5+s28+$0x0], $0xffff;
	[tilespmem:$0x1FF30] =	vst v6;
	v6 =	vor.u32 $0x28, v27  }
0x16b: {  	[tilespmem:$0x1FF40] =	vst v6;
	v6 =	vor.u32 $0x29, v27  }
0x16c: {  	[tilespmem:$0x1FF50] =	vst v6  }
0x16d: {  	v7 =	vor.u32 $0x10, v3;
	v6 =	vor.u32 $0x2A, v27;
	[tilespmem:s13+$0xFFFFF790] =	vst v34  }
0x16e: {  	v33 =	vld.idx.msk [tilespmem:v35+s28+$0x0], $0xffff;
	[tilespmem:$0x1FF60] =	vst v6;
	v6 =	vor.u32 $0x2B, v27  }
0x16f: {  	[tilespmem:$0x1FF70] =	vst v6;
	v6 =	vor.u32 $0x2C, v27  }
0x170: {  	v30 =	vor.u32 $0x10, v27;
	[tilespmem:$0x1FF80] =	vst v6  }
0x171: {  	v6 =	vor.u32 $0x2D, v27;
	[tilespmem:s13+$0xFFFFF780] =	vst v36  }
0x172: {  	v34 =	vld.idx.msk [tilespmem:v7+s28+$0x0], $0xffff;
	[tilespmem:$0x1FF90] =	vst v6;
	v6 =	vor.u32 $0x2E, v27  }
0x173: {  	v29 =	vor.u32 $0x23, v2;
	[tilespmem:$0x1FFA0] =	vst v6  }
0x174: {  	v6 =	vor.u32 $0x2F, v27;
	[tilespmem:s23+$0x110] =	vst v31  }
0x175: {  	v30 =	vld.idx.msk [tilespmem:v30+s28+$0x0], $0xffff;
	[tilespmem:$0x1FFB0] =	vst v6;
	v6 =	vor.u32 $0x30, v27  }
0x176: {  	[tilespmem:$0x1FFC0] =	vst v6  }
0x177: {  	v32 =	vor.u32 $0x11, v27;
	v35 =	vor.u32 $0x36, v1;
	v6 =	vor.u32 $0x31, v27;
	[tilespmem:s23+$0x100] =	vst v4  }
0x178: {  	v62 =	vor.u32 $0x33, v27;
	v31 =	vor.u32 $0x11, v3;
	v4 =	vld.idx.msk [tilespmem:v29+s28+$0x0], $0xffff;
	[tilespmem:$0x1FFD0] =	vst v6;
	v6 =	vor.u32 $0x32, v27  }
0x179: {  	v61 =	vor.u32 $0x37, v27;
	v41 =	vor.u32 $0x38, v27;
	v17 =	vor.u32 $0x34, v27;
	[tilespmem:$0x1FFE0] =	vst v6  }
0x17a: {  	v14 =	vor.u32 $0x3F, v27;
	v15 =	vor.u32 $0x3E, v27;
	v16 =	vor.u32 $0x3D, v27;
	[tilespmem:s21+$0xA00] =	vst v5;
	v0 =	vld.idx.msk [tilespmem:v0+s28+$0x0], $0xffff  }
0x17b: {  	v20 =	vor.u32 $0x3C, v27;
	v12 =	vor.u32 $0x26, v27;
	v9 =	vor.u32 $0x36, v27;
	[tilespmem:s21+$0xA90] =	vst v33;
	v29 =	vld.idx.msk [tilespmem:v28+s28+$0x0], $0xffff  }
0x17c: {  	v10 =	vor.u32 $0x25, v27;
	v11 =	vor.u32 $0x35, v27;
	v26 =	vor.u32 $0x24, v27;
	[tilespmem:s13+$0xFFFFF810] =	vst v34;
	v28 =	vld.idx.msk [tilespmem:v35+s28+$0x0], $0xffff  }
0x17d: {  	s15 =	simm.s32 $0x4;
	s18 =	sshrl.u32 s14, $0x1;
	v36 =	vor.u32 $0x39, v27;
	v34 =	vor.u32 $0x3A, v27;
	v33 =	vor.u32 $0x3B, v27;
	[tilespmem:s13+$0xFFFFF800] =	vst v30;
	v31 =	vld.idx.msk [tilespmem:v31+s28+$0x0], $0xffff  }
0x17e: {  	s25 =	sshll.u32 s14, $0x1;
	s8 =	simm.s32 $0x10040;
	s17 =	simm.s32 $0x60;
	v27 =	vor.u32 $0x37, v1;
	v30 =	vld.idx.msk [tilespmem:v32+s28+$0x0], $0xffff;
	v32 =	vor.u32 $0x12, v3;
	[tilespmem:s23+$0x190] =	vst v4;
	v4 =	vor.u32 $0x24, v2  }
.LBB2_3:
0x17f: {  	[tilespmem:$0x1FAD0] =	vst v45  }
0x180: {  	[tilespmem:$0x1FAE0] =	vst v48  }
0x181: {  	[tilespmem:$0x1FA80] =	vst v41  }
0x182: {  	[tilespmem:$0x1FAA0] =	vst v47  }
0x183: {  	[tilespmem:$0x1FB50] =	vst v55  }
0x184: {  	[tilespmem:$0x1FC30] =	vst v62  }
0x185: {  	[tilespmem:$0x1FC80] =	vst v15  }
0x186: {  	[tilespmem:$0x1FAB0] =	vst v58  }
0x187: {  	[tilespmem:$0x1FB20] =	vst v46  }
0x188: {  	[tilespmem:$0x1FB70] =	vst v24  }
0x189: {  	[tilespmem:$0x1FB90] =	vst v20  }
0x18a: {  	[tilespmem:$0x1FD00] =	vst v14  }
0x18b: {  	[tilespmem:$0x1FBC0] =	vst v51  }
0x18c: {  	[tilespmem:$0x1FB10] =	vst v43  }
0x18d: {  	[tilespmem:$0x1FAF0] =	vst v34  }
0x18e: {  	[tilespmem:$0x1FC00] =	vst v16  }
0x18f: {  	[tilespmem:$0x1FD40] =	vst v11  }
0x190: {  	[tilespmem:$0x1FC20] =	vst v49  }
0x191: {  	[tilespmem:$0x1FB30] =	vst v33  }
0x192: {  	[tilespmem:$0x1FB80] =	vst v19  }
0x193: {  	[tilespmem:$0x1FBF0] =	vst v18  }
0x194: {  	[tilespmem:$0x1FBE0] =	vst v40  }
0x195: {  	[tilespmem:$0x1FD30] =	vst v22  }
0x196: {  	[tilespmem:$0x1FC70] =	vst v25  }
0x197: {  	[tilespmem:$0x1FCF0] =	vst v42  }
0x198: {  	[tilespmem:$0x1FCE0] =	vst v38  }
0x199: {  	[tilespmem:$0x1FC60] =	vst v39  }
0x19a: {  	[tilespmem:$0x1FCA0] =	vst v23  }
0x19b: {  	[tilespmem:$0x1FCB0] =	vst v17;
	v5 =	vld [tilespmem:$0x1FD90]  }
0x19c: {  	v6 =	vmov v26;
	[tilespmem:s23+$0x180] =	vst v0  }
0x19d: {  	v55 =	vmov s17;
	[tilespmem:$0x1FD90] =	vst v6  }
0x19e: {  	v0 =	vld.idx.msk [tilespmem:v4+s28+$0x0], $0xffff;
	v4 =	vshll.u32 v55, $0x7;
	[tilespmem:s21+$0xB10] =	vst v28  }
0x19f: {  	v6 =	vld [tilespmem:$0x1FE10];
	v35 =	vor.u32 v37, v4;
	[tilespmem:s13+$0xFFFFF890] =	vst v31;
	v11 =	vmov v12  }
0x1a0: {  	v41 =	vmov v9;
	v9 =	vld [tilespmem:$0x1FDB0];
	[tilespmem:$0x1FDB0] =	vst v11;
	v11 =	vor.u32 $0x34, v35  }
0x1a1: {  	s20 =	sadd.s32 $0x10, s17;
	v12 =	vor.u32 $0x35, v35;
	[tilespmem:$0x1FCC0] =	vst v11  }
0x1a2: {  	v58 =	vmov s20;
	v13 =	vor.u32 $0x36, v35;
	[tilespmem:$0x1FD50] =	vst v12  }
0x1a3: {  	v4 =	vshll.u32 v58, $0x7;
	[tilespmem:$0x1FD60] =	vst v13;
	v34 =	vld.idx.msk [tilespmem:v5+s28+$0x0], $0xffff  }
0x1a4: {  	[tilespmem:s21+$0xA80] =	vst v29;
	v5 =	vmov v21;
	v21 =	vmov v52;
	v52 =	vor.u32 v37, v4;
	v4 =	vld.idx.msk [tilespmem:v27+s28+$0x0], $0xffff  }
0x1a5: {  	v29 =	vld.idx.msk [tilespmem:v44+s28+$0x0], $0xffff;
	[tilespmem:$0x1FBA0] =	vst v5  }
0x1a6: {  	[tilespmem:s13+$0xFFFFF880] =	vst v30;
	v5 =	vld.idx.msk [tilespmem:v32+s28+$0x0], $0xffff  }
0x1a7: {  	v26 =	vor.u32 $0x25, v2;
	[tilespmem:s23+$0x210] =	vst v0;
	v0 =	vor.u32 $0xA, v35;
	v27 =	vld.idx.msk [tilespmem:v6+s28+$0x0], $0xffff  }
0x1a8: {  	[tilespmem:$0x1FA90] =	vst v0;
	v0 =	vor.u32 $0xB, v35;
	v6 =	vld [tilespmem:$0x1FE20]  }
0x1a9: {  	[tilespmem:$0x1FAC0] =	vst v0;
	v0 =	vor.u32 $0xC, v35  }
0x1aa: {  	[tilespmem:$0x1FB00] =	vst v0  }
0x1ab: {  	v0 =	vor.u32 $0xD, v35;
	[tilespmem:s23+$0x200] =	vst v34  }
0x1ac: {  	v26 =	vld.idx.msk [tilespmem:v26+s28+$0x0], $0xffff;
	[tilespmem:$0x1FB60] =	vst v0  }
0x1ad: {  	v34 =	vld.idx.msk [tilespmem:v52+s28+$0x0], $0xffff;
	[tilespmem:s21+$0xB90] =	vst v4  }
0x1ae: {  	v30 =	vor.u32 $0x38, v1;
	[tilespmem:s21+$0xB00] =	vst v29  }
0x1af: {  	v31 =	vor.u32 $0x13, v3;
	v0 =	vor.u32 $0xE, v35;
	v4 =	vor.u32 $0x13, v35;
	v29 =	vld.idx.msk [tilespmem:v35+s28+$0x0], $0xffff;
	[tilespmem:s13+$0xFFFFF900] =	vst v27  }
0x1b0: {  	[tilespmem:$0x1FBD0] =	vst v0;
	v46 =	vld.idx.msk [tilespmem:v6+s28+$0x0], $0xffff;
	v6 =	vmov v4  }
0x1b1: {  	[tilespmem:$0x1FE20] =	vst v6;
	v6 =	vld [tilespmem:$0x1FDA0]  }
0x1b2: {  	v0 =	vor.u32 $0xF, v35;
	[tilespmem:s13+$0xFFFFF910] =	vst v5  }
0x1b3: {  	v62 =	vor.u32 $0x26, v2;
	[tilespmem:$0x1FC50] =	vst v0;
	v5 =	vld.idx.msk [tilespmem:v30+s28+$0x0], $0xffff  }
0x1b4: {  	v0 =	vor.u32 $0x10, v35;
	v27 =	vld.idx.msk [tilespmem:v31+s28+$0x0], $0xffff;
	[tilespmem:s23+$0x290] =	vst v26  }
0x1b5: {  	v42 =	vor.u32 $0x1, v52;
	[tilespmem:$0x1FCD0] =	vst v0;
	v0 =	vor.u32 $0x11, v35  }
0x1b6: {  	s13 =	sadd.s32 $0x20, s13;
	[tilespmem:$0x1FD70] =	vst v0  }
0x1b7: {  	v39 =	vor.u32 $0x1, v35;
	v0 =	vor.u32 $0x12, v35;
	[tilespmem:s13+$0xFFFFF010] =	vst v34  }
0x1b8: {  	[tilespmem:$0x1FE10] =	vst v0;
	v4 =	vor.u32 $0x14, v3;
	v62 =	vld.idx.msk [tilespmem:v62+s28+$0x0], $0xffff  }
0x1b9: {  	v51 =	vld.idx.msk [tilespmem:v6+s28+$0x0], $0xffff;
	[tilespmem:s13+$0xFFFFF000] =	vst v29  }
0x1ba: {  	v49 =	vor.u32 $0x39, v1;
	v29 =	vld.idx.msk [tilespmem:v42+s28+$0x0], $0xffff;
	[tilespmem:s21+$0xC10] =	vst v5  }
0x1bb: {  	v6 =	vmov v10;
	[tilespmem:s8+$0xFFFFF990] =	vst v27  }
0x1bc: {  	v5 =	vor.u32 $0x23, v35;
	[tilespmem:$0x1FDA0] =	vst v6;
	v39 =	vld.idx.msk [tilespmem:v39+s28+$0x0], $0xffff  }
0x1bd: {  	v16 =	vmov v59;
	[tilespmem:$0x1FD20] =	vst v5;
	v59 =	vld.idx.msk [tilespmem:v4+s28+$0x0], $0xffff  }
0x1be: {  	[tilespmem:s8+$0xFFFFF980] =	vst v46;
	v4 =	vld [tilespmem:$0x1FE30]  }
0x1bf: {  	v27 =	vor.u32 $0x26, v35;
	v6 =	vor.u32 $0x1F, v35;
	v55 =	vld.idx.msk [tilespmem:v49+s28+$0x0], $0xffff;
	[tilespmem:s23+$0x310] =	vst v62  }
0x1c0: {  	v10 =	vmov v27;
	[tilespmem:$0x1FB40] =	vst v6  }
0x1c1: {  	v6 =	vor.u32 $0x20, v35;
	[tilespmem:$0x1FD10] =	vst v10  }
0x1c2: {  	v44 =	vor.u32 $0x15, v35;
	v42 =	vor.u32 $0x27, v2;
	v10 =	vor.u32 $0x33, v35;
	[tilespmem:$0x1FBB0] =	vst v6  }
0x1c3: {  	v15 =	vld [tilespmem:$0x1FDC0];
	v5 =	vor.u32 $0x2, v52;
	[tilespmem:$0x1FC40] =	vst v10;
	v27 =	vmov v44  }
0x1c4: {  	v13 =	vld [tilespmem:$0x1FE40];
	[tilespmem:$0x1FE40] =	vst v27  }
0x1c5: {  	v40 =	vor.u32 $0x2, v35;
	v27 =	vld [tilespmem:$0x1FF30];
	[tilespmem:s13+$0xFFFFF090] =	vst v29  }
0x1c6: {  	v30 =	vor.u32 $0x14, v35;
	v6 =	vor.u32 $0x21, v35;
	v8 =	vld.idx.msk [tilespmem:v4+s28+$0x0], $0xffff;
	[tilespmem:s23+$0x280] =	vst v51;
	v51 =	vor.u32 $0x3A, v1  }
0x1c7: {  	[tilespmem:$0x1FC10] =	vst v6;
	v29 =	vld.idx.msk [tilespmem:v42+s28+$0x0], $0xffff;
	v4 =	vmov v30;
	v30 =	vor.u32 $0x15, v3  }
0x1c8: {  	v5 =	vld.idx.msk [tilespmem:v5+s28+$0x0], $0xffff;
	[tilespmem:s21+$0xC90] =	vst v55  }
0x1c9: {  	v10 =	vor.u32 $0x28, v2;
	v9 =	vld.idx.msk [tilespmem:v9+s28+$0x0], $0xffff;
	[tilespmem:s13+$0xFFFFF080] =	vst v39  }
0x1ca: {  	v14 =	vor.u32 $0x16, v3;
	v11 =	vor.u32 $0x3, v52;
	[tilespmem:s8+$0xFFFFFA10] =	vst v59;
	v39 =	vld.idx.msk [tilespmem:v40+s28+$0x0], $0xffff  }
0x1cb: {  	v17 =	vmovc v63;
	v19 =	vmovc v61;
	v63 =	vor.u32 $0x3, v35;
	v61 =	vor.u32 $0x4, v35;
	v58 =	vor.u32 $0x5, v35;
	v12 =	vld.idx.msk [tilespmem:v51+s28+$0x0], $0xffff;
	[tilespmem:s8+$0xFFFFFA00] =	vst v8  }
0x1cc: {  	v23 =	vmovc v50;
	v28 =	vmovc v54;
	v54 =	vor.u32 $0x6, v35;
	v50 =	vor.u32 $0x7, v35;
	v47 =	vor.u32 $0x8, v35;
	v8 =	vld.idx.msk [tilespmem:v30+s28+$0x0], $0xffff;
	[tilespmem:s23+$0x390] =	vst v29  }
0x1cd: {  	v18 =	vmovc v36;
	v43 =	vor.u32 $0x9, v35;
	v36 =	vor.u32 $0x16, v35;
	v6 =	vor.u32 $0x22, v35;
	[tilespmem:s13+$0xFFFFF110] =	vst v5;
	v13 =	vld.idx.msk [tilespmem:v13+s28+$0x0], $0xffff  }
0x1ce: {  	v22 =	vmovc v56;
	v33 =	vor.u32 $0x18, v35;
	v56 =	vor.u32 $0x1A, v35;
	v48 =	vor.u32 $0x1C, v35;
	[tilespmem:$0x1FC90] =	vst v6;
	v5 =	vld.idx.msk [tilespmem:v10+s28+$0x0], $0xffff  }
0x1cf: {  	v45 =	vor.u32 $0x1D, v35;
	v38 =	vor.u32 $0x1E, v35;
	v7 =	vor.u32 $0x28, v35;
	[tilespmem:s23+$0x300] =	vst v9;
	v10 =	vld.idx.msk [tilespmem:v11+s28+$0x0], $0xffff  }
0x1d0: {  	v25 =	vmovc v60;
	v24 =	vmovc v57;
	v60 =	vor.u32 $0x2C, v35;
	v57 =	vor.u32 $0x2D, v35;
	v6 =	vor.u32 $0x25, v35;
	v15 =	vld.idx.msk [tilespmem:v15+s28+$0x0], $0xffff;
	[tilespmem:s13+$0xFFFFF100] =	vst v39  }
0x1d1: {  	v20 =	vmovc v53;
	v53 =	vor.u32 $0x2E, v35;
	v37 =	vor.u32 $0x29, v35;
	v32 =	vor.u32 $0x19, v35;
	[tilespmem:$0x1FD80] =	vst v6;
	v11 =	vld.idx.msk [tilespmem:v63+s28+$0x0], $0xffff  }
0x1d2: {  	v31 =	vor.u32 $0x1B, v35;
	v26 =	vor.u32 $0x24, v35;
	v9 =	vor.u32 $0x3B, v1;
	[tilespmem:s8+$0xFFFFFA80] =	vst v13;
	v13 =	vld [tilespmem:$0x1FE50]  }
0x1d3: {  	v0 =	vor.u32 $0x17, v35;
	v34 =	vor.u32 $0x2B, v35;
	v49 =	vor.u32 $0x2F, v35;
	v27 =	vmovc v27;
	[tilespmem:$0x1FE30] =	vst v4;
	v63 =	vld [tilespmem:$0x1FDD0]  }
0x1d4: {  	v46 =	vor.u32 $0x30, v35;
	v62 =	vor.u32 $0x37, v35;
	v44 =	vor.u32 $0x3C, v35;
	[tilespmem:$0x1FDC0] =	vst v27  }
0x1d5: {  	v6 =	vor.u32 $0x27, v35;
	v42 =	vor.u32 $0x31, v35;
	v59 =	vor.u32 $0x38, v35;
	[tilespmem:s21+$0xD10] =	vst v12  }
0x1d6: {  	v55 =	vor.u32 $0x39, v35;
	v4 =	vor.u32 $0x2A, v35;
	v27 =	vor.u32 $0x3F, v35;
	v29 =	vmovc v6;
	[tilespmem:s8+$0xFFFFFA90] =	vst v8  }
0x1d7: {  	v40 =	vor.u32 $0x32, v35;
	v51 =	vor.u32 $0x3A, v35;
	v30 =	vor.u32 $0x3B, v35;
	[tilespmem:$0x1FF30] =	vst v29;
	v8 =	vld.idx.msk [tilespmem:v9+s28+$0x0], $0xffff  }
0x1d8: {  	v6 =	vor.u32 $0x3E, v35;
	v29 =	vor.u32 $0x3D, v35;
	v35 =	vor.u32 $0x29, v2;
	v9 =	vld.idx.msk [tilespmem:v14+s28+$0x0], $0xffff;
	[tilespmem:s23+$0x410] =	vst v5  }
0x1d9: {  	v12 =	vor.u32 $0x4, v52;
	[tilespmem:s13+$0xFFFFF190] =	vst v10  }
0x1da: {  	v13 =	vld.idx.msk [tilespmem:v13+s28+$0x0], $0xffff;
	[tilespmem:s23+$0x380] =	vst v15;
	v15 =	vmov v36  }
0x1db: {  	v14 =	vor.u32 $0x3C, v1;
	v5 =	vmov v7;
	[tilespmem:$0x1FE50] =	vst v15;
	v36 =	vld.idx.msk [tilespmem:v63+s28+$0x0], $0xffff  }
0x1dc: {  	v63 =	vld [tilespmem:$0x1FF40];
	[tilespmem:$0x1FF40] =	vst v5  }
0x1dd: {  	v15 =	vor.u32 $0x17, v3;
	v5 =	vld.idx.msk [tilespmem:v35+s28+$0x0], $0xffff;
	[tilespmem:s13+$0xFFFFF180] =	vst v11  }
0x1de: {  	v7 =	vld.idx.msk [tilespmem:v12+s28+$0x0], $0xffff;
	[tilespmem:s21+$0xD90] =	vst v8  }
0x1df: {  	[tilespmem:s8+$0xFFFFFB10] =	vst v9;
	v10 =	vld.idx.msk [tilespmem:v61+s28+$0x0], $0xffff  }
0x1e0: {  	v11 =	vor.u32 $0x2A, v2;
	v9 =	vld.idx.msk [tilespmem:v14+s28+$0x0], $0xffff  }
0x1e1: {  	v8 =	vor.u32 $0x5, v52;
	[tilespmem:s8+$0xFFFFFB00] =	vst v13;
	v13 =	vld [tilespmem:$0x1FE60]  }
0x1e2: {  	v12 =	vld.idx.msk [tilespmem:v15+s28+$0x0], $0xffff;
	v15 =	vmov v0;
	[tilespmem:s23+$0x490] =	vst v5  }
0x1e3: {  	[tilespmem:$0x1FE60] =	vst v15;
	v15 =	vld [tilespmem:$0x1FDE0]  }
0x1e4: {  	v61 =	vld [tilespmem:$0x1FF50];
	v5 =	vmov v37;
	[tilespmem:s13+$0xFFFFF210] =	vst v7  }
0x1e5: {  	v14 =	vor.u32 $0x3D, v1;
	[tilespmem:$0x1FF50] =	vst v5;
	v5 =	vld.idx.msk [tilespmem:v11+s28+$0x0], $0xffff  }
0x1e6: {  	v7 =	vld.idx.msk [tilespmem:v8+s28+$0x0], $0xffff  }
0x1e7: {  	v0 =	vor.u32 $0x18, v3;
	[tilespmem:s8+$0xFFFFFB90] =	vst v12;
	v12 =	vld [tilespmem:$0x1FE70];
	_ =	sdelay $0x1  }
0x1e8: {  	[tilespmem:s21+$0xE10] =	vst v9;
	v13 =	vld.idx.msk [tilespmem:v13+s28+$0x0], $0xffff  }
0x1e9: {  	v11 =	vld.idx.msk [tilespmem:v14+s28+$0x0], $0xffff;
	[tilespmem:s23+$0x400] =	vst v36  }
0x1ea: {  	v15 =	vld.idx.msk [tilespmem:v15+s28+$0x0], $0xffff  }
0x1eb: {  	v0 =	vld.idx.msk [tilespmem:v0+s28+$0x0], $0xffff;
	[tilespmem:s23+$0x510] =	vst v5  }
0x1ec: {  	v9 =	vor.u32 $0x6, v52;
	[tilespmem:s13+$0xFFFFF200] =	vst v10  }
0x1ed: {  	v14 =	vmov v33;
	v10 =	vor.u32 $0x2B, v2;
	v8 =	vld.idx.msk [tilespmem:v58+s28+$0x0], $0xffff;
	[tilespmem:s8+$0xFFFFFB80] =	vst v13  }
0x1ee: {  	[tilespmem:$0x1FE70] =	vst v14;
	v12 =	vld.idx.msk [tilespmem:v12+s28+$0x0], $0xffff  }
0x1ef: {  	v14 =	vor.u32 $0x19, v3;
	[tilespmem:s23+$0x480] =	vst v15;
	v15 =	vld [tilespmem:$0x1FDF0]  }
0x1f0: {  	v39 =	vmov v63;
	v63 =	vld [tilespmem:$0x1FF60];
	v5 =	vmov v4;
	[tilespmem:s13+$0xFFFFF290] =	vst v7  }
0x1f1: {  	[tilespmem:$0x1FF60] =	vst v5;
	v5 =	vld.idx.msk [tilespmem:v9+s28+$0x0], $0xffff;
	v13 =	vor.u32 $0x3E, v1  }
0x1f2: {  	v4 =	vld.idx.msk [tilespmem:v10+s28+$0x0], $0xffff;
	[tilespmem:s21+$0xE90] =	vst v11  }
0x1f3: {  	[tilespmem:s8+$0xFFFFFC10] =	vst v0;
	v11 =	vld [tilespmem:$0x1FE80]  }
0x1f4: {  	v10 =	vld.idx.msk [tilespmem:v14+s28+$0x0], $0xffff  }
0x1f5: {  	v14 =	vld [tilespmem:$0x1FE00]  }
0x1f6: {  	v9 =	vor.u32 $0x7, v52;
	v0 =	vld.idx.msk [tilespmem:v13+s28+$0x0], $0xffff  }
0x1f7: {  	v13 =	vmov v32;
	[tilespmem:s13+$0xFFFFF310] =	vst v5;
	v15 =	vld.idx.msk [tilespmem:v15+s28+$0x0], $0xffff  }
0x1f8: {  	[tilespmem:$0x1FE80] =	vst v13  }
0x1f9: {  	[tilespmem:s13+$0xFFFFF280] =	vst v8;
	v8 =	vor.u32 $0x2C, v2  }
0x1fa: {  	[tilespmem:s23+$0x590] =	vst v4;
	v7 =	vld.idx.msk [tilespmem:v54+s28+$0x0], $0xffff  }
0x1fb: {  	v5 =	vld.idx.msk [tilespmem:v9+s28+$0x0], $0xffff;
	[tilespmem:s8+$0xFFFFFC00] =	vst v12  }
0x1fc: {  	v4 =	vmov v34;
	v11 =	vld.idx.msk [tilespmem:v11+s28+$0x0], $0xffff;
	[tilespmem:s23+$0x500] =	vst v15  }
0x1fd: {  	v12 =	vor.u32 $0x3F, v1;
	v1 =	vmov v2;
	v2 =	vmov v3;
	v15 =	vld [tilespmem:$0x1FF70];
	[tilespmem:$0x1FF70] =	vst v4  }
0x1fe: {  	v13 =	vor.u32 $0x1A, v2;
	v4 =	vld.idx.msk [tilespmem:v8+s28+$0x0], $0xffff;
	[tilespmem:s21+$0xF10] =	vst v0  }
0x1ff: {  	v14 =	vld.idx.msk [tilespmem:v14+s28+$0x0], $0xffff;
	[tilespmem:s13+$0xFFFFF300] =	vst v7  }
0x200: {  	[tilespmem:s8+$0xFFFFFC90] =	vst v10;
	v7 =	vld.idx.msk [tilespmem:v50+s28+$0x0], $0xffff  }
0x201: {  	[tilespmem:s8+$0xFFFFFC80] =	vst v11;
	v11 =	vld [tilespmem:$0x1FE90]  }
0x202: {  	v3 =	vmov v52;
	v9 =	vld.idx.msk [tilespmem:v12+s28+$0x0], $0xffff  }
0x203: {  	v0 =	vor.u32 $0x8, v3;
	v10 =	vld.idx.msk [tilespmem:v13+s28+$0x0], $0xffff  }
0x204: {  	[tilespmem:s23+$0x610] =	vst v4;
	v4 =	vld [tilespmem:$0x1FF80];
	_ =	sdelay $0x1  }
0x205: {  	v8 =	vor.u32 $0x2D, v1  }
0x206: {  	[tilespmem:s13+$0xFFFFF390] =	vst v5  }
0x207: {  	v0 =	vld.idx.msk [tilespmem:v0+s28+$0x0], $0xffff  }
0x208: {  	v33 =	vmov v63;
	v11 =	vld.idx.msk [tilespmem:v11+s28+$0x0], $0xffff;
	[tilespmem:s23+$0x580] =	vst v14;
	v63 =	vmov v4;
	v4 =	vmov v60  }
0x209: {  	v13 =	vld.idx.msk [tilespmem:v17+s28+$0x0], $0xffff;
	[tilespmem:$0x1FF80] =	vst v4  }
0x20a: {  	v4 =	vld.idx.msk [tilespmem:v8+s28+$0x0], $0xffff;
	[tilespmem:s13+$0xFFFFF380] =	vst v7  }
0x20b: {  	v5 =	vld.idx.msk [tilespmem:v47+s28+$0x0], $0xffff  }
0x20c: {  	[tilespmem:s21+$0xF90] =	vst v9;
	v9 =	vld.idx.msk [tilespmem:v21+s28+$0x0], $0xffff  }
0x20d: {  	[tilespmem:s8+$0xFFFFFD00] =	vst v11;
	v11 =	vld [tilespmem:$0x1FEA0];
	_ =	sdelay $0x7  }
0x20e: {  	v11 =	vld.idx.msk [tilespmem:v11+s28+$0x0], $0xffff  }
0x20f: {  	[tilespmem:s23+$0x600] =	vst v13  }
0x210: {  	v13 =	vld.idx.msk [tilespmem:v25+s28+$0x0], $0xffff;
	[tilespmem:s13+$0xFFFFF400] =	vst v5  }
0x211: {  	v5 =	vld.idx.msk [tilespmem:v43+s28+$0x0], $0xffff;
	[tilespmem:s21+$0xB80] =	vst v9  }
0x212: {  	v9 =	vld.idx.msk [tilespmem:v23+s28+$0x0], $0xffff  }
0x213: {  	[tilespmem:s8+$0xFFFFFD80] =	vst v11;
	v11 =	vld [tilespmem:$0x1FEB0];
	_ =	sdelay $0x7  }
0x214: {  	v11 =	vld.idx.msk [tilespmem:v11+s28+$0x0], $0xffff;
	[tilespmem:s23+$0x680] =	vst v13  }
0x215: {  	v13 =	vld.idx.msk [tilespmem:v16+s28+$0x0], $0xffff  }
0x216: {  	[tilespmem:s13+$0xFFFFF480] =	vst v5;
	v5 =	vld [tilespmem:$0x1FA90];
	_ =	sdelay $0x7  }
0x217: {  	v5 =	vld.idx.msk [tilespmem:v5+s28+$0x0], $0xffff  }
0x218: {  	[tilespmem:s21+$0xC00] =	vst v9;
	v9 =	vld [tilespmem:$0x1FAA0];
	_ =	sdelay $0x7  }
0x219: {  	v9 =	vld.idx.msk [tilespmem:v9+s28+$0x0], $0xffff  }
0x21a: {  	[tilespmem:s8+$0xFFFFFE00] =	vst v11;
	v11 =	vld [tilespmem:$0x1FEC0];
	_ =	sdelay $0x5  }
0x21b: {  	v12 =	vmov v56  }
0x21c: {  	[tilespmem:$0x1FE90] =	vst v12;
	v12 =	vor.u32 $0x1B, v2  }
0x21d: {  	v11 =	vld.idx.msk [tilespmem:v11+s28+$0x0], $0xffff  }
0x21e: {  	[tilespmem:s23+$0x700] =	vst v13;
	v13 =	vld [tilespmem:$0x1FAB0];
	_ =	sdelay $0x1  }
0x21f: {  	v7 =	vor.u32 $0x2E, v1;
	[tilespmem:s8+$0xFFFFFD10] =	vst v10  }
0x220: {  	v10 =	vld.idx.msk [tilespmem:v12+s28+$0x0], $0xffff  }
0x221: {  	[tilespmem:s23+$0x690] =	vst v4;
	v4 =	vld [tilespmem:$0x1FF90]  }
0x222: {  	v8 =	vor.u32 $0x9, v3  }
0x223: {  	[tilespmem:s13+$0xFFFFF410] =	vst v0  }
0x224: {  	v12 =	vmov v31;
	v0 =	vld.idx.msk [tilespmem:v7+s28+$0x0], $0xffff  }
0x225: {  	[tilespmem:$0x1FEA0] =	vst v12;
	v13 =	vld.idx.msk [tilespmem:v13+s28+$0x0], $0xffff  }
0x226: {  	v60 =	vmov v4;
	v4 =	vmov v57;
	[tilespmem:s13+$0xFFFFF500] =	vst v5;
	v5 =	vld [tilespmem:$0x1FAC0]  }
0x227: {  	[tilespmem:$0x1FF90] =	vst v4;
	v4 =	vld.idx.msk [tilespmem:v8+s28+$0x0], $0xffff  }
0x228: {  	v12 =	vor.u32 $0x1C, v2;
	[tilespmem:s8+$0xFFFFFD90] =	vst v10;
	v10 =	vld [tilespmem:$0x1FA80];
	_ =	sdelay $0x4  }
0x229: {  	v54 =	vmov v10;
	v10 =	vld.idx.msk [tilespmem:v12+s28+$0x0], $0xffff  }
0x22a: {  	v5 =	vld.idx.msk [tilespmem:v5+s28+$0x0], $0xffff  }
0x22b: {  	[tilespmem:s21+$0xC80] =	vst v9;
	v9 =	vld [tilespmem:$0x1FAD0]  }
0x22c: {  	[tilespmem:s23+$0x710] =	vst v0;
	v0 =	vld [tilespmem:$0x1FFA0]  }
0x22d: {  	v7 =	vor.u32 $0x2F, v1;
	_ =	sdelay $0x2  }
0x22e: {  	v8 =	vor.u32 $0xA, v3  }
0x22f: {  	v21 =	vmovc v41;
	v41 =	vmov v59;
	[tilespmem:s13+$0xFFFFF490] =	vst v4;
	v59 =	vmov v0;
	v0 =	vmov v53  }
0x230: {  	v12 =	vmov v48;
	[tilespmem:$0x1FFA0] =	vst v0;
	v0 =	vld.idx.msk [tilespmem:v7+s28+$0x0], $0xffff  }
0x231: {  	[tilespmem:$0x1FEB0] =	vst v12;
	v12 =	vor.u32 $0x1D, v2;
	v9 =	vld.idx.msk [tilespmem:v9+s28+$0x0], $0xffff  }
0x232: {  	[tilespmem:s8+$0xFFFFFE80] =	vst v11;
	v11 =	vld [tilespmem:$0x1FED0]  }
0x233: {  	v4 =	vld.idx.msk [tilespmem:v8+s28+$0x0], $0xffff  }
0x234: {  	v8 =	vor.u32 $0xB, v3  }
0x235: {  	[tilespmem:s8+$0xFFFFFE10] =	vst v10  }
0x236: {  	v10 =	vld.idx.msk [tilespmem:v12+s28+$0x0], $0xffff  }
0x237: {  	[tilespmem:s23+$0x790] =	vst v0;
	v0 =	vld [tilespmem:$0x1FFB0]  }
0x238: {  	v7 =	vor.u32 $0x30, v1;
	[tilespmem:s13+$0xFFFFF510] =	vst v4  }
0x239: {  	v4 =	vld.idx.msk [tilespmem:v8+s28+$0x0], $0xffff  }
0x23a: {  	v11 =	vld.idx.msk [tilespmem:v11+s28+$0x0], $0xffff;
	[tilespmem:s23+$0x780] =	vst v13  }
0x23b: {  	v13 =	vld.idx.msk [tilespmem:v24+s28+$0x0], $0xffff  }
0x23c: {  	v58 =	vmov v0;
	v0 =	vmov v49;
	[tilespmem:s13+$0xFFFFF580] =	vst v5;
	v5 =	vld [tilespmem:$0x1FB00]  }
0x23d: {  	[tilespmem:$0x1FFB0] =	vst v0;
	v0 =	vld.idx.msk [tilespmem:v7+s28+$0x0], $0xffff  }
0x23e: {  	[tilespmem:s8+$0xFFFFFE90] =	vst v10;
	v10 =	vld [tilespmem:$0x1FAE0];
	_ =	sdelay $0x3  }
0x23f: {  	v12 =	vmov v45  }
0x240: {  	v45 =	vmov v10;
	v10 =	vld [tilespmem:$0x1FAF0];
	[tilespmem:$0x1FEC0] =	vst v12;
	v12 =	vor.u32 $0x1E, v2  }
0x241: {  	v5 =	vld.idx.msk [tilespmem:v5+s28+$0x0], $0xffff  }
0x242: {  	[tilespmem:s21+$0xD00] =	vst v9;
	v9 =	vld [tilespmem:$0x1FB10];
	_ =	sdelay $0x1  }
0x243: {  	v8 =	vor.u32 $0xC, v3  }
0x244: {  	v48 =	vmov v10;
	v10 =	vld.idx.msk [tilespmem:v12+s28+$0x0], $0xffff  }
0x245: {  	[tilespmem:s23+$0x810] =	vst v0;
	v0 =	vld [tilespmem:$0x1FFC0]  }
0x246: {  	v7 =	vor.u32 $0x31, v1  }
0x247: {  	[tilespmem:s13+$0xFFFFF590] =	vst v4  }
0x248: {  	v4 =	vld.idx.msk [tilespmem:v8+s28+$0x0], $0xffff  }
0x249: {  	v9 =	vld.idx.msk [tilespmem:v9+s28+$0x0], $0xffff  }
0x24a: {  	v57 =	vmov v0;
	v0 =	vmov v46;
	[tilespmem:s8+$0xFFFFFF00] =	vst v11;
	v11 =	vld [tilespmem:$0x1FEE0]  }
0x24b: {  	[tilespmem:$0x1FFC0] =	vst v0;
	v0 =	vld.idx.msk [tilespmem:v7+s28+$0x0], $0xffff  }
0x24c: {  	[tilespmem:s8+$0xFFFFFF10] =	vst v10;
	v10 =	vld [tilespmem:$0x1FB20];
	_ =	sdelay $0x4  }
0x24d: {  	v12 =	vmov v38;
	v43 =	vmov v10;
	v10 =	vld [tilespmem:$0x1FB30]  }
0x24e: {  	[tilespmem:$0x1FED0] =	vst v12;
	v12 =	vor.u32 $0x1F, v2;
	v11 =	vld.idx.msk [tilespmem:v11+s28+$0x0], $0xffff  }
0x24f: {  	[tilespmem:s23+$0x800] =	vst v13;
	v13 =	vld [tilespmem:$0x1FB40];
	_ =	sdelay $0x3  }
0x250: {  	v46 =	vmov v10;
	v10 =	vld.idx.msk [tilespmem:v12+s28+$0x0], $0xffff  }
0x251: {  	v12 =	vmov v13;
	v13 =	vld [tilespmem:$0x1FB50];
	_ =	sdelay $0x7  }
0x252: {  	v13 =	vld.idx.msk [tilespmem:v13+s28+$0x0], $0xffff  }
0x253: {  	[tilespmem:s13+$0xFFFFF600] =	vst v5;
	v5 =	vld [tilespmem:$0x1FB60];
	_ =	sdelay $0x7  }
0x254: {  	v5 =	vld.idx.msk [tilespmem:v5+s28+$0x0], $0xffff  }
0x255: {  	[tilespmem:s21+$0xD80] =	vst v9;
	v9 =	vld [tilespmem:$0x1FB70];
	_ =	sdelay $0x1  }
0x256: {  	v8 =	vor.u32 $0xD, v3;
	_ =	sdelay $0x1  }
0x257: {  	[tilespmem:s23+$0x890] =	vst v0;
	v0 =	vld [tilespmem:$0x1FFD0]  }
0x258: {  	v7 =	vor.u32 $0x32, v1  }
0x259: {  	[tilespmem:s13+$0xFFFFF610] =	vst v4  }
0x25a: {  	v4 =	vld.idx.msk [tilespmem:v8+s28+$0x0], $0xffff  }
0x25b: {  	v9 =	vld.idx.msk [tilespmem:v9+s28+$0x0], $0xffff  }
0x25c: {  	v36 =	vmov v55;
	v55 =	vmov v0;
	v0 =	vmov v42;
	[tilespmem:s8+$0xFFFFFF80] =	vst v11;
	v11 =	vld [tilespmem:$0x1FEF0]  }
0x25d: {  	[tilespmem:$0x1FFD0] =	vst v0;
	v0 =	vld.idx.msk [tilespmem:v7+s28+$0x0], $0xffff  }
0x25e: {  	[tilespmem:s8+$0xFFFFFF90] =	vst v10;
	v10 =	vld [tilespmem:$0x1FB80];
	_ =	sdelay $0x4  }
0x25f: {  	v24 =	vmov v10;
	v10 =	vld [tilespmem:$0x1FB90]  }
0x260: {  	[tilespmem:$0x1FEE0] =	vst v12;
	v12 =	vor.u32 $0x20, v2;
	v11 =	vld.idx.msk [tilespmem:v11+s28+$0x0], $0xffff  }
0x261: {  	[tilespmem:s23+$0x880] =	vst v13;
	v13 =	vld [tilespmem:$0x1FBB0];
	_ =	sdelay $0x3  }
0x262: {  	v56 =	vmov v19;
	v19 =	vmov v10;
	v10 =	vld.idx.msk [tilespmem:v12+s28+$0x0], $0xffff  }
0x263: {  	v12 =	vmov v13;
	v13 =	vld [tilespmem:$0x1FBC0];
	_ =	sdelay $0x7  }
0x264: {  	v13 =	vld.idx.msk [tilespmem:v13+s28+$0x0], $0xffff  }
0x265: {  	[tilespmem:s13+$0xFFFFF680] =	vst v5;
	v5 =	vld [tilespmem:$0x1FBD0];
	_ =	sdelay $0x7  }
0x266: {  	v5 =	vld.idx.msk [tilespmem:v5+s28+$0x0], $0xffff  }
0x267: {  	[tilespmem:s21+$0xE00] =	vst v9;
	v9 =	vld [tilespmem:$0x1FBE0];
	_ =	sdelay $0x1  }
0x268: {  	v8 =	vor.u32 $0xE, v3;
	_ =	sdelay $0x1  }
0x269: {  	[tilespmem:s23+$0x910] =	vst v0;
	v0 =	vld [tilespmem:$0x1FFE0]  }
0x26a: {  	v7 =	vor.u32 $0x33, v1  }
0x26b: {  	[tilespmem:s13+$0xFFFFF690] =	vst v4  }
0x26c: {  	v4 =	vld.idx.msk [tilespmem:v8+s28+$0x0], $0xffff  }
0x26d: {  	v9 =	vld.idx.msk [tilespmem:v9+s28+$0x0], $0xffff  }
0x26e: {  	v34 =	vmov v51;
	v51 =	vmov v0;
	v0 =	vmov v40;
	[tilespmem:s8+$0x0] =	vst v11;
	v11 =	vld [tilespmem:$0x1FF00]  }
0x26f: {  	[tilespmem:$0x1FFE0] =	vst v0;
	v0 =	vld.idx.msk [tilespmem:v7+s28+$0x0], $0xffff  }
0x270: {  	[tilespmem:s8+$0x10] =	vst v10;
	v10 =	vld [tilespmem:$0x1FBF0];
	_ =	sdelay $0x4  }
0x271: {  	v40 =	vmov v10;
	v10 =	vld [tilespmem:$0x1FC00]  }
0x272: {  	[tilespmem:$0x1FEF0] =	vst v12;
	v12 =	vor.u32 $0x21, v2;
	v11 =	vld.idx.msk [tilespmem:v11+s28+$0x0], $0xffff  }
0x273: {  	[tilespmem:s23+$0x900] =	vst v13;
	v13 =	vld [tilespmem:$0x1FC10];
	_ =	sdelay $0x3  }
0x274: {  	v53 =	vmov v18;
	v18 =	vmov v10;
	v10 =	vld.idx.msk [tilespmem:v12+s28+$0x0], $0xffff  }
0x275: {  	v12 =	vmov v13;
	v13 =	vld [tilespmem:$0x1FC20];
	_ =	sdelay $0x1  }
0x276: {  	[tilespmem:s23+$0x990] =	vst v0;
	v0 =	vld [tilespmem:$0x1FC30];
	_ =	sdelay $0x4  }
0x277: {  	v49 =	vmov v0;
	v0 =	vld [tilespmem:$0x1FC40]  }
0x278: {  	v8 =	vor.u32 $0xF, v3;
	v13 =	vld.idx.msk [tilespmem:v13+s28+$0x0], $0xffff  }
0x279: {  	v7 =	vor.u32 $0x34, v1;
	[tilespmem:s13+$0xFFFFF700] =	vst v5;
	v5 =	vld [tilespmem:$0x1FC50];
	_ =	sdelay $0x1  }
0x27a: {  	[tilespmem:$0x1FF00] =	vst v12;
	v12 =	vor.u32 $0x22, v2  }
0x27b: {  	[tilespmem:s13+$0xFFFFF710] =	vst v4  }
0x27c: {  	v15 =	vmov v15;
	v4 =	vld.idx.msk [tilespmem:v8+s28+$0x0], $0xffff  }
0x27d: {  	v35 =	vmov v61;
	v61 =	vmov v62;
	v62 =	vmov v0;
	v0 =	vld.idx.msk [tilespmem:v7+s28+$0x0], $0xffff  }
0x27e: {  	[tilespmem:s8+$0x90] =	vst v10;
	v10 =	vld [tilespmem:$0x1FC70]  }
0x27f: {  	[tilespmem:$0x1FE00] =	vst v15;
	v15 =	vmov v6;
	v6 =	vld.idx.msk [tilespmem:v12+s28+$0x0], $0xffff  }
0x280: {  	v5 =	vld.idx.msk [tilespmem:v5+s28+$0x0], $0xffff  }
0x281: {  	[tilespmem:s21+$0xE80] =	vst v9;
	v9 =	vld [tilespmem:$0x1FC60]  }
0x282: {  	[tilespmem:s23+$0xA10] =	vst v0;
	v0 =	vld [tilespmem:$0x1FCB0]  }
0x283: {  	[tilespmem:$0x1FDD0] =	vst v39;
	v39 =	vmov v10;
	v10 =	vld [tilespmem:$0x1FC80];
	_ =	sdelay $0x1  }
0x284: {  	v12 =	vld [tilespmem:$0x1FC90];
	_ =	sdelay $0x1  }
0x285: {  	v23 =	vmov v0;
	v0 =	vld [tilespmem:$0x1FCC0]  }
0x286: {  	v25 =	vmov v10;
	v10 =	vld [tilespmem:$0x1FF10]  }
0x287: {  	v9 =	vld.idx.msk [tilespmem:v9+s28+$0x0], $0xffff  }
0x288: {  	[tilespmem:s8+$0x80] =	vst v11;
	v11 =	vmov v12;
	v12 =	vld [tilespmem:$0x1FCA0];
	_ =	sdelay $0x1  }
0x289: {  	v17 =	vmov v0;
	v0 =	vld [tilespmem:$0x1FCD0];
	_ =	sdelay $0x1  }
0x28a: {  	v8 =	vor.u32 $0x10, v3;
	_ =	sdelay $0x2  }
0x28b: {  	v10 =	vld.idx.msk [tilespmem:v10+s28+$0x0], $0xffff;
	[tilespmem:s23+$0x980] =	vst v13  }
0x28c: {  	[tilespmem:s13+$0xFFFFF790] =	vst v4;
	v12 =	vld.idx.msk [tilespmem:v12+s28+$0x0], $0xffff  }
0x28d: {  	[tilespmem:s13+$0xFFFFF780] =	vst v5;
	v5 =	vld.idx.msk [tilespmem:v8+s28+$0x0], $0xffff  }
0x28e: {  	v8 =	vld.idx.msk [tilespmem:v0+s28+$0x0], $0xffff  }
0x28f: {  	v0 =	vld [tilespmem:$0x1FCE0];
	_ =	sdelay $0x1  }
0x290: {  	v7 =	vor.u32 $0x35, v1;
	_ =	sdelay $0x4  }
0x291: {  	v7 =	vld.idx.msk [tilespmem:v7+s28+$0x0], $0xffff;
	[tilespmem:s21+$0xF00] =	vst v9  }
0x292: {  	[tilespmem:s8+$0x110] =	vst v6;
	v6 =	vld.idx.msk [tilespmem:v0+s28+$0x0], $0xffff  }
0x293: {  	v0 =	vld [tilespmem:$0x1FCF0]  }
0x294: {  	[tilespmem:$0x1FF10] =	vst v11;
	v11 =	vor.u32 $0x23, v2;
	_ =	sdelay $0x3  }
0x295: {  	v38 =	vmov v0;
	v0 =	vld [tilespmem:$0x1FD00]  }
0x296: {  	[tilespmem:s8+$0x100] =	vst v10;
	v10 =	vld.idx.msk [tilespmem:v11+s28+$0x0], $0xffff  }
0x297: {  	v11 =	vld [tilespmem:$0x1FD20]  }
0x298: {  	v37 =	vld [tilespmem:$0x1FFF0]  }
0x299: {  	v47 =	vmov v20;
	v20 =	vmov v44;
	v44 =	vld [tilespmem:$0x1FBA0];
	v13 =	vor.u32 $0x36, v1  }
0x29a: {  	v9 =	vor.u32 $0x11, v3;
	v42 =	vmov v0;
	v0 =	vld [tilespmem:$0x1FF20]  }
0x29b: {  	[tilespmem:s23+$0xA90] =	vst v7;
	v7 =	vld [tilespmem:$0x1FD40]  }
0x29c: {  	v4 =	vmov v11;
	v11 =	vld [tilespmem:$0x1FD30]  }
0x29d: {  	[tilespmem:s13+$0xFFFFF810] =	vst v5;
	v5 =	vld [tilespmem:$0x1FD70]  }
0x29e: {  	v50 =	vmov v28;
	v28 =	vld.idx.msk [tilespmem:v13+s28+$0x0], $0xffff  }
0x29f: {  	v31 =	vld.idx.msk [tilespmem:v9+s28+$0x0], $0xffff  }
0x2a0: {  	s15 =	sadd.s32 $0x2, s15;
	[tilespmem:$0x1FDE0] =	vst v35;
	v9 =	vld [tilespmem:$0x1FD60]  }
0x2a1: {  	p1 =	slt.u32 s15, $0x6;
	[tilespmem:$0x1FDF0] =	vst v33;
	v52 =	vmov v22;
	v22 =	vmov v7;
	v7 =	vld [tilespmem:$0x1FD50]  }
.Ltmp0:
0x2a2: {  	[tilespmem:$0x1FF20] =	vst v4;
	v0 =	vld.idx.msk [tilespmem:v0+s28+$0x0], $0xffff;
	(pc) =	sbr.rel @p1 .LBB2_3-.Ltmp0, $4  }
0x2a3: {  	[tilespmem:s23+$0xA00] =	vst v12;
	v12 =	vld [tilespmem:$0x1FD10]  }
0x2a4: {  	v16 =	vmov v29;
	v29 =	vld.idx.msk [tilespmem:v11+s28+$0x0], $0xffff;
	[tilespmem:s13+$0xFFFFF800] =	vst v8  }
0x2a5: {  	v33 =	vmov v30;
	v30 =	vld.idx.msk [tilespmem:v5+s28+$0x0], $0xffff;
	[tilespmem:s21+$0xF80] =	vst v6;
	s21 =	smov.u32 s23;
	s23 =	smov.u32 s8  }
0x2a6: {  	s17 =	sadd.s32 $0x20, s17;
	v32 =	vor.u32 $0x12, v3;
	v14 =	vmovc v27;
	v27 =	vor.u32 $0x37, v1;
	v4 =	vor.u32 $0x24, v2;
	v11 =	vmovc v7;
	s8 =	smov.u32 s13;
	[tilespmem:s23+$0x190] =	vst v10;
	v10 =	vld [tilespmem:$0x1FD80]  }
0x2a7: {  	_ =	sdelay $0x1  }
0x2a8: {  	[tilespmem:s13+$0xFFFFF890] =	vst v31  }
0x2a9: {  	[tilespmem:s13+$0xFFFFF880] =	vst v30  }
0x2aa: {  	v6 =	vld [tilespmem:$0x1FE10];
	_ =	sdelay $0x6  }
0x2ab: {  	v5 =	vld.idx.msk [tilespmem:v32+s28+$0x0], $0xffff  }
0x2ac: {  	v6 =	vld.idx.msk [tilespmem:v6+s28+$0x0], $0xffff;
	_ =	sdelay $0x3  }
0x2ad: {  	[tilespmem:s13+$0xFFFFF910] =	vst v5  }
0x2ae: {  	[tilespmem:s13+$0xFFFFF900] =	vst v6  }
0x2af: {  	v6 =	vld [tilespmem:$0x1FE20];
	_ =	sdelay $0x1  }
0x2b0: {  	v7 =	vor.u32 $0x13, v3;
	_ =	sdelay $0x4  }
0x2b1: {  	v5 =	vld.idx.msk [tilespmem:v7+s28+$0x0], $0xffff  }
0x2b2: {  	v6 =	vld.idx.msk [tilespmem:v6+s28+$0x0], $0xffff;
	_ =	sdelay $0x3  }
0x2b3: {  	[tilespmem:s8+$0xFFFFF990] =	vst v5  }
0x2b4: {  	[tilespmem:s8+$0xFFFFF980] =	vst v6  }
0x2b5: {  	v6 =	vld [tilespmem:$0x1FE30];
	_ =	sdelay $0x1  }
0x2b6: {  	v7 =	vor.u32 $0x14, v3;
	_ =	sdelay $0x4  }
0x2b7: {  	v5 =	vld.idx.msk [tilespmem:v7+s28+$0x0], $0xffff  }
0x2b8: {  	v6 =	vld.idx.msk [tilespmem:v6+s28+$0x0], $0xffff;
	_ =	sdelay $0x3  }
0x2b9: {  	[tilespmem:s8+$0xFFFFFA10] =	vst v5  }
0x2ba: {  	[tilespmem:s8+$0xFFFFFA00] =	vst v6  }
0x2bb: {  	v6 =	vld [tilespmem:$0x1FE40];
	_ =	sdelay $0x1  }
0x2bc: {  	v7 =	vor.u32 $0x15, v3;
	_ =	sdelay $0x4  }
0x2bd: {  	v5 =	vld.idx.msk [tilespmem:v7+s28+$0x0], $0xffff  }
0x2be: {  	v6 =	vld.idx.msk [tilespmem:v6+s28+$0x0], $0xffff;
	_ =	sdelay $0x3  }
0x2bf: {  	[tilespmem:s8+$0xFFFFFA90] =	vst v5  }
0x2c0: {  	[tilespmem:s8+$0xFFFFFA80] =	vst v6  }
0x2c1: {  	v6 =	vld [tilespmem:$0x1FE50];
	_ =	sdelay $0x1  }
0x2c2: {  	v7 =	vor.u32 $0x16, v3;
	_ =	sdelay $0x4  }
0x2c3: {  	v5 =	vld.idx.msk [tilespmem:v7+s28+$0x0], $0xffff  }
0x2c4: {  	v6 =	vld.idx.msk [tilespmem:v6+s28+$0x0], $0xffff;
	_ =	sdelay $0x3  }
0x2c5: {  	[tilespmem:s8+$0xFFFFFB10] =	vst v5  }
0x2c6: {  	[tilespmem:s8+$0xFFFFFB00] =	vst v6  }
0x2c7: {  	v6 =	vld [tilespmem:$0x1FE60];
	_ =	sdelay $0x1  }
0x2c8: {  	v7 =	vor.u32 $0x17, v3;
	_ =	sdelay $0x4  }
0x2c9: {  	v5 =	vld.idx.msk [tilespmem:v7+s28+$0x0], $0xffff  }
0x2ca: {  	v6 =	vld.idx.msk [tilespmem:v6+s28+$0x0], $0xffff;
	_ =	sdelay $0x3  }
0x2cb: {  	[tilespmem:s8+$0xFFFFFB90] =	vst v5  }
0x2cc: {  	[tilespmem:s8+$0xFFFFFB80] =	vst v6  }
0x2cd: {  	v6 =	vld [tilespmem:$0x1FE70];
	_ =	sdelay $0x1  }
0x2ce: {  	v7 =	vor.u32 $0x18, v3;
	_ =	sdelay $0x4  }
0x2cf: {  	v5 =	vld.idx.msk [tilespmem:v7+s28+$0x0], $0xffff  }
0x2d0: {  	v6 =	vld.idx.msk [tilespmem:v6+s28+$0x0], $0xffff;
	_ =	sdelay $0x3  }
0x2d1: {  	[tilespmem:s8+$0xFFFFFC10] =	vst v5  }
0x2d2: {  	[tilespmem:s8+$0xFFFFFC00] =	vst v6  }
0x2d3: {  	v6 =	vld [tilespmem:$0x1FE80];
	_ =	sdelay $0x1  }
0x2d4: {  	v7 =	vor.u32 $0x19, v3;
	_ =	sdelay $0x4  }
0x2d5: {  	v5 =	vld.idx.msk [tilespmem:v7+s28+$0x0], $0xffff  }
0x2d6: {  	v6 =	vld.idx.msk [tilespmem:v6+s28+$0x0], $0xffff;
	_ =	sdelay $0x3  }
0x2d7: {  	[tilespmem:s8+$0xFFFFFC90] =	vst v5  }
0x2d8: {  	[tilespmem:s8+$0xFFFFFC80] =	vst v6  }
0x2d9: {  	v6 =	vld [tilespmem:$0x1FE90];
	_ =	sdelay $0x1  }
0x2da: {  	v7 =	vor.u32 $0x1A, v3;
	_ =	sdelay $0x4  }
0x2db: {  	v5 =	vld.idx.msk [tilespmem:v7+s28+$0x0], $0xffff  }
0x2dc: {  	v6 =	vld.idx.msk [tilespmem:v6+s28+$0x0], $0xffff;
	_ =	sdelay $0x3  }
0x2dd: {  	[tilespmem:s8+$0xFFFFFD10] =	vst v5  }
0x2de: {  	[tilespmem:s8+$0xFFFFFD00] =	vst v6  }
0x2df: {  	v6 =	vld [tilespmem:$0x1FEA0];
	_ =	sdelay $0x1  }
0x2e0: {  	v7 =	vor.u32 $0x1B, v3;
	_ =	sdelay $0x4  }
0x2e1: {  	v5 =	vld.idx.msk [tilespmem:v7+s28+$0x0], $0xffff  }
0x2e2: {  	v6 =	vld.idx.msk [tilespmem:v6+s28+$0x0], $0xffff;
	_ =	sdelay $0x3  }
0x2e3: {  	[tilespmem:s8+$0xFFFFFD90] =	vst v5  }
0x2e4: {  	[tilespmem:s8+$0xFFFFFD80] =	vst v6  }
0x2e5: {  	v6 =	vld [tilespmem:$0x1FEB0];
	_ =	sdelay $0x1  }
0x2e6: {  	v7 =	vor.u32 $0x1C, v3;
	_ =	sdelay $0x4  }
0x2e7: {  	v5 =	vld.idx.msk [tilespmem:v7+s28+$0x0], $0xffff  }
0x2e8: {  	v6 =	vld.idx.msk [tilespmem:v6+s28+$0x0], $0xffff;
	_ =	sdelay $0x3  }
0x2e9: {  	[tilespmem:s8+$0xFFFFFE10] =	vst v5  }
0x2ea: {  	[tilespmem:s8+$0xFFFFFE00] =	vst v6  }
0x2eb: {  	v6 =	vld [tilespmem:$0x1FEC0];
	_ =	sdelay $0x1  }
0x2ec: {  	v7 =	vor.u32 $0x1D, v3;
	_ =	sdelay $0x4  }
0x2ed: {  	v5 =	vld.idx.msk [tilespmem:v7+s28+$0x0], $0xffff  }
0x2ee: {  	v6 =	vld.idx.msk [tilespmem:v6+s28+$0x0], $0xffff;
	_ =	sdelay $0x3  }
0x2ef: {  	[tilespmem:s8+$0xFFFFFE90] =	vst v5  }
0x2f0: {  	[tilespmem:s8+$0xFFFFFE80] =	vst v6  }
0x2f1: {  	v6 =	vld [tilespmem:$0x1FED0];
	_ =	sdelay $0x1  }
0x2f2: {  	v7 =	vor.u32 $0x1E, v3;
	_ =	sdelay $0x4  }
0x2f3: {  	v5 =	vld.idx.msk [tilespmem:v7+s28+$0x0], $0xffff  }
0x2f4: {  	v6 =	vld.idx.msk [tilespmem:v6+s28+$0x0], $0xffff;
	_ =	sdelay $0x3  }
0x2f5: {  	[tilespmem:s8+$0xFFFFFF10] =	vst v5  }
0x2f6: {  	[tilespmem:s8+$0xFFFFFF00] =	vst v6  }
0x2f7: {  	v6 =	vld [tilespmem:$0x1FEE0];
	_ =	sdelay $0x1  }
0x2f8: {  	v7 =	vor.u32 $0x1F, v3;
	_ =	sdelay $0x4  }
0x2f9: {  	v5 =	vld.idx.msk [tilespmem:v7+s28+$0x0], $0xffff  }
0x2fa: {  	v6 =	vld.idx.msk [tilespmem:v6+s28+$0x0], $0xffff;
	_ =	sdelay $0x3  }
0x2fb: {  	[tilespmem:s8+$0xFFFFFF90] =	vst v5  }
0x2fc: {  	[tilespmem:s8+$0xFFFFFF80] =	vst v6  }
0x2fd: {  	v6 =	vld [tilespmem:$0x1FEF0];
	_ =	sdelay $0x1  }
0x2fe: {  	v7 =	vor.u32 $0x20, v3;
	_ =	sdelay $0x4  }
0x2ff: {  	v5 =	vld.idx.msk [tilespmem:v7+s28+$0x0], $0xffff  }
0x300: {  	v6 =	vld.idx.msk [tilespmem:v6+s28+$0x0], $0xffff;
	_ =	sdelay $0x3  }
0x301: {  	[tilespmem:s8+$0x10] =	vst v5  }
0x302: {  	[tilespmem:s8+$0x0] =	vst v6  }
0x303: {  	v6 =	vld [tilespmem:$0x1FF00];
	_ =	sdelay $0x1  }
0x304: {  	v7 =	vor.u32 $0x21, v3;
	_ =	sdelay $0x4  }
0x305: {  	v5 =	vld.idx.msk [tilespmem:v7+s28+$0x0], $0xffff  }
0x306: {  	v6 =	vld.idx.msk [tilespmem:v6+s28+$0x0], $0xffff;
	_ =	sdelay $0x3  }
0x307: {  	[tilespmem:s8+$0x90] =	vst v5  }
0x308: {  	[tilespmem:s8+$0x80] =	vst v6  }
0x309: {  	v6 =	vld [tilespmem:$0x1FF10]  }
0x30a: {  	v7 =	vor.u32 $0x22, v3;
	_ =	sdelay $0x4  }
0x30b: {  	v5 =	vld.idx.msk [tilespmem:v7+s28+$0x0], $0xffff  }
0x30c: {  	v7 =	vor.u32 $0x23, v3  }
0x30d: {  	v6 =	vld.idx.msk [tilespmem:v6+s28+$0x0], $0xffff;
	_ =	sdelay $0x2  }
0x30e: {  	[tilespmem:s8+$0x110] =	vst v5  }
0x30f: {  	v5 =	vld.idx.msk [tilespmem:v7+s28+$0x0], $0xffff  }
0x310: {  	[tilespmem:s8+$0x100] =	vst v6  }
0x311: {  	v6 =	vld [tilespmem:$0x1FF20];
	_ =	sdelay $0x1  }
0x312: {  	[tilespmem:s23+$0x180] =	vst v0  }
0x313: {  	v0 =	vld.idx.msk [tilespmem:v4+s28+$0x0], $0xffff;
	[tilespmem:s8+$0x190] =	vst v5  }
0x314: {  	v4 =	vld [tilespmem:$0x1FD90];
	_ =	sdelay $0x3  }
0x315: {  	v7 =	vor.u32 $0x24, v3;
	v6 =	vld.idx.msk [tilespmem:v6+s28+$0x0], $0xffff;
	_ =	sdelay $0x3  }
0x316: {  	v4 =	vld.idx.msk [tilespmem:v4+s28+$0x0], $0xffff  }
0x317: {  	[tilespmem:s8+$0x180] =	vst v6;
	v6 =	vld.idx.msk [tilespmem:v7+s28+$0x0], $0xffff;
	_ =	sdelay $0x2  }
0x318: {  	[tilespmem:s23+$0x210] =	vst v0  }
0x319: {  	[tilespmem:s23+$0x200] =	vst v4  }
0x31a: {  	[tilespmem:s8+$0x210] =	vst v6  }
0x31b: {  	v4 =	vld [tilespmem:$0x1FDA0]  }
0x31c: {  	v5 =	vor.u32 $0x25, v2  }
0x31d: {  	v8 =	vor.u32 $0x25, v3;
	_ =	sdelay $0x2  }
0x31e: {  	v7 =	vld.idx.msk [tilespmem:v26+s28+$0x0], $0xffff  }
0x31f: {  	v0 =	vld.idx.msk [tilespmem:v5+s28+$0x0], $0xffff  }
0x320: {  	v6 =	vld.idx.msk [tilespmem:v8+s28+$0x0], $0xffff  }
0x321: {  	v4 =	vld.idx.msk [tilespmem:v4+s28+$0x0], $0xffff;
	_ =	sdelay $0x1  }
0x322: {  	[tilespmem:s8+$0x200] =	vst v7  }
0x323: {  	[tilespmem:s23+$0x290] =	vst v0  }
0x324: {  	[tilespmem:s8+$0x290] =	vst v6  }
0x325: {  	[tilespmem:s23+$0x280] =	vst v4  }
0x326: {  	v4 =	vld [tilespmem:$0x1FDB0]  }
0x327: {  	v5 =	vor.u32 $0x26, v2  }
0x328: {  	v8 =	vor.u32 $0x26, v3  }
0x329: {  	v7 =	vld.idx.msk [tilespmem:v10+s28+$0x0], $0xffff;
	_ =	sdelay $0x2  }
0x32a: {  	v0 =	vld.idx.msk [tilespmem:v5+s28+$0x0], $0xffff  }
0x32b: {  	v6 =	vld.idx.msk [tilespmem:v8+s28+$0x0], $0xffff  }
0x32c: {  	[tilespmem:s8+$0x280] =	vst v7;
	v4 =	vld.idx.msk [tilespmem:v4+s28+$0x0], $0xffff  }
0x32d: {  	v7 =	vld.idx.msk [tilespmem:v12+s28+$0x0], $0xffff;
	_ =	sdelay $0x1  }
0x32e: {  	[tilespmem:s23+$0x310] =	vst v0  }
0x32f: {  	[tilespmem:s8+$0x310] =	vst v6  }
0x330: {  	[tilespmem:s23+$0x300] =	vst v4  }
0x331: {  	v4 =	vld [tilespmem:$0x1FDC0];
	[tilespmem:s8+$0x300] =	vst v7  }
0x332: {  	v5 =	vor.u32 $0x27, v2;
	v7 =	vld [tilespmem:$0x1FF30]  }
0x333: {  	v8 =	vor.u32 $0x27, v3;
	_ =	sdelay $0x3  }
0x334: {  	v0 =	vld.idx.msk [tilespmem:v5+s28+$0x0], $0xffff  }
0x335: {  	v6 =	vld.idx.msk [tilespmem:v8+s28+$0x0], $0xffff  }
0x336: {  	v4 =	vld.idx.msk [tilespmem:v4+s28+$0x0], $0xffff  }
0x337: {  	v7 =	vld.idx.msk [tilespmem:v7+s28+$0x0], $0xffff;
	_ =	sdelay $0x1  }
0x338: {  	[tilespmem:s23+$0x390] =	vst v0  }
0x339: {  	[tilespmem:s8+$0x390] =	vst v6  }
0x33a: {  	[tilespmem:s23+$0x380] =	vst v4  }
0x33b: {  	v4 =	vld [tilespmem:$0x1FDD0];
	[tilespmem:s8+$0x380] =	vst v7  }
0x33c: {  	v5 =	vor.u32 $0x28, v2;
	v7 =	vld [tilespmem:$0x1FF40]  }
0x33d: {  	v8 =	vor.u32 $0x28, v3;
	_ =	sdelay $0x3  }
0x33e: {  	v0 =	vld.idx.msk [tilespmem:v5+s28+$0x0], $0xffff  }
0x33f: {  	v6 =	vld.idx.msk [tilespmem:v8+s28+$0x0], $0xffff  }
0x340: {  	v4 =	vld.idx.msk [tilespmem:v4+s28+$0x0], $0xffff  }
0x341: {  	v7 =	vld.idx.msk [tilespmem:v7+s28+$0x0], $0xffff;
	_ =	sdelay $0x1  }
0x342: {  	[tilespmem:s23+$0x410] =	vst v0  }
0x343: {  	[tilespmem:s8+$0x410] =	vst v6  }
0x344: {  	[tilespmem:s23+$0x400] =	vst v4  }
0x345: {  	v4 =	vld [tilespmem:$0x1FDE0];
	[tilespmem:s8+$0x400] =	vst v7  }
0x346: {  	v5 =	vor.u32 $0x29, v2;
	v7 =	vld [tilespmem:$0x1FF50]  }
0x347: {  	v8 =	vor.u32 $0x29, v3;
	_ =	sdelay $0x3  }
0x348: {  	v0 =	vld.idx.msk [tilespmem:v5+s28+$0x0], $0xffff  }
0x349: {  	v5 =	vor.u32 $0x2A, v2;
	v6 =	vld.idx.msk [tilespmem:v8+s28+$0x0], $0xffff  }
0x34a: {  	v8 =	vor.u32 $0x2A, v3;
	v4 =	vld.idx.msk [tilespmem:v4+s28+$0x0], $0xffff  }
0x34b: {  	v7 =	vld.idx.msk [tilespmem:v7+s28+$0x0], $0xffff;
	_ =	sdelay $0x1  }
0x34c: {  	[tilespmem:s23+$0x490] =	vst v0  }
0x34d: {  	[tilespmem:s8+$0x490] =	vst v6;
	v0 =	vld.idx.msk [tilespmem:v5+s28+$0x0], $0xffff  }
0x34e: {  	v6 =	vld.idx.msk [tilespmem:v8+s28+$0x0], $0xffff;
	[tilespmem:s23+$0x480] =	vst v4  }
0x34f: {  	v5 =	vld [tilespmem:$0x1FDF0];
	[tilespmem:s8+$0x480] =	vst v7  }
0x350: {  	v8 =	vld [tilespmem:$0x1FF60];
	_ =	sdelay $0x6  }
0x351: {  	v5 =	vld.idx.msk [tilespmem:v5+s28+$0x0], $0xffff  }
0x352: {  	v8 =	vld.idx.msk [tilespmem:v8+s28+$0x0], $0xffff;
	_ =	sdelay $0x1  }
0x353: {  	[tilespmem:s23+$0x510] =	vst v0  }
0x354: {  	[tilespmem:s8+$0x510] =	vst v6  }
0x355: {  	[tilespmem:s23+$0x500] =	vst v5  }
0x356: {  	v5 =	vld [tilespmem:$0x1FE00];
	[tilespmem:s8+$0x500] =	vst v8  }
0x357: {  	v4 =	vor.u32 $0x2B, v2;
	v8 =	vld [tilespmem:$0x1FF70]  }
0x358: {  	v7 =	vor.u32 $0x2B, v3;
	_ =	sdelay $0x3  }
0x359: {  	v0 =	vld.idx.msk [tilespmem:v4+s28+$0x0], $0xffff  }
0x35a: {  	v6 =	vld.idx.msk [tilespmem:v7+s28+$0x0], $0xffff  }
0x35b: {  	v5 =	vld.idx.msk [tilespmem:v5+s28+$0x0], $0xffff  }
0x35c: {  	v8 =	vld.idx.msk [tilespmem:v8+s28+$0x0], $0xffff;
	_ =	sdelay $0x1  }
0x35d: {  	[tilespmem:s23+$0x590] =	vst v0  }
0x35e: {  	[tilespmem:s8+$0x590] =	vst v6  }
0x35f: {  	[tilespmem:s23+$0x580] =	vst v5  }
0x360: {  	[tilespmem:s8+$0x580] =	vst v8  }
0x361: {  	v4 =	vor.u32 $0x2C, v2;
	v8 =	vld [tilespmem:$0x1FF80]  }
0x362: {  	v7 =	vor.u32 $0x2C, v3;
	_ =	sdelay $0x3  }
0x363: {  	v0 =	vld.idx.msk [tilespmem:v4+s28+$0x0], $0xffff  }
0x364: {  	v6 =	vld.idx.msk [tilespmem:v7+s28+$0x0], $0xffff  }
0x365: {  	v5 =	vld.idx.msk [tilespmem:v63+s28+$0x0], $0xffff  }
0x366: {  	v8 =	vld.idx.msk [tilespmem:v8+s28+$0x0], $0xffff;
	_ =	sdelay $0x1  }
0x367: {  	[tilespmem:s23+$0x610] =	vst v0  }
0x368: {  	[tilespmem:s8+$0x610] =	vst v6  }
0x369: {  	[tilespmem:s23+$0x600] =	vst v5  }
0x36a: {  	[tilespmem:s8+$0x600] =	vst v8  }
0x36b: {  	v4 =	vor.u32 $0x2D, v2;
	v8 =	vld [tilespmem:$0x1FF90];
	_ =	sdelay $0x1  }
0x36c: {  	v7 =	vor.u32 $0x2D, v3;
	_ =	sdelay $0x2  }
0x36d: {  	v0 =	vld.idx.msk [tilespmem:v4+s28+$0x0], $0xffff  }
0x36e: {  	v5 =	vld.idx.msk [tilespmem:v60+s28+$0x0], $0xffff  }
0x36f: {  	v6 =	vld.idx.msk [tilespmem:v7+s28+$0x0], $0xffff  }
0x370: {  	v8 =	vld.idx.msk [tilespmem:v8+s28+$0x0], $0xffff;
	_ =	sdelay $0x1  }
0x371: {  	[tilespmem:s23+$0x690] =	vst v0  }
0x372: {  	[tilespmem:s23+$0x680] =	vst v5  }
0x373: {  	[tilespmem:s8+$0x690] =	vst v6  }
0x374: {  	[tilespmem:s8+$0x680] =	vst v8  }
0x375: {  	v4 =	vor.u32 $0x2E, v2;
	v8 =	vld [tilespmem:$0x1FFA0];
	_ =	sdelay $0x1  }
0x376: {  	v7 =	vor.u32 $0x2E, v3;
	_ =	sdelay $0x2  }
0x377: {  	v0 =	vld.idx.msk [tilespmem:v4+s28+$0x0], $0xffff  }
0x378: {  	v5 =	vld.idx.msk [tilespmem:v59+s28+$0x0], $0xffff  }
0x379: {  	v6 =	vld.idx.msk [tilespmem:v7+s28+$0x0], $0xffff  }
0x37a: {  	v8 =	vld.idx.msk [tilespmem:v8+s28+$0x0], $0xffff;
	_ =	sdelay $0x1  }
0x37b: {  	[tilespmem:s23+$0x710] =	vst v0  }
0x37c: {  	[tilespmem:s23+$0x700] =	vst v5  }
0x37d: {  	[tilespmem:s8+$0x710] =	vst v6  }
0x37e: {  	[tilespmem:s8+$0x700] =	vst v8  }
0x37f: {  	v4 =	vor.u32 $0x2F, v2;
	v8 =	vld [tilespmem:$0x1FFB0];
	_ =	sdelay $0x1  }
0x380: {  	v7 =	vor.u32 $0x2F, v3;
	_ =	sdelay $0x2  }
0x381: {  	v0 =	vld.idx.msk [tilespmem:v4+s28+$0x0], $0xffff  }
0x382: {  	v5 =	vld.idx.msk [tilespmem:v58+s28+$0x0], $0xffff  }
0x383: {  	v6 =	vld.idx.msk [tilespmem:v7+s28+$0x0], $0xffff  }
0x384: {  	v8 =	vld.idx.msk [tilespmem:v8+s28+$0x0], $0xffff;
	_ =	sdelay $0x1  }
0x385: {  	[tilespmem:s23+$0x790] =	vst v0  }
0x386: {  	[tilespmem:s23+$0x780] =	vst v5  }
0x387: {  	[tilespmem:s8+$0x790] =	vst v6  }
0x388: {  	[tilespmem:s8+$0x780] =	vst v8  }
0x389: {  	v4 =	vor.u32 $0x30, v2;
	v8 =	vld [tilespmem:$0x1FFC0];
	_ =	sdelay $0x1  }
0x38a: {  	v7 =	vor.u32 $0x30, v3;
	_ =	sdelay $0x2  }
0x38b: {  	v0 =	vld.idx.msk [tilespmem:v4+s28+$0x0], $0xffff  }
0x38c: {  	v5 =	vld.idx.msk [tilespmem:v57+s28+$0x0], $0xffff  }
0x38d: {  	v6 =	vld.idx.msk [tilespmem:v7+s28+$0x0], $0xffff  }
0x38e: {  	v8 =	vld.idx.msk [tilespmem:v8+s28+$0x0], $0xffff;
	_ =	sdelay $0x1  }
0x38f: {  	[tilespmem:s23+$0x810] =	vst v0  }
0x390: {  	[tilespmem:s23+$0x800] =	vst v5  }
0x391: {  	[tilespmem:s8+$0x810] =	vst v6  }
0x392: {  	[tilespmem:s8+$0x800] =	vst v8  }
0x393: {  	v4 =	vor.u32 $0x31, v2;
	v8 =	vld [tilespmem:$0x1FFD0];
	_ =	sdelay $0x1  }
0x394: {  	v7 =	vor.u32 $0x31, v3;
	_ =	sdelay $0x2  }
0x395: {  	v0 =	vld.idx.msk [tilespmem:v4+s28+$0x0], $0xffff  }
0x396: {  	v5 =	vld.idx.msk [tilespmem:v55+s28+$0x0], $0xffff  }
0x397: {  	v6 =	vld.idx.msk [tilespmem:v7+s28+$0x0], $0xffff  }
0x398: {  	v8 =	vld.idx.msk [tilespmem:v8+s28+$0x0], $0xffff;
	_ =	sdelay $0x1  }
0x399: {  	[tilespmem:s23+$0x890] =	vst v0  }
0x39a: {  	[tilespmem:s23+$0x880] =	vst v5  }
0x39b: {  	[tilespmem:s8+$0x890] =	vst v6  }
0x39c: {  	[tilespmem:s8+$0x880] =	vst v8  }
0x39d: {  	v4 =	vor.u32 $0x32, v2;
	v8 =	vld [tilespmem:$0x1FFE0];
	_ =	sdelay $0x1  }
0x39e: {  	v7 =	vor.u32 $0x32, v3;
	_ =	sdelay $0x2  }
0x39f: {  	v0 =	vld.idx.msk [tilespmem:v4+s28+$0x0], $0xffff  }
0x3a0: {  	v4 =	vor.u32 $0x33, v2;
	v5 =	vld.idx.msk [tilespmem:v51+s28+$0x0], $0xffff  }
0x3a1: {  	v6 =	vld.idx.msk [tilespmem:v7+s28+$0x0], $0xffff  }
0x3a2: {  	v7 =	vor.u32 $0x33, v3;
	v8 =	vld.idx.msk [tilespmem:v8+s28+$0x0], $0xffff;
	_ =	sdelay $0x1  }
0x3a3: {  	[tilespmem:s23+$0x910] =	vst v0  }
0x3a4: {  	[tilespmem:s23+$0x900] =	vst v5;
	v0 =	vld.idx.msk [tilespmem:v4+s28+$0x0], $0xffff  }
0x3a5: {  	[tilespmem:s8+$0x910] =	vst v6;
	v4 =	vor.u32 $0x34, v2;
	v5 =	vld.idx.msk [tilespmem:v49+s28+$0x0], $0xffff  }
0x3a6: {  	v6 =	vld.idx.msk [tilespmem:v7+s28+$0x0], $0xffff;
	[tilespmem:s8+$0x900] =	vst v8  }
0x3a7: {  	v7 =	vor.u32 $0x34, v3;
	v8 =	vld.idx.msk [tilespmem:v62+s28+$0x0], $0xffff;
	_ =	sdelay $0x1  }
0x3a8: {  	[tilespmem:s23+$0x990] =	vst v0  }
0x3a9: {  	[tilespmem:s23+$0x980] =	vst v5;
	v0 =	vld.idx.msk [tilespmem:v4+s28+$0x0], $0xffff  }
0x3aa: {  	[tilespmem:s8+$0x990] =	vst v6;
	v4 =	vor.u32 $0x35, v2;
	v5 =	vld.idx.msk [tilespmem:v23+s28+$0x0], $0xffff  }
0x3ab: {  	v6 =	vld.idx.msk [tilespmem:v7+s28+$0x0], $0xffff;
	[tilespmem:s8+$0x980] =	vst v8  }
0x3ac: {  	v7 =	vor.u32 $0x35, v3;
	v8 =	vld.idx.msk [tilespmem:v17+s28+$0x0], $0xffff;
	_ =	sdelay $0x1  }
0x3ad: {  	[tilespmem:s23+$0xA10] =	vst v0  }
0x3ae: {  	[tilespmem:s23+$0xA00] =	vst v5;
	v0 =	vld.idx.msk [tilespmem:v4+s28+$0x0], $0xffff  }
0x3af: {  	[tilespmem:s8+$0xA10] =	vst v6;
	v4 =	vor.u32 $0x36, v2;
	v5 =	vld.idx.msk [tilespmem:v22+s28+$0x0], $0xffff  }
0x3b0: {  	v6 =	vld.idx.msk [tilespmem:v7+s28+$0x0], $0xffff;
	[tilespmem:s8+$0xA00] =	vst v8  }
0x3b1: {  	v7 =	vor.u32 $0x36, v3;
	v8 =	vld.idx.msk [tilespmem:v11+s28+$0x0], $0xffff  }
0x3b2: {  	[tilespmem:s21+$0xA80] =	vst v29  }
0x3b3: {  	[tilespmem:s23+$0xA90] =	vst v0;
	v0 =	vld.idx.msk [tilespmem:v44+s28+$0x0], $0xffff  }
0x3b4: {  	[tilespmem:s23+$0xA80] =	vst v5;
	v4 =	vld.idx.msk [tilespmem:v4+s28+$0x0], $0xffff  }
0x3b5: {  	[tilespmem:s8+$0xA90] =	vst v6;
	v5 =	vor.u32 $0x37, v2;
	v6 =	vld.idx.msk [tilespmem:v21+s28+$0x0], $0xffff  }
0x3b6: {  	v7 =	vld.idx.msk [tilespmem:v7+s28+$0x0], $0xffff;
	[tilespmem:s8+$0xA80] =	vst v8  }
0x3b7: {  	[tilespmem:s21+$0xB10] =	vst v28;
	v8 =	vor.u32 $0x37, v3;
	v9 =	vld.idx.msk [tilespmem:v9+s28+$0x0], $0xffff  }
0x3b8: {  	[tilespmem:s21+$0xB00] =	vst v0;
	v0 =	vld.idx.msk [tilespmem:v27+s28+$0x0], $0xffff  }
0x3b9: {  	[tilespmem:s23+$0xB10] =	vst v4;
	v4 =	vor.u32 $0x38, v1;
	v10 =	vld.idx.msk [tilespmem:v52+s28+$0x0], $0xffff  }
0x3ba: {  	[tilespmem:s23+$0xB00] =	vst v6;
	v5 =	vld.idx.msk [tilespmem:v5+s28+$0x0], $0xffff  }
0x3bb: {  	[tilespmem:s8+$0xB10] =	vst v7;
	v6 =	vor.u32 $0x38, v2;
	v7 =	vld.idx.msk [tilespmem:v56+s28+$0x0], $0xffff  }
0x3bc: {  	v8 =	vld.idx.msk [tilespmem:v8+s28+$0x0], $0xffff;
	[tilespmem:s8+$0xB00] =	vst v9  }
0x3bd: {  	[tilespmem:s21+$0xB90] =	vst v0;
	v0 =	vor.u32 $0x38, v3;
	v9 =	vld.idx.msk [tilespmem:v61+s28+$0x0], $0xffff  }
0x3be: {  	[tilespmem:s21+$0xB80] =	vst v10;
	v4 =	vld.idx.msk [tilespmem:v4+s28+$0x0], $0xffff  }
0x3bf: {  	[tilespmem:s23+$0xB90] =	vst v5;
	v5 =	vor.u32 $0x39, v1;
	v10 =	vld.idx.msk [tilespmem:v50+s28+$0x0], $0xffff  }
0x3c0: {  	[tilespmem:s23+$0xB80] =	vst v7;
	v6 =	vld.idx.msk [tilespmem:v6+s28+$0x0], $0xffff  }
0x3c1: {  	v7 =	vor.u32 $0x39, v2;
	[tilespmem:s8+$0xB90] =	vst v8;
	v8 =	vld.idx.msk [tilespmem:v54+s28+$0x0], $0xffff  }
0x3c2: {  	v0 =	vld.idx.msk [tilespmem:v0+s28+$0x0], $0xffff;
	[tilespmem:s8+$0xB80] =	vst v9  }
0x3c3: {  	[tilespmem:s21+$0xC10] =	vst v4;
	v4 =	vor.u32 $0x39, v3;
	v9 =	vld.idx.msk [tilespmem:v41+s28+$0x0], $0xffff  }
0x3c4: {  	[tilespmem:s21+$0xC00] =	vst v10;
	v5 =	vld.idx.msk [tilespmem:v5+s28+$0x0], $0xffff  }
0x3c5: {  	[tilespmem:s23+$0xC10] =	vst v6;
	v6 =	vor.u32 $0x3A, v1;
	v10 =	vld.idx.msk [tilespmem:v47+s28+$0x0], $0xffff  }
0x3c6: {  	v7 =	vld.idx.msk [tilespmem:v7+s28+$0x0], $0xffff;
	[tilespmem:s23+$0xC00] =	vst v8  }
0x3c7: {  	[tilespmem:s8+$0xC10] =	vst v0;
	v0 =	vor.u32 $0x3A, v2;
	v8 =	vld.idx.msk [tilespmem:v53+s28+$0x0], $0xffff  }
0x3c8: {  	v4 =	vld.idx.msk [tilespmem:v4+s28+$0x0], $0xffff;
	[tilespmem:s8+$0xC00] =	vst v9  }
0x3c9: {  	[tilespmem:s21+$0xC90] =	vst v5;
	v5 =	vor.u32 $0x3A, v3;
	v9 =	vld.idx.msk [tilespmem:v36+s28+$0x0], $0xffff  }
0x3ca: {  	[tilespmem:s21+$0xC80] =	vst v10;
	v6 =	vld.idx.msk [tilespmem:v6+s28+$0x0], $0xffff  }
0x3cb: {  	[tilespmem:s23+$0xC90] =	vst v7;
	v7 =	vor.u32 $0x3B, v1;
	v10 =	vld.idx.msk [tilespmem:v45+s28+$0x0], $0xffff  }
0x3cc: {  	[tilespmem:s23+$0xC80] =	vst v8;
	v0 =	vld.idx.msk [tilespmem:v0+s28+$0x0], $0xffff  }
0x3cd: {  	[tilespmem:s8+$0xC90] =	vst v4;
	v4 =	vor.u32 $0x3B, v2;
	v8 =	vld.idx.msk [tilespmem:v48+s28+$0x0], $0xffff  }
0x3ce: {  	v5 =	vld.idx.msk [tilespmem:v5+s28+$0x0], $0xffff;
	[tilespmem:s8+$0xC80] =	vst v9  }
0x3cf: {  	[tilespmem:s21+$0xD10] =	vst v6;
	v6 =	vor.u32 $0x3B, v3;
	v9 =	vld.idx.msk [tilespmem:v34+s28+$0x0], $0xffff  }
0x3d0: {  	[tilespmem:s21+$0xD00] =	vst v10;
	v7 =	vld.idx.msk [tilespmem:v7+s28+$0x0], $0xffff  }
0x3d1: {  	v10 =	vld.idx.msk [tilespmem:v43+s28+$0x0], $0xffff;
	[tilespmem:s23+$0xD10] =	vst v0;
	v0 =	vor.u32 $0x3C, v1  }
0x3d2: {  	[tilespmem:s23+$0xD00] =	vst v8;
	v4 =	vld.idx.msk [tilespmem:v4+s28+$0x0], $0xffff  }
0x3d3: {  	[tilespmem:s8+$0xD10] =	vst v5;
	v5 =	vor.u32 $0x3C, v2;
	v8 =	vld.idx.msk [tilespmem:v46+s28+$0x0], $0xffff  }
0x3d4: {  	v6 =	vld.idx.msk [tilespmem:v6+s28+$0x0], $0xffff;
	[tilespmem:s8+$0xD00] =	vst v9  }
0x3d5: {  	[tilespmem:s21+$0xD90] =	vst v7;
	v7 =	vor.u32 $0x3C, v3;
	v9 =	vld.idx.msk [tilespmem:v33+s28+$0x0], $0xffff  }
0x3d6: {  	[tilespmem:s21+$0xD80] =	vst v10;
	v0 =	vld.idx.msk [tilespmem:v0+s28+$0x0], $0xffff  }
0x3d7: {  	v10 =	vld.idx.msk [tilespmem:v24+s28+$0x0], $0xffff;
	[tilespmem:s23+$0xD90] =	vst v4;
	v4 =	vor.u32 $0x3D, v1  }
0x3d8: {  	[tilespmem:s23+$0xD80] =	vst v8;
	v5 =	vld.idx.msk [tilespmem:v5+s28+$0x0], $0xffff  }
0x3d9: {  	[tilespmem:s8+$0xD90] =	vst v6;
	v8 =	vld.idx.msk [tilespmem:v19+s28+$0x0], $0xffff  }
0x3da: {  	v6 =	vor.u32 $0x3D, v2;
	v7 =	vld.idx.msk [tilespmem:v7+s28+$0x0], $0xffff;
	[tilespmem:s8+$0xD80] =	vst v9  }
0x3db: {  	[tilespmem:s21+$0xE10] =	vst v0;
	v9 =	vld.idx.msk [tilespmem:v20+s28+$0x0], $0xffff  }
0x3dc: {  	[tilespmem:s21+$0xE00] =	vst v10;
	v0 =	vor.u32 $0x3D, v3;
	v4 =	vld.idx.msk [tilespmem:v4+s28+$0x0], $0xffff  }
0x3dd: {  	v10 =	vld.idx.msk [tilespmem:v40+s28+$0x0], $0xffff;
	[tilespmem:s23+$0xE10] =	vst v5  }
0x3de: {  	v5 =	vor.u32 $0x3E, v1;
	[tilespmem:s23+$0xE00] =	vst v8  }
0x3df: {  	v6 =	vld.idx.msk [tilespmem:v6+s28+$0x0], $0xffff;
	[tilespmem:s8+$0xE10] =	vst v7  }
0x3e0: {  	v7 =	vor.u32 $0x3E, v2;
	v8 =	vld.idx.msk [tilespmem:v18+s28+$0x0], $0xffff;
	[tilespmem:s8+$0xE00] =	vst v9  }
0x3e1: {  	v0 =	vld.idx.msk [tilespmem:v0+s28+$0x0], $0xffff;
	[tilespmem:s21+$0xE90] =	vst v4  }
0x3e2: {  	v4 =	vor.u32 $0x3E, v3;
	v9 =	vld.idx.msk [tilespmem:v16+s28+$0x0], $0xffff;
	[tilespmem:s21+$0xE80] =	vst v10  }
0x3e3: {  	v5 =	vld.idx.msk [tilespmem:v5+s28+$0x0], $0xffff  }
0x3e4: {  	v1 =	vor.u32 $0x3F, v1;
	[tilespmem:s23+$0xE90] =	vst v6;
	v6 =	vld.idx.msk [tilespmem:v39+s28+$0x0], $0xffff  }
0x3e5: {  	[tilespmem:s23+$0xE80] =	vst v8;
	v7 =	vld.idx.msk [tilespmem:v7+s28+$0x0], $0xffff  }
0x3e6: {  	[tilespmem:s8+$0xE90] =	vst v0;
	v0 =	vor.u32 $0x3F, v2;
	v2 =	vld.idx.msk [tilespmem:v25+s28+$0x0], $0xffff  }
0x3e7: {  	v4 =	vld.idx.msk [tilespmem:v4+s28+$0x0], $0xffff;
	[tilespmem:s8+$0xE80] =	vst v9  }
0x3e8: {  	v3 =	vor.u32 $0x3F, v3;
	[tilespmem:s21+$0xF10] =	vst v5;
	v5 =	vld.idx.msk [tilespmem:v15+s28+$0x0], $0xffff  }
0x3e9: {  	[tilespmem:s21+$0xF00] =	vst v6;
	v1 =	vld.idx.msk [tilespmem:v1+s28+$0x0], $0xffff  }
0x3ea: {  	[tilespmem:s23+$0xF10] =	vst v7;
	v6 =	vld.idx.msk [tilespmem:v38+s28+$0x0], $0xffff  }
0x3eb: {  	[tilespmem:s23+$0xF00] =	vst v2;
	v0 =	vld.idx.msk [tilespmem:v0+s28+$0x0], $0xffff  }
0x3ec: {  	[tilespmem:s8+$0xF10] =	vst v4;
	v2 =	vld.idx.msk [tilespmem:v42+s28+$0x0], $0xffff  }
0x3ed: {  	v3 =	vld.idx.msk [tilespmem:v3+s28+$0x0], $0xffff;
	[tilespmem:s8+$0xF00] =	vst v5  }
0x3ee: {  	[tilespmem:s21+$0xF90] =	vst v1;
	v1 =	vld.idx.msk [tilespmem:v14+s28+$0x0], $0xffff  }
0x3ef: {  	[tilespmem:s21+$0xF80] =	vst v6  }
0x3f0: {  	s21 =	sshll.u32 s14, $0x10;
	[tilespmem:s23+$0xF90] =	vst v0  }
0x3f1: {  	s13 =	sand.u32 $0x7E0000, s21;
	[tilespmem:s23+$0xF80] =	vst v2  }
0x3f2: {  	s13 =	sor.u32 s13, s19;
	[tilespmem:s8+$0xF90] =	vst v3  }
0x3f3: {  	s15 =	sadd.s32 s13, s7;
	[tilespmem:s8+$0xF80] =	vst v1;
	s8 =	simm.s32 @!p0 $0x2  }
0x3f4: {  	[hbm4b:s15+s31] =	stream.strided.scatter [tilespmem:s0], [sflag:$0x2], $0x2000, s10, s31, $0x38;
	[tilespmem:$0x13000] =	vst v63  }
0x3f5: {  	p1 =	seq.s32 @!p0 s14, $0x63;
	_ =	swait.ge @!p0 [sflag:s8], $0x2000  }
0x3f6: {  	p1 =	por p0, !p1;
	[sflag:s8] =	ssyncset.done @!p0 $0x0  }
0x3f7: {  	[sflag:s8] =	ssyncadd.s32 @!p0 $0xFFFFE000;
	s8 =	sadd.s32 @p1 $0x2, s25  }
0x3f8: {  	s17 =	simm.s32 $0x10;
	s13 =	sshll.u32 @p1 s8, $0x7;
	s15 =	sshll.u32 @p1 s8, $0xA  }
0x3f9: {  	v0 =	vmov s17;
	s8 =	sshll.u32 @p1 s8, $0x5;
	s13 =	sand.u32 @p1 $0xF000, s13;
	s15 =	sand.u32 @p1 $0x800, s15  }
0x3fa: {  	v0 =	vshll.u32 v0, $0x7;
	s8 =	sand.u32 @p1 $0x380, s8;
	s13 =	sor.u32 @p1 s15, s13  }
0x3fb: {  	v1 =	vor.u32 v37, v0;
	s8 =	sor.u32 @p1 s8, s13  }
0x3fc: {  	[tilespmem:s28], [sflag:$0x1] =	stream.indirect.gather @p1 [hbm4b:s3+s26], $0x80, s8, s26, $0xb8;
	[tilespmem:$0x13000] =	vst v63  }
0x3fd: {  	s19 =	simm.s32 $0x0;
	_ =	swait.ge [sflag:s30], $0x4000  }
0x3fe: {  	v0 =	vmov s19;
	[sflag:s30] =	ssyncset.done $0x0  }
0x3ff: {  	v0 =	vshll.u32 v0, $0x7;
	[sflag:s30] =	ssyncadd.s32 $0xFFFFC000  }
0x400: {  	v0 =	vor.u32 v37, v0;
	v2 =	vld.idx.msk [tilespmem:v1+s29+$0x0], $0xffff  }
0x401: {  	v3 =	vor.u32 $0x1, v1;
	_ =	sdelay $0x2  }
0x402: {  	s19 =	simm.s32 $0x12000  }
0x403: {  	v4 =	vld.idx.msk [tilespmem:v0+s29+$0x0], $0xffff;
	[tilespmem:s19+$0xFFFFF010] =	vst v2  }
0x404: {  	v2 =	vor.u32 $0x1, v0;
	v3 =	vld.idx.msk [tilespmem:v3+s29+$0x0], $0xffff  }
0x405: {  	v5 =	vor.u32 $0x2, v1;
	_ =	sdelay $0x2  }
0x406: {  	[tilespmem:s19+$0xFFFFF000] =	vst v4  }
0x407: {  	v2 =	vld.idx.msk [tilespmem:v2+s29+$0x0], $0xffff;
	[tilespmem:s19+$0xFFFFF090] =	vst v3  }
0x408: {  	v3 =	vor.u32 $0x2, v0;
	v4 =	vld.idx.msk [tilespmem:v5+s29+$0x0], $0xffff  }
0x409: {  	v5 =	vor.u32 $0x3, v1;
	_ =	sdelay $0x2  }
0x40a: {  	[tilespmem:s19+$0xFFFFF080] =	vst v2  }
0x40b: {  	v2 =	vld.idx.msk [tilespmem:v3+s29+$0x0], $0xffff;
	[tilespmem:s19+$0xFFFFF110] =	vst v4  }
0x40c: {  	v3 =	vor.u32 $0x3, v0;
	v4 =	vld.idx.msk [tilespmem:v5+s29+$0x0], $0xffff  }
0x40d: {  	v5 =	vor.u32 $0x4, v1;
	_ =	sdelay $0x2  }
0x40e: {  	[tilespmem:s19+$0xFFFFF100] =	vst v2  }
0x40f: {  	v2 =	vld.idx.msk [tilespmem:v3+s29+$0x0], $0xffff;
	[tilespmem:s19+$0xFFFFF190] =	vst v4  }
0x410: {  	v3 =	vor.u32 $0x4, v0;
	v4 =	vld.idx.msk [tilespmem:v5+s29+$0x0], $0xffff  }
0x411: {  	v5 =	vor.u32 $0x5, v1;
	_ =	sdelay $0x2  }
0x412: {  	[tilespmem:s19+$0xFFFFF180] =	vst v2  }
0x413: {  	v2 =	vld.idx.msk [tilespmem:v3+s29+$0x0], $0xffff;
	[tilespmem:s19+$0xFFFFF210] =	vst v4  }
0x414: {  	v3 =	vor.u32 $0x5, v0;
	v4 =	vld.idx.msk [tilespmem:v5+s29+$0x0], $0xffff  }
0x415: {  	v5 =	vor.u32 $0x6, v1;
	_ =	sdelay $0x2  }
0x416: {  	[tilespmem:s19+$0xFFFFF200] =	vst v2  }
0x417: {  	v2 =	vld.idx.msk [tilespmem:v3+s29+$0x0], $0xffff;
	[tilespmem:s19+$0xFFFFF290] =	vst v4  }
0x418: {  	v3 =	vor.u32 $0x6, v0;
	v4 =	vld.idx.msk [tilespmem:v5+s29+$0x0], $0xffff  }
0x419: {  	v5 =	vor.u32 $0x7, v1;
	_ =	sdelay $0x2  }
0x41a: {  	[tilespmem:s19+$0xFFFFF280] =	vst v2  }
0x41b: {  	v2 =	vld.idx.msk [tilespmem:v3+s29+$0x0], $0xffff;
	[tilespmem:s19+$0xFFFFF310] =	vst v4  }
0x41c: {  	v3 =	vor.u32 $0x7, v0;
	v4 =	vld.idx.msk [tilespmem:v5+s29+$0x0], $0xffff  }
0x41d: {  	v5 =	vor.u32 $0x8, v1;
	_ =	sdelay $0x2  }
0x41e: {  	[tilespmem:s19+$0xFFFFF300] =	vst v2  }
0x41f: {  	v2 =	vld.idx.msk [tilespmem:v3+s29+$0x0], $0xffff;
	[tilespmem:s19+$0xFFFFF390] =	vst v4  }
0x420: {  	v3 =	vor.u32 $0x8, v0;
	v4 =	vld.idx.msk [tilespmem:v5+s29+$0x0], $0xffff  }
0x421: {  	v5 =	vor.u32 $0x9, v1;
	_ =	sdelay $0x2  }
0x422: {  	[tilespmem:s19+$0xFFFFF380] =	vst v2  }
0x423: {  	v2 =	vld.idx.msk [tilespmem:v3+s29+$0x0], $0xffff;
	[tilespmem:s19+$0xFFFFF410] =	vst v4  }
0x424: {  	v3 =	vor.u32 $0x9, v0;
	v4 =	vld.idx.msk [tilespmem:v5+s29+$0x0], $0xffff  }
0x425: {  	v5 =	vor.u32 $0xA, v1;
	_ =	sdelay $0x2  }
0x426: {  	[tilespmem:s19+$0xFFFFF400] =	vst v2  }
0x427: {  	v2 =	vld.idx.msk [tilespmem:v3+s29+$0x0], $0xffff;
	[tilespmem:s19+$0xFFFFF490] =	vst v4  }
0x428: {  	v3 =	vor.u32 $0xA, v0;
	v4 =	vld.idx.msk [tilespmem:v5+s29+$0x0], $0xffff  }
0x429: {  	v5 =	vor.u32 $0xB, v1;
	_ =	sdelay $0x2  }
0x42a: {  	[tilespmem:s19+$0xFFFFF480] =	vst v2  }
0x42b: {  	v2 =	vld.idx.msk [tilespmem:v3+s29+$0x0], $0xffff;
	[tilespmem:s19+$0xFFFFF510] =	vst v4  }
0x42c: {  	v3 =	vor.u32 $0xB, v0;
	v4 =	vld.idx.msk [tilespmem:v5+s29+$0x0], $0xffff  }
0x42d: {  	v5 =	vor.u32 $0xC, v1;
	_ =	sdelay $0x2  }
0x42e: {  	[tilespmem:s19+$0xFFFFF500] =	vst v2  }
0x42f: {  	v2 =	vld.idx.msk [tilespmem:v3+s29+$0x0], $0xffff;
	[tilespmem:s19+$0xFFFFF590] =	vst v4  }
0x430: {  	v3 =	vor.u32 $0xC, v0;
	v4 =	vld.idx.msk [tilespmem:v5+s29+$0x0], $0xffff  }
0x431: {  	v5 =	vor.u32 $0xD, v1;
	_ =	sdelay $0x2  }
0x432: {  	[tilespmem:s19+$0xFFFFF580] =	vst v2  }
0x433: {  	v2 =	vld.idx.msk [tilespmem:v3+s29+$0x0], $0xffff;
	[tilespmem:s19+$0xFFFFF610] =	vst v4  }
0x434: {  	v3 =	vor.u32 $0xD, v0;
	v4 =	vld.idx.msk [tilespmem:v5+s29+$0x0], $0xffff  }
0x435: {  	v5 =	vor.u32 $0xE, v1;
	_ =	sdelay $0x2  }
0x436: {  	[tilespmem:s19+$0xFFFFF600] =	vst v2  }
0x437: {  	v2 =	vld.idx.msk [tilespmem:v3+s29+$0x0], $0xffff;
	[tilespmem:s19+$0xFFFFF690] =	vst v4  }
0x438: {  	v3 =	vor.u32 $0xE, v0;
	v4 =	vld.idx.msk [tilespmem:v5+s29+$0x0], $0xffff  }
0x439: {  	v5 =	vor.u32 $0xF, v1;
	_ =	sdelay $0x2  }
0x43a: {  	[tilespmem:s19+$0xFFFFF680] =	vst v2  }
0x43b: {  	v2 =	vld.idx.msk [tilespmem:v3+s29+$0x0], $0xffff;
	[tilespmem:s19+$0xFFFFF710] =	vst v4  }
0x43c: {  	v3 =	vor.u32 $0xF, v0;
	v4 =	vld.idx.msk [tilespmem:v5+s29+$0x0], $0xffff  }
0x43d: {  	v5 =	vor.u32 $0x10, v1;
	_ =	sdelay $0x2  }
0x43e: {  	[tilespmem:s19+$0xFFFFF700] =	vst v2  }
0x43f: {  	v2 =	vld.idx.msk [tilespmem:v3+s29+$0x0], $0xffff;
	[tilespmem:s19+$0xFFFFF790] =	vst v4  }
0x440: {  	v3 =	vor.u32 $0x10, v0;
	v4 =	vld.idx.msk [tilespmem:v5+s29+$0x0], $0xffff  }
0x441: {  	v5 =	vor.u32 $0x11, v1;
	_ =	sdelay $0x2  }
0x442: {  	[tilespmem:s19+$0xFFFFF780] =	vst v2  }
0x443: {  	v2 =	vld.idx.msk [tilespmem:v3+s29+$0x0], $0xffff;
	[tilespmem:s19+$0xFFFFF810] =	vst v4  }
0x444: {  	v3 =	vor.u32 $0x11, v0;
	v5 =	vld.idx.msk [tilespmem:v5+s29+$0x0], $0xffff  }
0x445: {  	s20 =	simm.s32 $0x30;
	v6 =	vor.u32 $0x12, v1  }
0x446: {  	s21 =	simm.s32 $0x20;
	v4 =	vmov s20  }
0x447: {  	v7 =	vmov s21;
	v4 =	vshll.u32 v4, $0x7  }
0x448: {  	v7 =	vshll.u32 v7, $0x7;
	[tilespmem:s19+$0xFFFFF800] =	vst v2;
	v2 =	vor.u32 v37, v4  }
0x449: {  	v4 =	vor.u32 v37, v7;
	v3 =	vld.idx.msk [tilespmem:v3+s29+$0x0], $0xffff;
	[tilespmem:s19+$0xFFFFF890] =	vst v5  }
0x44a: {  	v5 =	vor.u32 $0x12, v0;
	v6 =	vld.idx.msk [tilespmem:v6+s29+$0x0], $0xffff  }
0x44b: {  	v7 =	vor.u32 $0x13, v1;
	_ =	sdelay $0x1  }
0x44c: {  	v8 =	vld.idx.msk [tilespmem:v2+s29+$0x0], $0xffff  }
0x44d: {  	v9 =	vor.u32 $0x1, v2;
	[tilespmem:s19+$0xFFFFF880] =	vst v3;
	v3 =	vld.idx.msk [tilespmem:v4+s29+$0x0], $0xffff  }
0x44e: {  	v10 =	vor.u32 $0x1, v4;
	v5 =	vld.idx.msk [tilespmem:v5+s29+$0x0], $0xffff;
	[tilespmem:s19+$0xFFFFF910] =	vst v6  }
0x44f: {  	v6 =	vor.u32 $0x13, v0;
	v7 =	vld.idx.msk [tilespmem:v7+s29+$0x0], $0xffff  }
0x450: {  	s21 =	simm.s32 $0x12020;
	v11 =	vor.u32 $0x14, v1  }
0x451: {  	[tilespmem:s21+$0xFFFFF010] =	vst v8  }
0x452: {  	[tilespmem:s21+$0xFFFFF000] =	vst v3;
	v3 =	vld.idx.msk [tilespmem:v9+s29+$0x0], $0xffff  }
0x453: {  	v8 =	vor.u32 $0x2, v2;
	[tilespmem:s19+$0xFFFFF900] =	vst v5;
	v5 =	vld.idx.msk [tilespmem:v10+s29+$0x0], $0xffff  }
0x454: {  	v9 =	vor.u32 $0x2, v4;
	v6 =	vld.idx.msk [tilespmem:v6+s29+$0x0], $0xffff;
	[tilespmem:s19+$0xFFFFF990] =	vst v7  }
0x455: {  	v7 =	vor.u32 $0x14, v0;
	v10 =	vld.idx.msk [tilespmem:v11+s29+$0x0], $0xffff  }
0x456: {  	v11 =	vor.u32 $0x15, v1  }
0x457: {  	[tilespmem:s21+$0xFFFFF090] =	vst v3  }
0x458: {  	[tilespmem:s21+$0xFFFFF080] =	vst v5;
	v3 =	vld.idx.msk [tilespmem:v8+s29+$0x0], $0xffff  }
0x459: {  	[tilespmem:s19+$0xFFFFF980] =	vst v6;
	v5 =	vld.idx.msk [tilespmem:v9+s29+$0x0], $0xffff;
	v6 =	vor.u32 $0x3, v2  }
0x45a: {  	v8 =	vor.u32 $0x3, v4;
	v7 =	vld.idx.msk [tilespmem:v7+s29+$0x0], $0xffff;
	[tilespmem:s19+$0xFFFFFA10] =	vst v10  }
0x45b: {  	v9 =	vor.u32 $0x15, v0;
	v10 =	vld.idx.msk [tilespmem:v11+s29+$0x0], $0xffff  }
0x45c: {  	v11 =	vor.u32 $0x16, v1  }
0x45d: {  	[tilespmem:s21+$0xFFFFF110] =	vst v3  }
0x45e: {  	[tilespmem:s21+$0xFFFFF100] =	vst v5;
	v3 =	vld.idx.msk [tilespmem:v6+s29+$0x0], $0xffff  }
0x45f: {  	v6 =	vor.u32 $0x4, v2;
	[tilespmem:s19+$0xFFFFFA00] =	vst v7;
	v5 =	vld.idx.msk [tilespmem:v8+s29+$0x0], $0xffff  }
0x460: {  	v7 =	vor.u32 $0x4, v4;
	v8 =	vld.idx.msk [tilespmem:v9+s29+$0x0], $0xffff;
	[tilespmem:s19+$0xFFFFFA90] =	vst v10  }
0x461: {  	v9 =	vor.u32 $0x16, v0;
	v10 =	vld.idx.msk [tilespmem:v11+s29+$0x0], $0xffff  }
0x462: {  	v11 =	vor.u32 $0x17, v1  }
0x463: {  	[tilespmem:s21+$0xFFFFF190] =	vst v3  }
0x464: {  	[tilespmem:s21+$0xFFFFF180] =	vst v5;
	v3 =	vld.idx.msk [tilespmem:v6+s29+$0x0], $0xffff  }
0x465: {  	v6 =	vor.u32 $0x5, v2;
	[tilespmem:s19+$0xFFFFFA80] =	vst v8;
	v5 =	vld.idx.msk [tilespmem:v7+s29+$0x0], $0xffff  }
0x466: {  	v7 =	vor.u32 $0x5, v4;
	v8 =	vld.idx.msk [tilespmem:v9+s29+$0x0], $0xffff;
	[tilespmem:s19+$0xFFFFFB10] =	vst v10  }
0x467: {  	v9 =	vor.u32 $0x17, v0;
	v10 =	vld.idx.msk [tilespmem:v11+s29+$0x0], $0xffff  }
0x468: {  	v11 =	vor.u32 $0x18, v1  }
0x469: {  	[tilespmem:s21+$0xFFFFF210] =	vst v3  }
0x46a: {  	[tilespmem:s21+$0xFFFFF200] =	vst v5;
	v3 =	vld.idx.msk [tilespmem:v6+s29+$0x0], $0xffff  }
0x46b: {  	v6 =	vor.u32 $0x6, v2;
	[tilespmem:s19+$0xFFFFFB00] =	vst v8;
	v5 =	vld.idx.msk [tilespmem:v7+s29+$0x0], $0xffff  }
0x46c: {  	v7 =	vor.u32 $0x6, v4;
	v8 =	vld.idx.msk [tilespmem:v9+s29+$0x0], $0xffff;
	[tilespmem:s19+$0xFFFFFB90] =	vst v10  }
0x46d: {  	v9 =	vor.u32 $0x18, v0;
	v10 =	vld.idx.msk [tilespmem:v11+s29+$0x0], $0xffff  }
0x46e: {  	v11 =	vor.u32 $0x19, v1  }
0x46f: {  	[tilespmem:s21+$0xFFFFF290] =	vst v3  }
0x470: {  	[tilespmem:s21+$0xFFFFF280] =	vst v5;
	v3 =	vld.idx.msk [tilespmem:v6+s29+$0x0], $0xffff  }
0x471: {  	v6 =	vor.u32 $0x7, v2;
	[tilespmem:s19+$0xFFFFFB80] =	vst v8;
	v5 =	vld.idx.msk [tilespmem:v7+s29+$0x0], $0xffff  }
0x472: {  	v7 =	vor.u32 $0x7, v4;
	v8 =	vld.idx.msk [tilespmem:v9+s29+$0x0], $0xffff;
	[tilespmem:s19+$0xFFFFFC10] =	vst v10  }
0x473: {  	v9 =	vor.u32 $0x19, v0;
	v10 =	vld.idx.msk [tilespmem:v11+s29+$0x0], $0xffff  }
0x474: {  	v11 =	vor.u32 $0x1A, v1  }
0x475: {  	[tilespmem:s21+$0xFFFFF310] =	vst v3  }
0x476: {  	[tilespmem:s21+$0xFFFFF300] =	vst v5;
	v3 =	vld.idx.msk [tilespmem:v6+s29+$0x0], $0xffff  }
0x477: {  	v6 =	vor.u32 $0x8, v2;
	[tilespmem:s19+$0xFFFFFC00] =	vst v8;
	v5 =	vld.idx.msk [tilespmem:v7+s29+$0x0], $0xffff  }
0x478: {  	v7 =	vor.u32 $0x8, v4;
	v8 =	vld.idx.msk [tilespmem:v9+s29+$0x0], $0xffff;
	[tilespmem:s19+$0xFFFFFC90] =	vst v10  }
0x479: {  	v9 =	vor.u32 $0x1A, v0;
	v10 =	vld.idx.msk [tilespmem:v11+s29+$0x0], $0xffff  }
0x47a: {  	v11 =	vor.u32 $0x1B, v1  }
0x47b: {  	[tilespmem:s21+$0xFFFFF390] =	vst v3  }
0x47c: {  	[tilespmem:s21+$0xFFFFF380] =	vst v5;
	v3 =	vld.idx.msk [tilespmem:v6+s29+$0x0], $0xffff  }
0x47d: {  	v6 =	vor.u32 $0x9, v2;
	[tilespmem:s19+$0xFFFFFC80] =	vst v8;
	v5 =	vld.idx.msk [tilespmem:v7+s29+$0x0], $0xffff  }
0x47e: {  	v7 =	vor.u32 $0x9, v4;
	v8 =	vld.idx.msk [tilespmem:v9+s29+$0x0], $0xffff;
	[tilespmem:s19+$0xFFFFFD10] =	vst v10  }
0x47f: {  	v9 =	vor.u32 $0x1B, v0;
	v10 =	vld.idx.msk [tilespmem:v11+s29+$0x0], $0xffff  }
0x480: {  	v11 =	vor.u32 $0x1C, v1  }
0x481: {  	[tilespmem:s21+$0xFFFFF410] =	vst v3  }
0x482: {  	[tilespmem:s21+$0xFFFFF400] =	vst v5;
	v3 =	vld.idx.msk [tilespmem:v6+s29+$0x0], $0xffff  }
0x483: {  	v6 =	vor.u32 $0xA, v2;
	[tilespmem:s19+$0xFFFFFD00] =	vst v8;
	v5 =	vld.idx.msk [tilespmem:v7+s29+$0x0], $0xffff  }
0x484: {  	v7 =	vor.u32 $0xA, v4;
	v8 =	vld.idx.msk [tilespmem:v9+s29+$0x0], $0xffff;
	[tilespmem:s19+$0xFFFFFD90] =	vst v10  }
0x485: {  	v9 =	vor.u32 $0x1C, v0;
	v10 =	vld.idx.msk [tilespmem:v11+s29+$0x0], $0xffff  }
0x486: {  	v11 =	vor.u32 $0x1D, v1  }
0x487: {  	[tilespmem:s21+$0xFFFFF490] =	vst v3  }
0x488: {  	[tilespmem:s21+$0xFFFFF480] =	vst v5;
	v3 =	vld.idx.msk [tilespmem:v6+s29+$0x0], $0xffff  }
0x489: {  	v6 =	vor.u32 $0xB, v2;
	[tilespmem:s19+$0xFFFFFD80] =	vst v8;
	v5 =	vld.idx.msk [tilespmem:v7+s29+$0x0], $0xffff  }
0x48a: {  	v7 =	vor.u32 $0xB, v4;
	v8 =	vld.idx.msk [tilespmem:v9+s29+$0x0], $0xffff;
	[tilespmem:s19+$0xFFFFFE10] =	vst v10  }
0x48b: {  	v9 =	vor.u32 $0x1D, v0;
	v10 =	vld.idx.msk [tilespmem:v11+s29+$0x0], $0xffff  }
0x48c: {  	v11 =	vor.u32 $0x1E, v1  }
0x48d: {  	[tilespmem:s21+$0xFFFFF510] =	vst v3  }
0x48e: {  	[tilespmem:s21+$0xFFFFF500] =	vst v5;
	v3 =	vld.idx.msk [tilespmem:v6+s29+$0x0], $0xffff  }
0x48f: {  	v6 =	vor.u32 $0xC, v2;
	[tilespmem:s19+$0xFFFFFE00] =	vst v8;
	v5 =	vld.idx.msk [tilespmem:v7+s29+$0x0], $0xffff  }
0x490: {  	v7 =	vor.u32 $0xC, v4;
	v8 =	vld.idx.msk [tilespmem:v9+s29+$0x0], $0xffff;
	[tilespmem:s19+$0xFFFFFE90] =	vst v10  }
0x491: {  	v9 =	vor.u32 $0x1E, v0;
	v10 =	vld.idx.msk [tilespmem:v11+s29+$0x0], $0xffff  }
0x492: {  	v11 =	vor.u32 $0x1F, v1  }
0x493: {  	[tilespmem:s21+$0xFFFFF590] =	vst v3  }
0x494: {  	[tilespmem:s21+$0xFFFFF580] =	vst v5;
	v3 =	vld.idx.msk [tilespmem:v6+s29+$0x0], $0xffff  }
0x495: {  	v6 =	vor.u32 $0xD, v2;
	[tilespmem:s19+$0xFFFFFE80] =	vst v8;
	v5 =	vld.idx.msk [tilespmem:v7+s29+$0x0], $0xffff  }
0x496: {  	v7 =	vor.u32 $0xD, v4;
	v8 =	vld.idx.msk [tilespmem:v9+s29+$0x0], $0xffff;
	[tilespmem:s19+$0xFFFFFF10] =	vst v10  }
0x497: {  	v9 =	vor.u32 $0x1F, v0;
	v10 =	vld.idx.msk [tilespmem:v11+s29+$0x0], $0xffff  }
0x498: {  	v11 =	vor.u32 $0x20, v1  }
0x499: {  	[tilespmem:s21+$0xFFFFF610] =	vst v3  }
0x49a: {  	[tilespmem:s21+$0xFFFFF600] =	vst v5;
	v3 =	vld.idx.msk [tilespmem:v6+s29+$0x0], $0xffff  }
0x49b: {  	v6 =	vor.u32 $0xE, v2;
	[tilespmem:s19+$0xFFFFFF00] =	vst v8;
	v5 =	vld.idx.msk [tilespmem:v7+s29+$0x0], $0xffff  }
0x49c: {  	v7 =	vor.u32 $0xE, v4;
	v8 =	vld.idx.msk [tilespmem:v9+s29+$0x0], $0xffff;
	[tilespmem:s19+$0xFFFFFF90] =	vst v10  }
0x49d: {  	v9 =	vor.u32 $0x20, v0;
	v10 =	vld.idx.msk [tilespmem:v11+s29+$0x0], $0xffff  }
0x49e: {  	v11 =	vor.u32 $0x21, v1  }
0x49f: {  	[tilespmem:s21+$0xFFFFF690] =	vst v3  }
0x4a0: {  	[tilespmem:s21+$0xFFFFF680] =	vst v5;
	v3 =	vld.idx.msk [tilespmem:v6+s29+$0x0], $0xffff  }
0x4a1: {  	v6 =	vor.u32 $0xF, v2;
	[tilespmem:s19+$0xFFFFFF80] =	vst v8;
	v5 =	vld.idx.msk [tilespmem:v7+s29+$0x0], $0xffff  }
0x4a2: {  	v7 =	vor.u32 $0xF, v4;
	v8 =	vld.idx.msk [tilespmem:v9+s29+$0x0], $0xffff;
	[tilespmem:s19+$0x10] =	vst v10  }
0x4a3: {  	v9 =	vor.u32 $0x21, v0;
	v10 =	vld.idx.msk [tilespmem:v11+s29+$0x0], $0xffff  }
0x4a4: {  	v11 =	vor.u32 $0x22, v1  }
0x4a5: {  	[tilespmem:s21+$0xFFFFF710] =	vst v3  }
0x4a6: {  	[tilespmem:s21+$0xFFFFF700] =	vst v5;
	v3 =	vld.idx.msk [tilespmem:v6+s29+$0x0], $0xffff  }
0x4a7: {  	v6 =	vor.u32 $0x10, v2;
	[tilespmem:s19+$0x0] =	vst v8;
	v5 =	vld.idx.msk [tilespmem:v7+s29+$0x0], $0xffff  }
0x4a8: {  	v7 =	vor.u32 $0x10, v4;
	v8 =	vld.idx.msk [tilespmem:v9+s29+$0x0], $0xffff;
	[tilespmem:s19+$0x90] =	vst v10  }
0x4a9: {  	v9 =	vor.u32 $0x22, v0;
	v10 =	vld.idx.msk [tilespmem:v11+s29+$0x0], $0xffff  }
0x4aa: {  	v11 =	vor.u32 $0x23, v1  }
0x4ab: {  	[tilespmem:s21+$0xFFFFF790] =	vst v3  }
0x4ac: {  	[tilespmem:s21+$0xFFFFF780] =	vst v5;
	v3 =	vld.idx.msk [tilespmem:v6+s29+$0x0], $0xffff  }
0x4ad: {  	v6 =	vor.u32 $0x11, v2;
	[tilespmem:s19+$0x80] =	vst v8;
	v5 =	vld.idx.msk [tilespmem:v7+s29+$0x0], $0xffff  }
0x4ae: {  	v7 =	vor.u32 $0x11, v4;
	v8 =	vld.idx.msk [tilespmem:v9+s29+$0x0], $0xffff;
	[tilespmem:s19+$0x110] =	vst v10  }
0x4af: {  	v9 =	vor.u32 $0x23, v0;
	v10 =	vld.idx.msk [tilespmem:v11+s29+$0x0], $0xffff  }
0x4b0: {  	v11 =	vor.u32 $0x24, v1  }
0x4b1: {  	[tilespmem:s21+$0xFFFFF810] =	vst v3  }
0x4b2: {  	[tilespmem:s21+$0xFFFFF800] =	vst v5;
	v5 =	vld.idx.msk [tilespmem:v6+s29+$0x0], $0xffff  }
0x4b3: {  	[tilespmem:s19+$0x100] =	vst v8;
	v6 =	vld.idx.msk [tilespmem:v7+s29+$0x0], $0xffff;
	v7 =	vor.u32 $0x12, v2  }
0x4b4: {  	s23 =	simm.s32 $0x50;
	v8 =	vor.u32 $0x12, v4;
	v9 =	vld.idx.msk [tilespmem:v9+s29+$0x0], $0xffff;
	[tilespmem:s19+$0x190] =	vst v10  }
0x4b5: {  	s25 =	simm.s32 $0x40;
	v3 =	vmov s23;
	v10 =	vor.u32 $0x24, v0;
	v11 =	vld.idx.msk [tilespmem:v11+s29+$0x0], $0xffff  }
0x4b6: {  	v13 =	vor.u32 $0x25, v1;
	v12 =	vmov s25;
	v3 =	vshll.u32 v3, $0x7  }
0x4b7: {  	v12 =	vshll.u32 v12, $0x7;
	v3 =	vor.u32 v37, v3;
	[tilespmem:s21+$0xFFFFF890] =	vst v5  }
0x4b8: {  	v27 =	vor.u32 v37, v12;
	[tilespmem:s21+$0xFFFFF880] =	vst v6;
	v5 =	vld.idx.msk [tilespmem:v7+s29+$0x0], $0xffff  }
0x4b9: {  	v7 =	vor.u32 $0x13, v2;
	[tilespmem:s19+$0x180] =	vst v9;
	v6 =	vld.idx.msk [tilespmem:v8+s29+$0x0], $0xffff  }
0x4ba: {  	v8 =	vor.u32 $0x13, v4;
	v9 =	vld.idx.msk [tilespmem:v10+s29+$0x0], $0xffff;
	[tilespmem:s19+$0x210] =	vst v11  }
0x4bb: {  	v10 =	vor.u32 $0x25, v0;
	v11 =	vld.idx.msk [tilespmem:v13+s29+$0x0], $0xffff  }
0x4bc: {  	v12 =	vld.idx.msk [tilespmem:v3+s29+$0x0], $0xffff;
	v13 =	vor.u32 $0x26, v1  }
0x4bd: {  	v14 =	vld.idx.msk [tilespmem:v27+s29+$0x0], $0xffff;
	v15 =	vor.u32 $0x1, v3;
	[tilespmem:s21+$0xFFFFF910] =	vst v5  }
0x4be: {  	v5 =	vor.u32 $0x1, v27;
	[tilespmem:s21+$0xFFFFF900] =	vst v6;
	v6 =	vld.idx.msk [tilespmem:v7+s29+$0x0], $0xffff  }
0x4bf: {  	[tilespmem:s19+$0x200] =	vst v9;
	v7 =	vld.idx.msk [tilespmem:v8+s29+$0x0], $0xffff;
	v8 =	vor.u32 $0x14, v2  }
0x4c0: {  	s13 =	simm.s32 $0x12040;
	v9 =	vor.u32 $0x14, v4;
	v10 =	vld.idx.msk [tilespmem:v10+s29+$0x0], $0xffff;
	[tilespmem:s19+$0x290] =	vst v11  }
0x4c1: {  	[tilespmem:s13+$0xFFFFF010] =	vst v12;
	v11 =	vor.u32 $0x26, v0;
	v12 =	vld.idx.msk [tilespmem:v13+s29+$0x0], $0xffff  }
0x4c2: {  	[tilespmem:s13+$0xFFFFF000] =	vst v14;
	v14 =	vor.u32 $0x27, v1;
	v13 =	vld.idx.msk [tilespmem:v15+s29+$0x0], $0xffff  }
0x4c3: {  	v5 =	vld.idx.msk [tilespmem:v5+s29+$0x0], $0xffff;
	v15 =	vor.u32 $0x2, v3;
	[tilespmem:s21+$0xFFFFF990] =	vst v6  }
0x4c4: {  	v6 =	vor.u32 $0x2, v27;
	[tilespmem:s21+$0xFFFFF980] =	vst v7;
	v7 =	vld.idx.msk [tilespmem:v8+s29+$0x0], $0xffff  }
0x4c5: {  	v8 =	vld.idx.msk [tilespmem:v9+s29+$0x0], $0xffff;
	[tilespmem:s19+$0x280] =	vst v10;
	v9 =	vor.u32 $0x15, v2  }
0x4c6: {  	v10 =	vor.u32 $0x15, v4;
	v11 =	vld.idx.msk [tilespmem:v11+s29+$0x0], $0xffff;
	[tilespmem:s19+$0x310] =	vst v12  }
0x4c7: {  	v12 =	vor.u32 $0x27, v0;
	[tilespmem:s13+$0xFFFFF090] =	vst v13;
	v13 =	vld.idx.msk [tilespmem:v14+s29+$0x0], $0xffff  }
0x4c8: {  	[tilespmem:s13+$0xFFFFF080] =	vst v5;
	v5 =	vld.idx.msk [tilespmem:v15+s29+$0x0], $0xffff;
	v14 =	vor.u32 $0x28, v1  }
0x4c9: {  	v6 =	vld.idx.msk [tilespmem:v6+s29+$0x0], $0xffff;
	v15 =	vor.u32 $0x3, v3;
	[tilespmem:s21+$0xFFFFFA10] =	vst v7  }
0x4ca: {  	v7 =	vor.u32 $0x3, v27;
	[tilespmem:s21+$0xFFFFFA00] =	vst v8;
	v8 =	vld.idx.msk [tilespmem:v9+s29+$0x0], $0xffff  }
0x4cb: {  	v9 =	vld.idx.msk [tilespmem:v10+s29+$0x0], $0xffff;
	[tilespmem:s19+$0x300] =	vst v11;
	v10 =	vor.u32 $0x16, v2  }
0x4cc: {  	v11 =	vor.u32 $0x16, v4;
	v12 =	vld.idx.msk [tilespmem:v12+s29+$0x0], $0xffff;
	[tilespmem:s19+$0x390] =	vst v13  }
0x4cd: {  	v13 =	vor.u32 $0x28, v0;
	[tilespmem:s13+$0xFFFFF110] =	vst v5;
	v5 =	vld.idx.msk [tilespmem:v14+s29+$0x0], $0xffff  }
0x4ce: {  	[tilespmem:s13+$0xFFFFF100] =	vst v6;
	v6 =	vld.idx.msk [tilespmem:v15+s29+$0x0], $0xffff;
	v14 =	vor.u32 $0x29, v1  }
0x4cf: {  	v7 =	vld.idx.msk [tilespmem:v7+s29+$0x0], $0xffff;
	v15 =	vor.u32 $0x4, v3;
	[tilespmem:s21+$0xFFFFFA90] =	vst v8  }
0x4d0: {  	v8 =	vor.u32 $0x4, v27;
	[tilespmem:s21+$0xFFFFFA80] =	vst v9;
	v9 =	vld.idx.msk [tilespmem:v10+s29+$0x0], $0xffff  }
0x4d1: {  	v10 =	vld.idx.msk [tilespmem:v11+s29+$0x0], $0xffff;
	[tilespmem:s19+$0x380] =	vst v12;
	v11 =	vor.u32 $0x17, v2  }
0x4d2: {  	v12 =	vor.u32 $0x17, v4;
	v13 =	vld.idx.msk [tilespmem:v13+s29+$0x0], $0xffff;
	[tilespmem:s19+$0x410] =	vst v5  }
0x4d3: {  	v5 =	vor.u32 $0x29, v0;
	[tilespmem:s13+$0xFFFFF190] =	vst v6;
	v6 =	vld.idx.msk [tilespmem:v14+s29+$0x0], $0xffff  }
0x4d4: {  	[tilespmem:s13+$0xFFFFF180] =	vst v7;
	v7 =	vld.idx.msk [tilespmem:v15+s29+$0x0], $0xffff;
	v14 =	vor.u32 $0x2A, v1  }
0x4d5: {  	v8 =	vld.idx.msk [tilespmem:v8+s29+$0x0], $0xffff;
	v15 =	vor.u32 $0x5, v3;
	[tilespmem:s21+$0xFFFFFB10] =	vst v9  }
0x4d6: {  	v9 =	vor.u32 $0x5, v27;
	[tilespmem:s21+$0xFFFFFB00] =	vst v10;
	v10 =	vld.idx.msk [tilespmem:v11+s29+$0x0], $0xffff  }
0x4d7: {  	v11 =	vld.idx.msk [tilespmem:v12+s29+$0x0], $0xffff;
	[tilespmem:s19+$0x400] =	vst v13;
	v12 =	vor.u32 $0x18, v2  }
0x4d8: {  	v13 =	vor.u32 $0x18, v4;
	v5 =	vld.idx.msk [tilespmem:v5+s29+$0x0], $0xffff;
	[tilespmem:s19+$0x490] =	vst v6  }
0x4d9: {  	v6 =	vor.u32 $0x2A, v0;
	[tilespmem:s13+$0xFFFFF210] =	vst v7;
	v7 =	vld.idx.msk [tilespmem:v14+s29+$0x0], $0xffff  }
0x4da: {  	[tilespmem:s13+$0xFFFFF200] =	vst v8;
	v8 =	vld.idx.msk [tilespmem:v15+s29+$0x0], $0xffff;
	v14 =	vor.u32 $0x2B, v1  }
0x4db: {  	v9 =	vld.idx.msk [tilespmem:v9+s29+$0x0], $0xffff;
	v15 =	vor.u32 $0x6, v3;
	[tilespmem:s21+$0xFFFFFB90] =	vst v10  }
0x4dc: {  	v10 =	vor.u32 $0x6, v27;
	[tilespmem:s21+$0xFFFFFB80] =	vst v11;
	v11 =	vld.idx.msk [tilespmem:v12+s29+$0x0], $0xffff  }
0x4dd: {  	v12 =	vld.idx.msk [tilespmem:v13+s29+$0x0], $0xffff;
	[tilespmem:s19+$0x480] =	vst v5;
	v5 =	vor.u32 $0x19, v2  }
0x4de: {  	v13 =	vor.u32 $0x19, v4;
	v6 =	vld.idx.msk [tilespmem:v6+s29+$0x0], $0xffff;
	[tilespmem:s19+$0x510] =	vst v7  }
0x4df: {  	v7 =	vor.u32 $0x2B, v0;
	[tilespmem:s13+$0xFFFFF290] =	vst v8;
	v8 =	vld.idx.msk [tilespmem:v14+s29+$0x0], $0xffff  }
0x4e0: {  	[tilespmem:s13+$0xFFFFF280] =	vst v9;
	v9 =	vld.idx.msk [tilespmem:v15+s29+$0x0], $0xffff;
	v14 =	vor.u32 $0x2C, v1  }
0x4e1: {  	v10 =	vld.idx.msk [tilespmem:v10+s29+$0x0], $0xffff;
	v15 =	vor.u32 $0x7, v3;
	[tilespmem:s21+$0xFFFFFC10] =	vst v11  }
0x4e2: {  	v11 =	vor.u32 $0x7, v27;
	[tilespmem:s21+$0xFFFFFC00] =	vst v12;
	v5 =	vld.idx.msk [tilespmem:v5+s29+$0x0], $0xffff  }
0x4e3: {  	v12 =	vld.idx.msk [tilespmem:v13+s29+$0x0], $0xffff;
	[tilespmem:s19+$0x500] =	vst v6;
	v6 =	vor.u32 $0x1A, v2  }
0x4e4: {  	v13 =	vor.u32 $0x1A, v4;
	v7 =	vld.idx.msk [tilespmem:v7+s29+$0x0], $0xffff;
	[tilespmem:s19+$0x590] =	vst v8  }
0x4e5: {  	v8 =	vor.u32 $0x2C, v0;
	[tilespmem:s13+$0xFFFFF310] =	vst v9;
	v9 =	vld.idx.msk [tilespmem:v14+s29+$0x0], $0xffff  }
0x4e6: {  	[tilespmem:s13+$0xFFFFF300] =	vst v10;
	v10 =	vld.idx.msk [tilespmem:v15+s29+$0x0], $0xffff;
	v14 =	vor.u32 $0x2D, v1  }
0x4e7: {  	v11 =	vld.idx.msk [tilespmem:v11+s29+$0x0], $0xffff;
	v15 =	vor.u32 $0x8, v3;
	[tilespmem:s21+$0xFFFFFC90] =	vst v5  }
0x4e8: {  	v5 =	vor.u32 $0x8, v27;
	[tilespmem:s21+$0xFFFFFC80] =	vst v12;
	v6 =	vld.idx.msk [tilespmem:v6+s29+$0x0], $0xffff  }
0x4e9: {  	v12 =	vld.idx.msk [tilespmem:v13+s29+$0x0], $0xffff;
	[tilespmem:s19+$0x580] =	vst v7;
	v7 =	vor.u32 $0x1B, v2  }
0x4ea: {  	v13 =	vor.u32 $0x1B, v4;
	v8 =	vld.idx.msk [tilespmem:v8+s29+$0x0], $0xffff;
	[tilespmem:s19+$0x610] =	vst v9  }
0x4eb: {  	v9 =	vor.u32 $0x2D, v0;
	[tilespmem:s13+$0xFFFFF390] =	vst v10;
	v10 =	vld.idx.msk [tilespmem:v14+s29+$0x0], $0xffff  }
0x4ec: {  	[tilespmem:s13+$0xFFFFF380] =	vst v11;
	v11 =	vld.idx.msk [tilespmem:v15+s29+$0x0], $0xffff;
	v14 =	vor.u32 $0x2E, v1  }
0x4ed: {  	v5 =	vld.idx.msk [tilespmem:v5+s29+$0x0], $0xffff;
	v15 =	vor.u32 $0x9, v3;
	[tilespmem:s21+$0xFFFFFD10] =	vst v6  }
0x4ee: {  	v6 =	vor.u32 $0x9, v27;
	[tilespmem:s21+$0xFFFFFD00] =	vst v12;
	v7 =	vld.idx.msk [tilespmem:v7+s29+$0x0], $0xffff  }
0x4ef: {  	v12 =	vld.idx.msk [tilespmem:v13+s29+$0x0], $0xffff;
	[tilespmem:s19+$0x600] =	vst v8;
	v8 =	vor.u32 $0x1C, v2  }
0x4f0: {  	v13 =	vor.u32 $0x1C, v4;
	v9 =	vld.idx.msk [tilespmem:v9+s29+$0x0], $0xffff;
	[tilespmem:s19+$0x690] =	vst v10  }
0x4f1: {  	v10 =	vor.u32 $0x2E, v0;
	[tilespmem:s13+$0xFFFFF410] =	vst v11;
	v11 =	vld.idx.msk [tilespmem:v14+s29+$0x0], $0xffff  }
0x4f2: {  	[tilespmem:s13+$0xFFFFF400] =	vst v5;
	v5 =	vld.idx.msk [tilespmem:v15+s29+$0x0], $0xffff;
	v14 =	vor.u32 $0x2F, v1  }
0x4f3: {  	v6 =	vld.idx.msk [tilespmem:v6+s29+$0x0], $0xffff;
	v15 =	vor.u32 $0xA, v3;
	[tilespmem:s21+$0xFFFFFD90] =	vst v7  }
0x4f4: {  	v7 =	vor.u32 $0xA, v27;
	[tilespmem:s21+$0xFFFFFD80] =	vst v12;
	v8 =	vld.idx.msk [tilespmem:v8+s29+$0x0], $0xffff  }
0x4f5: {  	v12 =	vld.idx.msk [tilespmem:v13+s29+$0x0], $0xffff;
	[tilespmem:s19+$0x680] =	vst v9;
	v9 =	vor.u32 $0x1D, v2  }
0x4f6: {  	v13 =	vor.u32 $0x1D, v4;
	v10 =	vld.idx.msk [tilespmem:v10+s29+$0x0], $0xffff;
	[tilespmem:s19+$0x710] =	vst v11  }
0x4f7: {  	v11 =	vor.u32 $0x2F, v0;
	[tilespmem:s13+$0xFFFFF490] =	vst v5;
	v5 =	vld.idx.msk [tilespmem:v14+s29+$0x0], $0xffff  }
0x4f8: {  	[tilespmem:s13+$0xFFFFF480] =	vst v6;
	v6 =	vld.idx.msk [tilespmem:v15+s29+$0x0], $0xffff;
	v14 =	vor.u32 $0x30, v1  }
0x4f9: {  	v7 =	vld.idx.msk [tilespmem:v7+s29+$0x0], $0xffff;
	v15 =	vor.u32 $0xB, v3;
	[tilespmem:s21+$0xFFFFFE10] =	vst v8  }
0x4fa: {  	[tilespmem:s21+$0xFFFFFE00] =	vst v12;
	v9 =	vld.idx.msk [tilespmem:v9+s29+$0x0], $0xffff  }
0x4fb: {  	v8 =	vor.u32 $0xB, v27;
	v13 =	vld.idx.msk [tilespmem:v13+s29+$0x0], $0xffff;
	[tilespmem:s19+$0x700] =	vst v10  }
0x4fc: {  	v10 =	vor.u32 $0x1E, v2;
	v11 =	vld.idx.msk [tilespmem:v11+s29+$0x0], $0xffff;
	[tilespmem:s19+$0x790] =	vst v5  }
0x4fd: {  	v18 =	vor.u32 $0x1E, v4;
	[tilespmem:s13+$0xFFFFF510] =	vst v6;
	v6 =	vld.idx.msk [tilespmem:v14+s29+$0x0], $0xffff  }
0x4fe: {  	[tilespmem:s13+$0xFFFFF500] =	vst v7;
	v7 =	vld.idx.msk [tilespmem:v15+s29+$0x0], $0xffff;
	v14 =	vor.u32 $0x31, v1  }
0x4ff: {  	v12 =	vor.u32 $0x30, v0;
	[tilespmem:s21+$0xFFFFFE90] =	vst v9  }
0x500: {  	v8 =	vld.idx.msk [tilespmem:v8+s29+$0x0], $0xffff;
	[tilespmem:s21+$0xFFFFFE80] =	vst v13  }
0x501: {  	v15 =	vor.u32 $0xC, v3;
	v10 =	vld.idx.msk [tilespmem:v10+s29+$0x0], $0xffff;
	[tilespmem:s19+$0x780] =	vst v11  }
0x502: {  	v13 =	vld.idx.msk [tilespmem:v18+s29+$0x0], $0xffff;
	[tilespmem:s19+$0x810] =	vst v6  }
0x503: {  	[tilespmem:s13+$0xFFFFF590] =	vst v7;
	v7 =	vld.idx.msk [tilespmem:v14+s29+$0x0], $0xffff;
	v14 =	vor.u32 $0x24, v4  }
0x504: {  	v9 =	vor.u32 $0xC, v27;
	v12 =	vld.idx.msk [tilespmem:v12+s29+$0x0], $0xffff;
	[tilespmem:$0x1F840] =	vst v14;
	v14 =	vor.u32 $0x25, v4  }
0x505: {  	[tilespmem:$0x1F850] =	vst v14  }
0x506: {  	[tilespmem:s13+$0xFFFFF580] =	vst v8;
	v8 =	vld.idx.msk [tilespmem:v15+s29+$0x0], $0xffff;
	v15 =	vor.u32 $0x27, v4  }
0x507: {  	v16 =	vor.u32 $0x31, v0;
	v17 =	vor.u32 $0x32, v0;
	v11 =	vor.u32 $0x1F, v2;
	[tilespmem:$0x1F860] =	vst v15  }
0x508: {  	v20 =	vor.u32 $0x33, v0;
	v28 =	vor.u32 $0x35, v0;
	[tilespmem:s21+$0xFFFFFF10] =	vst v10;
	v10 =	vor.u32 $0x28, v4  }
0x509: {  	v44 =	vor.u32 $0x36, v0;
	v18 =	vor.u32 $0x1F, v4;
	v9 =	vld.idx.msk [tilespmem:v9+s29+$0x0], $0xffff;
	[tilespmem:$0x1F870] =	vst v10;
	v10 =	vor.u32 $0x29, v4  }
0x50a: {  	v52 =	vor.u32 $0x37, v0;
	v50 =	vor.u32 $0x38, v0;
	v47 =	vor.u32 $0x39, v0;
	[tilespmem:$0x1F880] =	vst v10  }
0x50b: {  	v45 =	vor.u32 $0x3A, v0;
	v43 =	vor.u32 $0x3B, v0;
	[tilespmem:s21+$0xFFFFFF00] =	vst v13;
	v13 =	vor.u32 $0x2A, v4  }
0x50c: {  	v25 =	vor.u32 $0x3C, v0;
	v14 =	vor.u32 $0x32, v1;
	v11 =	vld.idx.msk [tilespmem:v11+s29+$0x0], $0xffff;
	[tilespmem:$0x1F890] =	vst v13;
	v13 =	vor.u32 $0x2B, v4  }
0x50d: {  	v40 =	vor.u32 $0x3D, v0;
	v39 =	vor.u32 $0x3E, v0;
	v15 =	vor.u32 $0xD, v3;
	[tilespmem:$0x1F8A0] =	vst v13  }
0x50e: {  	v38 =	vor.u32 $0x3F, v0;
	v10 =	vor.u32 $0xD, v27;
	v13 =	vld.idx.msk [tilespmem:v18+s29+$0x0], $0xffff;
	[tilespmem:s19+$0x800] =	vst v12;
	v18 =	vor.u32 $0x2C, v4  }
0x50f: {  	v19 =	vor.u32 $0x20, v4;
	v29 =	vor.u32 $0x22, v4;
	v62 =	vor.u32 $0x26, v4;
	[tilespmem:$0x1F8B0] =	vst v18  }
0x510: {  	v61 =	vor.u32 $0x2D, v4;
	v41 =	vor.u32 $0x2E, v4;
	v12 =	vor.u32 $0x20, v2;
	v16 =	vld.idx.msk [tilespmem:v16+s29+$0x0], $0xffff;
	[tilespmem:s19+$0x890] =	vst v7  }
0x511: {  	v57 =	vor.u32 $0x2F, v4;
	v55 =	vor.u32 $0x30, v4;
	v54 =	vor.u32 $0x31, v4;
	[tilespmem:s13+$0xFFFFF610] =	vst v8;
	v7 =	vld.idx.msk [tilespmem:v14+s29+$0x0], $0xffff  }
0x512: {  	v51 =	vor.u32 $0x32, v4;
	v49 =	vor.u32 $0x33, v4;
	v23 =	vor.u32 $0x34, v4;
	[tilespmem:s13+$0xFFFFF600] =	vst v9;
	v8 =	vld.idx.msk [tilespmem:v15+s29+$0x0], $0xffff  }
0x513: {  	v22 =	vor.u32 $0x35, v4;
	v21 =	vor.u32 $0x36, v4;
	v9 =	vor.u32 $0x33, v1;
	[tilespmem:s21+$0xFFFFFF90] =	vst v11;
	v10 =	vld.idx.msk [tilespmem:v10+s29+$0x0], $0xffff  }
0x514: {  	v58 =	vor.u32 $0x37, v4;
	v56 =	vor.u32 $0x38, v4;
	v14 =	vor.u32 $0xE, v3;
	[tilespmem:s21+$0xFFFFFF80] =	vst v13  }
0x515: {  	v53 =	vor.u32 $0x39, v4;
	v48 =	vor.u32 $0x3A, v4;
	v46 =	vor.u32 $0x3B, v4;
	v12 =	vld.idx.msk [tilespmem:v12+s29+$0x0], $0xffff;
	[tilespmem:s19+$0x880] =	vst v16  }
0x516: {  	v42 =	vor.u32 $0x3F, v4;
	v5 =	vor.u32 $0x34, v0;
	v11 =	vor.u32 $0xE, v27;
	v13 =	vld.idx.msk [tilespmem:v19+s29+$0x0], $0xffff;
	[tilespmem:s19+$0x910] =	vst v7  }
0x517: {  	v0 =	vor.u32 $0x23, v4;
	v6 =	vor.u32 $0x21, v4;
	v18 =	vor.u32 $0x3D, v4;
	v16 =	vld.idx.msk [tilespmem:v17+s29+$0x0], $0xffff;
	[tilespmem:s13+$0xFFFFF690] =	vst v8  }
0x518: {  	v19 =	vor.u32 $0x3C, v4;
	v17 =	vor.u32 $0x3E, v4;
	[tilespmem:s13+$0xFFFFF680] =	vst v10;
	v10 =	vor.u32 $0x12, v27;
	v4 =	vld.idx.msk [tilespmem:v9+s29+$0x0], $0xffff  }
0x519: {  	v8 =	vld.idx.msk [tilespmem:v14+s29+$0x0], $0xffff;
	[tilespmem:$0x1F8C0] =	vst v10  }
0x51a: {  	v15 =	vor.u32 $0x21, v2;
	[tilespmem:s21+$0x10] =	vst v12;
	v12 =	vor.u32 $0x13, v27  }
0x51b: {  	v10 =	vld.idx.msk [tilespmem:v11+s29+$0x0], $0xffff;
	[tilespmem:$0x1F8D0] =	vst v12;
	v12 =	vor.u32 $0x14, v27  }
0x51c: {  	[tilespmem:$0x1F8E0] =	vst v12;
	v12 =	vor.u32 $0x15, v27  }
0x51d: {  	[tilespmem:$0x1F8F0] =	vst v12  }
0x51e: {  	v12 =	vor.u32 $0x16, v27;
	[tilespmem:s21+$0x0] =	vst v13  }
0x51f: {  	v26 =	vld.idx.msk [tilespmem:v15+s29+$0x0], $0xffff;
	[tilespmem:$0x1F900] =	vst v12;
	v12 =	vor.u32 $0x17, v27  }
0x520: {  	[tilespmem:$0x1F910] =	vst v12  }
0x521: {  	[tilespmem:s19+$0x900] =	vst v16  }
0x522: {  	v9 =	vor.u32 $0x34, v1;
	[tilespmem:s19+$0x990] =	vst v4;
	v4 =	vor.u32 $0x18, v27  }
0x523: {  	v12 =	vor.u32 $0x19, v27;
	v6 =	vld.idx.msk [tilespmem:v6+s29+$0x0], $0xffff;
	[tilespmem:$0x1F920] =	vst v4  }
0x524: {  	v4 =	vld.idx.msk [tilespmem:v20+s29+$0x0], $0xffff;
	[tilespmem:$0x1F930] =	vst v12;
	v12 =	vor.u32 $0x1A, v27  }
0x525: {  	[tilespmem:$0x1F940] =	vst v12  }
0x526: {  	v11 =	vor.u32 $0xF, v3;
	[tilespmem:s13+$0xFFFFF710] =	vst v8;
	v8 =	vor.u32 $0x1B, v27  }
0x527: {  	v59 =	vld.idx.msk [tilespmem:v9+s29+$0x0], $0xffff;
	[tilespmem:$0x1F950] =	vst v8;
	v8 =	vor.u32 $0x1C, v27  }
0x528: {  	v7 =	vor.u32 $0xF, v27;
	[tilespmem:$0x1F960] =	vst v8;
	v8 =	vor.u32 $0x1D, v27  }
0x529: {  	[tilespmem:$0x1F970] =	vst v8  }
0x52a: {  	v8 =	vor.u32 $0x1E, v27;
	[tilespmem:s13+$0xFFFFF700] =	vst v10  }
0x52b: {  	v60 =	vld.idx.msk [tilespmem:v11+s29+$0x0], $0xffff;
	[tilespmem:$0x1F980] =	vst v8;
	v8 =	vor.u32 $0x1F, v27  }
0x52c: {  	v31 =	vor.u32 $0x22, v2;
	[tilespmem:$0x1F990] =	vst v8  }
0x52d: {  	[tilespmem:s21+$0x90] =	vst v26;
	v63 =	vld.idx.msk [tilespmem:v7+s29+$0x0], $0xffff;
	v7 =	vor.u32 $0x20, v27  }
0x52e: {  	[tilespmem:$0x1F9A0] =	vst v7;
	v7 =	vor.u32 $0x21, v27  }
0x52f: {  	[tilespmem:$0x1F9B0] =	vst v7  }
0x530: {  	[tilespmem:s21+$0x80] =	vst v6;
	v6 =	vor.u32 $0x22, v27  }
0x531: {  	v31 =	vld.idx.msk [tilespmem:v31+s29+$0x0], $0xffff;
	[tilespmem:$0x1F9C0] =	vst v6  }
0x532: {  	[tilespmem:s19+$0x980] =	vst v4  }
0x533: {  	v35 =	vor.u32 $0x35, v1;
	v6 =	vor.u32 $0x27, v27;
	v4 =	vld.idx.msk [tilespmem:v29+s29+$0x0], $0xffff;
	[tilespmem:s19+$0xA10] =	vst v59  }
0x534: {  	v5 =	vld.idx.msk [tilespmem:v5+s29+$0x0], $0xffff;
	[tilespmem:$0x1F9D0] =	vst v6;
	v6 =	vor.u32 $0x28, v27  }
0x535: {  	[tilespmem:$0x1F9E0] =	vst v6;
	v6 =	vor.u32 $0x29, v27  }
0x536: {  	[tilespmem:$0x1F9F0] =	vst v6  }
0x537: {  	v7 =	vor.u32 $0x10, v3;
	v6 =	vor.u32 $0x2A, v27;
	[tilespmem:s13+$0xFFFFF790] =	vst v60  }
0x538: {  	v33 =	vld.idx.msk [tilespmem:v35+s29+$0x0], $0xffff;
	[tilespmem:$0x1FA00] =	vst v6;
	v6 =	vor.u32 $0x2B, v27  }
0x539: {  	[tilespmem:$0x1FA10] =	vst v6;
	v6 =	vor.u32 $0x2C, v27  }
0x53a: {  	v30 =	vor.u32 $0x10, v27;
	[tilespmem:$0x1FA20] =	vst v6  }
0x53b: {  	v6 =	vor.u32 $0x2D, v27;
	[tilespmem:s13+$0xFFFFF780] =	vst v63  }
0x53c: {  	v34 =	vld.idx.msk [tilespmem:v7+s29+$0x0], $0xffff;
	[tilespmem:$0x1FA30] =	vst v6;
	v6 =	vor.u32 $0x2E, v27  }
0x53d: {  	v29 =	vor.u32 $0x23, v2;
	[tilespmem:$0x1FA40] =	vst v6  }
0x53e: {  	v6 =	vor.u32 $0x2F, v27;
	[tilespmem:s21+$0x110] =	vst v31  }
0x53f: {  	v32 =	vor.u32 $0x11, v27;
	v30 =	vld.idx.msk [tilespmem:v30+s29+$0x0], $0xffff;
	[tilespmem:$0x1FA50] =	vst v6;
	v6 =	vor.u32 $0x30, v27  }
0x540: {  	v24 =	vor.u32 $0x34, v27;
	v36 =	vor.u32 $0x39, v27;
	v35 =	vor.u32 $0x36, v1;
	[tilespmem:$0x1FA60] =	vst v6  }
0x541: {  	v14 =	vor.u32 $0x3F, v27;
	v31 =	vor.u32 $0x11, v3;
	v6 =	vor.u32 $0x31, v27;
	[tilespmem:s21+$0x100] =	vst v4  }
0x542: {  	v13 =	vor.u32 $0x25, v27;
	v15 =	vor.u32 $0x3E, v27;
	v16 =	vor.u32 $0x3D, v27;
	v4 =	vld.idx.msk [tilespmem:v29+s29+$0x0], $0xffff;
	[tilespmem:$0x1FA70] =	vst v6  }
0x543: {  	v20 =	vor.u32 $0x3C, v27;
	v12 =	vor.u32 $0x23, v27;
	v9 =	vor.u32 $0x36, v27;
	[tilespmem:s19+$0xA00] =	vst v5;
	v0 =	vld.idx.msk [tilespmem:v0+s29+$0x0], $0xffff  }
0x544: {  	v10 =	vor.u32 $0x26, v27;
	v11 =	vor.u32 $0x35, v27;
	v8 =	vor.u32 $0x24, v27;
	[tilespmem:s19+$0xA90] =	vst v33;
	v29 =	vld.idx.msk [tilespmem:v28+s29+$0x0], $0xffff  }
0x545: {  	v26 =	vor.u32 $0x32, v27;
	v59 =	vor.u32 $0x33, v27;
	v60 =	vor.u32 $0x38, v27;
	[tilespmem:s13+$0xFFFFF810] =	vst v34;
	v28 =	vld.idx.msk [tilespmem:v35+s29+$0x0], $0xffff  }
0x546: {  	v63 =	vor.u32 $0x37, v27;
	v34 =	vor.u32 $0x3A, v27;
	v33 =	vor.u32 $0x3B, v27;
	[tilespmem:s13+$0xFFFFF800] =	vst v30;
	v31 =	vld.idx.msk [tilespmem:v31+s29+$0x0], $0xffff  }
0x547: {  	s17 =	simm.s32 $0x60;
	s15 =	simm.s32 $0x4;
	s8 =	simm.s32 $0x12040;
	v27 =	vor.u32 $0x37, v1;
	v30 =	vld.idx.msk [tilespmem:v32+s29+$0x0], $0xffff;
	v32 =	vor.u32 $0x12, v3;
	[tilespmem:s21+$0x190] =	vst v4;
	v4 =	vor.u32 $0x24, v2  }
.LBB2_5:
0x548: {  	[tilespmem:$0x1F550] =	vst v45  }
0x549: {  	[tilespmem:$0x1F560] =	vst v48  }
0x54a: {  	[tilespmem:$0x1F510] =	vst v41  }
0x54b: {  	[tilespmem:$0x1F530] =	vst v47  }
0x54c: {  	[tilespmem:$0x1F710] =	vst v15  }
0x54d: {  	[tilespmem:$0x1F5D0] =	vst v54  }
0x54e: {  	[tilespmem:$0x1F5A0] =	vst v46  }
0x54f: {  	[tilespmem:$0x1F5F0] =	vst v25  }
0x550: {  	[tilespmem:$0x1F610] =	vst v20  }
0x551: {  	[tilespmem:$0x1F790] =	vst v14  }
0x552: {  	[tilespmem:$0x1F6C0] =	vst v59  }
0x553: {  	[tilespmem:$0x1F640] =	vst v51  }
0x554: {  	[tilespmem:$0x1F590] =	vst v43  }
0x555: {  	[tilespmem:$0x1F570] =	vst v34  }
0x556: {  	[tilespmem:$0x1F690] =	vst v16  }
0x557: {  	[tilespmem:$0x1F7A0] =	vst v12  }
0x558: {  	[tilespmem:$0x1F7D0] =	vst v11  }
0x559: {  	[tilespmem:$0x1F6B0] =	vst v49  }
0x55a: {  	[tilespmem:$0x1F5B0] =	vst v33  }
0x55b: {  	[tilespmem:$0x1F600] =	vst v19  }
0x55c: {  	[tilespmem:$0x1F680] =	vst v18  }
0x55d: {  	[tilespmem:$0x1F650] =	vst v26  }
0x55e: {  	[tilespmem:$0x1F670] =	vst v40  }
0x55f: {  	[tilespmem:$0x1F700] =	vst v17  }
0x560: {  	[tilespmem:$0x1F780] =	vst v42  }
0x561: {  	[tilespmem:$0x1F770] =	vst v38  }
0x562: {  	[tilespmem:$0x1F6F0] =	vst v39  }
0x563: {  	[tilespmem:$0x1F730] =	vst v23;
	v5 =	vld [tilespmem:$0x1F840]  }
0x564: {  	[tilespmem:$0x1F740] =	vst v24  }
0x565: {  	[tilespmem:$0x1F7C0] =	vst v22;
	v6 =	vmov v8  }
0x566: {  	v51 =	vmov s17;
	[tilespmem:$0x1F840] =	vst v6;
	v6 =	vld [tilespmem:$0x1F8C0]  }
0x567: {  	s20 =	sadd.s32 $0x10, s17;
	[tilespmem:s21+$0x180] =	vst v0;
	v0 =	vld.idx.msk [tilespmem:v4+s29+$0x0], $0xffff;
	v4 =	vshll.u32 v51, $0x7  }
0x568: {  	v54 =	vmov s20;
	v35 =	vor.u32 v37, v4;
	[tilespmem:s19+$0xB10] =	vst v28  }
0x569: {  	v4 =	vshll.u32 v54, $0x7;
	[tilespmem:s13+$0xFFFFF890] =	vst v31;
	v11 =	vor.u32 $0x34, v35  }
0x56a: {  	v24 =	vmov v52;
	v52 =	vor.u32 v37, v4;
	v4 =	vld.idx.msk [tilespmem:v27+s29+$0x0], $0xffff;
	[tilespmem:$0x1F750] =	vst v11  }
0x56b: {  	v34 =	vld.idx.msk [tilespmem:v5+s29+$0x0], $0xffff;
	[tilespmem:s19+$0xA80] =	vst v29;
	v5 =	vmov v21  }
0x56c: {  	v29 =	vld.idx.msk [tilespmem:v44+s29+$0x0], $0xffff;
	[tilespmem:$0x1F620] =	vst v5  }
0x56d: {  	[tilespmem:s13+$0xFFFFF880] =	vst v30;
	v5 =	vld.idx.msk [tilespmem:v32+s29+$0x0], $0xffff  }
0x56e: {  	v26 =	vor.u32 $0x25, v2;
	[tilespmem:s21+$0x210] =	vst v0;
	v0 =	vor.u32 $0xA, v35;
	v27 =	vld.idx.msk [tilespmem:v6+s29+$0x0], $0xffff  }
0x56f: {  	[tilespmem:$0x1F520] =	vst v0;
	v0 =	vor.u32 $0xB, v35;
	v6 =	vld [tilespmem:$0x1F8D0]  }
0x570: {  	[tilespmem:$0x1F540] =	vst v0;
	v0 =	vor.u32 $0xC, v35  }
0x571: {  	[tilespmem:$0x1F580] =	vst v0  }
0x572: {  	v0 =	vor.u32 $0xD, v35;
	[tilespmem:s21+$0x200] =	vst v34  }
0x573: {  	v26 =	vld.idx.msk [tilespmem:v26+s29+$0x0], $0xffff;
	[tilespmem:$0x1F5E0] =	vst v0  }
0x574: {  	v34 =	vld.idx.msk [tilespmem:v52+s29+$0x0], $0xffff;
	[tilespmem:s19+$0xB90] =	vst v4  }
0x575: {  	[tilespmem:s19+$0xB00] =	vst v29  }
0x576: {  	v0 =	vor.u32 $0xE, v35;
	v4 =	vor.u32 $0x13, v35;
	v29 =	vld.idx.msk [tilespmem:v35+s29+$0x0], $0xffff;
	[tilespmem:s13+$0xFFFFF900] =	vst v27  }
0x577: {  	v30 =	vor.u32 $0x38, v1;
	[tilespmem:$0x1F660] =	vst v0;
	v46 =	vld.idx.msk [tilespmem:v6+s29+$0x0], $0xffff;
	v6 =	vmov v4  }
0x578: {  	v59 =	vor.u32 $0x13, v3;
	[tilespmem:$0x1F8D0] =	vst v6;
	v6 =	vld [tilespmem:$0x1F850]  }
0x579: {  	v0 =	vor.u32 $0xF, v35;
	[tilespmem:s13+$0xFFFFF910] =	vst v5  }
0x57a: {  	v38 =	vor.u32 $0x26, v2;
	[tilespmem:$0x1F6E0] =	vst v0;
	v0 =	vor.u32 $0x10, v35  }
0x57b: {  	[tilespmem:$0x1F760] =	vst v0;
	v0 =	vor.u32 $0x11, v35  }
0x57c: {  	v42 =	vor.u32 $0x1, v52;
	v5 =	vld.idx.msk [tilespmem:v30+s29+$0x0], $0xffff;
	[tilespmem:$0x1F820] =	vst v0  }
0x57d: {  	v27 =	vld.idx.msk [tilespmem:v59+s29+$0x0], $0xffff;
	s13 =	sadd.s32 $0x20, s13;
	[tilespmem:s21+$0x290] =	vst v26  }
0x57e: {  	v0 =	vor.u32 $0x12, v35;
	[tilespmem:s13+$0xFFFFF010] =	vst v34  }
0x57f: {  	v39 =	vor.u32 $0x1, v35;
	[tilespmem:$0x1F8C0] =	vst v0;
	v54 =	vld.idx.msk [tilespmem:v38+s29+$0x0], $0xffff  }
0x580: {  	v49 =	vor.u32 $0x39, v1;
	v51 =	vld.idx.msk [tilespmem:v6+s29+$0x0], $0xffff;
	[tilespmem:s13+$0xFFFFF000] =	vst v29  }
0x581: {  	v4 =	vor.u32 $0x14, v3;
	v29 =	vld.idx.msk [tilespmem:v42+s29+$0x0], $0xffff;
	[tilespmem:s19+$0xC10] =	vst v5  }
0x582: {  	v6 =	vmov v13;
	[tilespmem:s8+$0xFFFFF990] =	vst v27  }
0x583: {  	v5 =	vor.u32 $0x23, v35;
	[tilespmem:$0x1F850] =	vst v6  }
0x584: {  	v39 =	vld.idx.msk [tilespmem:v39+s29+$0x0], $0xffff;
	[tilespmem:$0x1F7B0] =	vst v5  }
0x585: {  	v18 =	vmov v55;
	v55 =	vld.idx.msk [tilespmem:v49+s29+$0x0], $0xffff;
	[tilespmem:s8+$0xFFFFF980] =	vst v46  }
0x586: {  	v13 =	vor.u32 $0x35, v35;
	v59 =	vld.idx.msk [tilespmem:v4+s29+$0x0], $0xffff;
	[tilespmem:s21+$0x310] =	vst v54  }
0x587: {  	v6 =	vor.u32 $0x1F, v35;
	[tilespmem:$0x1F7E0] =	vst v13  }
0x588: {  	v27 =	vor.u32 $0x26, v35;
	v5 =	vor.u32 $0x24, v35;
	v4 =	vld [tilespmem:$0x1F8E0];
	[tilespmem:$0x1F5C0] =	vst v6  }
0x589: {  	v26 =	vmov v10;
	v10 =	vmov v27;
	[tilespmem:$0x1F800] =	vst v5  }
0x58a: {  	v13 =	vor.u32 $0x36, v35;
	[tilespmem:$0x1F830] =	vst v10  }
0x58b: {  	v6 =	vor.u32 $0x20, v35;
	[tilespmem:$0x1F810] =	vst v13  }
0x58c: {  	v44 =	vor.u32 $0x15, v35;
	v42 =	vor.u32 $0x27, v2;
	v10 =	vor.u32 $0x33, v35;
	[tilespmem:$0x1F630] =	vst v6  }
0x58d: {  	v15 =	vld [tilespmem:$0x1F860];
	v5 =	vor.u32 $0x2, v52;
	[tilespmem:$0x1F6D0] =	vst v10;
	v27 =	vmov v44  }
0x58e: {  	v13 =	vld [tilespmem:$0x1F8F0];
	[tilespmem:$0x1F8F0] =	vst v27  }
0x58f: {  	v40 =	vor.u32 $0x2, v35;
	v27 =	vld [tilespmem:$0x1F9D0];
	[tilespmem:s13+$0xFFFFF090] =	vst v29  }
0x590: {  	v30 =	vor.u32 $0x14, v35;
	v6 =	vor.u32 $0x21, v35;
	v8 =	vld.idx.msk [tilespmem:v4+s29+$0x0], $0xffff;
	[tilespmem:s21+$0x280] =	vst v51;
	v51 =	vor.u32 $0x3A, v1  }
0x591: {  	[tilespmem:$0x1F6A0] =	vst v6;
	v29 =	vld.idx.msk [tilespmem:v42+s29+$0x0], $0xffff;
	v4 =	vmov v30;
	v30 =	vor.u32 $0x15, v3  }
0x592: {  	v5 =	vld.idx.msk [tilespmem:v5+s29+$0x0], $0xffff;
	[tilespmem:s19+$0xC90] =	vst v55  }
0x593: {  	v41 =	vmov v9;
	v10 =	vor.u32 $0x28, v2;
	v9 =	vld.idx.msk [tilespmem:v62+s29+$0x0], $0xffff;
	[tilespmem:s13+$0xFFFFF080] =	vst v39  }
0x594: {  	v11 =	vor.u32 $0x3, v52;
	[tilespmem:s8+$0xFFFFFA10] =	vst v59;
	v39 =	vld.idx.msk [tilespmem:v40+s29+$0x0], $0xffff  }
0x595: {  	v19 =	vmovc v63;
	v23 =	vmovc v61;
	v14 =	vor.u32 $0x16, v3;
	v63 =	vor.u32 $0x3, v35;
	v61 =	vor.u32 $0x4, v35;
	v12 =	vld.idx.msk [tilespmem:v51+s29+$0x0], $0xffff;
	[tilespmem:s8+$0xFFFFFA00] =	vst v8  }
0x596: {  	v22 =	vmovc v58;
	v28 =	vmovc v50;
	v58 =	vor.u32 $0x5, v35;
	v31 =	vor.u32 $0x6, v35;
	v50 =	vor.u32 $0x7, v35;
	v8 =	vld.idx.msk [tilespmem:v30+s29+$0x0], $0xffff;
	[tilespmem:s21+$0x390] =	vst v29  }
0x597: {  	v47 =	vor.u32 $0x8, v35;
	v43 =	vor.u32 $0x9, v35;
	v6 =	vor.u32 $0x22, v35;
	[tilespmem:s13+$0xFFFFF110] =	vst v5;
	v13 =	vld.idx.msk [tilespmem:v13+s29+$0x0], $0xffff  }
0x598: {  	v17 =	vmovc v36;
	v20 =	vmovc v53;
	v36 =	vor.u32 $0x16, v35;
	v33 =	vor.u32 $0x18, v35;
	v53 =	vor.u32 $0x1B, v35;
	[tilespmem:$0x1F720] =	vst v6;
	v5 =	vld.idx.msk [tilespmem:v10+s29+$0x0], $0xffff  }
0x599: {  	v48 =	vor.u32 $0x1C, v35;
	v45 =	vor.u32 $0x1D, v35;
	v7 =	vor.u32 $0x28, v35;
	[tilespmem:s21+$0x300] =	vst v9;
	v10 =	vld.idx.msk [tilespmem:v11+s29+$0x0], $0xffff  }
0x59a: {  	v25 =	vmovc v60;
	v37 =	vor.u32 $0x29, v35;
	v60 =	vor.u32 $0x2C, v35;
	v6 =	vor.u32 $0x25, v35;
	v15 =	vld.idx.msk [tilespmem:v15+s29+$0x0], $0xffff;
	[tilespmem:s13+$0xFFFFF100] =	vst v39  }
0x59b: {  	v16 =	vmovc v57;
	v57 =	vor.u32 $0x2D, v35;
	v21 =	vmovc v56;
	v56 =	vor.u32 $0x1A, v35;
	v32 =	vor.u32 $0x19, v35;
	[tilespmem:$0x1F7F0] =	vst v6;
	v11 =	vld.idx.msk [tilespmem:v63+s29+$0x0], $0xffff  }
0x59c: {  	v0 =	vor.u32 $0x17, v35;
	v34 =	vor.u32 $0x2B, v35;
	v9 =	vor.u32 $0x3B, v1;
	[tilespmem:s8+$0xFFFFFA80] =	vst v13;
	v13 =	vld [tilespmem:$0x1F900]  }
0x59d: {  	v38 =	vor.u32 $0x1E, v35;
	v54 =	vor.u32 $0x2E, v35;
	v49 =	vor.u32 $0x2F, v35;
	v27 =	vmovc v27;
	[tilespmem:$0x1F8E0] =	vst v4;
	v63 =	vld [tilespmem:$0x1F870]  }
0x59e: {  	v46 =	vor.u32 $0x30, v35;
	v44 =	vor.u32 $0x3C, v35;
	v6 =	vor.u32 $0x27, v35;
	[tilespmem:$0x1F860] =	vst v27  }
0x59f: {  	v42 =	vor.u32 $0x31, v35;
	v59 =	vor.u32 $0x38, v35;
	v55 =	vor.u32 $0x39, v35;
	[tilespmem:s19+$0xD10] =	vst v12  }
0x5a0: {  	v4 =	vor.u32 $0x2A, v35;
	v62 =	vor.u32 $0x37, v35;
	v27 =	vor.u32 $0x3F, v35;
	v29 =	vmovc v6;
	[tilespmem:s8+$0xFFFFFA90] =	vst v8  }
0x5a1: {  	v40 =	vor.u32 $0x32, v35;
	v51 =	vor.u32 $0x3A, v35;
	v30 =	vor.u32 $0x3B, v35;
	[tilespmem:$0x1F9D0] =	vst v29;
	v8 =	vld.idx.msk [tilespmem:v9+s29+$0x0], $0xffff  }
0x5a2: {  	v6 =	vor.u32 $0x3E, v35;
	v29 =	vor.u32 $0x3D, v35;
	v35 =	vor.u32 $0x29, v2;
	v9 =	vld.idx.msk [tilespmem:v14+s29+$0x0], $0xffff;
	[tilespmem:s21+$0x410] =	vst v5  }
0x5a3: {  	v12 =	vor.u32 $0x4, v52;
	[tilespmem:s13+$0xFFFFF190] =	vst v10  }
0x5a4: {  	v13 =	vld.idx.msk [tilespmem:v13+s29+$0x0], $0xffff;
	[tilespmem:s21+$0x380] =	vst v15;
	v15 =	vmov v36  }
0x5a5: {  	v14 =	vor.u32 $0x3C, v1;
	v5 =	vmov v7;
	[tilespmem:$0x1F900] =	vst v15;
	v36 =	vld.idx.msk [tilespmem:v63+s29+$0x0], $0xffff  }
0x5a6: {  	v63 =	vld [tilespmem:$0x1F9E0];
	[tilespmem:$0x1F9E0] =	vst v5  }
0x5a7: {  	v15 =	vor.u32 $0x17, v3;
	v5 =	vld.idx.msk [tilespmem:v35+s29+$0x0], $0xffff;
	[tilespmem:s13+$0xFFFFF180] =	vst v11  }
0x5a8: {  	v7 =	vld.idx.msk [tilespmem:v12+s29+$0x0], $0xffff;
	[tilespmem:s19+$0xD90] =	vst v8  }
0x5a9: {  	[tilespmem:s8+$0xFFFFFB10] =	vst v9;
	v10 =	vld.idx.msk [tilespmem:v61+s29+$0x0], $0xffff  }
0x5aa: {  	v11 =	vor.u32 $0x2A, v2;
	v9 =	vld.idx.msk [tilespmem:v14+s29+$0x0], $0xffff  }
0x5ab: {  	v8 =	vor.u32 $0x5, v52;
	[tilespmem:s8+$0xFFFFFB00] =	vst v13;
	v13 =	vld [tilespmem:$0x1F910]  }
0x5ac: {  	v12 =	vld.idx.msk [tilespmem:v15+s29+$0x0], $0xffff;
	v15 =	vmov v0;
	[tilespmem:s21+$0x490] =	vst v5  }
0x5ad: {  	[tilespmem:$0x1F910] =	vst v15;
	v15 =	vld [tilespmem:$0x1F880]  }
0x5ae: {  	v61 =	vld [tilespmem:$0x1F9F0];
	v5 =	vmov v37;
	[tilespmem:s13+$0xFFFFF210] =	vst v7  }
0x5af: {  	v14 =	vor.u32 $0x3D, v1;
	[tilespmem:$0x1F9F0] =	vst v5;
	v5 =	vld.idx.msk [tilespmem:v11+s29+$0x0], $0xffff  }
0x5b0: {  	v7 =	vld.idx.msk [tilespmem:v8+s29+$0x0], $0xffff  }
0x5b1: {  	v0 =	vor.u32 $0x18, v3;
	[tilespmem:s8+$0xFFFFFB90] =	vst v12;
	v12 =	vld [tilespmem:$0x1F920];
	_ =	sdelay $0x1  }
0x5b2: {  	[tilespmem:s19+$0xE10] =	vst v9;
	v13 =	vld.idx.msk [tilespmem:v13+s29+$0x0], $0xffff  }
0x5b3: {  	v11 =	vld.idx.msk [tilespmem:v14+s29+$0x0], $0xffff;
	[tilespmem:s21+$0x400] =	vst v36  }
0x5b4: {  	v15 =	vld.idx.msk [tilespmem:v15+s29+$0x0], $0xffff  }
0x5b5: {  	v0 =	vld.idx.msk [tilespmem:v0+s29+$0x0], $0xffff;
	[tilespmem:s21+$0x510] =	vst v5  }
0x5b6: {  	v9 =	vor.u32 $0x6, v52;
	[tilespmem:s13+$0xFFFFF200] =	vst v10  }
0x5b7: {  	v14 =	vmov v33;
	v10 =	vor.u32 $0x2B, v2;
	v8 =	vld.idx.msk [tilespmem:v58+s29+$0x0], $0xffff;
	[tilespmem:s8+$0xFFFFFB80] =	vst v13  }
0x5b8: {  	[tilespmem:$0x1F920] =	vst v14;
	v12 =	vld.idx.msk [tilespmem:v12+s29+$0x0], $0xffff  }
0x5b9: {  	v14 =	vor.u32 $0x19, v3;
	[tilespmem:s21+$0x480] =	vst v15;
	v15 =	vld [tilespmem:$0x1F890]  }
0x5ba: {  	v39 =	vmov v63;
	v63 =	vld [tilespmem:$0x1FA00];
	v5 =	vmov v4;
	[tilespmem:s13+$0xFFFFF290] =	vst v7  }
0x5bb: {  	[tilespmem:$0x1FA00] =	vst v5;
	v5 =	vld.idx.msk [tilespmem:v9+s29+$0x0], $0xffff;
	v13 =	vor.u32 $0x3E, v1  }
0x5bc: {  	v4 =	vld.idx.msk [tilespmem:v10+s29+$0x0], $0xffff;
	[tilespmem:s19+$0xE90] =	vst v11  }
0x5bd: {  	[tilespmem:s8+$0xFFFFFC10] =	vst v0;
	v11 =	vld [tilespmem:$0x1F930]  }
0x5be: {  	v10 =	vld.idx.msk [tilespmem:v14+s29+$0x0], $0xffff  }
0x5bf: {  	v9 =	vor.u32 $0x7, v52;
	v14 =	vld [tilespmem:$0x1F8A0]  }
0x5c0: {  	v0 =	vld.idx.msk [tilespmem:v13+s29+$0x0], $0xffff  }
0x5c1: {  	[tilespmem:s13+$0xFFFFF310] =	vst v5;
	v15 =	vld.idx.msk [tilespmem:v15+s29+$0x0], $0xffff  }
0x5c2: {  	[tilespmem:s13+$0xFFFFF280] =	vst v8;
	v8 =	vor.u32 $0x2C, v2  }
0x5c3: {  	[tilespmem:s21+$0x590] =	vst v4;
	v7 =	vld.idx.msk [tilespmem:v31+s29+$0x0], $0xffff  }
0x5c4: {  	v13 =	vmov v32;
	v5 =	vld.idx.msk [tilespmem:v9+s29+$0x0], $0xffff;
	[tilespmem:s8+$0xFFFFFC00] =	vst v12  }
0x5c5: {  	[tilespmem:$0x1F930] =	vst v13;
	v11 =	vld.idx.msk [tilespmem:v11+s29+$0x0], $0xffff  }
0x5c6: {  	v4 =	vmovc v34;
	v12 =	vor.u32 $0x3F, v1;
	v1 =	vmov v2;
	v2 =	vmov v3;
	[tilespmem:s21+$0x500] =	vst v15;
	v15 =	vld [tilespmem:$0x1FA10]  }
0x5c7: {  	v13 =	vor.u32 $0x1A, v2;
	[tilespmem:$0x1FA10] =	vst v4;
	v4 =	vld.idx.msk [tilespmem:v8+s29+$0x0], $0xffff  }
0x5c8: {  	v14 =	vld.idx.msk [tilespmem:v14+s29+$0x0], $0xffff;
	[tilespmem:s13+$0xFFFFF300] =	vst v7  }
0x5c9: {  	[tilespmem:s19+$0xF10] =	vst v0;
	v7 =	vld.idx.msk [tilespmem:v50+s29+$0x0], $0xffff  }
0x5ca: {  	[tilespmem:s8+$0xFFFFFC80] =	vst v11;
	v11 =	vld [tilespmem:$0x1F940]  }
0x5cb: {  	v3 =	vmov v52;
	[tilespmem:s8+$0xFFFFFC90] =	vst v10  }
0x5cc: {  	v0 =	vor.u32 $0x8, v3;
	v10 =	vld.idx.msk [tilespmem:v13+s29+$0x0], $0xffff  }
0x5cd: {  	v13 =	vld [tilespmem:$0x1F8B0];
	_ =	sdelay $0x1  }
0x5ce: {  	v8 =	vor.u32 $0x2D, v1;
	v9 =	vld.idx.msk [tilespmem:v12+s29+$0x0], $0xffff;
	[tilespmem:s13+$0xFFFFF390] =	vst v5  }
0x5cf: {  	[tilespmem:s21+$0x610] =	vst v4  }
0x5d0: {  	v0 =	vld.idx.msk [tilespmem:v0+s29+$0x0], $0xffff  }
0x5d1: {  	v11 =	vld.idx.msk [tilespmem:v11+s29+$0x0], $0xffff  }
0x5d2: {  	v4 =	vmov v60;
	[tilespmem:s21+$0x580] =	vst v14;
	v14 =	vld [tilespmem:$0x1FA20]  }
0x5d3: {  	[tilespmem:$0x1FA20] =	vst v4;
	v4 =	vld.idx.msk [tilespmem:v8+s29+$0x0], $0xffff  }
0x5d4: {  	v13 =	vld.idx.msk [tilespmem:v13+s29+$0x0], $0xffff;
	[tilespmem:s13+$0xFFFFF380] =	vst v7  }
0x5d5: {  	v5 =	vld.idx.msk [tilespmem:v47+s29+$0x0], $0xffff  }
0x5d6: {  	[tilespmem:s19+$0xF90] =	vst v9;
	v9 =	vld.idx.msk [tilespmem:v24+s29+$0x0], $0xffff  }
0x5d7: {  	[tilespmem:s8+$0xFFFFFD00] =	vst v11;
	v11 =	vld [tilespmem:$0x1F950];
	_ =	sdelay $0x7  }
0x5d8: {  	v11 =	vld.idx.msk [tilespmem:v11+s29+$0x0], $0xffff  }
0x5d9: {  	[tilespmem:s21+$0x600] =	vst v13  }
0x5da: {  	v13 =	vld.idx.msk [tilespmem:v23+s29+$0x0], $0xffff;
	[tilespmem:s13+$0xFFFFF400] =	vst v5  }
0x5db: {  	v5 =	vld.idx.msk [tilespmem:v43+s29+$0x0], $0xffff;
	[tilespmem:s19+$0xB80] =	vst v9  }
0x5dc: {  	v9 =	vld.idx.msk [tilespmem:v28+s29+$0x0], $0xffff  }
0x5dd: {  	[tilespmem:s8+$0xFFFFFD80] =	vst v11;
	v11 =	vld [tilespmem:$0x1F960];
	_ =	sdelay $0x7  }
0x5de: {  	v11 =	vld.idx.msk [tilespmem:v11+s29+$0x0], $0xffff  }
0x5df: {  	[tilespmem:s21+$0x680] =	vst v13;
	v13 =	vld [tilespmem:$0x1F510];
	_ =	sdelay $0x7  }
0x5e0: {  	v13 =	vld.idx.msk [tilespmem:v13+s29+$0x0], $0xffff  }
0x5e1: {  	[tilespmem:s13+$0xFFFFF480] =	vst v5;
	v5 =	vld [tilespmem:$0x1F520];
	_ =	sdelay $0x7  }
0x5e2: {  	v5 =	vld.idx.msk [tilespmem:v5+s29+$0x0], $0xffff  }
0x5e3: {  	[tilespmem:s19+$0xC00] =	vst v9;
	v9 =	vld [tilespmem:$0x1F530];
	_ =	sdelay $0x7  }
0x5e4: {  	v9 =	vld.idx.msk [tilespmem:v9+s29+$0x0], $0xffff  }
0x5e5: {  	v12 =	vmov v56;
	[tilespmem:s8+$0xFFFFFE00] =	vst v11;
	v11 =	vld [tilespmem:$0x1F970]  }
0x5e6: {  	[tilespmem:$0x1F940] =	vst v12;
	v12 =	vor.u32 $0x1B, v2;
	_ =	sdelay $0x3  }
0x5e7: {  	[tilespmem:s8+$0xFFFFFD10] =	vst v10  }
0x5e8: {  	v10 =	vld.idx.msk [tilespmem:v12+s29+$0x0], $0xffff  }
0x5e9: {  	[tilespmem:s21+$0x690] =	vst v4;
	v4 =	vld [tilespmem:$0x1FA30]  }
0x5ea: {  	v11 =	vld.idx.msk [tilespmem:v11+s29+$0x0], $0xffff;
	[tilespmem:s21+$0x700] =	vst v13  }
0x5eb: {  	v13 =	vld.idx.msk [tilespmem:v16+s29+$0x0], $0xffff  }
0x5ec: {  	v7 =	vor.u32 $0x2E, v1;
	[tilespmem:s13+$0xFFFFF500] =	vst v5;
	v5 =	vld [tilespmem:$0x1F540]  }
0x5ed: {  	v8 =	vor.u32 $0x9, v3;
	v12 =	vmov v53  }
0x5ee: {  	[tilespmem:$0x1F950] =	vst v12;
	v12 =	vor.u32 $0x1C, v2;
	_ =	sdelay $0x1  }
0x5ef: {  	v35 =	vmov v61;
	[tilespmem:s13+$0xFFFFF410] =	vst v0;
	v61 =	vmov v4;
	v4 =	vmov v57  }
0x5f0: {  	v0 =	vld.idx.msk [tilespmem:v7+s29+$0x0], $0xffff;
	[tilespmem:$0x1FA30] =	vst v4  }
0x5f1: {  	v4 =	vld.idx.msk [tilespmem:v8+s29+$0x0], $0xffff;
	[tilespmem:s8+$0xFFFFFD90] =	vst v10  }
0x5f2: {  	v10 =	vld.idx.msk [tilespmem:v12+s29+$0x0], $0xffff  }
0x5f3: {  	v5 =	vld.idx.msk [tilespmem:v5+s29+$0x0], $0xffff  }
0x5f4: {  	[tilespmem:s19+$0xC80] =	vst v9;
	v9 =	vld [tilespmem:$0x1F550]  }
0x5f5: {  	[tilespmem:s21+$0x710] =	vst v0;
	v0 =	vld [tilespmem:$0x1FA40]  }
0x5f6: {  	v7 =	vor.u32 $0x2F, v1;
	_ =	sdelay $0x2  }
0x5f7: {  	v8 =	vor.u32 $0xA, v3  }
0x5f8: {  	v50 =	vmovc v21;
	v21 =	vmov v41;
	[tilespmem:s13+$0xFFFFF490] =	vst v4;
	v41 =	vmov v0;
	v0 =	vmov v54  }
0x5f9: {  	v12 =	vmov v48;
	[tilespmem:$0x1FA40] =	vst v0;
	v0 =	vld.idx.msk [tilespmem:v7+s29+$0x0], $0xffff  }
0x5fa: {  	[tilespmem:$0x1F960] =	vst v12;
	v12 =	vor.u32 $0x1D, v2;
	v9 =	vld.idx.msk [tilespmem:v9+s29+$0x0], $0xffff  }
0x5fb: {  	[tilespmem:s8+$0xFFFFFE80] =	vst v11;
	v11 =	vld [tilespmem:$0x1F980]  }
0x5fc: {  	v4 =	vld.idx.msk [tilespmem:v8+s29+$0x0], $0xffff  }
0x5fd: {  	v8 =	vor.u32 $0xB, v3  }
0x5fe: {  	[tilespmem:s8+$0xFFFFFE10] =	vst v10  }
0x5ff: {  	v10 =	vld.idx.msk [tilespmem:v12+s29+$0x0], $0xffff  }
0x600: {  	[tilespmem:s21+$0x790] =	vst v0;
	v0 =	vld [tilespmem:$0x1FA50]  }
0x601: {  	v7 =	vor.u32 $0x30, v1;
	[tilespmem:s13+$0xFFFFF510] =	vst v4  }
0x602: {  	v4 =	vld.idx.msk [tilespmem:v8+s29+$0x0], $0xffff  }
0x603: {  	v11 =	vld.idx.msk [tilespmem:v11+s29+$0x0], $0xffff;
	[tilespmem:s21+$0x780] =	vst v13  }
0x604: {  	v13 =	vld.idx.msk [tilespmem:v18+s29+$0x0], $0xffff  }
0x605: {  	v57 =	vmov v0;
	v0 =	vmov v49;
	[tilespmem:s13+$0xFFFFF580] =	vst v5;
	v5 =	vld [tilespmem:$0x1F580]  }
0x606: {  	[tilespmem:$0x1FA50] =	vst v0;
	v0 =	vld.idx.msk [tilespmem:v7+s29+$0x0], $0xffff  }
0x607: {  	[tilespmem:s8+$0xFFFFFE90] =	vst v10;
	v10 =	vld [tilespmem:$0x1F560];
	_ =	sdelay $0x3  }
0x608: {  	v12 =	vmov v45  }
0x609: {  	v45 =	vmov v10;
	v10 =	vld [tilespmem:$0x1F570];
	[tilespmem:$0x1F970] =	vst v12;
	v12 =	vor.u32 $0x1E, v2  }
0x60a: {  	v5 =	vld.idx.msk [tilespmem:v5+s29+$0x0], $0xffff  }
0x60b: {  	[tilespmem:s19+$0xD00] =	vst v9;
	v9 =	vld [tilespmem:$0x1F590];
	_ =	sdelay $0x1  }
0x60c: {  	v8 =	vor.u32 $0xC, v3  }
0x60d: {  	v48 =	vmov v10;
	v10 =	vld.idx.msk [tilespmem:v12+s29+$0x0], $0xffff  }
0x60e: {  	[tilespmem:s21+$0x810] =	vst v0;
	v0 =	vld [tilespmem:$0x1FA60]  }
0x60f: {  	v7 =	vor.u32 $0x31, v1  }
0x610: {  	[tilespmem:s13+$0xFFFFF590] =	vst v4  }
0x611: {  	v4 =	vld.idx.msk [tilespmem:v8+s29+$0x0], $0xffff  }
0x612: {  	v9 =	vld.idx.msk [tilespmem:v9+s29+$0x0], $0xffff  }
0x613: {  	v36 =	vmov v55;
	v55 =	vmov v0;
	v0 =	vmov v46;
	[tilespmem:s8+$0xFFFFFF00] =	vst v11;
	v11 =	vld [tilespmem:$0x1F990]  }
0x614: {  	[tilespmem:$0x1FA60] =	vst v0;
	v0 =	vld.idx.msk [tilespmem:v7+s29+$0x0], $0xffff  }
0x615: {  	[tilespmem:s8+$0xFFFFFF10] =	vst v10;
	v10 =	vld [tilespmem:$0x1F5A0];
	_ =	sdelay $0x4  }
0x616: {  	v12 =	vmov v38;
	v43 =	vmov v10;
	v10 =	vld [tilespmem:$0x1F5B0]  }
0x617: {  	[tilespmem:$0x1F980] =	vst v12;
	v12 =	vor.u32 $0x1F, v2;
	v11 =	vld.idx.msk [tilespmem:v11+s29+$0x0], $0xffff  }
0x618: {  	[tilespmem:s21+$0x800] =	vst v13;
	v13 =	vld [tilespmem:$0x1F5C0];
	_ =	sdelay $0x3  }
0x619: {  	v46 =	vmov v10;
	v10 =	vld.idx.msk [tilespmem:v12+s29+$0x0], $0xffff  }
0x61a: {  	v12 =	vmov v13;
	v13 =	vld [tilespmem:$0x1F5D0];
	_ =	sdelay $0x7  }
0x61b: {  	v13 =	vld.idx.msk [tilespmem:v13+s29+$0x0], $0xffff  }
0x61c: {  	[tilespmem:s13+$0xFFFFF600] =	vst v5;
	v5 =	vld [tilespmem:$0x1F5E0];
	_ =	sdelay $0x7  }
0x61d: {  	v5 =	vld.idx.msk [tilespmem:v5+s29+$0x0], $0xffff  }
0x61e: {  	[tilespmem:s19+$0xD80] =	vst v9;
	v9 =	vld [tilespmem:$0x1F5F0];
	_ =	sdelay $0x1  }
0x61f: {  	v8 =	vor.u32 $0xD, v3;
	_ =	sdelay $0x1  }
0x620: {  	[tilespmem:s21+$0x890] =	vst v0;
	v0 =	vld [tilespmem:$0x1FA70]  }
0x621: {  	v7 =	vor.u32 $0x32, v1  }
0x622: {  	[tilespmem:s13+$0xFFFFF610] =	vst v4  }
0x623: {  	v4 =	vld.idx.msk [tilespmem:v8+s29+$0x0], $0xffff  }
0x624: {  	v9 =	vld.idx.msk [tilespmem:v9+s29+$0x0], $0xffff  }
0x625: {  	v54 =	vmov v0;
	v0 =	vmov v42;
	[tilespmem:s8+$0xFFFFFF80] =	vst v11;
	v11 =	vld [tilespmem:$0x1F9A0]  }
0x626: {  	[tilespmem:$0x1FA70] =	vst v0;
	v0 =	vld.idx.msk [tilespmem:v7+s29+$0x0], $0xffff  }
0x627: {  	[tilespmem:s8+$0xFFFFFF90] =	vst v10;
	v10 =	vld [tilespmem:$0x1F600];
	_ =	sdelay $0x4  }
0x628: {  	v56 =	vmov v25;
	v25 =	vmov v10;
	v10 =	vld [tilespmem:$0x1F610]  }
0x629: {  	[tilespmem:$0x1F990] =	vst v12;
	v12 =	vor.u32 $0x20, v2;
	v11 =	vld.idx.msk [tilespmem:v11+s29+$0x0], $0xffff  }
0x62a: {  	[tilespmem:s21+$0x880] =	vst v13;
	v13 =	vld [tilespmem:$0x1F630];
	_ =	sdelay $0x3  }
0x62b: {  	v58 =	vmov v19;
	v19 =	vmov v10;
	v10 =	vld.idx.msk [tilespmem:v12+s29+$0x0], $0xffff  }
0x62c: {  	v12 =	vmov v13;
	v13 =	vld [tilespmem:$0x1F640];
	_ =	sdelay $0x7  }
0x62d: {  	v13 =	vld.idx.msk [tilespmem:v13+s29+$0x0], $0xffff  }
0x62e: {  	[tilespmem:s13+$0xFFFFF680] =	vst v5;
	v5 =	vld [tilespmem:$0x1F660];
	_ =	sdelay $0x7  }
0x62f: {  	v5 =	vld.idx.msk [tilespmem:v5+s29+$0x0], $0xffff  }
0x630: {  	[tilespmem:s19+$0xE00] =	vst v9;
	v9 =	vld [tilespmem:$0x1F670];
	_ =	sdelay $0x1  }
0x631: {  	v8 =	vor.u32 $0xE, v3;
	_ =	sdelay $0x2  }
0x632: {  	v7 =	vor.u32 $0x33, v1;
	[tilespmem:s21+$0x910] =	vst v0;
	v0 =	vld [tilespmem:$0x1F650]  }
0x633: {  	[tilespmem:s13+$0xFFFFF690] =	vst v4  }
0x634: {  	v4 =	vld.idx.msk [tilespmem:v8+s29+$0x0], $0xffff  }
0x635: {  	v9 =	vld.idx.msk [tilespmem:v9+s29+$0x0], $0xffff  }
0x636: {  	[tilespmem:s8+$0x0] =	vst v11;
	v11 =	vld [tilespmem:$0x1F9B0]  }
0x637: {  	v34 =	vmov v51;
	v51 =	vmov v0;
	v0 =	vld.idx.msk [tilespmem:v7+s29+$0x0], $0xffff  }
0x638: {  	[tilespmem:s8+$0x10] =	vst v10;
	v10 =	vld [tilespmem:$0x1F680];
	_ =	sdelay $0x4  }
0x639: {  	v33 =	vmovc v63;
	v63 =	vmovc v62;
	v62 =	vmov v26;
	v26 =	vmov v40;
	v40 =	vmov v10;
	v10 =	vld [tilespmem:$0x1F690]  }
0x63a: {  	[tilespmem:$0x1F9A0] =	vst v12;
	v12 =	vor.u32 $0x21, v2;
	v11 =	vld.idx.msk [tilespmem:v11+s29+$0x0], $0xffff  }
0x63b: {  	[tilespmem:s21+$0x900] =	vst v13;
	v13 =	vld [tilespmem:$0x1F6A0];
	_ =	sdelay $0x3  }
0x63c: {  	v18 =	vmov v10;
	v10 =	vld.idx.msk [tilespmem:v12+s29+$0x0], $0xffff  }
0x63d: {  	v12 =	vmov v13;
	v13 =	vld [tilespmem:$0x1F6B0];
	_ =	sdelay $0x1  }
0x63e: {  	[tilespmem:s21+$0x990] =	vst v0;
	v0 =	vld [tilespmem:$0x1F6C0];
	_ =	sdelay $0x4  }
0x63f: {  	v49 =	vmov v0;
	v0 =	vld [tilespmem:$0x1F6D0]  }
0x640: {  	v8 =	vor.u32 $0xF, v3;
	v13 =	vld.idx.msk [tilespmem:v13+s29+$0x0], $0xffff  }
0x641: {  	v7 =	vor.u32 $0x34, v1;
	[tilespmem:s13+$0xFFFFF700] =	vst v5;
	v5 =	vld [tilespmem:$0x1F6E0];
	_ =	sdelay $0x1  }
0x642: {  	[tilespmem:$0x1F9B0] =	vst v12;
	v12 =	vor.u32 $0x22, v2  }
0x643: {  	[tilespmem:s13+$0xFFFFF710] =	vst v4  }
0x644: {  	v15 =	vmov v15;
	v4 =	vld.idx.msk [tilespmem:v8+s29+$0x0], $0xffff  }
0x645: {  	v60 =	vmov v59;
	v59 =	vmov v0;
	v0 =	vld.idx.msk [tilespmem:v7+s29+$0x0], $0xffff  }
0x646: {  	[tilespmem:s8+$0x90] =	vst v10;
	v10 =	vld [tilespmem:$0x1F700]  }
0x647: {  	[tilespmem:$0x1F8A0] =	vst v15;
	v15 =	vmov v6;
	v6 =	vld.idx.msk [tilespmem:v12+s29+$0x0], $0xffff  }
0x648: {  	v5 =	vld.idx.msk [tilespmem:v5+s29+$0x0], $0xffff  }
0x649: {  	[tilespmem:s19+$0xE80] =	vst v9;
	v9 =	vld [tilespmem:$0x1F6F0]  }
0x64a: {  	[tilespmem:s21+$0xA10] =	vst v0;
	v0 =	vld [tilespmem:$0x1F740]  }
0x64b: {  	[tilespmem:$0x1F870] =	vst v39;
	v39 =	vmov v10;
	v10 =	vld [tilespmem:$0x1F710];
	_ =	sdelay $0x1  }
0x64c: {  	v12 =	vld [tilespmem:$0x1F720];
	_ =	sdelay $0x1  }
0x64d: {  	v23 =	vmov v0;
	v0 =	vld [tilespmem:$0x1F750]  }
0x64e: {  	v53 =	vmov v17;
	v17 =	vmov v10;
	v10 =	vld [tilespmem:$0x1F9C0]  }
0x64f: {  	v9 =	vld.idx.msk [tilespmem:v9+s29+$0x0], $0xffff  }
0x650: {  	[tilespmem:s8+$0x80] =	vst v11;
	v11 =	vmov v12;
	v12 =	vld [tilespmem:$0x1F730];
	_ =	sdelay $0x1  }
0x651: {  	v24 =	vmov v0;
	v0 =	vld [tilespmem:$0x1F760];
	_ =	sdelay $0x1  }
0x652: {  	v8 =	vor.u32 $0x10, v3;
	_ =	sdelay $0x2  }
0x653: {  	v10 =	vld.idx.msk [tilespmem:v10+s29+$0x0], $0xffff;
	[tilespmem:s21+$0x980] =	vst v13  }
0x654: {  	[tilespmem:s13+$0xFFFFF790] =	vst v4;
	v12 =	vld.idx.msk [tilespmem:v12+s29+$0x0], $0xffff  }
0x655: {  	[tilespmem:s13+$0xFFFFF780] =	vst v5;
	v5 =	vld.idx.msk [tilespmem:v8+s29+$0x0], $0xffff  }
0x656: {  	v8 =	vld.idx.msk [tilespmem:v0+s29+$0x0], $0xffff  }
0x657: {  	v0 =	vld [tilespmem:$0x1F770];
	_ =	sdelay $0x1  }
0x658: {  	v7 =	vor.u32 $0x35, v1;
	_ =	sdelay $0x4  }
0x659: {  	v7 =	vld.idx.msk [tilespmem:v7+s29+$0x0], $0xffff;
	[tilespmem:s19+$0xF00] =	vst v9  }
0x65a: {  	[tilespmem:s8+$0x110] =	vst v6;
	v6 =	vld.idx.msk [tilespmem:v0+s29+$0x0], $0xffff  }
0x65b: {  	v0 =	vld [tilespmem:$0x1F780];
	_ =	sdelay $0x2  }
0x65c: {  	[tilespmem:$0x1F9C0] =	vst v11;
	v11 =	vor.u32 $0x23, v2  }
0x65d: {  	v37 =	vld [tilespmem:$0x1FFF0]  }
0x65e: {  	v38 =	vmov v0;
	v0 =	vld [tilespmem:$0x1F790]  }
0x65f: {  	v47 =	vmov v20;
	v20 =	vmov v44;
	v44 =	vld [tilespmem:$0x1F620]  }
0x660: {  	v4 =	vld [tilespmem:$0x1F7B0]  }
0x661: {  	v13 =	vor.u32 $0x36, v1;
	[tilespmem:s8+$0x100] =	vst v10;
	v10 =	vld.idx.msk [tilespmem:v11+s29+$0x0], $0xffff  }
0x662: {  	v11 =	vld [tilespmem:$0x1F7C0]  }
0x663: {  	v9 =	vor.u32 $0x11, v3;
	v42 =	vmov v0;
	v0 =	vld [tilespmem:$0x1F7A0]  }
0x664: {  	[tilespmem:s21+$0xA90] =	vst v7;
	v7 =	vld [tilespmem:$0x1F7D0]  }
0x665: {  	[tilespmem:s13+$0xFFFFF810] =	vst v5;
	v5 =	vld [tilespmem:$0x1F820]  }
0x666: {  	v28 =	vld.idx.msk [tilespmem:v13+s29+$0x0], $0xffff  }
0x667: {  	v13 =	vld [tilespmem:$0x1F7F0]  }
0x668: {  	v31 =	vld.idx.msk [tilespmem:v9+s29+$0x0], $0xffff  }
0x669: {  	s15 =	sadd.s32 $0x2, s15;
	[tilespmem:$0x1F880] =	vst v35;
	v9 =	vld [tilespmem:$0x1F810]  }
0x66a: {  	p0 =	slt.u32 s15, $0x6;
	[tilespmem:$0x1F890] =	vst v33;
	v52 =	vmov v22;
	v22 =	vmov v7;
	v7 =	vld [tilespmem:$0x1F7E0]  }
.Ltmp1:
0x66b: {  	v14 =	vmov v14;
	v0 =	vld.idx.msk [tilespmem:v0+s29+$0x0], $0xffff;
	[tilespmem:s21+$0xA00] =	vst v12;
	(pc) =	sbr.rel @p0 .LBB2_5-.Ltmp1, $4  }
0x66c: {  	[tilespmem:$0x1F8B0] =	vst v14;
	v16 =	vmov v29;
	v29 =	vld.idx.msk [tilespmem:v11+s29+$0x0], $0xffff  }
0x66d: {  	[tilespmem:s13+$0xFFFFF800] =	vst v8;
	v8 =	vld [tilespmem:$0x1F800]  }
0x66e: {  	v33 =	vmov v30;
	v32 =	vor.u32 $0x12, v3;
	v30 =	vld.idx.msk [tilespmem:v5+s29+$0x0], $0xffff;
	[tilespmem:s19+$0xF80] =	vst v6;
	s19 =	smov.u32 s21;
	s21 =	smov.u32 s8  }
0x66f: {  	s17 =	sadd.s32 $0x20, s17;
	v14 =	vmovc v27;
	v27 =	vor.u32 $0x37, v1;
	v12 =	vmovc v4;
	v4 =	vor.u32 $0x24, v2;
	v11 =	vmov v7;
	s8 =	smov.u32 s13;
	[tilespmem:s21+$0x190] =	vst v10;
	v10 =	vld [tilespmem:$0x1F830]  }
0x670: {  	_ =	sdelay $0x1  }
0x671: {  	[tilespmem:s13+$0xFFFFF890] =	vst v31  }
0x672: {  	[tilespmem:s13+$0xFFFFF880] =	vst v30  }
0x673: {  	v6 =	vld [tilespmem:$0x1F8C0];
	_ =	sdelay $0x6  }
0x674: {  	v5 =	vld.idx.msk [tilespmem:v32+s29+$0x0], $0xffff  }
0x675: {  	v6 =	vld.idx.msk [tilespmem:v6+s29+$0x0], $0xffff;
	_ =	sdelay $0x3  }
0x676: {  	[tilespmem:s13+$0xFFFFF910] =	vst v5  }
0x677: {  	[tilespmem:s13+$0xFFFFF900] =	vst v6  }
0x678: {  	v6 =	vld [tilespmem:$0x1F8D0];
	_ =	sdelay $0x1  }
0x679: {  	v7 =	vor.u32 $0x13, v3;
	_ =	sdelay $0x4  }
0x67a: {  	v5 =	vld.idx.msk [tilespmem:v7+s29+$0x0], $0xffff  }
0x67b: {  	v6 =	vld.idx.msk [tilespmem:v6+s29+$0x0], $0xffff;
	_ =	sdelay $0x3  }
0x67c: {  	[tilespmem:s8+$0xFFFFF990] =	vst v5  }
0x67d: {  	[tilespmem:s8+$0xFFFFF980] =	vst v6  }
0x67e: {  	v6 =	vld [tilespmem:$0x1F8E0];
	_ =	sdelay $0x1  }
0x67f: {  	v32 =	vor.u32 $0x14, v3;
	_ =	sdelay $0x4  }
0x680: {  	v5 =	vld.idx.msk [tilespmem:v32+s29+$0x0], $0xffff  }
0x681: {  	v6 =	vld.idx.msk [tilespmem:v6+s29+$0x0], $0xffff;
	_ =	sdelay $0x3  }
0x682: {  	[tilespmem:s8+$0xFFFFFA10] =	vst v5  }
0x683: {  	[tilespmem:s8+$0xFFFFFA00] =	vst v6  }
0x684: {  	v6 =	vld [tilespmem:$0x1F8F0];
	_ =	sdelay $0x1  }
0x685: {  	v35 =	vor.u32 $0x15, v3;
	_ =	sdelay $0x4  }
0x686: {  	v5 =	vld.idx.msk [tilespmem:v35+s29+$0x0], $0xffff  }
0x687: {  	v6 =	vld.idx.msk [tilespmem:v6+s29+$0x0], $0xffff;
	_ =	sdelay $0x3  }
0x688: {  	[tilespmem:s8+$0xFFFFFA90] =	vst v5  }
0x689: {  	[tilespmem:s8+$0xFFFFFA80] =	vst v6  }
0x68a: {  	v6 =	vld [tilespmem:$0x1F900];
	_ =	sdelay $0x1  }
0x68b: {  	v30 =	vor.u32 $0x16, v3;
	_ =	sdelay $0x4  }
0x68c: {  	v5 =	vld.idx.msk [tilespmem:v30+s29+$0x0], $0xffff  }
0x68d: {  	v6 =	vld.idx.msk [tilespmem:v6+s29+$0x0], $0xffff;
	_ =	sdelay $0x3  }
0x68e: {  	[tilespmem:s8+$0xFFFFFB10] =	vst v5  }
0x68f: {  	[tilespmem:s8+$0xFFFFFB00] =	vst v6  }
0x690: {  	v6 =	vld [tilespmem:$0x1F910];
	_ =	sdelay $0x1  }
0x691: {  	v31 =	vor.u32 $0x17, v3;
	_ =	sdelay $0x4  }
0x692: {  	v5 =	vld.idx.msk [tilespmem:v31+s29+$0x0], $0xffff  }
0x693: {  	v6 =	vld.idx.msk [tilespmem:v6+s29+$0x0], $0xffff;
	_ =	sdelay $0x3  }
0x694: {  	[tilespmem:s8+$0xFFFFFB90] =	vst v5  }
0x695: {  	[tilespmem:s8+$0xFFFFFB80] =	vst v6  }
0x696: {  	v6 =	vld [tilespmem:$0x1F920];
	_ =	sdelay $0x1  }
0x697: {  	v32 =	vor.u32 $0x18, v3;
	_ =	sdelay $0x4  }
0x698: {  	v5 =	vld.idx.msk [tilespmem:v32+s29+$0x0], $0xffff  }
0x699: {  	v6 =	vld.idx.msk [tilespmem:v6+s29+$0x0], $0xffff;
	_ =	sdelay $0x3  }
0x69a: {  	[tilespmem:s8+$0xFFFFFC10] =	vst v5  }
0x69b: {  	[tilespmem:s8+$0xFFFFFC00] =	vst v6  }
0x69c: {  	v6 =	vld [tilespmem:$0x1F930];
	_ =	sdelay $0x1  }
0x69d: {  	v35 =	vor.u32 $0x19, v3;
	_ =	sdelay $0x4  }
0x69e: {  	v5 =	vld.idx.msk [tilespmem:v35+s29+$0x0], $0xffff  }
0x69f: {  	v6 =	vld.idx.msk [tilespmem:v6+s29+$0x0], $0xffff;
	_ =	sdelay $0x3  }
0x6a0: {  	[tilespmem:s8+$0xFFFFFC90] =	vst v5  }
0x6a1: {  	[tilespmem:s8+$0xFFFFFC80] =	vst v6  }
0x6a2: {  	v6 =	vld [tilespmem:$0x1F940];
	_ =	sdelay $0x1  }
0x6a3: {  	v30 =	vor.u32 $0x1A, v3;
	_ =	sdelay $0x4  }
0x6a4: {  	v5 =	vld.idx.msk [tilespmem:v30+s29+$0x0], $0xffff  }
0x6a5: {  	v6 =	vld.idx.msk [tilespmem:v6+s29+$0x0], $0xffff;
	_ =	sdelay $0x3  }
0x6a6: {  	[tilespmem:s8+$0xFFFFFD10] =	vst v5  }
0x6a7: {  	[tilespmem:s8+$0xFFFFFD00] =	vst v6  }
0x6a8: {  	v6 =	vld [tilespmem:$0x1F950];
	_ =	sdelay $0x1  }
0x6a9: {  	v31 =	vor.u32 $0x1B, v3;
	_ =	sdelay $0x4  }
0x6aa: {  	v5 =	vld.idx.msk [tilespmem:v31+s29+$0x0], $0xffff  }
0x6ab: {  	v6 =	vld.idx.msk [tilespmem:v6+s29+$0x0], $0xffff;
	_ =	sdelay $0x3  }
0x6ac: {  	[tilespmem:s8+$0xFFFFFD90] =	vst v5  }
0x6ad: {  	[tilespmem:s8+$0xFFFFFD80] =	vst v6  }
0x6ae: {  	v6 =	vld [tilespmem:$0x1F960];
	_ =	sdelay $0x1  }
0x6af: {  	v32 =	vor.u32 $0x1C, v3;
	_ =	sdelay $0x4  }
0x6b0: {  	v5 =	vld.idx.msk [tilespmem:v32+s29+$0x0], $0xffff  }
0x6b1: {  	v6 =	vld.idx.msk [tilespmem:v6+s29+$0x0], $0xffff;
	_ =	sdelay $0x3  }
0x6b2: {  	[tilespmem:s8+$0xFFFFFE10] =	vst v5  }
0x6b3: {  	[tilespmem:s8+$0xFFFFFE00] =	vst v6  }
0x6b4: {  	v6 =	vld [tilespmem:$0x1F970];
	_ =	sdelay $0x1  }
0x6b5: {  	v35 =	vor.u32 $0x1D, v3;
	_ =	sdelay $0x4  }
0x6b6: {  	v5 =	vld.idx.msk [tilespmem:v35+s29+$0x0], $0xffff  }
0x6b7: {  	v6 =	vld.idx.msk [tilespmem:v6+s29+$0x0], $0xffff;
	_ =	sdelay $0x3  }
0x6b8: {  	[tilespmem:s8+$0xFFFFFE90] =	vst v5  }
0x6b9: {  	[tilespmem:s8+$0xFFFFFE80] =	vst v6  }
0x6ba: {  	v6 =	vld [tilespmem:$0x1F980];
	_ =	sdelay $0x1  }
0x6bb: {  	v30 =	vor.u32 $0x1E, v3;
	_ =	sdelay $0x4  }
0x6bc: {  	v5 =	vld.idx.msk [tilespmem:v30+s29+$0x0], $0xffff  }
0x6bd: {  	v6 =	vld.idx.msk [tilespmem:v6+s29+$0x0], $0xffff;
	_ =	sdelay $0x3  }
0x6be: {  	[tilespmem:s8+$0xFFFFFF10] =	vst v5  }
0x6bf: {  	[tilespmem:s8+$0xFFFFFF00] =	vst v6  }
0x6c0: {  	v6 =	vld [tilespmem:$0x1F990];
	_ =	sdelay $0x1  }
0x6c1: {  	v31 =	vor.u32 $0x1F, v3;
	_ =	sdelay $0x4  }
0x6c2: {  	v5 =	vld.idx.msk [tilespmem:v31+s29+$0x0], $0xffff  }
0x6c3: {  	v6 =	vld.idx.msk [tilespmem:v6+s29+$0x0], $0xffff;
	_ =	sdelay $0x3  }
0x6c4: {  	[tilespmem:s8+$0xFFFFFF90] =	vst v5  }
0x6c5: {  	[tilespmem:s8+$0xFFFFFF80] =	vst v6  }
0x6c6: {  	v6 =	vld [tilespmem:$0x1F9A0];
	_ =	sdelay $0x1  }
0x6c7: {  	v32 =	vor.u32 $0x20, v3;
	_ =	sdelay $0x4  }
0x6c8: {  	v5 =	vld.idx.msk [tilespmem:v32+s29+$0x0], $0xffff  }
0x6c9: {  	v6 =	vld.idx.msk [tilespmem:v6+s29+$0x0], $0xffff;
	_ =	sdelay $0x3  }
0x6ca: {  	[tilespmem:s8+$0x10] =	vst v5  }
0x6cb: {  	[tilespmem:s8+$0x0] =	vst v6  }
0x6cc: {  	v6 =	vld [tilespmem:$0x1F9B0];
	_ =	sdelay $0x1  }
0x6cd: {  	v35 =	vor.u32 $0x21, v3;
	_ =	sdelay $0x4  }
0x6ce: {  	v5 =	vld.idx.msk [tilespmem:v35+s29+$0x0], $0xffff  }
0x6cf: {  	v6 =	vld.idx.msk [tilespmem:v6+s29+$0x0], $0xffff;
	_ =	sdelay $0x1  }
0x6d0: {  	v30 =	vor.u32 $0x22, v3;
	_ =	sdelay $0x1  }
0x6d1: {  	[tilespmem:s8+$0x90] =	vst v5  }
0x6d2: {  	[tilespmem:s8+$0x80] =	vst v6  }
0x6d3: {  	v6 =	vld [tilespmem:$0x1F9C0]  }
0x6d4: {  	v5 =	vld.idx.msk [tilespmem:v30+s29+$0x0], $0xffff  }
0x6d5: {  	v31 =	vor.u32 $0x23, v3;
	_ =	sdelay $0x3  }
0x6d6: {  	[tilespmem:s8+$0x110] =	vst v5  }
0x6d7: {  	v5 =	vld.idx.msk [tilespmem:v31+s29+$0x0], $0xffff  }
0x6d8: {  	v6 =	vld.idx.msk [tilespmem:v6+s29+$0x0], $0xffff;
	_ =	sdelay $0x2  }
0x6d9: {  	[tilespmem:s21+$0x180] =	vst v0  }
0x6da: {  	[tilespmem:s8+$0x190] =	vst v5  }
0x6db: {  	[tilespmem:s8+$0x100] =	vst v6  }
0x6dc: {  	v35 =	vld [tilespmem:$0x1F840]  }
0x6dd: {  	v32 =	vor.u32 $0x24, v3;
	_ =	sdelay $0x3  }
0x6de: {  	v0 =	vld.idx.msk [tilespmem:v4+s29+$0x0], $0xffff  }
0x6df: {  	v30 =	vld.idx.msk [tilespmem:v32+s29+$0x0], $0xffff  }
0x6e0: {  	v6 =	vld.idx.msk [tilespmem:v12+s29+$0x0], $0xffff  }
0x6e1: {  	v4 =	vld.idx.msk [tilespmem:v35+s29+$0x0], $0xffff;
	_ =	sdelay $0x1  }
0x6e2: {  	[tilespmem:s21+$0x210] =	vst v0  }
0x6e3: {  	[tilespmem:s8+$0x210] =	vst v30  }
0x6e4: {  	[tilespmem:s8+$0x180] =	vst v6  }
0x6e5: {  	[tilespmem:s21+$0x200] =	vst v4  }
0x6e6: {  	v4 =	vld [tilespmem:$0x1F850]  }
0x6e7: {  	v12 =	vor.u32 $0x25, v2  }
0x6e8: {  	v32 =	vor.u32 $0x25, v3  }
0x6e9: {  	v31 =	vld.idx.msk [tilespmem:v8+s29+$0x0], $0xffff;
	_ =	sdelay $0x2  }
0x6ea: {  	v0 =	vld.idx.msk [tilespmem:v12+s29+$0x0], $0xffff  }
0x6eb: {  	v6 =	vld.idx.msk [tilespmem:v32+s29+$0x0], $0xffff;
	v35 =	vor.u32 $0x26, v2  }
0x6ec: {  	v12 =	vor.u32 $0x26, v3;
	[tilespmem:s8+$0x200] =	vst v31;
	v4 =	vld.idx.msk [tilespmem:v4+s29+$0x0], $0xffff  }
0x6ed: {  	v7 =	vld.idx.msk [tilespmem:v13+s29+$0x0], $0xffff;
	_ =	sdelay $0x1  }
0x6ee: {  	[tilespmem:s21+$0x290] =	vst v0  }
0x6ef: {  	[tilespmem:s8+$0x290] =	vst v6;
	v0 =	vld.idx.msk [tilespmem:v35+s29+$0x0], $0xffff  }
0x6f0: {  	v6 =	vld.idx.msk [tilespmem:v12+s29+$0x0], $0xffff;
	[tilespmem:s21+$0x280] =	vst v4  }
0x6f1: {  	[tilespmem:s8+$0x280] =	vst v7;
	v4 =	vld.idx.msk [tilespmem:v62+s29+$0x0], $0xffff  }
0x6f2: {  	v7 =	vld.idx.msk [tilespmem:v10+s29+$0x0], $0xffff;
	_ =	sdelay $0x1  }
0x6f3: {  	[tilespmem:s21+$0x310] =	vst v0  }
0x6f4: {  	[tilespmem:s8+$0x310] =	vst v6  }
0x6f5: {  	[tilespmem:s21+$0x300] =	vst v4  }
0x6f6: {  	v4 =	vld [tilespmem:$0x1F860];
	[tilespmem:s8+$0x300] =	vst v7  }
0x6f7: {  	v13 =	vor.u32 $0x27, v2;
	v7 =	vld [tilespmem:$0x1F9D0]  }
0x6f8: {  	v30 =	vor.u32 $0x27, v3;
	_ =	sdelay $0x3  }
0x6f9: {  	v0 =	vld.idx.msk [tilespmem:v13+s29+$0x0], $0xffff  }
0x6fa: {  	v6 =	vld.idx.msk [tilespmem:v30+s29+$0x0], $0xffff  }
0x6fb: {  	v4 =	vld.idx.msk [tilespmem:v4+s29+$0x0], $0xffff  }
0x6fc: {  	v7 =	vld.idx.msk [tilespmem:v7+s29+$0x0], $0xffff;
	_ =	sdelay $0x1  }
0x6fd: {  	[tilespmem:s21+$0x390] =	vst v0  }
0x6fe: {  	[tilespmem:s8+$0x390] =	vst v6  }
0x6ff: {  	[tilespmem:s21+$0x380] =	vst v4  }
0x700: {  	v4 =	vld [tilespmem:$0x1F870];
	[tilespmem:s8+$0x380] =	vst v7  }
0x701: {  	v31 =	vor.u32 $0x28, v2;
	v7 =	vld [tilespmem:$0x1F9E0]  }
0x702: {  	v32 =	vor.u32 $0x28, v3;
	_ =	sdelay $0x3  }
0x703: {  	v0 =	vld.idx.msk [tilespmem:v31+s29+$0x0], $0xffff  }
0x704: {  	v6 =	vld.idx.msk [tilespmem:v32+s29+$0x0], $0xffff  }
0x705: {  	v4 =	vld.idx.msk [tilespmem:v4+s29+$0x0], $0xffff  }
0x706: {  	v7 =	vld.idx.msk [tilespmem:v7+s29+$0x0], $0xffff;
	_ =	sdelay $0x1  }
0x707: {  	[tilespmem:s21+$0x410] =	vst v0  }
0x708: {  	[tilespmem:s8+$0x410] =	vst v6  }
0x709: {  	[tilespmem:s21+$0x400] =	vst v4  }
0x70a: {  	v4 =	vld [tilespmem:$0x1F880];
	[tilespmem:s8+$0x400] =	vst v7  }
0x70b: {  	v35 =	vor.u32 $0x29, v2;
	v7 =	vld [tilespmem:$0x1F9F0]  }
0x70c: {  	v62 =	vor.u32 $0x29, v3;
	_ =	sdelay $0x3  }
0x70d: {  	v0 =	vld.idx.msk [tilespmem:v35+s29+$0x0], $0xffff  }
0x70e: {  	v6 =	vld.idx.msk [tilespmem:v62+s29+$0x0], $0xffff  }
0x70f: {  	v4 =	vld.idx.msk [tilespmem:v4+s29+$0x0], $0xffff  }
0x710: {  	v7 =	vld.idx.msk [tilespmem:v7+s29+$0x0], $0xffff;
	_ =	sdelay $0x1  }
0x711: {  	[tilespmem:s21+$0x490] =	vst v0  }
0x712: {  	[tilespmem:s8+$0x490] =	vst v6  }
0x713: {  	[tilespmem:s21+$0x480] =	vst v4  }
0x714: {  	v31 =	vld [tilespmem:$0x1F890];
	[tilespmem:s8+$0x480] =	vst v7  }
0x715: {  	v12 =	vor.u32 $0x2A, v2;
	v35 =	vld [tilespmem:$0x1FA00]  }
0x716: {  	v13 =	vor.u32 $0x2A, v3;
	_ =	sdelay $0x3  }
0x717: {  	v0 =	vld.idx.msk [tilespmem:v12+s29+$0x0], $0xffff  }
0x718: {  	v6 =	vld.idx.msk [tilespmem:v13+s29+$0x0], $0xffff  }
0x719: {  	v5 =	vld.idx.msk [tilespmem:v31+s29+$0x0], $0xffff  }
0x71a: {  	v8 =	vld.idx.msk [tilespmem:v35+s29+$0x0], $0xffff;
	_ =	sdelay $0x1  }
0x71b: {  	[tilespmem:s21+$0x510] =	vst v0  }
0x71c: {  	[tilespmem:s8+$0x510] =	vst v6  }
0x71d: {  	[tilespmem:s21+$0x500] =	vst v5  }
0x71e: {  	v5 =	vld [tilespmem:$0x1F8A0];
	[tilespmem:s8+$0x500] =	vst v8  }
0x71f: {  	v30 =	vor.u32 $0x2B, v2;
	v8 =	vld [tilespmem:$0x1FA10]  }
0x720: {  	v32 =	vor.u32 $0x2B, v3;
	_ =	sdelay $0x3  }
0x721: {  	v0 =	vld.idx.msk [tilespmem:v30+s29+$0x0], $0xffff  }
0x722: {  	v6 =	vld.idx.msk [tilespmem:v32+s29+$0x0], $0xffff  }
0x723: {  	v5 =	vld.idx.msk [tilespmem:v5+s29+$0x0], $0xffff  }
0x724: {  	v8 =	vld.idx.msk [tilespmem:v8+s29+$0x0], $0xffff;
	_ =	sdelay $0x1  }
0x725: {  	[tilespmem:s21+$0x590] =	vst v0  }
0x726: {  	[tilespmem:s8+$0x590] =	vst v6  }
0x727: {  	[tilespmem:s21+$0x580] =	vst v5  }
0x728: {  	v5 =	vld [tilespmem:$0x1F8B0];
	[tilespmem:s8+$0x580] =	vst v8  }
0x729: {  	v62 =	vor.u32 $0x2C, v2;
	v8 =	vld [tilespmem:$0x1FA20]  }
0x72a: {  	v12 =	vor.u32 $0x2C, v3;
	_ =	sdelay $0x3  }
0x72b: {  	v0 =	vld.idx.msk [tilespmem:v62+s29+$0x0], $0xffff  }
0x72c: {  	v6 =	vld.idx.msk [tilespmem:v12+s29+$0x0], $0xffff  }
0x72d: {  	v5 =	vld.idx.msk [tilespmem:v5+s29+$0x0], $0xffff  }
0x72e: {  	v8 =	vld.idx.msk [tilespmem:v8+s29+$0x0], $0xffff;
	_ =	sdelay $0x1  }
0x72f: {  	[tilespmem:s21+$0x610] =	vst v0  }
0x730: {  	[tilespmem:s8+$0x610] =	vst v6  }
0x731: {  	[tilespmem:s21+$0x600] =	vst v5  }
0x732: {  	[tilespmem:s8+$0x600] =	vst v8  }
0x733: {  	v13 =	vor.u32 $0x2D, v2;
	v8 =	vld [tilespmem:$0x1FA30]  }
0x734: {  	v30 =	vor.u32 $0x2D, v3;
	_ =	sdelay $0x3  }
0x735: {  	v0 =	vld.idx.msk [tilespmem:v13+s29+$0x0], $0xffff  }
0x736: {  	v6 =	vld.idx.msk [tilespmem:v30+s29+$0x0], $0xffff  }
0x737: {  	v5 =	vld.idx.msk [tilespmem:v61+s29+$0x0], $0xffff  }
0x738: {  	v8 =	vld.idx.msk [tilespmem:v8+s29+$0x0], $0xffff;
	_ =	sdelay $0x1  }
0x739: {  	[tilespmem:s21+$0x690] =	vst v0  }
0x73a: {  	[tilespmem:s8+$0x690] =	vst v6  }
0x73b: {  	[tilespmem:s21+$0x680] =	vst v5  }
0x73c: {  	[tilespmem:s8+$0x680] =	vst v8  }
0x73d: {  	v31 =	vor.u32 $0x2E, v2;
	v8 =	vld [tilespmem:$0x1FA40];
	_ =	sdelay $0x1  }
0x73e: {  	v32 =	vor.u32 $0x2E, v3;
	_ =	sdelay $0x2  }
0x73f: {  	v0 =	vld.idx.msk [tilespmem:v31+s29+$0x0], $0xffff  }
0x740: {  	v5 =	vld.idx.msk [tilespmem:v41+s29+$0x0], $0xffff  }
0x741: {  	v6 =	vld.idx.msk [tilespmem:v32+s29+$0x0], $0xffff  }
0x742: {  	v8 =	vld.idx.msk [tilespmem:v8+s29+$0x0], $0xffff;
	_ =	sdelay $0x1  }
0x743: {  	[tilespmem:s21+$0x710] =	vst v0  }
0x744: {  	[tilespmem:s21+$0x700] =	vst v5  }
0x745: {  	[tilespmem:s8+$0x710] =	vst v6  }
0x746: {  	[tilespmem:s8+$0x700] =	vst v8  }
0x747: {  	v35 =	vor.u32 $0x2F, v2;
	v8 =	vld [tilespmem:$0x1FA50];
	_ =	sdelay $0x1  }
0x748: {  	v41 =	vor.u32 $0x2F, v3;
	_ =	sdelay $0x2  }
0x749: {  	v0 =	vld.idx.msk [tilespmem:v35+s29+$0x0], $0xffff  }
0x74a: {  	v5 =	vld.idx.msk [tilespmem:v57+s29+$0x0], $0xffff  }
0x74b: {  	v6 =	vld.idx.msk [tilespmem:v41+s29+$0x0], $0xffff  }
0x74c: {  	v8 =	vld.idx.msk [tilespmem:v8+s29+$0x0], $0xffff;
	_ =	sdelay $0x1  }
0x74d: {  	[tilespmem:s21+$0x790] =	vst v0  }
0x74e: {  	[tilespmem:s21+$0x780] =	vst v5  }
0x74f: {  	[tilespmem:s8+$0x790] =	vst v6  }
0x750: {  	[tilespmem:s8+$0x780] =	vst v8  }
0x751: {  	v61 =	vor.u32 $0x30, v2;
	v8 =	vld [tilespmem:$0x1FA60];
	_ =	sdelay $0x1  }
0x752: {  	v62 =	vor.u32 $0x30, v3;
	_ =	sdelay $0x2  }
0x753: {  	v0 =	vld.idx.msk [tilespmem:v61+s29+$0x0], $0xffff  }
0x754: {  	v5 =	vld.idx.msk [tilespmem:v55+s29+$0x0], $0xffff  }
0x755: {  	v6 =	vld.idx.msk [tilespmem:v62+s29+$0x0], $0xffff  }
0x756: {  	v8 =	vld.idx.msk [tilespmem:v8+s29+$0x0], $0xffff;
	_ =	sdelay $0x1  }
0x757: {  	[tilespmem:s21+$0x810] =	vst v0  }
0x758: {  	[tilespmem:s21+$0x800] =	vst v5  }
0x759: {  	[tilespmem:s8+$0x810] =	vst v6  }
0x75a: {  	[tilespmem:s8+$0x800] =	vst v8  }
0x75b: {  	v12 =	vor.u32 $0x31, v2;
	v8 =	vld [tilespmem:$0x1FA70];
	_ =	sdelay $0x1  }
0x75c: {  	v13 =	vor.u32 $0x31, v3;
	_ =	sdelay $0x2  }
0x75d: {  	v0 =	vld.idx.msk [tilespmem:v12+s29+$0x0], $0xffff  }
0x75e: {  	v30 =	vor.u32 $0x32, v2;
	v5 =	vld.idx.msk [tilespmem:v54+s29+$0x0], $0xffff  }
0x75f: {  	v6 =	vld.idx.msk [tilespmem:v13+s29+$0x0], $0xffff  }
0x760: {  	v31 =	vor.u32 $0x32, v3;
	v8 =	vld.idx.msk [tilespmem:v8+s29+$0x0], $0xffff;
	_ =	sdelay $0x1  }
0x761: {  	[tilespmem:s21+$0x890] =	vst v0  }
0x762: {  	[tilespmem:s21+$0x880] =	vst v5;
	v0 =	vld.idx.msk [tilespmem:v30+s29+$0x0], $0xffff  }
0x763: {  	v32 =	vor.u32 $0x33, v2;
	[tilespmem:s8+$0x890] =	vst v6;
	v5 =	vld.idx.msk [tilespmem:v51+s29+$0x0], $0xffff  }
0x764: {  	v6 =	vld.idx.msk [tilespmem:v31+s29+$0x0], $0xffff;
	[tilespmem:s8+$0x880] =	vst v8  }
0x765: {  	v35 =	vor.u32 $0x33, v3;
	v8 =	vld.idx.msk [tilespmem:v26+s29+$0x0], $0xffff;
	_ =	sdelay $0x1  }
0x766: {  	[tilespmem:s21+$0x910] =	vst v0  }
0x767: {  	[tilespmem:s21+$0x900] =	vst v5;
	v0 =	vld.idx.msk [tilespmem:v32+s29+$0x0], $0xffff  }
0x768: {  	v41 =	vor.u32 $0x34, v2;
	[tilespmem:s8+$0x910] =	vst v6;
	v5 =	vld.idx.msk [tilespmem:v49+s29+$0x0], $0xffff  }
0x769: {  	v6 =	vld.idx.msk [tilespmem:v35+s29+$0x0], $0xffff;
	[tilespmem:s8+$0x900] =	vst v8  }
0x76a: {  	v51 =	vor.u32 $0x34, v3;
	v8 =	vld.idx.msk [tilespmem:v59+s29+$0x0], $0xffff;
	_ =	sdelay $0x1  }
0x76b: {  	[tilespmem:s21+$0x990] =	vst v0  }
0x76c: {  	[tilespmem:s21+$0x980] =	vst v5;
	v0 =	vld.idx.msk [tilespmem:v41+s29+$0x0], $0xffff  }
0x76d: {  	v54 =	vor.u32 $0x35, v2;
	[tilespmem:s8+$0x990] =	vst v6;
	v5 =	vld.idx.msk [tilespmem:v23+s29+$0x0], $0xffff  }
0x76e: {  	v6 =	vld.idx.msk [tilespmem:v51+s29+$0x0], $0xffff;
	[tilespmem:s8+$0x980] =	vst v8  }
0x76f: {  	v55 =	vor.u32 $0x35, v3;
	v8 =	vld.idx.msk [tilespmem:v24+s29+$0x0], $0xffff;
	_ =	sdelay $0x1  }
0x770: {  	[tilespmem:s21+$0xA10] =	vst v0  }
0x771: {  	[tilespmem:s21+$0xA00] =	vst v5;
	v0 =	vld.idx.msk [tilespmem:v54+s29+$0x0], $0xffff  }
0x772: {  	v57 =	vor.u32 $0x36, v2;
	[tilespmem:s8+$0xA10] =	vst v6;
	v5 =	vld.idx.msk [tilespmem:v22+s29+$0x0], $0xffff  }
0x773: {  	v6 =	vld.idx.msk [tilespmem:v55+s29+$0x0], $0xffff;
	[tilespmem:s8+$0xA00] =	vst v8  }
0x774: {  	[tilespmem:s19+$0xA80] =	vst v29;
	v59 =	vor.u32 $0x36, v3;
	v8 =	vld.idx.msk [tilespmem:v11+s29+$0x0], $0xffff  }
0x775: {  	v61 =	vld.idx.msk [tilespmem:v44+s29+$0x0], $0xffff  }
0x776: {  	[tilespmem:s21+$0xA90] =	vst v0  }
0x777: {  	[tilespmem:s21+$0xA80] =	vst v5;
	v4 =	vld.idx.msk [tilespmem:v57+s29+$0x0], $0xffff  }
0x778: {  	v62 =	vor.u32 $0x37, v2;
	[tilespmem:s8+$0xA90] =	vst v6;
	v12 =	vld.idx.msk [tilespmem:v21+s29+$0x0], $0xffff  }
0x779: {  	v7 =	vld.idx.msk [tilespmem:v59+s29+$0x0], $0xffff;
	[tilespmem:s8+$0xA80] =	vst v8  }
0x77a: {  	v13 =	vor.u32 $0x37, v3;
	[tilespmem:s19+$0xB00] =	vst v61;
	v9 =	vld.idx.msk [tilespmem:v9+s29+$0x0], $0xffff  }
0x77b: {  	[tilespmem:s19+$0xB10] =	vst v28;
	v23 =	vld.idx.msk [tilespmem:v52+s29+$0x0], $0xffff  }
0x77c: {  	v21 =	vld.idx.msk [tilespmem:v27+s29+$0x0], $0xffff;
	[tilespmem:s21+$0xB10] =	vst v4  }
0x77d: {  	v22 =	vor.u32 $0x38, v1;
	[tilespmem:s21+$0xB00] =	vst v12;
	v5 =	vld.idx.msk [tilespmem:v62+s29+$0x0], $0xffff  }
0x77e: {  	v24 =	vor.u32 $0x38, v2;
	[tilespmem:s8+$0xB10] =	vst v7;
	v26 =	vld.idx.msk [tilespmem:v58+s29+$0x0], $0xffff  }
0x77f: {  	v8 =	vld.idx.msk [tilespmem:v13+s29+$0x0], $0xffff;
	[tilespmem:s8+$0xB00] =	vst v9  }
0x780: {  	[tilespmem:s19+$0xB80] =	vst v23;
	v27 =	vor.u32 $0x38, v3;
	v9 =	vld.idx.msk [tilespmem:v63+s29+$0x0], $0xffff  }
0x781: {  	v10 =	vld.idx.msk [tilespmem:v50+s29+$0x0], $0xffff;
	[tilespmem:s19+$0xB90] =	vst v21  }
0x782: {  	v4 =	vld.idx.msk [tilespmem:v22+s29+$0x0], $0xffff;
	[tilespmem:s21+$0xB90] =	vst v5  }
0x783: {  	v28 =	vor.u32 $0x39, v1;
	[tilespmem:s21+$0xB80] =	vst v26;
	v6 =	vld.idx.msk [tilespmem:v24+s29+$0x0], $0xffff  }
0x784: {  	v29 =	vor.u32 $0x39, v2;
	v30 =	vld.idx.msk [tilespmem:v56+s29+$0x0], $0xffff;
	[tilespmem:s8+$0xB90] =	vst v8  }
0x785: {  	v0 =	vld.idx.msk [tilespmem:v27+s29+$0x0], $0xffff;
	[tilespmem:s8+$0xB80] =	vst v9  }
0x786: {  	v31 =	vor.u32 $0x39, v3;
	[tilespmem:s19+$0xC00] =	vst v10;
	v9 =	vld.idx.msk [tilespmem:v60+s29+$0x0], $0xffff  }
0x787: {  	v10 =	vld.idx.msk [tilespmem:v47+s29+$0x0], $0xffff;
	[tilespmem:s19+$0xC10] =	vst v4  }
0x788: {  	v5 =	vld.idx.msk [tilespmem:v28+s29+$0x0], $0xffff;
	[tilespmem:s21+$0xC10] =	vst v6  }
0x789: {  	v32 =	vor.u32 $0x3A, v1;
	[tilespmem:s21+$0xC00] =	vst v30;
	v7 =	vld.idx.msk [tilespmem:v29+s29+$0x0], $0xffff  }
0x78a: {  	v35 =	vor.u32 $0x3A, v2;
	v8 =	vld.idx.msk [tilespmem:v53+s29+$0x0], $0xffff;
	[tilespmem:s8+$0xC10] =	vst v0  }
0x78b: {  	v4 =	vld.idx.msk [tilespmem:v31+s29+$0x0], $0xffff;
	[tilespmem:s8+$0xC00] =	vst v9  }
0x78c: {  	v41 =	vor.u32 $0x3A, v3;
	[tilespmem:s19+$0xC80] =	vst v10;
	v9 =	vld.idx.msk [tilespmem:v36+s29+$0x0], $0xffff  }
0x78d: {  	v10 =	vld.idx.msk [tilespmem:v45+s29+$0x0], $0xffff;
	[tilespmem:s19+$0xC90] =	vst v5  }
0x78e: {  	v6 =	vld.idx.msk [tilespmem:v32+s29+$0x0], $0xffff;
	[tilespmem:s21+$0xC90] =	vst v7  }
0x78f: {  	v44 =	vor.u32 $0x3B, v1;
	[tilespmem:s21+$0xC80] =	vst v8;
	v0 =	vld.idx.msk [tilespmem:v35+s29+$0x0], $0xffff  }
0x790: {  	v45 =	vor.u32 $0x3B, v2;
	v8 =	vld.idx.msk [tilespmem:v48+s29+$0x0], $0xffff;
	[tilespmem:s8+$0xC90] =	vst v4  }
0x791: {  	v5 =	vld.idx.msk [tilespmem:v41+s29+$0x0], $0xffff;
	[tilespmem:s8+$0xC80] =	vst v9  }
0x792: {  	v47 =	vor.u32 $0x3B, v3;
	[tilespmem:s19+$0xD00] =	vst v10;
	v9 =	vld.idx.msk [tilespmem:v34+s29+$0x0], $0xffff  }
0x793: {  	v10 =	vld.idx.msk [tilespmem:v43+s29+$0x0], $0xffff;
	[tilespmem:s19+$0xD10] =	vst v6  }
0x794: {  	v7 =	vld.idx.msk [tilespmem:v44+s29+$0x0], $0xffff;
	[tilespmem:s21+$0xD10] =	vst v0  }
0x795: {  	v48 =	vor.u32 $0x3C, v1;
	[tilespmem:s21+$0xD00] =	vst v8;
	v4 =	vld.idx.msk [tilespmem:v45+s29+$0x0], $0xffff  }
0x796: {  	v49 =	vor.u32 $0x3C, v2;
	v8 =	vld.idx.msk [tilespmem:v46+s29+$0x0], $0xffff;
	[tilespmem:s8+$0xD10] =	vst v5  }
0x797: {  	v6 =	vld.idx.msk [tilespmem:v47+s29+$0x0], $0xffff;
	[tilespmem:s8+$0xD00] =	vst v9  }
0x798: {  	v50 =	vor.u32 $0x3C, v3;
	[tilespmem:s19+$0xD80] =	vst v10;
	v9 =	vld.idx.msk [tilespmem:v33+s29+$0x0], $0xffff  }
0x799: {  	v10 =	vld.idx.msk [tilespmem:v25+s29+$0x0], $0xffff;
	[tilespmem:s19+$0xD90] =	vst v7  }
0x79a: {  	v0 =	vld.idx.msk [tilespmem:v48+s29+$0x0], $0xffff;
	[tilespmem:s21+$0xD90] =	vst v4  }
0x79b: {  	v51 =	vor.u32 $0x3D, v1;
	[tilespmem:s21+$0xD80] =	vst v8;
	v5 =	vld.idx.msk [tilespmem:v49+s29+$0x0], $0xffff  }
0x79c: {  	v52 =	vor.u32 $0x3D, v2;
	v8 =	vld.idx.msk [tilespmem:v19+s29+$0x0], $0xffff;
	[tilespmem:s8+$0xD90] =	vst v6  }
0x79d: {  	v7 =	vld.idx.msk [tilespmem:v50+s29+$0x0], $0xffff;
	[tilespmem:s8+$0xD80] =	vst v9  }
0x79e: {  	v53 =	vor.u32 $0x3D, v3;
	[tilespmem:s19+$0xE00] =	vst v10;
	v9 =	vld.idx.msk [tilespmem:v20+s29+$0x0], $0xffff  }
0x79f: {  	v10 =	vld.idx.msk [tilespmem:v40+s29+$0x0], $0xffff;
	[tilespmem:s19+$0xE10] =	vst v0  }
0x7a0: {  	v4 =	vld.idx.msk [tilespmem:v51+s29+$0x0], $0xffff;
	[tilespmem:s21+$0xE10] =	vst v5  }
0x7a1: {  	v54 =	vor.u32 $0x3E, v1;
	[tilespmem:s21+$0xE00] =	vst v8;
	v6 =	vld.idx.msk [tilespmem:v52+s29+$0x0], $0xffff  }
0x7a2: {  	v55 =	vor.u32 $0x3E, v2;
	v8 =	vld.idx.msk [tilespmem:v18+s29+$0x0], $0xffff;
	[tilespmem:s8+$0xE10] =	vst v7  }
0x7a3: {  	v0 =	vld.idx.msk [tilespmem:v53+s29+$0x0], $0xffff;
	[tilespmem:s8+$0xE00] =	vst v9  }
0x7a4: {  	v56 =	vor.u32 $0x3E, v3;
	[tilespmem:s19+$0xE80] =	vst v10;
	v9 =	vld.idx.msk [tilespmem:v16+s29+$0x0], $0xffff  }
0x7a5: {  	v58 =	vld.idx.msk [tilespmem:v39+s29+$0x0], $0xffff;
	[tilespmem:s19+$0xE90] =	vst v4  }
0x7a6: {  	v5 =	vld.idx.msk [tilespmem:v54+s29+$0x0], $0xffff;
	[tilespmem:s21+$0xE90] =	vst v6  }
0x7a7: {  	v57 =	vor.u32 $0x3F, v1;
	[tilespmem:s21+$0xE80] =	vst v8;
	v7 =	vld.idx.msk [tilespmem:v55+s29+$0x0], $0xffff  }
0x7a8: {  	v59 =	vor.u32 $0x3F, v2;
	v60 =	vld.idx.msk [tilespmem:v17+s29+$0x0], $0xffff;
	[tilespmem:s8+$0xE90] =	vst v0  }
0x7a9: {  	v4 =	vld.idx.msk [tilespmem:v56+s29+$0x0], $0xffff;
	[tilespmem:s8+$0xE80] =	vst v9  }
0x7aa: {  	v61 =	vor.u32 $0x3F, v3;
	[tilespmem:s19+$0xF00] =	vst v58;
	v62 =	vld.idx.msk [tilespmem:v15+s29+$0x0], $0xffff  }
0x7ab: {  	[tilespmem:s19+$0xF10] =	vst v5;
	v6 =	vld.idx.msk [tilespmem:v38+s29+$0x0], $0xffff  }
0x7ac: {  	v1 =	vld.idx.msk [tilespmem:v57+s29+$0x0], $0xffff;
	[tilespmem:s21+$0xF10] =	vst v7  }
0x7ad: {  	[tilespmem:s21+$0xF00] =	vst v60;
	v0 =	vld.idx.msk [tilespmem:v59+s29+$0x0], $0xffff  }
0x7ae: {  	v2 =	vld.idx.msk [tilespmem:v42+s29+$0x0], $0xffff;
	[tilespmem:s8+$0xF10] =	vst v4  }
0x7af: {  	v3 =	vld.idx.msk [tilespmem:v61+s29+$0x0], $0xffff;
	[tilespmem:s8+$0xF00] =	vst v62  }
0x7b0: {  	s14 =	sadd.s32 $0x1, s14;
	[tilespmem:s19+$0xF80] =	vst v6;
	v63 =	vld.idx.msk [tilespmem:v14+s29+$0x0], $0xffff  }
0x7b1: {  	p0 =	sne.s32 s14, $0x64;
	[tilespmem:s19+$0xF90] =	vst v1  }
.Ltmp2:
0x7b2: {  	[tilespmem:s21+$0xF90] =	vst v0;
	(pc) =	sbr.rel @p0 .LBB2_2-.Ltmp2, $4  }
0x7b3: {  	s23 =	sshll.u32 s18, $0x11;
	[tilespmem:s21+$0xF80] =	vst v2  }
0x7b4: {  	s13 =	sadd.s32 s23, s7;
	[tilespmem:s8+$0xF90] =	vst v3  }
0x7b5: {  	s25 =	sadd.s32 s16, s13;
	[tilespmem:s8+$0xF80] =	vst v63  }
0x7b6: {  	[hbm4b:s25+s31] =	stream.strided.scatter [tilespmem:s1], [sflag:$0x2], $0x2000, s10, s31, $0x38;
	[tilespmem:$0x13000] =	vst v63  }
0x7b7: {  	_ =	swait.ge [sflag:s9], $0x2000  }
0x7b8: {  	[sflag:s9] =	ssyncset.done $0x0  }
0x7b9: {  	[sflag:s9] =	ssyncadd.s32 $0xFFFFE000  }
0x7ba: {  	_ =	swait.ge [sflag:s9], $0x2000  }
0x7bb: {  	s12 =	sadd.s32 $0x1, s12;
	s8 =	rddreg [dreg:$0x4]  }
0x7bc: {  	p0 =	sne.s32 s12, s8  }
.Ltmp3:
0x7bd: {  	_ = 	snop;
	(pc) =	sbr.rel @p0 .LBB2_1-.Ltmp3, $3  }
0x7be: {  	_ =	sdelay $0x1  }
0x7bf: {  	[sflag:s9] =	ssyncset.done $0x0  }
0x7c0: {  	[sflag:s9] =	ssyncadd.s32 $0xFFFFE000  }
0x7c1: {  	_ =	sfence.sel $0x180000  }
0x7c2: {  	[bflag:$0x0] =	sbarrier.arrive $0xFFFF  }
0x7c3: {  	_ =	strace $0x90000047  }
0x7c4: {  	s0 =	stileid.u32;
	[bflag:$0x2] =	sbarrier.arrive $0xFFFF  }
0x7c5: {  	p0 =	sne.s32 s0, $0x0;
	s0 =	rddreg [dreg:$0x3]  }
0x7c6: {  	s0 =	sadd.s32 @!p0 $0x100000, s0  }
0x7c7: {  	[sflag:s0] =	ssyncadd.tile.s32 @!p0 $0x1;
	_ =	shalt  }
.Lfunc_end2:
_tile_overlayer_lowered:
.L_overlay_start_2:
0x7c8: {  	(tag) =	ssettag $0x2  }
0x7c9: {  	s0 =	rddreg [dreg:$0x0];
	s2 =	stileid.u32  }
0x7ca: {  	s1 =	rddreg [dreg:$0x1];
	p0 =	sne.s32 s2, $0x0  }
0x7cb: {  	s3 =	rddreg [dreg:$0x2];
	[bflag:$0x3] =	sbarrier.arrive $0xFFFF;
	s2 =	simm.s32 @!p0 $0x1C03  }
0x7cc: {  	[timem:s3], [sflag:s2] =	dma.local @!p0 [hbm:s0], s1  }
0x7cd: {  	s0 =	simm.s32 @!p0 $0x3  }
0x7ce: {  	_ =	swait.ge @!p0 [sflag:s0], s1  }
0x7cf: {  	s1 =	ssub.s32 @!p0 $0x0, s1;
	[sflag:s0] =	ssyncset.done @!p0 $0x0  }
0x7d0: {  	[sflag:s0] =	ssyncadd.s32 @!p0 s1  }
0x7d1: {  	[bflag:$0x3] =	sbarrier.arrive $0xFFFF  }
0x7d2: {  	_ =	shalt  }

</sc_bundles>
